<compile_context>
chip_gen: v7x
topology: tpu7x:2x2x1
jax: 0.10.2.dev20260603
libtpu: 0.0.44.dev20260713+nightly
codegen_flags: <defaults>
</compile_context>

<pallas_src>
import functools

import numpy as np

import jax
import jax.numpy as jnp
from jax import lax
from jax.experimental import pallas as pl
from jax.experimental.pallas import tpu as pltpu
from jax.experimental.pallas import tpu_sc as plsc

_NC = 2
_NS = 16
_NW = _NC * _NS


def _tc_matmul_pack(x, W_ab, b_ab):
    n, d_in = x.shape
    d_out = W_ab.shape[1]
    dw = d_out // 2

    def body(x_ref, w_ref, b_ref, o_ref):
        y = (
            jnp.dot(x_ref[...], w_ref[...], preferred_element_type=jnp.float32)
            + b_ref[...]
        )
        ybits = lax.bitcast_convert_type(
            y.astype(jnp.bfloat16).astype(jnp.float32), jnp.int32
        )
        a = ybits[:, :dw]
        bb = ybits[:, dw:]
        o_ref[...] = lax.shift_right_logical(a, 16) | (bb & jnp.int32(-0x10000))

    return pl.pallas_call(
        body,
        out_shape=jax.ShapeDtypeStruct((n, dw), jnp.int32),
    )(x, W_ab, b_ab)


def _make_sc_gather_add(E, D, C, NBUF):
    epw = E // _NW
    nchunks = epw // C
    nouter = nchunks // NBUF
    assert nchunks == nouter * NBUF
    assert NBUF >= 4 and epw % C == 0 and C % 8 == 0 and C <= 128
    Dw = D // 2
    mesh = plsc.VectorSubcoreMesh(core_axis_name="c", subcore_axis_name="s")

    @functools.partial(
        pl.kernel,
        mesh=mesh,
        compiler_params=pltpu.CompilerParams(
            needs_layout_passes=False, use_tc_tiling_on_sc=False),
        out_type=jax.ShapeDtypeStruct((E, D), jnp.float32),
        scratch_types=[
            pltpu.VMEM((epw,), jnp.int32),
            pltpu.VMEM((epw,), jnp.int32),
            pltpu.VMEM((NBUF, C, Dw), jnp.int32),
            pltpu.VMEM((NBUF, C, Dw), jnp.int32),
            pltpu.VMEM((NBUF, C, D), jnp.float32),
            pltpu.SemaphoreType.DMA((NBUF,)),
            pltpu.SemaphoreType.DMA((NBUF,)),
        ],
    )
    def sc_fn(y_hbm, ei_hbm, out_hbm,
              idxr, idxc, bufa, bufb, bufo, gsem, wsem):
        wid = lax.axis_index("s") * _NC + lax.axis_index("c")
        base = wid * epw

        pltpu.sync_copy(ei_hbm.at[0, pl.ds(base, epw)], idxr)
        pltpu.sync_copy(ei_hbm.at[1, pl.ds(base, epw)], idxc)

        def fire_gather(j, s):
            o = j * C
            pltpu.async_copy(y_hbm.at[idxr.at[pl.ds(o, C)]], bufa.at[s], gsem.at[s])
            pltpu.async_copy(y_hbm.at[idxc.at[pl.ds(o, C)]], bufb.at[s], gsem.at[s])

        def wait_gather(j, s):
            o = j * C
            pltpu.make_async_copy(
                y_hbm.at[idxr.at[pl.ds(o, C)]], bufa.at[s], gsem.at[s]).wait()
            pltpu.make_async_copy(
                y_hbm.at[idxc.at[pl.ds(o, C)]], bufb.at[s], gsem.at[s]).wait()

        def fire_write(j, s):
            o = base + j * C
            pltpu.async_copy(bufo.at[s], out_hbm.at[pl.ds(o, C)], wsem.at[s])

        def wait_write(j, s):
            o = base + j * C
            pltpu.make_async_copy(
                bufo.at[s], out_hbm.at[pl.ds(o, C)], wsem.at[s]).wait()

        himask = jnp.full((16,), -0x10000, dtype=jnp.int32)

        def widen_lo(v):
            return plsc.bitcast(v << 16, jnp.float32)

        def widen_hi(v):
            return plsc.bitcast(v & himask, jnp.float32)

        def do_add(s):
            @plsc.parallel_loop(0, C, unroll=4)
            def _add_body(e):
                for g in range(Dw // 16):
                    sl = pl.ds(g * 16, 16)
                    va = bufa[s, e, sl]
                    vb = bufb[s, e, sl]
                    bufo[s, e, pl.ds(g * 32, 16)] = widen_lo(va) + widen_lo(vb)
                    bufo[s, e, pl.ds(g * 32 + 16, 16)] = widen_hi(va) + widen_hi(vb)

        fire_gather(0, 0)
        fire_gather(1, 1)

        def outer(jj, carry):
            for s in range(NBUF):
                j = jj * NBUF + s
                if s < 2:
                    @pl.when(jj >= 1)
                    def _w():
                        wait_write(j - 2, (s - 2) % NBUF)
                else:
                    wait_write(j - 2, s - 2)
                if s < NBUF - 2:
                    fire_gather(j + 2, (s + 2) % NBUF)
                else:
                    @pl.when(jj < nouter - 1)
                    def _g():
                        fire_gather(j + 2, (s + 2) % NBUF)
                wait_gather(j, s)
                do_add(s)
                fire_write(j, s)
            return carry

        lax.fori_loop(0, nouter, outer, 0, unroll=False)

        for t in (nchunks - 2, nchunks - 1):
            wait_write(t, t % NBUF)

    return sc_fn


def kernel(x, edge_index, W, b):
    n, d_in = x.shape
    d_out = W.shape[1]
    E = edge_index.shape[1]

    cols_a = np.array([32 * g + k for g in range(d_out // 32) for k in range(16)])
    perm_ab = np.concatenate([cols_a, cols_a + 16])
    b_ab = (0.5 * b)[perm_ab].reshape(1, d_out).astype(jnp.float32)
    y32 = _tc_matmul_pack(x, W[:, perm_ab], b_ab)

    sc_fn = _make_sc_gather_add(E, d_out, C=80, NBUF=5)
    return sc_fn(y32, edge_index)

# --- scband reference (transcript-rebuilt; emitter-appended) ---
"""Pipeline reference for scband-graph-conv-75668733821114 (READ-ONLY COPY).

The authoritative reference and input builder live on the scoring server;
editing this copy changes nothing except your own understanding.
"""

import jax, jax.numpy as jnp
import numpy as np

N = 10000
E = 320000
D_IN = 128
D_OUT = 128

def setup_inputs(seed: int = 0) -> dict:
    key = jax.random.key(seed)
    k1, k2, k3, k4 = jax.random.split(key, 4)
    x = jax.random.normal(k1, (N, D_IN), dtype=jnp.float32)
    edge_index = jax.random.randint(k2, (2, E), 0, N)
    # Dense layer params (glorot-uniform-ish init)
    limit = float(np.sqrt(6.0 / (D_IN + D_OUT)))
    W = jax.random.uniform(k3, (D_IN, D_OUT), dtype=jnp.float32, minval=-limit, maxval=limit)
    b = jnp.zeros((D_OUT,), dtype=jnp.float32)
    return {"x": x, "edge_index": edge_index, "W": W, "b": b}

def reference(x, edge_index, W, b):
    n = x.shape[0]
    row = jnp.clip(edge_index[0], 0, n - 1)
    col = jnp.clip(edge_index[1], 0, n - 1)
    x_sum = jnp.take(x, row, axis=0) + jnp.take(x, col, axis=0)
    return x_sum @ W + b

if __name__ == "__main__":
    import jax
    _d = setup_inputs()
    print(jax.jit(kernel)(*tuple(_d.values())))

</pallas_src>

<mosaic_0001>
#map = affine_map<(d0, d1) -> (0, 0)>
module attributes {stable_mosaic.version = 14 : i64} {
  func.func @sc_fn(%arg0: i32, %arg1: i32, %arg2: memref<10000x64xi32, #tpu.memory_space<hbm>>, %arg3: memref<2x320000xi32, #tpu.memory_space<hbm>>, %arg4: memref<320000x128xf32, #tpu.memory_space<hbm>>, %arg5: memref<10000xi32, #tpu.memory_space<vmem>>, %arg6: memref<10000xi32, #tpu.memory_space<vmem>>, %arg7: memref<5x80x64xi32, #tpu.memory_space<vmem>>, %arg8: memref<5x80x64xi32, #tpu.memory_space<vmem>>, %arg9: memref<5x80x128xf32, #tpu.memory_space<vmem>>, %arg10: memref<5x!tpu.dma_semaphore, #tpu.memory_space<semaphore_mem>>, %arg11: memref<5x!tpu.dma_semaphore, #tpu.memory_space<semaphore_mem>>) attributes {dimension_semantics = [#tpu.dimension_semantics<core_parallel>, #tpu.dimension_semantics<subcore_parallel>], iteration_bounds = array<i64: 2, 16>, scalar_prefetch = 0 : i64, scratch_operands = 7 : i64, tpu.core_type = #tpu.core_type<sc_vector_subcore>, window_params = [{transform_indices = #map}, {transform_indices = #map}, {transform_indices = #map}]} {
    %mul3A = arith.constant 2 : i32
    %mul3A_0 = arith.muli %arg1, %mul3A : i32
    %add3A = arith.addi %mul3A_0, %arg0 : i32
    %mul3A_1 = arith.constant 10000 : i32
    %mul3A_2 = arith.muli %add3A, %mul3A_1 : i32
    %run_scoped3A = arith.constant 0 : i32
    "tpu.region"() ({
      %run_scoped3A_96 = tpu.sem_alloc : memref<!tpu.dma_semaphore, #tpu.memory_space<semaphore_mem>>
      %dma_start3A_97 = tpu.memref_slice %arg3[%run_scoped3A, %mul3A_2] : memref<2x320000xi32, #tpu.memory_space<hbm>> -> memref<1x10000xi32, #tpu.memory_space<hbm>>
      %dma_start3A_98 = tpu.memref_squeeze %dma_start3A_97 : memref<1x10000xi32, #tpu.memory_space<hbm>> -> memref<10000xi32, #tpu.memory_space<hbm>>
      %dma_start3A_99 = tpu.memref_slice %arg3[%run_scoped3A, %mul3A_2] : memref<2x320000xi32, #tpu.memory_space<hbm>> -> memref<1x10000xi32, #tpu.memory_space<hbm>>
      %dma_start3A_100 = tpu.memref_squeeze %dma_start3A_99 : memref<1x10000xi32, #tpu.memory_space<hbm>> -> memref<10000xi32, #tpu.memory_space<hbm>>
      tpu.enqueue_dma source(%dma_start3A_100 : memref<10000xi32, #tpu.memory_space<hbm>>) target(%arg5 : memref<10000xi32, #tpu.memory_space<vmem>>) target_semaphore(%run_scoped3A_96 : memref<!tpu.dma_semaphore, #tpu.memory_space<semaphore_mem>>)
      %dma_wait3A_101 = tpu.memref_slice %arg3[%run_scoped3A, %mul3A_2] : memref<2x320000xi32, #tpu.memory_space<hbm>> -> memref<1x10000xi32, #tpu.memory_space<hbm>>
      %dma_wait3A_102 = tpu.memref_squeeze %dma_wait3A_101 : memref<1x10000xi32, #tpu.memory_space<hbm>> -> memref<10000xi32, #tpu.memory_space<hbm>>
      %dma_wait3A_103 = tpu.memref_slice %arg3[%run_scoped3A, %mul3A_2] : memref<2x320000xi32, #tpu.memory_space<hbm>> -> memref<1x10000xi32, #tpu.memory_space<hbm>>
      %dma_wait3A_104 = tpu.memref_squeeze %dma_wait3A_103 : memref<1x10000xi32, #tpu.memory_space<hbm>> -> memref<10000xi32, #tpu.memory_space<hbm>>
      tpu.wait_dma2 semaphore(%run_scoped3A_96 : memref<!tpu.dma_semaphore, #tpu.memory_space<semaphore_mem>>) src(%dma_wait3A_104 : memref<10000xi32, #tpu.memory_space<hbm>>) dst(%arg5 : memref<10000xi32, #tpu.memory_space<vmem>>)
      tpu.yield
    }) : () -> ()
    %run_scoped3A_3 = arith.constant 1 : i32
    "tpu.region"() ({
      %run_scoped3A_96 = tpu.sem_alloc : memref<!tpu.dma_semaphore, #tpu.memory_space<semaphore_mem>>
      %dma_start3A_97 = tpu.memref_slice %arg3[%run_scoped3A_3, %mul3A_2] : memref<2x320000xi32, #tpu.memory_space<hbm>> -> memref<1x10000xi32, #tpu.memory_space<hbm>>
      %dma_start3A_98 = tpu.memref_squeeze %dma_start3A_97 : memref<1x10000xi32, #tpu.memory_space<hbm>> -> memref<10000xi32, #tpu.memory_space<hbm>>
      %dma_start3A_99 = tpu.memref_slice %arg3[%run_scoped3A_3, %mul3A_2] : memref<2x320000xi32, #tpu.memory_space<hbm>> -> memref<1x10000xi32, #tpu.memory_space<hbm>>
      %dma_start3A_100 = tpu.memref_squeeze %dma_start3A_99 : memref<1x10000xi32, #tpu.memory_space<hbm>> -> memref<10000xi32, #tpu.memory_space<hbm>>
      tpu.enqueue_dma source(%dma_start3A_100 : memref<10000xi32, #tpu.memory_space<hbm>>) target(%arg6 : memref<10000xi32, #tpu.memory_space<vmem>>) target_semaphore(%run_scoped3A_96 : memref<!tpu.dma_semaphore, #tpu.memory_space<semaphore_mem>>)
      %dma_wait3A_101 = tpu.memref_slice %arg3[%run_scoped3A_3, %mul3A_2] : memref<2x320000xi32, #tpu.memory_space<hbm>> -> memref<1x10000xi32, #tpu.memory_space<hbm>>
      %dma_wait3A_102 = tpu.memref_squeeze %dma_wait3A_101 : memref<1x10000xi32, #tpu.memory_space<hbm>> -> memref<10000xi32, #tpu.memory_space<hbm>>
      %dma_wait3A_103 = tpu.memref_slice %arg3[%run_scoped3A_3, %mul3A_2] : memref<2x320000xi32, #tpu.memory_space<hbm>> -> memref<1x10000xi32, #tpu.memory_space<hbm>>
      %dma_wait3A_104 = tpu.memref_squeeze %dma_wait3A_103 : memref<1x10000xi32, #tpu.memory_space<hbm>> -> memref<10000xi32, #tpu.memory_space<hbm>>
      tpu.wait_dma2 semaphore(%run_scoped3A_96 : memref<!tpu.dma_semaphore, #tpu.memory_space<semaphore_mem>>) src(%dma_wait3A_104 : memref<10000xi32, #tpu.memory_space<hbm>>) dst(%arg6 : memref<10000xi32, #tpu.memory_space<vmem>>)
      tpu.yield
    }) : () -> ()
    %broadcast_in_dim3A = arith.constant -65536 : i32
    %broadcast_in_dim3A_4 = vector.broadcast %broadcast_in_dim3A : i32 to vector<16xi32>
    %dma_start3A = arith.constant 0 : i32
    %dma_start3A_5 = arith.constant 0 : i32
    %dma_start3A_6 = arith.constant 0 : i32
    %dma_start3A_7 = arith.constant 0 : i32
    %dma_start3A_8 = tpu.memref_slice %arg7[%dma_start3A, %dma_start3A_6, %dma_start3A_7] : memref<5x80x64xi32, #tpu.memory_space<vmem>> -> memref<1x80x64xi32, #tpu.memory_space<vmem>>
    %dma_start3A_9 = tpu.memref_squeeze %dma_start3A_8 : memref<1x80x64xi32, #tpu.memory_space<vmem>> -> memref<80x64xi32, #tpu.memory_space<vmem>>
    %dma_start3A_10 = arith.constant 0 : i32
    %dma_start3A_11 = tpu.memref_slice %arg5[%dma_start3A_10] : memref<10000xi32, #tpu.memory_space<vmem>> -> memref<80xi32, #tpu.memory_space<vmem>>
    %dma_start3A_12 = arith.constant 0 : i32
    %dma_start3A_13 = arith.constant 0 : i32
    %dma_start3A_14 = tpu.memref_slice %arg2[%dma_start3A_12, %dma_start3A_13] : memref<10000x64xi32, #tpu.memory_space<hbm>> -> memref<10000x64xi32, #tpu.memory_space<hbm>>
    %dma_start3A_15 = tpu.memref_slice %arg10[%dma_start3A_5] : memref<5x!tpu.dma_semaphore, #tpu.memory_space<semaphore_mem>> -> memref<1x!tpu.dma_semaphore, #tpu.memory_space<semaphore_mem>>
    %dma_start3A_16 = tpu.memref_squeeze %dma_start3A_15 : memref<1x!tpu.dma_semaphore, #tpu.memory_space<semaphore_mem>> -> memref<!tpu.dma_semaphore, #tpu.memory_space<semaphore_mem>>
    tpu.enqueue_indirect_dma source(%dma_start3A_14 : memref<10000x64xi32, #tpu.memory_space<hbm>>) target(%dma_start3A_9 : memref<80x64xi32, #tpu.memory_space<vmem>>) offsets(%dma_start3A_11 : memref<80xi32, #tpu.memory_space<vmem>>) semaphore(%dma_start3A_16 : memref<!tpu.dma_semaphore, #tpu.memory_space<semaphore_mem>>)
    %dma_start3A_17 = arith.constant 0 : i32
    %dma_start3A_18 = arith.constant 0 : i32
    %dma_start3A_19 = arith.constant 0 : i32
    %dma_start3A_20 = arith.constant 0 : i32
    %dma_start3A_21 = tpu.memref_slice %arg8[%dma_start3A_17, %dma_start3A_19, %dma_start3A_20] : memref<5x80x64xi32, #tpu.memory_space<vmem>> -> memref<1x80x64xi32, #tpu.memory_space<vmem>>
    %dma_start3A_22 = tpu.memref_squeeze %dma_start3A_21 : memref<1x80x64xi32, #tpu.memory_space<vmem>> -> memref<80x64xi32, #tpu.memory_space<vmem>>
    %dma_start3A_23 = arith.constant 0 : i32
    %dma_start3A_24 = tpu.memref_slice %arg6[%dma_start3A_23] : memref<10000xi32, #tpu.memory_space<vmem>> -> memref<80xi32, #tpu.memory_space<vmem>>
    %dma_start3A_25 = arith.constant 0 : i32
    %dma_start3A_26 = arith.constant 0 : i32
    %dma_start3A_27 = tpu.memref_slice %arg2[%dma_start3A_25, %dma_start3A_26] : memref<10000x64xi32, #tpu.memory_space<hbm>> -> memref<10000x64xi32, #tpu.memory_space<hbm>>
    %dma_start3A_28 = tpu.memref_slice %arg10[%dma_start3A_18] : memref<5x!tpu.dma_semaphore, #tpu.memory_space<semaphore_mem>> -> memref<1x!tpu.dma_semaphore, #tpu.memory_space<semaphore_mem>>
    %dma_start3A_29 = tpu.memref_squeeze %dma_start3A_28 : memref<1x!tpu.dma_semaphore, #tpu.memory_space<semaphore_mem>> -> memref<!tpu.dma_semaphore, #tpu.memory_space<semaphore_mem>>
    tpu.enqueue_indirect_dma source(%dma_start3A_27 : memref<10000x64xi32, #tpu.memory_space<hbm>>) target(%dma_start3A_22 : memref<80x64xi32, #tpu.memory_space<vmem>>) offsets(%dma_start3A_24 : memref<80xi32, #tpu.memory_space<vmem>>) semaphore(%dma_start3A_29 : memref<!tpu.dma_semaphore, #tpu.memory_space<semaphore_mem>>)
    %dma_start3A_30 = arith.constant 1 : i32
    %dma_start3A_31 = arith.constant 1 : i32
    %dma_start3A_32 = arith.constant 0 : i32
    %dma_start3A_33 = arith.constant 0 : i32
    %dma_start3A_34 = tpu.memref_slice %arg7[%dma_start3A_30, %dma_start3A_32, %dma_start3A_33] : memref<5x80x64xi32, #tpu.memory_space<vmem>> -> memref<1x80x64xi32, #tpu.memory_space<vmem>>
    %dma_start3A_35 = tpu.memref_squeeze %dma_start3A_34 : memref<1x80x64xi32, #tpu.memory_space<vmem>> -> memref<80x64xi32, #tpu.memory_space<vmem>>
    %dma_start3A_36 = arith.constant 80 : i32
    %dma_start3A_37 = tpu.memref_slice %arg5[%dma_start3A_36] : memref<10000xi32, #tpu.memory_space<vmem>> -> memref<80xi32, #tpu.memory_space<vmem>>
    %dma_start3A_38 = arith.constant 0 : i32
    %dma_start3A_39 = arith.constant 0 : i32
    %dma_start3A_40 = tpu.memref_slice %arg2[%dma_start3A_38, %dma_start3A_39] : memref<10000x64xi32, #tpu.memory_space<hbm>> -> memref<10000x64xi32, #tpu.memory_space<hbm>>
    %dma_start3A_41 = tpu.memref_slice %arg10[%dma_start3A_31] : memref<5x!tpu.dma_semaphore, #tpu.memory_space<semaphore_mem>> -> memref<1x!tpu.dma_semaphore, #tpu.memory_space<semaphore_mem>>
    %dma_start3A_42 = tpu.memref_squeeze %dma_start3A_41 : memref<1x!tpu.dma_semaphore, #tpu.memory_space<semaphore_mem>> -> memref<!tpu.dma_semaphore, #tpu.memory_space<semaphore_mem>>
    tpu.enqueue_indirect_dma source(%dma_start3A_40 : memref<10000x64xi32, #tpu.memory_space<hbm>>) target(%dma_start3A_35 : memref<80x64xi32, #tpu.memory_space<vmem>>) offsets(%dma_start3A_37 : memref<80xi32, #tpu.memory_space<vmem>>) semaphore(%dma_start3A_42 : memref<!tpu.dma_semaphore, #tpu.memory_space<semaphore_mem>>)
    %dma_start3A_43 = arith.constant 1 : i32
    %dma_start3A_44 = arith.constant 1 : i32
    %dma_start3A_45 = arith.constant 0 : i32
    %dma_start3A_46 = arith.constant 0 : i32
    %dma_start3A_47 = tpu.memref_slice %arg8[%dma_start3A_43, %dma_start3A_45, %dma_start3A_46] : memref<5x80x64xi32, #tpu.memory_space<vmem>> -> memref<1x80x64xi32, #tpu.memory_space<vmem>>
    %dma_start3A_48 = tpu.memref_squeeze %dma_start3A_47 : memref<1x80x64xi32, #tpu.memory_space<vmem>> -> memref<80x64xi32, #tpu.memory_space<vmem>>
    %dma_start3A_49 = arith.constant 80 : i32
    %dma_start3A_50 = tpu.memref_slice %arg6[%dma_start3A_49] : memref<10000xi32, #tpu.memory_space<vmem>> -> memref<80xi32, #tpu.memory_space<vmem>>
    %dma_start3A_51 = arith.constant 0 : i32
    %dma_start3A_52 = arith.constant 0 : i32
    %dma_start3A_53 = tpu.memref_slice %arg2[%dma_start3A_51, %dma_start3A_52] : memref<10000x64xi32, #tpu.memory_space<hbm>> -> memref<10000x64xi32, #tpu.memory_space<hbm>>
    %dma_start3A_54 = tpu.memref_slice %arg10[%dma_start3A_44] : memref<5x!tpu.dma_semaphore, #tpu.memory_space<semaphore_mem>> -> memref<1x!tpu.dma_semaphore, #tpu.memory_space<semaphore_mem>>
    %dma_start3A_55 = tpu.memref_squeeze %dma_start3A_54 : memref<1x!tpu.dma_semaphore, #tpu.memory_space<semaphore_mem>> -> memref<!tpu.dma_semaphore, #tpu.memory_space<semaphore_mem>>
    tpu.enqueue_indirect_dma source(%dma_start3A_53 : memref<10000x64xi32, #tpu.memory_space<hbm>>) target(%dma_start3A_48 : memref<80x64xi32, #tpu.memory_space<vmem>>) offsets(%dma_start3A_50 : memref<80xi32, #tpu.memory_space<vmem>>) semaphore(%dma_start3A_55 : memref<!tpu.dma_semaphore, #tpu.memory_space<semaphore_mem>>)
    %scan3A = arith.constant 0 : i32
    %scan3A_56 = arith.constant 0 : i32
    %scan3A_57 = arith.constant 25 : i32
    %scan3A_58 = arith.addi %scan3A_56, %scan3A_57 : i32
    %scan3A_59 = arith.constant 1 : i32
    scf.for %scan3A_96 = %scan3A_56 to %scan3A_58 step %scan3A_59  : i32 {
      %mul3A_97 = arith.constant 5 : i32
      %mul3A_98 = arith.muli %scan3A_96, %mul3A_97 : i32
      %add3A_99 = arith.constant 0 : i32
      %add3A_100 = arith.addi %mul3A_98, %add3A_99 : i32
      %ge3A = arith.constant 1 : i32
      %ge3A_101 = arith.cmpi sge, %scan3A_96, %ge3A : i32
      %convert_element_type3A = arith.extui %ge3A_101 : i1 to i32
      %cond3A = arith.constant 0 : i32
      %cond3A_102 = arith.cmpi ne, %convert_element_type3A, %cond3A : i32
      scf.if %cond3A_102 {
        %sub3A_518 = arith.constant 2 : i32
        %sub3A_519 = arith.subi %add3A_100, %sub3A_518 : i32
        %mul3A_520 = arith.constant 80 : i32
        %mul3A_521 = arith.muli %sub3A_519, %mul3A_520 : i32
        %add3A_522 = arith.addi %mul3A_2, %mul3A_521 : i32
        %dma_wait3A_523 = arith.constant 3 : i32
        %dma_wait3A_524 = arith.constant 3 : i32
        %dma_wait3A_525 = arith.constant 0 : i32
        %dma_wait3A_526 = arith.constant 0 : i32
        %dma_wait3A_527 = tpu.memref_slice %arg9[%dma_wait3A_523, %dma_wait3A_525, %dma_wait3A_526] : memref<5x80x128xf32, #tpu.memory_space<vmem>> -> memref<1x80x128xf32, #tpu.memory_space<vmem>>
        %dma_wait3A_528 = tpu.memref_squeeze %dma_wait3A_527 : memref<1x80x128xf32, #tpu.memory_space<vmem>> -> memref<80x128xf32, #tpu.memory_space<vmem>>
        %dma_wait3A_529 = arith.constant 0 : i32
        %dma_wait3A_530 = tpu.memref_slice %arg4[%add3A_522, %dma_wait3A_529] : memref<320000x128xf32, #tpu.memory_space<hbm>> -> memref<80x128xf32, #tpu.memory_space<hbm>>
        %dma_wait3A_531 = tpu.memref_slice %arg11[%dma_wait3A_524] : memref<5x!tpu.dma_semaphore, #tpu.memory_space<semaphore_mem>> -> memref<1x!tpu.dma_semaphore, #tpu.memory_space<semaphore_mem>>
        %dma_wait3A_532 = tpu.memref_squeeze %dma_wait3A_531 : memref<1x!tpu.dma_semaphore, #tpu.memory_space<semaphore_mem>> -> memref<!tpu.dma_semaphore, #tpu.memory_space<semaphore_mem>>
        %dma_wait3A_533 = arith.constant 0 : i32
        %dma_wait3A_534 = tpu.memref_slice %arg4[%add3A_522, %dma_wait3A_533] : memref<320000x128xf32, #tpu.memory_space<hbm>> -> memref<80x128xf32, #tpu.memory_space<hbm>>
        %dma_wait3A_535 = arith.constant 0 : i32
        %dma_wait3A_536 = arith.constant 0 : i32
        %dma_wait3A_537 = tpu.memref_slice %arg9[%dma_wait3A_523, %dma_wait3A_535, %dma_wait3A_536] : memref<5x80x128xf32, #tpu.memory_space<vmem>> -> memref<1x80x128xf32, #tpu.memory_space<vmem>>
        %dma_wait3A_538 = tpu.memref_squeeze %dma_wait3A_537 : memref<1x80x128xf32, #tpu.memory_space<vmem>> -> memref<80x128xf32, #tpu.memory_space<vmem>>
        tpu.wait_dma2 semaphore(%dma_wait3A_532 : memref<!tpu.dma_semaphore, #tpu.memory_space<semaphore_mem>>) src(%dma_wait3A_538 : memref<80x128xf32, #tpu.memory_space<vmem>>) dst(%dma_wait3A_534 : memref<80x128xf32, #tpu.memory_space<hbm>>)
      } else {
      }
      %add3A_103 = arith.constant 2 : i32
      %add3A_104 = arith.addi %add3A_100, %add3A_103 : i32
      %mul3A_105 = arith.constant 80 : i32
      %mul3A_106 = arith.muli %add3A_104, %mul3A_105 : i32
      %dma_start3A_107 = arith.constant 2 : i32
      %dma_start3A_108 = arith.constant 2 : i32
      %dma_start3A_109 = arith.constant 0 : i32
      %dma_start3A_110 = arith.constant 0 : i32
      %dma_start3A_111 = tpu.memref_slice %arg7[%dma_start3A_107, %dma_start3A_109, %dma_start3A_110] : memref<5x80x64xi32, #tpu.memory_space<vmem>> -> memref<1x80x64xi32, #tpu.memory_space<vmem>>
      %dma_start3A_112 = tpu.memref_squeeze %dma_start3A_111 : memref<1x80x64xi32, #tpu.memory_space<vmem>> -> memref<80x64xi32, #tpu.memory_space<vmem>>
      %dma_start3A_113 = tpu.memref_slice %arg5[%mul3A_106] : memref<10000xi32, #tpu.memory_space<vmem>> -> memref<80xi32, #tpu.memory_space<vmem>>
      %dma_start3A_114 = arith.constant 0 : i32
      %dma_start3A_115 = arith.constant 0 : i32
      %dma_start3A_116 = tpu.memref_slice %arg2[%dma_start3A_114, %dma_start3A_115] : memref<10000x64xi32, #tpu.memory_space<hbm>> -> memref<10000x64xi32, #tpu.memory_space<hbm>>
      %dma_start3A_117 = tpu.memref_slice %arg10[%dma_start3A_108] : memref<5x!tpu.dma_semaphore, #tpu.memory_space<semaphore_mem>> -> memref<1x!tpu.dma_semaphore, #tpu.memory_space<semaphore_mem>>
      %dma_start3A_118 = tpu.memref_squeeze %dma_start3A_117 : memref<1x!tpu.dma_semaphore, #tpu.memory_space<semaphore_mem>> -> memref<!tpu.dma_semaphore, #tpu.memory_space<semaphore_mem>>
      tpu.enqueue_indirect_dma source(%dma_start3A_116 : memref<10000x64xi32, #tpu.memory_space<hbm>>) target(%dma_start3A_112 : memref<80x64xi32, #tpu.memory_space<vmem>>) offsets(%dma_start3A_113 : memref<80xi32, #tpu.memory_space<vmem>>) semaphore(%dma_start3A_118 : memref<!tpu.dma_semaphore, #tpu.memory_space<semaphore_mem>>)
      %dma_start3A_119 = arith.constant 2 : i32
      %dma_start3A_120 = arith.constant 2 : i32
      %dma_start3A_121 = arith.constant 0 : i32
      %dma_start3A_122 = arith.constant 0 : i32
      %dma_start3A_123 = tpu.memref_slice %arg8[%dma_start3A_119, %dma_start3A_121, %dma_start3A_122] : memref<5x80x64xi32, #tpu.memory_space<vmem>> -> memref<1x80x64xi32, #tpu.memory_space<vmem>>
      %dma_start3A_124 = tpu.memref_squeeze %dma_start3A_123 : memref<1x80x64xi32, #tpu.memory_space<vmem>> -> memref<80x64xi32, #tpu.memory_space<vmem>>
      %dma_start3A_125 = tpu.memref_slice %arg6[%mul3A_106] : memref<10000xi32, #tpu.memory_space<vmem>> -> memref<80xi32, #tpu.memory_space<vmem>>
      %dma_start3A_126 = arith.constant 0 : i32
      %dma_start3A_127 = arith.constant 0 : i32
      %dma_start3A_128 = tpu.memref_slice %arg2[%dma_start3A_126, %dma_start3A_127] : memref<10000x64xi32, #tpu.memory_space<hbm>> -> memref<10000x64xi32, #tpu.memory_space<hbm>>
      %dma_start3A_129 = tpu.memref_slice %arg10[%dma_start3A_120] : memref<5x!tpu.dma_semaphore, #tpu.memory_space<semaphore_mem>> -> memref<1x!tpu.dma_semaphore, #tpu.memory_space<semaphore_mem>>
      %dma_start3A_130 = tpu.memref_squeeze %dma_start3A_129 : memref<1x!tpu.dma_semaphore, #tpu.memory_space<semaphore_mem>> -> memref<!tpu.dma_semaphore, #tpu.memory_space<semaphore_mem>>
      tpu.enqueue_indirect_dma source(%dma_start3A_128 : memref<10000x64xi32, #tpu.memory_space<hbm>>) target(%dma_start3A_124 : memref<80x64xi32, #tpu.memory_space<vmem>>) offsets(%dma_start3A_125 : memref<80xi32, #tpu.memory_space<vmem>>) semaphore(%dma_start3A_130 : memref<!tpu.dma_semaphore, #tpu.memory_space<semaphore_mem>>)
      %mul3A_131 = arith.constant 80 : i32
      %mul3A_132 = arith.muli %add3A_100, %mul3A_131 : i32
      %dma_wait3A_133 = arith.constant 0 : i32
      %dma_wait3A_134 = arith.constant 0 : i32
      %dma_wait3A_135 = arith.constant 0 : i32
      %dma_wait3A_136 = arith.constant 0 : i32
      %dma_wait3A_137 = tpu.memref_slice %arg7[%dma_wait3A_133, %dma_wait3A_135, %dma_wait3A_136] : memref<5x80x64xi32, #tpu.memory_space<vmem>> -> memref<1x80x64xi32, #tpu.memory_space<vmem>>
      %dma_wait3A_138 = tpu.memref_squeeze %dma_wait3A_137 : memref<1x80x64xi32, #tpu.memory_space<vmem>> -> memref<80x64xi32, #tpu.memory_space<vmem>>
      %dma_wait3A_139 = tpu.memref_slice %arg5[%mul3A_132] : memref<10000xi32, #tpu.memory_space<vmem>> -> memref<80xi32, #tpu.memory_space<vmem>>
      %dma_wait3A_140 = arith.constant 0 : i32
      %dma_wait3A_141 = arith.constant 0 : i32
      %dma_wait3A_142 = tpu.memref_slice %arg2[%dma_wait3A_140, %dma_wait3A_141] : memref<10000x64xi32, #tpu.memory_space<hbm>> -> memref<10000x64xi32, #tpu.memory_space<hbm>>
      %dma_wait3A_143 = tpu.memref_slice %arg10[%dma_wait3A_134] : memref<5x!tpu.dma_semaphore, #tpu.memory_space<semaphore_mem>> -> memref<1x!tpu.dma_semaphore, #tpu.memory_space<semaphore_mem>>
      %dma_wait3A_144 = tpu.memref_squeeze %dma_wait3A_143 : memref<1x!tpu.dma_semaphore, #tpu.memory_space<semaphore_mem>> -> memref<!tpu.dma_semaphore, #tpu.memory_space<semaphore_mem>>
      tpu.wait_indirect_dma semaphore(%dma_wait3A_144 : memref<!tpu.dma_semaphore, #tpu.memory_space<semaphore_mem>>) src(%dma_wait3A_142 : memref<10000x64xi32, #tpu.memory_space<hbm>>) dst(%dma_wait3A_138 : memref<80x64xi32, #tpu.memory_space<vmem>>)
      %dma_wait3A_145 = arith.constant 0 : i32
      %dma_wait3A_146 = arith.constant 0 : i32
      %dma_wait3A_147 = arith.constant 0 : i32
      %dma_wait3A_148 = arith.constant 0 : i32
      %dma_wait3A_149 = tpu.memref_slice %arg8[%dma_wait3A_145, %dma_wait3A_147, %dma_wait3A_148] : memref<5x80x64xi32, #tpu.memory_space<vmem>> -> memref<1x80x64xi32, #tpu.memory_space<vmem>>
      %dma_wait3A_150 = tpu.memref_squeeze %dma_wait3A_149 : memref<1x80x64xi32, #tpu.memory_space<vmem>> -> memref<80x64xi32, #tpu.memory_space<vmem>>
      %dma_wait3A_151 = tpu.memref_slice %arg6[%mul3A_132] : memref<10000xi32, #tpu.memory_space<vmem>> -> memref<80xi32, #tpu.memory_space<vmem>>
      %dma_wait3A_152 = arith.constant 0 : i32
      %dma_wait3A_153 = arith.constant 0 : i32
      %dma_wait3A_154 = tpu.memref_slice %arg2[%dma_wait3A_152, %dma_wait3A_153] : memref<10000x64xi32, #tpu.memory_space<hbm>> -> memref<10000x64xi32, #tpu.memory_space<hbm>>
      %dma_wait3A_155 = tpu.memref_slice %arg10[%dma_wait3A_146] : memref<5x!tpu.dma_semaphore, #tpu.memory_space<semaphore_mem>> -> memref<1x!tpu.dma_semaphore, #tpu.memory_space<semaphore_mem>>
      %dma_wait3A_156 = tpu.memref_squeeze %dma_wait3A_155 : memref<1x!tpu.dma_semaphore, #tpu.memory_space<semaphore_mem>> -> memref<!tpu.dma_semaphore, #tpu.memory_space<semaphore_mem>>
      tpu.wait_indirect_dma semaphore(%dma_wait3A_156 : memref<!tpu.dma_semaphore, #tpu.memory_space<semaphore_mem>>) src(%dma_wait3A_154 : memref<10000x64xi32, #tpu.memory_space<hbm>>) dst(%dma_wait3A_150 : memref<80x64xi32, #tpu.memory_space<vmem>>)
      %parallel_loop3A = arith.constant 0 : i32
      %parallel_loop3A_157 = arith.constant 80 : i32
      %parallel_loop3A_158 = arith.constant 1 : i32
      scf.for %parallel_loop3A_518 = %parallel_loop3A to %parallel_loop3A_157 step %parallel_loop3A_158  : i32 {
        %parallel_loop3A_519 = arith.constant 0 : i32
        %parallel_loop3A_520 = arith.index_cast %parallel_loop3A_519 : i32 to index
        %parallel_loop3A_521 = arith.index_cast %parallel_loop3A_518 : i32 to index
        %parallel_loop3A_522 = arith.constant 0 : index
        %parallel_loop3A_523 = tpu.vector_load %arg7[%parallel_loop3A_520, %parallel_loop3A_521, %parallel_loop3A_522] {strides = array<i32>} : memref<5x80x64xi32, #tpu.memory_space<vmem>>, vector<16xi32>,
        %parallel_loop3A_524 = arith.constant 0 : i32
        %parallel_loop3A_525 = arith.index_cast %parallel_loop3A_524 : i32 to index
        %parallel_loop3A_526 = arith.index_cast %parallel_loop3A_518 : i32 to index
        %parallel_loop3A_527 = arith.constant 0 : index
        %parallel_loop3A_528 = tpu.vector_load %arg8[%parallel_loop3A_525, %parallel_loop3A_526, %parallel_loop3A_527] {strides = array<i32>} : memref<5x80x64xi32, #tpu.memory_space<vmem>>, vector<16xi32>,
        %parallel_loop3A_529 = arith.constant 16 : i32
        %parallel_loop3A_530 = vector.broadcast %parallel_loop3A_529 : i32 to vector<16xi32>
        %parallel_loop3A_531 = arith.shli %parallel_loop3A_523, %parallel_loop3A_530 : vector<16xi32>
        %parallel_loop3A_532 = vector.bitcast %parallel_loop3A_531 : vector<16xi32> to vector<16xf32>
        %parallel_loop3A_533 = arith.constant 16 : i32
        %parallel_loop3A_534 = vector.broadcast %parallel_loop3A_533 : i32 to vector<16xi32>
        %parallel_loop3A_535 = arith.shli %parallel_loop3A_528, %parallel_loop3A_534 : vector<16xi32>
        %parallel_loop3A_536 = vector.bitcast %parallel_loop3A_535 : vector<16xi32> to vector<16xf32>
        %parallel_loop3A_537 = arith.addf %parallel_loop3A_532, %parallel_loop3A_536 : vector<16xf32>
        %parallel_loop3A_538 = arith.constant 0 : i32
        %parallel_loop3A_539 = arith.index_cast %parallel_loop3A_538 : i32 to index
        %parallel_loop3A_540 = arith.index_cast %parallel_loop3A_518 : i32 to index
        %parallel_loop3A_541 = arith.constant 0 : index
        %parallel_loop3A_542 = tpu.vector_load %arg9[%parallel_loop3A_539, %parallel_loop3A_540, %parallel_loop3A_541] {strides = array<i32>} : memref<5x80x128xf32, #tpu.memory_space<vmem>>, vector<16xf32>,
        tpu.vector_store %arg9[%parallel_loop3A_539, %parallel_loop3A_540, %parallel_loop3A_541], %parallel_loop3A_537 {strides = array<i32>} : memref<5x80x128xf32, #tpu.memory_space<vmem>>, vector<16xf32>,
        %parallel_loop3A_543 = arith.andi %parallel_loop3A_523, %broadcast_in_dim3A_4 : vector<16xi32>
        %parallel_loop3A_544 = vector.bitcast %parallel_loop3A_543 : vector<16xi32> to vector<16xf32>
        %parallel_loop3A_545 = arith.andi %parallel_loop3A_528, %broadcast_in_dim3A_4 : vector<16xi32>
        %parallel_loop3A_546 = vector.bitcast %parallel_loop3A_545 : vector<16xi32> to vector<16xf32>
        %parallel_loop3A_547 = arith.addf %parallel_loop3A_544, %parallel_loop3A_546 : vector<16xf32>
        %parallel_loop3A_548 = arith.constant 0 : i32
        %parallel_loop3A_549 = arith.index_cast %parallel_loop3A_548 : i32 to index
        %parallel_loop3A_550 = arith.index_cast %parallel_loop3A_518 : i32 to index
        %parallel_loop3A_551 = arith.constant 16 : index
        %parallel_loop3A_552 = tpu.vector_load %arg9[%parallel_loop3A_549, %parallel_loop3A_550, %parallel_loop3A_551] {strides = array<i32>} : memref<5x80x128xf32, #tpu.memory_space<vmem>>, vector<16xf32>,
        tpu.vector_store %arg9[%parallel_loop3A_549, %parallel_loop3A_550, %parallel_loop3A_551], %parallel_loop3A_547 {strides = array<i32>} : memref<5x80x128xf32, #tpu.memory_space<vmem>>, vector<16xf32>,
        %parallel_loop3A_553 = arith.constant 0 : i32
        %parallel_loop3A_554 = arith.index_cast %parallel_loop3A_553 : i32 to index
        %parallel_loop3A_555 = arith.index_cast %parallel_loop3A_518 : i32 to index
        %parallel_loop3A_556 = arith.constant 16 : index
        %parallel_loop3A_557 = tpu.vector_load %arg7[%parallel_loop3A_554, %parallel_loop3A_555, %parallel_loop3A_556] {strides = array<i32>} : memref<5x80x64xi32, #tpu.memory_space<vmem>>, vector<16xi32>,
        %parallel_loop3A_558 = arith.constant 0 : i32
        %parallel_loop3A_559 = arith.index_cast %parallel_loop3A_558 : i32 to index
        %parallel_loop3A_560 = arith.index_cast %parallel_loop3A_518 : i32 to index
        %parallel_loop3A_561 = arith.constant 16 : index
        %parallel_loop3A_562 = tpu.vector_load %arg8[%parallel_loop3A_559, %parallel_loop3A_560, %parallel_loop3A_561] {strides = array<i32>} : memref<5x80x64xi32, #tpu.memory_space<vmem>>, vector<16xi32>,
        %parallel_loop3A_563 = arith.constant 16 : i32
        %parallel_loop3A_564 = vector.broadcast %parallel_loop3A_563 : i32 to vector<16xi32>
        %parallel_loop3A_565 = arith.shli %parallel_loop3A_557, %parallel_loop3A_564 : vector<16xi32>
        %parallel_loop3A_566 = vector.bitcast %parallel_loop3A_565 : vector<16xi32> to vector<16xf32>
        %parallel_loop3A_567 = arith.constant 16 : i32
        %parallel_loop3A_568 = vector.broadcast %parallel_loop3A_567 : i32 to vector<16xi32>
        %parallel_loop3A_569 = arith.shli %parallel_loop3A_562, %parallel_loop3A_568 : vector<16xi32>
        %parallel_loop3A_570 = vector.bitcast %parallel_loop3A_569 : vector<16xi32> to vector<16xf32>
        %parallel_loop3A_571 = arith.addf %parallel_loop3A_566, %parallel_loop3A_570 : vector<16xf32>
        %parallel_loop3A_572 = arith.constant 0 : i32
        %parallel_loop3A_573 = arith.index_cast %parallel_loop3A_572 : i32 to index
        %parallel_loop3A_574 = arith.index_cast %parallel_loop3A_518 : i32 to index
        %parallel_loop3A_575 = arith.constant 32 : index
        %parallel_loop3A_576 = tpu.vector_load %arg9[%parallel_loop3A_573, %parallel_loop3A_574, %parallel_loop3A_575] {strides = array<i32>} : memref<5x80x128xf32, #tpu.memory_space<vmem>>, vector<16xf32>,
        tpu.vector_store %arg9[%parallel_loop3A_573, %parallel_loop3A_574, %parallel_loop3A_575], %parallel_loop3A_571 {strides = array<i32>} : memref<5x80x128xf32, #tpu.memory_space<vmem>>, vector<16xf32>,
        %parallel_loop3A_577 = arith.andi %parallel_loop3A_557, %broadcast_in_dim3A_4 : vector<16xi32>
        %parallel_loop3A_578 = vector.bitcast %parallel_loop3A_577 : vector<16xi32> to vector<16xf32>
        %parallel_loop3A_579 = arith.andi %parallel_loop3A_562, %broadcast_in_dim3A_4 : vector<16xi32>
        %parallel_loop3A_580 = vector.bitcast %parallel_loop3A_579 : vector<16xi32> to vector<16xf32>
        %parallel_loop3A_581 = arith.addf %parallel_loop3A_578, %parallel_loop3A_580 : vector<16xf32>
        %parallel_loop3A_582 = arith.constant 0 : i32
        %parallel_loop3A_583 = arith.index_cast %parallel_loop3A_582 : i32 to index
        %parallel_loop3A_584 = arith.index_cast %parallel_loop3A_518 : i32 to index
        %parallel_loop3A_585 = arith.constant 48 : index
        %parallel_loop3A_586 = tpu.vector_load %arg9[%parallel_loop3A_583, %parallel_loop3A_584, %parallel_loop3A_585] {strides = array<i32>} : memref<5x80x128xf32, #tpu.memory_space<vmem>>, vector<16xf32>,
        tpu.vector_store %arg9[%parallel_loop3A_583, %parallel_loop3A_584, %parallel_loop3A_585], %parallel_loop3A_581 {strides = array<i32>} : memref<5x80x128xf32, #tpu.memory_space<vmem>>, vector<16xf32>,
        %parallel_loop3A_587 = arith.constant 0 : i32
        %parallel_loop3A_588 = arith.index_cast %parallel_loop3A_587 : i32 to index
        %parallel_loop3A_589 = arith.index_cast %parallel_loop3A_518 : i32 to index
        %parallel_loop3A_590 = arith.constant 32 : index
        %parallel_loop3A_591 = tpu.vector_load %arg7[%parallel_loop3A_588, %parallel_loop3A_589, %parallel_loop3A_590] {strides = array<i32>} : memref<5x80x64xi32, #tpu.memory_space<vmem>>, vector<16xi32>,
        %parallel_loop3A_592 = arith.constant 0 : i32
        %parallel_loop3A_593 = arith.index_cast %parallel_loop3A_592 : i32 to index
        %parallel_loop3A_594 = arith.index_cast %parallel_loop3A_518 : i32 to index
        %parallel_loop3A_595 = arith.constant 32 : index
        %parallel_loop3A_596 = tpu.vector_load %arg8[%parallel_loop3A_593, %parallel_loop3A_594, %parallel_loop3A_595] {strides = array<i32>} : memref<5x80x64xi32, #tpu.memory_space<vmem>>, vector<16xi32>,
        %parallel_loop3A_597 = arith.constant 16 : i32
        %parallel_loop3A_598 = vector.broadcast %parallel_loop3A_597 : i32 to vector<16xi32>
        %parallel_loop3A_599 = arith.shli %parallel_loop3A_591, %parallel_loop3A_598 : vector<16xi32>
        %parallel_loop3A_600 = vector.bitcast %parallel_loop3A_599 : vector<16xi32> to vector<16xf32>
        %parallel_loop3A_601 = arith.constant 16 : i32
        %parallel_loop3A_602 = vector.broadcast %parallel_loop3A_601 : i32 to vector<16xi32>
        %parallel_loop3A_603 = arith.shli %parallel_loop3A_596, %parallel_loop3A_602 : vector<16xi32>
        %parallel_loop3A_604 = vector.bitcast %parallel_loop3A_603 : vector<16xi32> to vector<16xf32>
        %parallel_loop3A_605 = arith.addf %parallel_loop3A_600, %parallel_loop3A_604 : vector<16xf32>
        %parallel_loop3A_606 = arith.constant 0 : i32
        %parallel_loop3A_607 = arith.index_cast %parallel_loop3A_606 : i32 to index
        %parallel_loop3A_608 = arith.index_cast %parallel_loop3A_518 : i32 to index
        %parallel_loop3A_609 = arith.constant 64 : index
        %parallel_loop3A_610 = tpu.vector_load %arg9[%parallel_loop3A_607, %parallel_loop3A_608, %parallel_loop3A_609] {strides = array<i32>} : memref<5x80x128xf32, #tpu.memory_space<vmem>>, vector<16xf32>,
        tpu.vector_store %arg9[%parallel_loop3A_607, %parallel_loop3A_608, %parallel_loop3A_609], %parallel_loop3A_605 {strides = array<i32>} : memref<5x80x128xf32, #tpu.memory_space<vmem>>, vector<16xf32>,
        %parallel_loop3A_611 = arith.andi %parallel_loop3A_591, %broadcast_in_dim3A_4 : vector<16xi32>
        %parallel_loop3A_612 = vector.bitcast %parallel_loop3A_611 : vector<16xi32> to vector<16xf32>
        %parallel_loop3A_613 = arith.andi %parallel_loop3A_596, %broadcast_in_dim3A_4 : vector<16xi32>
        %parallel_loop3A_614 = vector.bitcast %parallel_loop3A_613 : vector<16xi32> to vector<16xf32>
        %parallel_loop3A_615 = arith.addf %parallel_loop3A_612, %parallel_loop3A_614 : vector<16xf32>
        %parallel_loop3A_616 = arith.constant 0 : i32
        %parallel_loop3A_617 = arith.index_cast %parallel_loop3A_616 : i32 to index
        %parallel_loop3A_618 = arith.index_cast %parallel_loop3A_518 : i32 to index
        %parallel_loop3A_619 = arith.constant 80 : index
        %parallel_loop3A_620 = tpu.vector_load %arg9[%parallel_loop3A_617, %parallel_loop3A_618, %parallel_loop3A_619] {strides = array<i32>} : memref<5x80x128xf32, #tpu.memory_space<vmem>>, vector<16xf32>,
        tpu.vector_store %arg9[%parallel_loop3A_617, %parallel_loop3A_618, %parallel_loop3A_619], %parallel_loop3A_615 {strides = array<i32>} : memref<5x80x128xf32, #tpu.memory_space<vmem>>, vector<16xf32>,
        %parallel_loop3A_621 = arith.constant 0 : i32
        %parallel_loop3A_622 = arith.index_cast %parallel_loop3A_621 : i32 to index
        %parallel_loop3A_623 = arith.index_cast %parallel_loop3A_518 : i32 to index
        %parallel_loop3A_624 = arith.constant 48 : index
        %parallel_loop3A_625 = tpu.vector_load %arg7[%parallel_loop3A_622, %parallel_loop3A_623, %parallel_loop3A_624] {strides = array<i32>} : memref<5x80x64xi32, #tpu.memory_space<vmem>>, vector<16xi32>,
        %parallel_loop3A_626 = arith.constant 0 : i32
        %parallel_loop3A_627 = arith.index_cast %parallel_loop3A_626 : i32 to index
        %parallel_loop3A_628 = arith.index_cast %parallel_loop3A_518 : i32 to index
        %parallel_loop3A_629 = arith.constant 48 : index
        %parallel_loop3A_630 = tpu.vector_load %arg8[%parallel_loop3A_627, %parallel_loop3A_628, %parallel_loop3A_629] {strides = array<i32>} : memref<5x80x64xi32, #tpu.memory_space<vmem>>, vector<16xi32>,
        %parallel_loop3A_631 = arith.constant 16 : i32
        %parallel_loop3A_632 = vector.broadcast %parallel_loop3A_631 : i32 to vector<16xi32>
        %parallel_loop3A_633 = arith.shli %parallel_loop3A_625, %parallel_loop3A_632 : vector<16xi32>
        %parallel_loop3A_634 = vector.bitcast %parallel_loop3A_633 : vector<16xi32> to vector<16xf32>
        %parallel_loop3A_635 = arith.constant 16 : i32
        %parallel_loop3A_636 = vector.broadcast %parallel_loop3A_635 : i32 to vector<16xi32>
        %parallel_loop3A_637 = arith.shli %parallel_loop3A_630, %parallel_loop3A_636 : vector<16xi32>
        %parallel_loop3A_638 = vector.bitcast %parallel_loop3A_637 : vector<16xi32> to vector<16xf32>
        %parallel_loop3A_639 = arith.addf %parallel_loop3A_634, %parallel_loop3A_638 : vector<16xf32>
        %parallel_loop3A_640 = arith.constant 0 : i32
        %parallel_loop3A_641 = arith.index_cast %parallel_loop3A_640 : i32 to index
        %parallel_loop3A_642 = arith.index_cast %parallel_loop3A_518 : i32 to index
        %parallel_loop3A_643 = arith.constant 96 : index
        %parallel_loop3A_644 = tpu.vector_load %arg9[%parallel_loop3A_641, %parallel_loop3A_642, %parallel_loop3A_643] {strides = array<i32>} : memref<5x80x128xf32, #tpu.memory_space<vmem>>, vector<16xf32>,
        tpu.vector_store %arg9[%parallel_loop3A_641, %parallel_loop3A_642, %parallel_loop3A_643], %parallel_loop3A_639 {strides = array<i32>} : memref<5x80x128xf32, #tpu.memory_space<vmem>>, vector<16xf32>,
        %parallel_loop3A_645 = arith.andi %parallel_loop3A_625, %broadcast_in_dim3A_4 : vector<16xi32>
        %parallel_loop3A_646 = vector.bitcast %parallel_loop3A_645 : vector<16xi32> to vector<16xf32>
        %parallel_loop3A_647 = arith.andi %parallel_loop3A_630, %broadcast_in_dim3A_4 : vector<16xi32>
        %parallel_loop3A_648 = vector.bitcast %parallel_loop3A_647 : vector<16xi32> to vector<16xf32>
        %parallel_loop3A_649 = arith.addf %parallel_loop3A_646, %parallel_loop3A_648 : vector<16xf32>
        %parallel_loop3A_650 = arith.constant 0 : i32
        %parallel_loop3A_651 = arith.index_cast %parallel_loop3A_650 : i32 to index
        %parallel_loop3A_652 = arith.index_cast %parallel_loop3A_518 : i32 to index
        %parallel_loop3A_653 = arith.constant 112 : index
        %parallel_loop3A_654 = tpu.vector_load %arg9[%parallel_loop3A_651, %parallel_loop3A_652, %parallel_loop3A_653] {strides = array<i32>} : memref<5x80x128xf32, #tpu.memory_space<vmem>>, vector<16xf32>,
        tpu.vector_store %arg9[%parallel_loop3A_651, %parallel_loop3A_652, %parallel_loop3A_653], %parallel_loop3A_649 {strides = array<i32>} : memref<5x80x128xf32, #tpu.memory_space<vmem>>, vector<16xf32>,
      } {sc.loop_unroll_factor = 4 : i64, sc.parallel_access}
      %mul3A_159 = arith.constant 80 : i32
      %mul3A_160 = arith.muli %add3A_100, %mul3A_159 : i32
      %add3A_161 = arith.addi %mul3A_2, %mul3A_160 : i32
      %dma_start3A_162 = arith.constant 0 : i32
      %dma_start3A_163 = arith.constant 0 : i32
      %dma_start3A_164 = arith.constant 0 : i32
      %dma_start3A_165 = arith.constant 0 : i32
      %dma_start3A_166 = tpu.memref_slice %arg9[%dma_start3A_162, %dma_start3A_164, %dma_start3A_165] : memref<5x80x128xf32, #tpu.memory_space<vmem>> -> memref<1x80x128xf32, #tpu.memory_space<vmem>>
      %dma_start3A_167 = tpu.memref_squeeze %dma_start3A_166 : memref<1x80x128xf32, #tpu.memory_space<vmem>> -> memref<80x128xf32, #tpu.memory_space<vmem>>
      %dma_start3A_168 = arith.constant 0 : i32
      %dma_start3A_169 = tpu.memref_slice %arg4[%add3A_161, %dma_start3A_168] : memref<320000x128xf32, #tpu.memory_space<hbm>> -> memref<80x128xf32, #tpu.memory_space<hbm>>
      %dma_start3A_170 = tpu.memref_slice %arg11[%dma_start3A_163] : memref<5x!tpu.dma_semaphore, #tpu.memory_space<semaphore_mem>> -> memref<1x!tpu.dma_semaphore, #tpu.memory_space<semaphore_mem>>
      %dma_start3A_171 = tpu.memref_squeeze %dma_start3A_170 : memref<1x!tpu.dma_semaphore, #tpu.memory_space<semaphore_mem>> -> memref<!tpu.dma_semaphore, #tpu.memory_space<semaphore_mem>>
      %dma_start3A_172 = arith.constant 0 : i32
      %dma_start3A_173 = tpu.memref_slice %arg4[%add3A_161, %dma_start3A_172] : memref<320000x128xf32, #tpu.memory_space<hbm>> -> memref<80x128xf32, #tpu.memory_space<hbm>>
      %dma_start3A_174 = arith.constant 0 : i32
      %dma_start3A_175 = arith.constant 0 : i32
      %dma_start3A_176 = tpu.memref_slice %arg9[%dma_start3A_162, %dma_start3A_174, %dma_start3A_175] : memref<5x80x128xf32, #tpu.memory_space<vmem>> -> memref<1x80x128xf32, #tpu.memory_space<vmem>>
      %dma_start3A_177 = tpu.memref_squeeze %dma_start3A_176 : memref<1x80x128xf32, #tpu.memory_space<vmem>> -> memref<80x128xf32, #tpu.memory_space<vmem>>
      tpu.enqueue_dma source(%dma_start3A_177 : memref<80x128xf32, #tpu.memory_space<vmem>>) target(%dma_start3A_173 : memref<80x128xf32, #tpu.memory_space<hbm>>) target_semaphore(%dma_start3A_171 : memref<!tpu.dma_semaphore, #tpu.memory_space<semaphore_mem>>)
      %mul3A_178 = arith.constant 5 : i32
      %mul3A_179 = arith.muli %scan3A_96, %mul3A_178 : i32
      %add3A_180 = arith.constant 1 : i32
      %add3A_181 = arith.addi %mul3A_179, %add3A_180 : i32
      %ge3A_182 = arith.constant 1 : i32
      %ge3A_183 = arith.cmpi sge, %scan3A_96, %ge3A_182 : i32
      %convert_element_type3A_184 = arith.extui %ge3A_183 : i1 to i32
      %cond3A_185 = arith.constant 0 : i32
      %cond3A_186 = arith.cmpi ne, %convert_element_type3A_184, %cond3A_185 : i32
      scf.if %cond3A_186 {
        %sub3A_518 = arith.constant 2 : i32
        %sub3A_519 = arith.subi %add3A_181, %sub3A_518 : i32
        %mul3A_520 = arith.constant 80 : i32
        %mul3A_521 = arith.muli %sub3A_519, %mul3A_520 : i32
        %add3A_522 = arith.addi %mul3A_2, %mul3A_521 : i32
        %dma_wait3A_523 = arith.constant 4 : i32
        %dma_wait3A_524 = arith.constant 4 : i32
        %dma_wait3A_525 = arith.constant 0 : i32
        %dma_wait3A_526 = arith.constant 0 : i32
        %dma_wait3A_527 = tpu.memref_slice %arg9[%dma_wait3A_523, %dma_wait3A_525, %dma_wait3A_526] : memref<5x80x128xf32, #tpu.memory_space<vmem>> -> memref<1x80x128xf32, #tpu.memory_space<vmem>>
        %dma_wait3A_528 = tpu.memref_squeeze %dma_wait3A_527 : memref<1x80x128xf32, #tpu.memory_space<vmem>> -> memref<80x128xf32, #tpu.memory_space<vmem>>
        %dma_wait3A_529 = arith.constant 0 : i32
        %dma_wait3A_530 = tpu.memref_slice %arg4[%add3A_522, %dma_wait3A_529] : memref<320000x128xf32, #tpu.memory_space<hbm>> -> memref<80x128xf32, #tpu.memory_space<hbm>>
        %dma_wait3A_531 = tpu.memref_slice %arg11[%dma_wait3A_524] : memref<5x!tpu.dma_semaphore, #tpu.memory_space<semaphore_mem>> -> memref<1x!tpu.dma_semaphore, #tpu.memory_space<semaphore_mem>>
        %dma_wait3A_532 = tpu.memref_squeeze %dma_wait3A_531 : memref<1x!tpu.dma_semaphore, #tpu.memory_space<semaphore_mem>> -> memref<!tpu.dma_semaphore, #tpu.memory_space<semaphore_mem>>
        %dma_wait3A_533 = arith.constant 0 : i32
        %dma_wait3A_534 = tpu.memref_slice %arg4[%add3A_522, %dma_wait3A_533] : memref<320000x128xf32, #tpu.memory_space<hbm>> -> memref<80x128xf32, #tpu.memory_space<hbm>>
        %dma_wait3A_535 = arith.constant 0 : i32
        %dma_wait3A_536 = arith.constant 0 : i32
        %dma_wait3A_537 = tpu.memref_slice %arg9[%dma_wait3A_523, %dma_wait3A_535, %dma_wait3A_536] : memref<5x80x128xf32, #tpu.memory_space<vmem>> -> memref<1x80x128xf32, #tpu.memory_space<vmem>>
        %dma_wait3A_538 = tpu.memref_squeeze %dma_wait3A_537 : memref<1x80x128xf32, #tpu.memory_space<vmem>> -> memref<80x128xf32, #tpu.memory_space<vmem>>
        tpu.wait_dma2 semaphore(%dma_wait3A_532 : memref<!tpu.dma_semaphore, #tpu.memory_space<semaphore_mem>>) src(%dma_wait3A_538 : memref<80x128xf32, #tpu.memory_space<vmem>>) dst(%dma_wait3A_534 : memref<80x128xf32, #tpu.memory_space<hbm>>)
      } else {
      }
      %add3A_187 = arith.constant 2 : i32
      %add3A_188 = arith.addi %add3A_181, %add3A_187 : i32
      %mul3A_189 = arith.constant 80 : i32
      %mul3A_190 = arith.muli %add3A_188, %mul3A_189 : i32
      %dma_start3A_191 = arith.constant 3 : i32
      %dma_start3A_192 = arith.constant 3 : i32
      %dma_start3A_193 = arith.constant 0 : i32
      %dma_start3A_194 = arith.constant 0 : i32
      %dma_start3A_195 = tpu.memref_slice %arg7[%dma_start3A_191, %dma_start3A_193, %dma_start3A_194] : memref<5x80x64xi32, #tpu.memory_space<vmem>> -> memref<1x80x64xi32, #tpu.memory_space<vmem>>
      %dma_start3A_196 = tpu.memref_squeeze %dma_start3A_195 : memref<1x80x64xi32, #tpu.memory_space<vmem>> -> memref<80x64xi32, #tpu.memory_space<vmem>>
      %dma_start3A_197 = tpu.memref_slice %arg5[%mul3A_190] : memref<10000xi32, #tpu.memory_space<vmem>> -> memref<80xi32, #tpu.memory_space<vmem>>
      %dma_start3A_198 = arith.constant 0 : i32
      %dma_start3A_199 = arith.constant 0 : i32
      %dma_start3A_200 = tpu.memref_slice %arg2[%dma_start3A_198, %dma_start3A_199] : memref<10000x64xi32, #tpu.memory_space<hbm>> -> memref<10000x64xi32, #tpu.memory_space<hbm>>
      %dma_start3A_201 = tpu.memref_slice %arg10[%dma_start3A_192] : memref<5x!tpu.dma_semaphore, #tpu.memory_space<semaphore_mem>> -> memref<1x!tpu.dma_semaphore, #tpu.memory_space<semaphore_mem>>
      %dma_start3A_202 = tpu.memref_squeeze %dma_start3A_201 : memref<1x!tpu.dma_semaphore, #tpu.memory_space<semaphore_mem>> -> memref<!tpu.dma_semaphore, #tpu.memory_space<semaphore_mem>>
      tpu.enqueue_indirect_dma source(%dma_start3A_200 : memref<10000x64xi32, #tpu.memory_space<hbm>>) target(%dma_start3A_196 : memref<80x64xi32, #tpu.memory_space<vmem>>) offsets(%dma_start3A_197 : memref<80xi32, #tpu.memory_space<vmem>>) semaphore(%dma_start3A_202 : memref<!tpu.dma_semaphore, #tpu.memory_space<semaphore_mem>>)
      %dma_start3A_203 = arith.constant 3 : i32
      %dma_start3A_204 = arith.constant 3 : i32
      %dma_start3A_205 = arith.constant 0 : i32
      %dma_start3A_206 = arith.constant 0 : i32
      %dma_start3A_207 = tpu.memref_slice %arg8[%dma_start3A_203, %dma_start3A_205, %dma_start3A_206] : memref<5x80x64xi32, #tpu.memory_space<vmem>> -> memref<1x80x64xi32, #tpu.memory_space<vmem>>
      %dma_start3A_208 = tpu.memref_squeeze %dma_start3A_207 : memref<1x80x64xi32, #tpu.memory_space<vmem>> -> memref<80x64xi32, #tpu.memory_space<vmem>>
      %dma_start3A_209 = tpu.memref_slice %arg6[%mul3A_190] : memref<10000xi32, #tpu.memory_space<vmem>> -> memref<80xi32, #tpu.memory_space<vmem>>
      %dma_start3A_210 = arith.constant 0 : i32
      %dma_start3A_211 = arith.constant 0 : i32
      %dma_start3A_212 = tpu.memref_slice %arg2[%dma_start3A_210, %dma_start3A_211] : memref<10000x64xi32, #tpu.memory_space<hbm>> -> memref<10000x64xi32, #tpu.memory_space<hbm>>
      %dma_start3A_213 = tpu.memref_slice %arg10[%dma_start3A_204] : memref<5x!tpu.dma_semaphore, #tpu.memory_space<semaphore_mem>> -> memref<1x!tpu.dma_semaphore, #tpu.memory_space<semaphore_mem>>
      %dma_start3A_214 = tpu.memref_squeeze %dma_start3A_213 : memref<1x!tpu.dma_semaphore, #tpu.memory_space<semaphore_mem>> -> memref<!tpu.dma_semaphore, #tpu.memory_space<semaphore_mem>>
      tpu.enqueue_indirect_dma source(%dma_start3A_212 : memref<10000x64xi32, #tpu.memory_space<hbm>>) target(%dma_start3A_208 : memref<80x64xi32, #tpu.memory_space<vmem>>) offsets(%dma_start3A_209 : memref<80xi32, #tpu.memory_space<vmem>>) semaphore(%dma_start3A_214 : memref<!tpu.dma_semaphore, #tpu.memory_space<semaphore_mem>>)
      %mul3A_215 = arith.constant 80 : i32
      %mul3A_216 = arith.muli %add3A_181, %mul3A_215 : i32
      %dma_wait3A_217 = arith.constant 1 : i32
      %dma_wait3A_218 = arith.constant 1 : i32
      %dma_wait3A_219 = arith.constant 0 : i32
      %dma_wait3A_220 = arith.constant 0 : i32
      %dma_wait3A_221 = tpu.memref_slice %arg7[%dma_wait3A_217, %dma_wait3A_219, %dma_wait3A_220] : memref<5x80x64xi32, #tpu.memory_space<vmem>> -> memref<1x80x64xi32, #tpu.memory_space<vmem>>
      %dma_wait3A_222 = tpu.memref_squeeze %dma_wait3A_221 : memref<1x80x64xi32, #tpu.memory_space<vmem>> -> memref<80x64xi32, #tpu.memory_space<vmem>>
      %dma_wait3A_223 = tpu.memref_slice %arg5[%mul3A_216] : memref<10000xi32, #tpu.memory_space<vmem>> -> memref<80xi32, #tpu.memory_space<vmem>>
      %dma_wait3A_224 = arith.constant 0 : i32
      %dma_wait3A_225 = arith.constant 0 : i32
      %dma_wait3A_226 = tpu.memref_slice %arg2[%dma_wait3A_224, %dma_wait3A_225] : memref<10000x64xi32, #tpu.memory_space<hbm>> -> memref<10000x64xi32, #tpu.memory_space<hbm>>
      %dma_wait3A_227 = tpu.memref_slice %arg10[%dma_wait3A_218] : memref<5x!tpu.dma_semaphore, #tpu.memory_space<semaphore_mem>> -> memref<1x!tpu.dma_semaphore, #tpu.memory_space<semaphore_mem>>
      %dma_wait3A_228 = tpu.memref_squeeze %dma_wait3A_227 : memref<1x!tpu.dma_semaphore, #tpu.memory_space<semaphore_mem>> -> memref<!tpu.dma_semaphore, #tpu.memory_space<semaphore_mem>>
      tpu.wait_indirect_dma semaphore(%dma_wait3A_228 : memref<!tpu.dma_semaphore, #tpu.memory_space<semaphore_mem>>) src(%dma_wait3A_226 : memref<10000x64xi32, #tpu.memory_space<hbm>>) dst(%dma_wait3A_222 : memref<80x64xi32, #tpu.memory_space<vmem>>)
      %dma_wait3A_229 = arith.constant 1 : i32
      %dma_wait3A_230 = arith.constant 1 : i32
      %dma_wait3A_231 = arith.constant 0 : i32
      %dma_wait3A_232 = arith.constant 0 : i32
      %dma_wait3A_233 = tpu.memref_slice %arg8[%dma_wait3A_229, %dma_wait3A_231, %dma_wait3A_232] : memref<5x80x64xi32, #tpu.memory_space<vmem>> -> memref<1x80x64xi32, #tpu.memory_space<vmem>>
      %dma_wait3A_234 = tpu.memref_squeeze %dma_wait3A_233 : memref<1x80x64xi32, #tpu.memory_space<vmem>> -> memref<80x64xi32, #tpu.memory_space<vmem>>
      %dma_wait3A_235 = tpu.memref_slice %arg6[%mul3A_216] : memref<10000xi32, #tpu.memory_space<vmem>> -> memref<80xi32, #tpu.memory_space<vmem>>
      %dma_wait3A_236 = arith.constant 0 : i32
      %dma_wait3A_237 = arith.constant 0 : i32
      %dma_wait3A_238 = tpu.memref_slice %arg2[%dma_wait3A_236, %dma_wait3A_237] : memref<10000x64xi32, #tpu.memory_space<hbm>> -> memref<10000x64xi32, #tpu.memory_space<hbm>>
      %dma_wait3A_239 = tpu.memref_slice %arg10[%dma_wait3A_230] : memref<5x!tpu.dma_semaphore, #tpu.memory_space<semaphore_mem>> -> memref<1x!tpu.dma_semaphore, #tpu.memory_space<semaphore_mem>>
      %dma_wait3A_240 = tpu.memref_squeeze %dma_wait3A_239 : memref<1x!tpu.dma_semaphore, #tpu.memory_space<semaphore_mem>> -> memref<!tpu.dma_semaphore, #tpu.memory_space<semaphore_mem>>
      tpu.wait_indirect_dma semaphore(%dma_wait3A_240 : memref<!tpu.dma_semaphore, #tpu.memory_space<semaphore_mem>>) src(%dma_wait3A_238 : memref<10000x64xi32, #tpu.memory_space<hbm>>) dst(%dma_wait3A_234 : memref<80x64xi32, #tpu.memory_space<vmem>>)
      %parallel_loop3A_241 = arith.constant 0 : i32
      %parallel_loop3A_242 = arith.constant 80 : i32
      %parallel_loop3A_243 = arith.constant 1 : i32
      scf.for %parallel_loop3A_518 = %parallel_loop3A_241 to %parallel_loop3A_242 step %parallel_loop3A_243  : i32 {
        %parallel_loop3A_519 = arith.constant 1 : i32
        %parallel_loop3A_520 = arith.index_cast %parallel_loop3A_519 : i32 to index
        %parallel_loop3A_521 = arith.index_cast %parallel_loop3A_518 : i32 to index
        %parallel_loop3A_522 = arith.constant 0 : index
        %parallel_loop3A_523 = tpu.vector_load %arg7[%parallel_loop3A_520, %parallel_loop3A_521, %parallel_loop3A_522] {strides = array<i32>} : memref<5x80x64xi32, #tpu.memory_space<vmem>>, vector<16xi32>,
        %parallel_loop3A_524 = arith.constant 1 : i32
        %parallel_loop3A_525 = arith.index_cast %parallel_loop3A_524 : i32 to index
        %parallel_loop3A_526 = arith.index_cast %parallel_loop3A_518 : i32 to index
        %parallel_loop3A_527 = arith.constant 0 : index
        %parallel_loop3A_528 = tpu.vector_load %arg8[%parallel_loop3A_525, %parallel_loop3A_526, %parallel_loop3A_527] {strides = array<i32>} : memref<5x80x64xi32, #tpu.memory_space<vmem>>, vector<16xi32>,
        %parallel_loop3A_529 = arith.constant 16 : i32
        %parallel_loop3A_530 = vector.broadcast %parallel_loop3A_529 : i32 to vector<16xi32>
        %parallel_loop3A_531 = arith.shli %parallel_loop3A_523, %parallel_loop3A_530 : vector<16xi32>
        %parallel_loop3A_532 = vector.bitcast %parallel_loop3A_531 : vector<16xi32> to vector<16xf32>
        %parallel_loop3A_533 = arith.constant 16 : i32
        %parallel_loop3A_534 = vector.broadcast %parallel_loop3A_533 : i32 to vector<16xi32>
        %parallel_loop3A_535 = arith.shli %parallel_loop3A_528, %parallel_loop3A_534 : vector<16xi32>
        %parallel_loop3A_536 = vector.bitcast %parallel_loop3A_535 : vector<16xi32> to vector<16xf32>
        %parallel_loop3A_537 = arith.addf %parallel_loop3A_532, %parallel_loop3A_536 : vector<16xf32>
        %parallel_loop3A_538 = arith.constant 1 : i32
        %parallel_loop3A_539 = arith.index_cast %parallel_loop3A_538 : i32 to index
        %parallel_loop3A_540 = arith.index_cast %parallel_loop3A_518 : i32 to index
        %parallel_loop3A_541 = arith.constant 0 : index
        %parallel_loop3A_542 = tpu.vector_load %arg9[%parallel_loop3A_539, %parallel_loop3A_540, %parallel_loop3A_541] {strides = array<i32>} : memref<5x80x128xf32, #tpu.memory_space<vmem>>, vector<16xf32>,
        tpu.vector_store %arg9[%parallel_loop3A_539, %parallel_loop3A_540, %parallel_loop3A_541], %parallel_loop3A_537 {strides = array<i32>} : memref<5x80x128xf32, #tpu.memory_space<vmem>>, vector<16xf32>,
        %parallel_loop3A_543 = arith.andi %parallel_loop3A_523, %broadcast_in_dim3A_4 : vector<16xi32>
        %parallel_loop3A_544 = vector.bitcast %parallel_loop3A_543 : vector<16xi32> to vector<16xf32>
        %parallel_loop3A_545 = arith.andi %parallel_loop3A_528, %broadcast_in_dim3A_4 : vector<16xi32>
        %parallel_loop3A_546 = vector.bitcast %parallel_loop3A_545 : vector<16xi32> to vector<16xf32>
        %parallel_loop3A_547 = arith.addf %parallel_loop3A_544, %parallel_loop3A_546 : vector<16xf32>
        %parallel_loop3A_548 = arith.constant 1 : i32
        %parallel_loop3A_549 = arith.index_cast %parallel_loop3A_548 : i32 to index
        %parallel_loop3A_550 = arith.index_cast %parallel_loop3A_518 : i32 to index
        %parallel_loop3A_551 = arith.constant 16 : index
        %parallel_loop3A_552 = tpu.vector_load %arg9[%parallel_loop3A_549, %parallel_loop3A_550, %parallel_loop3A_551] {strides = array<i32>} : memref<5x80x128xf32, #tpu.memory_space<vmem>>, vector<16xf32>,
        tpu.vector_store %arg9[%parallel_loop3A_549, %parallel_loop3A_550, %parallel_loop3A_551], %parallel_loop3A_547 {strides = array<i32>} : memref<5x80x128xf32, #tpu.memory_space<vmem>>, vector<16xf32>,
        %parallel_loop3A_553 = arith.constant 1 : i32
        %parallel_loop3A_554 = arith.index_cast %parallel_loop3A_553 : i32 to index
        %parallel_loop3A_555 = arith.index_cast %parallel_loop3A_518 : i32 to index
        %parallel_loop3A_556 = arith.constant 16 : index
        %parallel_loop3A_557 = tpu.vector_load %arg7[%parallel_loop3A_554, %parallel_loop3A_555, %parallel_loop3A_556] {strides = array<i32>} : memref<5x80x64xi32, #tpu.memory_space<vmem>>, vector<16xi32>,
        %parallel_loop3A_558 = arith.constant 1 : i32
        %parallel_loop3A_559 = arith.index_cast %parallel_loop3A_558 : i32 to index
        %parallel_loop3A_560 = arith.index_cast %parallel_loop3A_518 : i32 to index
        %parallel_loop3A_561 = arith.constant 16 : index
        %parallel_loop3A_562 = tpu.vector_load %arg8[%parallel_loop3A_559, %parallel_loop3A_560, %parallel_loop3A_561] {strides = array<i32>} : memref<5x80x64xi32, #tpu.memory_space<vmem>>, vector<16xi32>,
        %parallel_loop3A_563 = arith.constant 16 : i32
        %parallel_loop3A_564 = vector.broadcast %parallel_loop3A_563 : i32 to vector<16xi32>
        %parallel_loop3A_565 = arith.shli %parallel_loop3A_557, %parallel_loop3A_564 : vector<16xi32>
        %parallel_loop3A_566 = vector.bitcast %parallel_loop3A_565 : vector<16xi32> to vector<16xf32>
        %parallel_loop3A_567 = arith.constant 16 : i32
        %parallel_loop3A_568 = vector.broadcast %parallel_loop3A_567 : i32 to vector<16xi32>
        %parallel_loop3A_569 = arith.shli %parallel_loop3A_562, %parallel_loop3A_568 : vector<16xi32>
        %parallel_loop3A_570 = vector.bitcast %parallel_loop3A_569 : vector<16xi32> to vector<16xf32>
        %parallel_loop3A_571 = arith.addf %parallel_loop3A_566, %parallel_loop3A_570 : vector<16xf32>
        %parallel_loop3A_572 = arith.constant 1 : i32
        %parallel_loop3A_573 = arith.index_cast %parallel_loop3A_572 : i32 to index
        %parallel_loop3A_574 = arith.index_cast %parallel_loop3A_518 : i32 to index
        %parallel_loop3A_575 = arith.constant 32 : index
        %parallel_loop3A_576 = tpu.vector_load %arg9[%parallel_loop3A_573, %parallel_loop3A_574, %parallel_loop3A_575] {strides = array<i32>} : memref<5x80x128xf32, #tpu.memory_space<vmem>>, vector<16xf32>,
        tpu.vector_store %arg9[%parallel_loop3A_573, %parallel_loop3A_574, %parallel_loop3A_575], %parallel_loop3A_571 {strides = array<i32>} : memref<5x80x128xf32, #tpu.memory_space<vmem>>, vector<16xf32>,
        %parallel_loop3A_577 = arith.andi %parallel_loop3A_557, %broadcast_in_dim3A_4 : vector<16xi32>
        %parallel_loop3A_578 = vector.bitcast %parallel_loop3A_577 : vector<16xi32> to vector<16xf32>
        %parallel_loop3A_579 = arith.andi %parallel_loop3A_562, %broadcast_in_dim3A_4 : vector<16xi32>
        %parallel_loop3A_580 = vector.bitcast %parallel_loop3A_579 : vector<16xi32> to vector<16xf32>
        %parallel_loop3A_581 = arith.addf %parallel_loop3A_578, %parallel_loop3A_580 : vector<16xf32>
        %parallel_loop3A_582 = arith.constant 1 : i32
        %parallel_loop3A_583 = arith.index_cast %parallel_loop3A_582 : i32 to index
        %parallel_loop3A_584 = arith.index_cast %parallel_loop3A_518 : i32 to index
        %parallel_loop3A_585 = arith.constant 48 : index
        %parallel_loop3A_586 = tpu.vector_load %arg9[%parallel_loop3A_583, %parallel_loop3A_584, %parallel_loop3A_585] {strides = array<i32>} : memref<5x80x128xf32, #tpu.memory_space<vmem>>, vector<16xf32>,
        tpu.vector_store %arg9[%parallel_loop3A_583, %parallel_loop3A_584, %parallel_loop3A_585], %parallel_loop3A_581 {strides = array<i32>} : memref<5x80x128xf32, #tpu.memory_space<vmem>>, vector<16xf32>,
        %parallel_loop3A_587 = arith.constant 1 : i32
        %parallel_loop3A_588 = arith.index_cast %parallel_loop3A_587 : i32 to index
        %parallel_loop3A_589 = arith.index_cast %parallel_loop3A_518 : i32 to index
        %parallel_loop3A_590 = arith.constant 32 : index
        %parallel_loop3A_591 = tpu.vector_load %arg7[%parallel_loop3A_588, %parallel_loop3A_589, %parallel_loop3A_590] {strides = array<i32>} : memref<5x80x64xi32, #tpu.memory_space<vmem>>, vector<16xi32>,
        %parallel_loop3A_592 = arith.constant 1 : i32
        %parallel_loop3A_593 = arith.index_cast %parallel_loop3A_592 : i32 to index
        %parallel_loop3A_594 = arith.index_cast %parallel_loop3A_518 : i32 to index
        %parallel_loop3A_595 = arith.constant 32 : index
        %parallel_loop3A_596 = tpu.vector_load %arg8[%parallel_loop3A_593, %parallel_loop3A_594, %parallel_loop3A_595] {strides = array<i32>} : memref<5x80x64xi32, #tpu.memory_space<vmem>>, vector<16xi32>,
        %parallel_loop3A_597 = arith.constant 16 : i32
        %parallel_loop3A_598 = vector.broadcast %parallel_loop3A_597 : i32 to vector<16xi32>
        %parallel_loop3A_599 = arith.shli %parallel_loop3A_591, %parallel_loop3A_598 : vector<16xi32>
        %parallel_loop3A_600 = vector.bitcast %parallel_loop3A_599 : vector<16xi32> to vector<16xf32>
        %parallel_loop3A_601 = arith.constant 16 : i32
        %parallel_loop3A_602 = vector.broadcast %parallel_loop3A_601 : i32 to vector<16xi32>
        %parallel_loop3A_603 = arith.shli %parallel_loop3A_596, %parallel_loop3A_602 : vector<16xi32>
        %parallel_loop3A_604 = vector.bitcast %parallel_loop3A_603 : vector<16xi32> to vector<16xf32>
        %parallel_loop3A_605 = arith.addf %parallel_loop3A_600, %parallel_loop3A_604 : vector<16xf32>
        %parallel_loop3A_606 = arith.constant 1 : i32
        %parallel_loop3A_607 = arith.index_cast %parallel_loop3A_606 : i32 to index
        %parallel_loop3A_608 = arith.index_cast %parallel_loop3A_518 : i32 to index
        %parallel_loop3A_609 = arith.constant 64 : index
        %parallel_loop3A_610 = tpu.vector_load %arg9[%parallel_loop3A_607, %parallel_loop3A_608, %parallel_loop3A_609] {strides = array<i32>} : memref<5x80x128xf32, #tpu.memory_space<vmem>>, vector<16xf32>,
        tpu.vector_store %arg9[%parallel_loop3A_607, %parallel_loop3A_608, %parallel_loop3A_609], %parallel_loop3A_605 {strides = array<i32>} : memref<5x80x128xf32, #tpu.memory_space<vmem>>, vector<16xf32>,
        %parallel_loop3A_611 = arith.andi %parallel_loop3A_591, %broadcast_in_dim3A_4 : vector<16xi32>
        %parallel_loop3A_612 = vector.bitcast %parallel_loop3A_611 : vector<16xi32> to vector<16xf32>
        %parallel_loop3A_613 = arith.andi %parallel_loop3A_596, %broadcast_in_dim3A_4 : vector<16xi32>
        %parallel_loop3A_614 = vector.bitcast %parallel_loop3A_613 : vector<16xi32> to vector<16xf32>
        %parallel_loop3A_615 = arith.addf %parallel_loop3A_612, %parallel_loop3A_614 : vector<16xf32>
        %parallel_loop3A_616 = arith.constant 1 : i32
        %parallel_loop3A_617 = arith.index_cast %parallel_loop3A_616 : i32 to index
        %parallel_loop3A_618 = arith.index_cast %parallel_loop3A_518 : i32 to index
        %parallel_loop3A_619 = arith.constant 80 : index
        %parallel_loop3A_620 = tpu.vector_load %arg9[%parallel_loop3A_617, %parallel_loop3A_618, %parallel_loop3A_619] {strides = array<i32>} : memref<5x80x128xf32, #tpu.memory_space<vmem>>, vector<16xf32>,
        tpu.vector_store %arg9[%parallel_loop3A_617, %parallel_loop3A_618, %parallel_loop3A_619], %parallel_loop3A_615 {strides = array<i32>} : memref<5x80x128xf32, #tpu.memory_space<vmem>>, vector<16xf32>,
        %parallel_loop3A_621 = arith.constant 1 : i32
        %parallel_loop3A_622 = arith.index_cast %parallel_loop3A_621 : i32 to index
        %parallel_loop3A_623 = arith.index_cast %parallel_loop3A_518 : i32 to index
        %parallel_loop3A_624 = arith.constant 48 : index
        %parallel_loop3A_625 = tpu.vector_load %arg7[%parallel_loop3A_622, %parallel_loop3A_623, %parallel_loop3A_624] {strides = array<i32>} : memref<5x80x64xi32, #tpu.memory_space<vmem>>, vector<16xi32>,
        %parallel_loop3A_626 = arith.constant 1 : i32
        %parallel_loop3A_627 = arith.index_cast %parallel_loop3A_626 : i32 to index
        %parallel_loop3A_628 = arith.index_cast %parallel_loop3A_518 : i32 to index
        %parallel_loop3A_629 = arith.constant 48 : index
        %parallel_loop3A_630 = tpu.vector_load %arg8[%parallel_loop3A_627, %parallel_loop3A_628, %parallel_loop3A_629] {strides = array<i32>} : memref<5x80x64xi32, #tpu.memory_space<vmem>>, vector<16xi32>,
        %parallel_loop3A_631 = arith.constant 16 : i32
        %parallel_loop3A_632 = vector.broadcast %parallel_loop3A_631 : i32 to vector<16xi32>
        %parallel_loop3A_633 = arith.shli %parallel_loop3A_625, %parallel_loop3A_632 : vector<16xi32>
        %parallel_loop3A_634 = vector.bitcast %parallel_loop3A_633 : vector<16xi32> to vector<16xf32>
        %parallel_loop3A_635 = arith.constant 16 : i32
        %parallel_loop3A_636 = vector.broadcast %parallel_loop3A_635 : i32 to vector<16xi32>
        %parallel_loop3A_637 = arith.shli %parallel_loop3A_630, %parallel_loop3A_636 : vector<16xi32>
        %parallel_loop3A_638 = vector.bitcast %parallel_loop3A_637 : vector<16xi32> to vector<16xf32>
        %parallel_loop3A_639 = arith.addf %parallel_loop3A_634, %parallel_loop3A_638 : vector<16xf32>
        %parallel_loop3A_640 = arith.constant 1 : i32
        %parallel_loop3A_641 = arith.index_cast %parallel_loop3A_640 : i32 to index
        %parallel_loop3A_642 = arith.index_cast %parallel_loop3A_518 : i32 to index
        %parallel_loop3A_643 = arith.constant 96 : index
        %parallel_loop3A_644 = tpu.vector_load %arg9[%parallel_loop3A_641, %parallel_loop3A_642, %parallel_loop3A_643] {strides = array<i32>} : memref<5x80x128xf32, #tpu.memory_space<vmem>>, vector<16xf32>,
        tpu.vector_store %arg9[%parallel_loop3A_641, %parallel_loop3A_642, %parallel_loop3A_643], %parallel_loop3A_639 {strides = array<i32>} : memref<5x80x128xf32, #tpu.memory_space<vmem>>, vector<16xf32>,
        %parallel_loop3A_645 = arith.andi %parallel_loop3A_625, %broadcast_in_dim3A_4 : vector<16xi32>
        %parallel_loop3A_646 = vector.bitcast %parallel_loop3A_645 : vector<16xi32> to vector<16xf32>
        %parallel_loop3A_647 = arith.andi %parallel_loop3A_630, %broadcast_in_dim3A_4 : vector<16xi32>
        %parallel_loop3A_648 = vector.bitcast %parallel_loop3A_647 : vector<16xi32> to vector<16xf32>
        %parallel_loop3A_649 = arith.addf %parallel_loop3A_646, %parallel_loop3A_648 : vector<16xf32>
        %parallel_loop3A_650 = arith.constant 1 : i32
        %parallel_loop3A_651 = arith.index_cast %parallel_loop3A_650 : i32 to index
        %parallel_loop3A_652 = arith.index_cast %parallel_loop3A_518 : i32 to index
        %parallel_loop3A_653 = arith.constant 112 : index
        %parallel_loop3A_654 = tpu.vector_load %arg9[%parallel_loop3A_651, %parallel_loop3A_652, %parallel_loop3A_653] {strides = array<i32>} : memref<5x80x128xf32, #tpu.memory_space<vmem>>, vector<16xf32>,
        tpu.vector_store %arg9[%parallel_loop3A_651, %parallel_loop3A_652, %parallel_loop3A_653], %parallel_loop3A_649 {strides = array<i32>} : memref<5x80x128xf32, #tpu.memory_space<vmem>>, vector<16xf32>,
      } {sc.loop_unroll_factor = 4 : i64, sc.parallel_access}
      %mul3A_244 = arith.constant 80 : i32
      %mul3A_245 = arith.muli %add3A_181, %mul3A_244 : i32
      %add3A_246 = arith.addi %mul3A_2, %mul3A_245 : i32
      %dma_start3A_247 = arith.constant 1 : i32
      %dma_start3A_248 = arith.constant 1 : i32
      %dma_start3A_249 = arith.constant 0 : i32
      %dma_start3A_250 = arith.constant 0 : i32
      %dma_start3A_251 = tpu.memref_slice %arg9[%dma_start3A_247, %dma_start3A_249, %dma_start3A_250] : memref<5x80x128xf32, #tpu.memory_space<vmem>> -> memref<1x80x128xf32, #tpu.memory_space<vmem>>
      %dma_start3A_252 = tpu.memref_squeeze %dma_start3A_251 : memref<1x80x128xf32, #tpu.memory_space<vmem>> -> memref<80x128xf32, #tpu.memory_space<vmem>>
      %dma_start3A_253 = arith.constant 0 : i32
      %dma_start3A_254 = tpu.memref_slice %arg4[%add3A_246, %dma_start3A_253] : memref<320000x128xf32, #tpu.memory_space<hbm>> -> memref<80x128xf32, #tpu.memory_space<hbm>>
      %dma_start3A_255 = tpu.memref_slice %arg11[%dma_start3A_248] : memref<5x!tpu.dma_semaphore, #tpu.memory_space<semaphore_mem>> -> memref<1x!tpu.dma_semaphore, #tpu.memory_space<semaphore_mem>>
      %dma_start3A_256 = tpu.memref_squeeze %dma_start3A_255 : memref<1x!tpu.dma_semaphore, #tpu.memory_space<semaphore_mem>> -> memref<!tpu.dma_semaphore, #tpu.memory_space<semaphore_mem>>
      %dma_start3A_257 = arith.constant 0 : i32
      %dma_start3A_258 = tpu.memref_slice %arg4[%add3A_246, %dma_start3A_257] : memref<320000x128xf32, #tpu.memory_space<hbm>> -> memref<80x128xf32, #tpu.memory_space<hbm>>
      %dma_start3A_259 = arith.constant 0 : i32
      %dma_start3A_260 = arith.constant 0 : i32
      %dma_start3A_261 = tpu.memref_slice %arg9[%dma_start3A_247, %dma_start3A_259, %dma_start3A_260] : memref<5x80x128xf32, #tpu.memory_space<vmem>> -> memref<1x80x128xf32, #tpu.memory_space<vmem>>
      %dma_start3A_262 = tpu.memref_squeeze %dma_start3A_261 : memref<1x80x128xf32, #tpu.memory_space<vmem>> -> memref<80x128xf32, #tpu.memory_space<vmem>>
      tpu.enqueue_dma source(%dma_start3A_262 : memref<80x128xf32, #tpu.memory_space<vmem>>) target(%dma_start3A_258 : memref<80x128xf32, #tpu.memory_space<hbm>>) target_semaphore(%dma_start3A_256 : memref<!tpu.dma_semaphore, #tpu.memory_space<semaphore_mem>>)
      %mul3A_263 = arith.constant 5 : i32
      %mul3A_264 = arith.muli %scan3A_96, %mul3A_263 : i32
      %add3A_265 = arith.constant 2 : i32
      %add3A_266 = arith.addi %mul3A_264, %add3A_265 : i32
      %sub3A = arith.constant 2 : i32
      %sub3A_267 = arith.subi %add3A_266, %sub3A : i32
      %mul3A_268 = arith.constant 80 : i32
      %mul3A_269 = arith.muli %sub3A_267, %mul3A_268 : i32
      %add3A_270 = arith.addi %mul3A_2, %mul3A_269 : i32
      %dma_wait3A_271 = arith.constant 0 : i32
      %dma_wait3A_272 = arith.constant 0 : i32
      %dma_wait3A_273 = arith.constant 0 : i32
      %dma_wait3A_274 = arith.constant 0 : i32
      %dma_wait3A_275 = tpu.memref_slice %arg9[%dma_wait3A_271, %dma_wait3A_273, %dma_wait3A_274] : memref<5x80x128xf32, #tpu.memory_space<vmem>> -> memref<1x80x128xf32, #tpu.memory_space<vmem>>
      %dma_wait3A_276 = tpu.memref_squeeze %dma_wait3A_275 : memref<1x80x128xf32, #tpu.memory_space<vmem>> -> memref<80x128xf32, #tpu.memory_space<vmem>>
      %dma_wait3A_277 = arith.constant 0 : i32
      %dma_wait3A_278 = tpu.memref_slice %arg4[%add3A_270, %dma_wait3A_277] : memref<320000x128xf32, #tpu.memory_space<hbm>> -> memref<80x128xf32, #tpu.memory_space<hbm>>
      %dma_wait3A_279 = tpu.memref_slice %arg11[%dma_wait3A_272] : memref<5x!tpu.dma_semaphore, #tpu.memory_space<semaphore_mem>> -> memref<1x!tpu.dma_semaphore, #tpu.memory_space<semaphore_mem>>
      %dma_wait3A_280 = tpu.memref_squeeze %dma_wait3A_279 : memref<1x!tpu.dma_semaphore, #tpu.memory_space<semaphore_mem>> -> memref<!tpu.dma_semaphore, #tpu.memory_space<semaphore_mem>>
      %dma_wait3A_281 = arith.constant 0 : i32
      %dma_wait3A_282 = tpu.memref_slice %arg4[%add3A_270, %dma_wait3A_281] : memref<320000x128xf32, #tpu.memory_space<hbm>> -> memref<80x128xf32, #tpu.memory_space<hbm>>
      %dma_wait3A_283 = arith.constant 0 : i32
      %dma_wait3A_284 = arith.constant 0 : i32
      %dma_wait3A_285 = tpu.memref_slice %arg9[%dma_wait3A_271, %dma_wait3A_283, %dma_wait3A_284] : memref<5x80x128xf32, #tpu.memory_space<vmem>> -> memref<1x80x128xf32, #tpu.memory_space<vmem>>
      %dma_wait3A_286 = tpu.memref_squeeze %dma_wait3A_285 : memref<1x80x128xf32, #tpu.memory_space<vmem>> -> memref<80x128xf32, #tpu.memory_space<vmem>>
      tpu.wait_dma2 semaphore(%dma_wait3A_280 : memref<!tpu.dma_semaphore, #tpu.memory_space<semaphore_mem>>) src(%dma_wait3A_286 : memref<80x128xf32, #tpu.memory_space<vmem>>) dst(%dma_wait3A_282 : memref<80x128xf32, #tpu.memory_space<hbm>>)
      %add3A_287 = arith.constant 2 : i32
      %add3A_288 = arith.addi %add3A_266, %add3A_287 : i32
      %mul3A_289 = arith.constant 80 : i32
      %mul3A_290 = arith.muli %add3A_288, %mul3A_289 : i32
      %dma_start3A_291 = arith.constant 4 : i32
      %dma_start3A_292 = arith.constant 4 : i32
      %dma_start3A_293 = arith.constant 0 : i32
      %dma_start3A_294 = arith.constant 0 : i32
      %dma_start3A_295 = tpu.memref_slice %arg7[%dma_start3A_291, %dma_start3A_293, %dma_start3A_294] : memref<5x80x64xi32, #tpu.memory_space<vmem>> -> memref<1x80x64xi32, #tpu.memory_space<vmem>>
      %dma_start3A_296 = tpu.memref_squeeze %dma_start3A_295 : memref<1x80x64xi32, #tpu.memory_space<vmem>> -> memref<80x64xi32, #tpu.memory_space<vmem>>
      %dma_start3A_297 = tpu.memref_slice %arg5[%mul3A_290] : memref<10000xi32, #tpu.memory_space<vmem>> -> memref<80xi32, #tpu.memory_space<vmem>>
      %dma_start3A_298 = arith.constant 0 : i32
      %dma_start3A_299 = arith.constant 0 : i32
      %dma_start3A_300 = tpu.memref_slice %arg2[%dma_start3A_298, %dma_start3A_299] : memref<10000x64xi32, #tpu.memory_space<hbm>> -> memref<10000x64xi32, #tpu.memory_space<hbm>>
      %dma_start3A_301 = tpu.memref_slice %arg10[%dma_start3A_292] : memref<5x!tpu.dma_semaphore, #tpu.memory_space<semaphore_mem>> -> memref<1x!tpu.dma_semaphore, #tpu.memory_space<semaphore_mem>>
      %dma_start3A_302 = tpu.memref_squeeze %dma_start3A_301 : memref<1x!tpu.dma_semaphore, #tpu.memory_space<semaphore_mem>> -> memref<!tpu.dma_semaphore, #tpu.memory_space<semaphore_mem>>
      tpu.enqueue_indirect_dma source(%dma_start3A_300 : memref<10000x64xi32, #tpu.memory_space<hbm>>) target(%dma_start3A_296 : memref<80x64xi32, #tpu.memory_space<vmem>>) offsets(%dma_start3A_297 : memref<80xi32, #tpu.memory_space<vmem>>) semaphore(%dma_start3A_302 : memref<!tpu.dma_semaphore, #tpu.memory_space<semaphore_mem>>)
      %dma_start3A_303 = arith.constant 4 : i32
      %dma_start3A_304 = arith.constant 4 : i32
      %dma_start3A_305 = arith.constant 0 : i32
      %dma_start3A_306 = arith.constant 0 : i32
      %dma_start3A_307 = tpu.memref_slice %arg8[%dma_start3A_303, %dma_start3A_305, %dma_start3A_306] : memref<5x80x64xi32, #tpu.memory_space<vmem>> -> memref<1x80x64xi32, #tpu.memory_space<vmem>>
      %dma_start3A_308 = tpu.memref_squeeze %dma_start3A_307 : memref<1x80x64xi32, #tpu.memory_space<vmem>> -> memref<80x64xi32, #tpu.memory_space<vmem>>
      %dma_start3A_309 = tpu.memref_slice %arg6[%mul3A_290] : memref<10000xi32, #tpu.memory_space<vmem>> -> memref<80xi32, #tpu.memory_space<vmem>>
      %dma_start3A_310 = arith.constant 0 : i32
      %dma_start3A_311 = arith.constant 0 : i32
      %dma_start3A_312 = tpu.memref_slice %arg2[%dma_start3A_310, %dma_start3A_311] : memref<10000x64xi32, #tpu.memory_space<hbm>> -> memref<10000x64xi32, #tpu.memory_space<hbm>>
      %dma_start3A_313 = tpu.memref_slice %arg10[%dma_start3A_304] : memref<5x!tpu.dma_semaphore, #tpu.memory_space<semaphore_mem>> -> memref<1x!tpu.dma_semaphore, #tpu.memory_space<semaphore_mem>>
      %dma_start3A_314 = tpu.memref_squeeze %dma_start3A_313 : memref<1x!tpu.dma_semaphore, #tpu.memory_space<semaphore_mem>> -> memref<!tpu.dma_semaphore, #tpu.memory_space<semaphore_mem>>
      tpu.enqueue_indirect_dma source(%dma_start3A_312 : memref<10000x64xi32, #tpu.memory_space<hbm>>) target(%dma_start3A_308 : memref<80x64xi32, #tpu.memory_space<vmem>>) offsets(%dma_start3A_309 : memref<80xi32, #tpu.memory_space<vmem>>) semaphore(%dma_start3A_314 : memref<!tpu.dma_semaphore, #tpu.memory_space<semaphore_mem>>)
      %mul3A_315 = arith.constant 80 : i32
      %mul3A_316 = arith.muli %add3A_266, %mul3A_315 : i32
      %dma_wait3A_317 = arith.constant 2 : i32
      %dma_wait3A_318 = arith.constant 2 : i32
      %dma_wait3A_319 = arith.constant 0 : i32
      %dma_wait3A_320 = arith.constant 0 : i32
      %dma_wait3A_321 = tpu.memref_slice %arg7[%dma_wait3A_317, %dma_wait3A_319, %dma_wait3A_320] : memref<5x80x64xi32, #tpu.memory_space<vmem>> -> memref<1x80x64xi32, #tpu.memory_space<vmem>>
      %dma_wait3A_322 = tpu.memref_squeeze %dma_wait3A_321 : memref<1x80x64xi32, #tpu.memory_space<vmem>> -> memref<80x64xi32, #tpu.memory_space<vmem>>
      %dma_wait3A_323 = tpu.memref_slice %arg5[%mul3A_316] : memref<10000xi32, #tpu.memory_space<vmem>> -> memref<80xi32, #tpu.memory_space<vmem>>
      %dma_wait3A_324 = arith.constant 0 : i32
      %dma_wait3A_325 = arith.constant 0 : i32
      %dma_wait3A_326 = tpu.memref_slice %arg2[%dma_wait3A_324, %dma_wait3A_325] : memref<10000x64xi32, #tpu.memory_space<hbm>> -> memref<10000x64xi32, #tpu.memory_space<hbm>>
      %dma_wait3A_327 = tpu.memref_slice %arg10[%dma_wait3A_318] : memref<5x!tpu.dma_semaphore, #tpu.memory_space<semaphore_mem>> -> memref<1x!tpu.dma_semaphore, #tpu.memory_space<semaphore_mem>>
      %dma_wait3A_328 = tpu.memref_squeeze %dma_wait3A_327 : memref<1x!tpu.dma_semaphore, #tpu.memory_space<semaphore_mem>> -> memref<!tpu.dma_semaphore, #tpu.memory_space<semaphore_mem>>
      tpu.wait_indirect_dma semaphore(%dma_wait3A_328 : memref<!tpu.dma_semaphore, #tpu.memory_space<semaphore_mem>>) src(%dma_wait3A_326 : memref<10000x64xi32, #tpu.memory_space<hbm>>) dst(%dma_wait3A_322 : memref<80x64xi32, #tpu.memory_space<vmem>>)
      %dma_wait3A_329 = arith.constant 2 : i32
      %dma_wait3A_330 = arith.constant 2 : i32
      %dma_wait3A_331 = arith.constant 0 : i32
      %dma_wait3A_332 = arith.constant 0 : i32
      %dma_wait3A_333 = tpu.memref_slice %arg8[%dma_wait3A_329, %dma_wait3A_331, %dma_wait3A_332] : memref<5x80x64xi32, #tpu.memory_space<vmem>> -> memref<1x80x64xi32, #tpu.memory_space<vmem>>
      %dma_wait3A_334 = tpu.memref_squeeze %dma_wait3A_333 : memref<1x80x64xi32, #tpu.memory_space<vmem>> -> memref<80x64xi32, #tpu.memory_space<vmem>>
      %dma_wait3A_335 = tpu.memref_slice %arg6[%mul3A_316] : memref<10000xi32, #tpu.memory_space<vmem>> -> memref<80xi32, #tpu.memory_space<vmem>>
      %dma_wait3A_336 = arith.constant 0 : i32
      %dma_wait3A_337 = arith.constant 0 : i32
      %dma_wait3A_338 = tpu.memref_slice %arg2[%dma_wait3A_336, %dma_wait3A_337] : memref<10000x64xi32, #tpu.memory_space<hbm>> -> memref<10000x64xi32, #tpu.memory_space<hbm>>
      %dma_wait3A_339 = tpu.memref_slice %arg10[%dma_wait3A_330] : memref<5x!tpu.dma_semaphore, #tpu.memory_space<semaphore_mem>> -> memref<1x!tpu.dma_semaphore, #tpu.memory_space<semaphore_mem>>
      %dma_wait3A_340 = tpu.memref_squeeze %dma_wait3A_339 : memref<1x!tpu.dma_semaphore, #tpu.memory_space<semaphore_mem>> -> memref<!tpu.dma_semaphore, #tpu.memory_space<semaphore_mem>>
      tpu.wait_indirect_dma semaphore(%dma_wait3A_340 : memref<!tpu.dma_semaphore, #tpu.memory_space<semaphore_mem>>) src(%dma_wait3A_338 : memref<10000x64xi32, #tpu.memory_space<hbm>>) dst(%dma_wait3A_334 : memref<80x64xi32, #tpu.memory_space<vmem>>)
      %parallel_loop3A_341 = arith.constant 0 : i32
      %parallel_loop3A_342 = arith.constant 80 : i32
      %parallel_loop3A_343 = arith.constant 1 : i32
      scf.for %parallel_loop3A_518 = %parallel_loop3A_341 to %parallel_loop3A_342 step %parallel_loop3A_343  : i32 {
        %parallel_loop3A_519 = arith.constant 2 : i32
        %parallel_loop3A_520 = arith.index_cast %parallel_loop3A_519 : i32 to index
        %parallel_loop3A_521 = arith.index_cast %parallel_loop3A_518 : i32 to index
        %parallel_loop3A_522 = arith.constant 0 : index
        %parallel_loop3A_523 = tpu.vector_load %arg7[%parallel_loop3A_520, %parallel_loop3A_521, %parallel_loop3A_522] {strides = array<i32>} : memref<5x80x64xi32, #tpu.memory_space<vmem>>, vector<16xi32>,
        %parallel_loop3A_524 = arith.constant 2 : i32
        %parallel_loop3A_525 = arith.index_cast %parallel_loop3A_524 : i32 to index
        %parallel_loop3A_526 = arith.index_cast %parallel_loop3A_518 : i32 to index
        %parallel_loop3A_527 = arith.constant 0 : index
        %parallel_loop3A_528 = tpu.vector_load %arg8[%parallel_loop3A_525, %parallel_loop3A_526, %parallel_loop3A_527] {strides = array<i32>} : memref<5x80x64xi32, #tpu.memory_space<vmem>>, vector<16xi32>,
        %parallel_loop3A_529 = arith.constant 16 : i32
        %parallel_loop3A_530 = vector.broadcast %parallel_loop3A_529 : i32 to vector<16xi32>
        %parallel_loop3A_531 = arith.shli %parallel_loop3A_523, %parallel_loop3A_530 : vector<16xi32>
        %parallel_loop3A_532 = vector.bitcast %parallel_loop3A_531 : vector<16xi32> to vector<16xf32>
        %parallel_loop3A_533 = arith.constant 16 : i32
        %parallel_loop3A_534 = vector.broadcast %parallel_loop3A_533 : i32 to vector<16xi32>
        %parallel_loop3A_535 = arith.shli %parallel_loop3A_528, %parallel_loop3A_534 : vector<16xi32>
        %parallel_loop3A_536 = vector.bitcast %parallel_loop3A_535 : vector<16xi32> to vector<16xf32>
        %parallel_loop3A_537 = arith.addf %parallel_loop3A_532, %parallel_loop3A_536 : vector<16xf32>
        %parallel_loop3A_538 = arith.constant 2 : i32
        %parallel_loop3A_539 = arith.index_cast %parallel_loop3A_538 : i32 to index
        %parallel_loop3A_540 = arith.index_cast %parallel_loop3A_518 : i32 to index
        %parallel_loop3A_541 = arith.constant 0 : index
        %parallel_loop3A_542 = tpu.vector_load %arg9[%parallel_loop3A_539, %parallel_loop3A_540, %parallel_loop3A_541] {strides = array<i32>} : memref<5x80x128xf32, #tpu.memory_space<vmem>>, vector<16xf32>,
        tpu.vector_store %arg9[%parallel_loop3A_539, %parallel_loop3A_540, %parallel_loop3A_541], %parallel_loop3A_537 {strides = array<i32>} : memref<5x80x128xf32, #tpu.memory_space<vmem>>, vector<16xf32>,
        %parallel_loop3A_543 = arith.andi %parallel_loop3A_523, %broadcast_in_dim3A_4 : vector<16xi32>
        %parallel_loop3A_544 = vector.bitcast %parallel_loop3A_543 : vector<16xi32> to vector<16xf32>
        %parallel_loop3A_545 = arith.andi %parallel_loop3A_528, %broadcast_in_dim3A_4 : vector<16xi32>
        %parallel_loop3A_546 = vector.bitcast %parallel_loop3A_545 : vector<16xi32> to vector<16xf32>
        %parallel_loop3A_547 = arith.addf %parallel_loop3A_544, %parallel_loop3A_546 : vector<16xf32>
        %parallel_loop3A_548 = arith.constant 2 : i32
        %parallel_loop3A_549 = arith.index_cast %parallel_loop3A_548 : i32 to index
        %parallel_loop3A_550 = arith.index_cast %parallel_loop3A_518 : i32 to index
        %parallel_loop3A_551 = arith.constant 16 : index
        %parallel_loop3A_552 = tpu.vector_load %arg9[%parallel_loop3A_549, %parallel_loop3A_550, %parallel_loop3A_551] {strides = array<i32>} : memref<5x80x128xf32, #tpu.memory_space<vmem>>, vector<16xf32>,
        tpu.vector_store %arg9[%parallel_loop3A_549, %parallel_loop3A_550, %parallel_loop3A_551], %parallel_loop3A_547 {strides = array<i32>} : memref<5x80x128xf32, #tpu.memory_space<vmem>>, vector<16xf32>,
        %parallel_loop3A_553 = arith.constant 2 : i32
        %parallel_loop3A_554 = arith.index_cast %parallel_loop3A_553 : i32 to index
        %parallel_loop3A_555 = arith.index_cast %parallel_loop3A_518 : i32 to index
        %parallel_loop3A_556 = arith.constant 16 : index
        %parallel_loop3A_557 = tpu.vector_load %arg7[%parallel_loop3A_554, %parallel_loop3A_555, %parallel_loop3A_556] {strides = array<i32>} : memref<5x80x64xi32, #tpu.memory_space<vmem>>, vector<16xi32>,
        %parallel_loop3A_558 = arith.constant 2 : i32
        %parallel_loop3A_559 = arith.index_cast %parallel_loop3A_558 : i32 to index
        %parallel_loop3A_560 = arith.index_cast %parallel_loop3A_518 : i32 to index
        %parallel_loop3A_561 = arith.constant 16 : index
        %parallel_loop3A_562 = tpu.vector_load %arg8[%parallel_loop3A_559, %parallel_loop3A_560, %parallel_loop3A_561] {strides = array<i32>} : memref<5x80x64xi32, #tpu.memory_space<vmem>>, vector<16xi32>,
        %parallel_loop3A_563 = arith.constant 16 : i32
        %parallel_loop3A_564 = vector.broadcast %parallel_loop3A_563 : i32 to vector<16xi32>
        %parallel_loop3A_565 = arith.shli %parallel_loop3A_557, %parallel_loop3A_564 : vector<16xi32>
        %parallel_loop3A_566 = vector.bitcast %parallel_loop3A_565 : vector<16xi32> to vector<16xf32>
        %parallel_loop3A_567 = arith.constant 16 : i32
        %parallel_loop3A_568 = vector.broadcast %parallel_loop3A_567 : i32 to vector<16xi32>
        %parallel_loop3A_569 = arith.shli %parallel_loop3A_562, %parallel_loop3A_568 : vector<16xi32>
        %parallel_loop3A_570 = vector.bitcast %parallel_loop3A_569 : vector<16xi32> to vector<16xf32>
        %parallel_loop3A_571 = arith.addf %parallel_loop3A_566, %parallel_loop3A_570 : vector<16xf32>
        %parallel_loop3A_572 = arith.constant 2 : i32
        %parallel_loop3A_573 = arith.index_cast %parallel_loop3A_572 : i32 to index
        %parallel_loop3A_574 = arith.index_cast %parallel_loop3A_518 : i32 to index
        %parallel_loop3A_575 = arith.constant 32 : index
        %parallel_loop3A_576 = tpu.vector_load %arg9[%parallel_loop3A_573, %parallel_loop3A_574, %parallel_loop3A_575] {strides = array<i32>} : memref<5x80x128xf32, #tpu.memory_space<vmem>>, vector<16xf32>,
        tpu.vector_store %arg9[%parallel_loop3A_573, %parallel_loop3A_574, %parallel_loop3A_575], %parallel_loop3A_571 {strides = array<i32>} : memref<5x80x128xf32, #tpu.memory_space<vmem>>, vector<16xf32>,
        %parallel_loop3A_577 = arith.andi %parallel_loop3A_557, %broadcast_in_dim3A_4 : vector<16xi32>
        %parallel_loop3A_578 = vector.bitcast %parallel_loop3A_577 : vector<16xi32> to vector<16xf32>
        %parallel_loop3A_579 = arith.andi %parallel_loop3A_562, %broadcast_in_dim3A_4 : vector<16xi32>
        %parallel_loop3A_580 = vector.bitcast %parallel_loop3A_579 : vector<16xi32> to vector<16xf32>
        %parallel_loop3A_581 = arith.addf %parallel_loop3A_578, %parallel_loop3A_580 : vector<16xf32>
        %parallel_loop3A_582 = arith.constant 2 : i32
        %parallel_loop3A_583 = arith.index_cast %parallel_loop3A_582 : i32 to index
        %parallel_loop3A_584 = arith.index_cast %parallel_loop3A_518 : i32 to index
        %parallel_loop3A_585 = arith.constant 48 : index
        %parallel_loop3A_586 = tpu.vector_load %arg9[%parallel_loop3A_583, %parallel_loop3A_584, %parallel_loop3A_585] {strides = array<i32>} : memref<5x80x128xf32, #tpu.memory_space<vmem>>, vector<16xf32>,
        tpu.vector_store %arg9[%parallel_loop3A_583, %parallel_loop3A_584, %parallel_loop3A_585], %parallel_loop3A_581 {strides = array<i32>} : memref<5x80x128xf32, #tpu.memory_space<vmem>>, vector<16xf32>,
        %parallel_loop3A_587 = arith.constant 2 : i32
        %parallel_loop3A_588 = arith.index_cast %parallel_loop3A_587 : i32 to index
        %parallel_loop3A_589 = arith.index_cast %parallel_loop3A_518 : i32 to index
        %parallel_loop3A_590 = arith.constant 32 : index
        %parallel_loop3A_591 = tpu.vector_load %arg7[%parallel_loop3A_588, %parallel_loop3A_589, %parallel_loop3A_590] {strides = array<i32>} : memref<5x80x64xi32, #tpu.memory_space<vmem>>, vector<16xi32>,
        %parallel_loop3A_592 = arith.constant 2 : i32
        %parallel_loop3A_593 = arith.index_cast %parallel_loop3A_592 : i32 to index
        %parallel_loop3A_594 = arith.index_cast %parallel_loop3A_518 : i32 to index
        %parallel_loop3A_595 = arith.constant 32 : index
        %parallel_loop3A_596 = tpu.vector_load %arg8[%parallel_loop3A_593, %parallel_loop3A_594, %parallel_loop3A_595] {strides = array<i32>} : memref<5x80x64xi32, #tpu.memory_space<vmem>>, vector<16xi32>,
        %parallel_loop3A_597 = arith.constant 16 : i32
        %parallel_loop3A_598 = vector.broadcast %parallel_loop3A_597 : i32 to vector<16xi32>
        %parallel_loop3A_599 = arith.shli %parallel_loop3A_591, %parallel_loop3A_598 : vector<16xi32>
        %parallel_loop3A_600 = vector.bitcast %parallel_loop3A_599 : vector<16xi32> to vector<16xf32>
        %parallel_loop3A_601 = arith.constant 16 : i32
        %parallel_loop3A_602 = vector.broadcast %parallel_loop3A_601 : i32 to vector<16xi32>
        %parallel_loop3A_603 = arith.shli %parallel_loop3A_596, %parallel_loop3A_602 : vector<16xi32>
        %parallel_loop3A_604 = vector.bitcast %parallel_loop3A_603 : vector<16xi32> to vector<16xf32>
        %parallel_loop3A_605 = arith.addf %parallel_loop3A_600, %parallel_loop3A_604 : vector<16xf32>
        %parallel_loop3A_606 = arith.constant 2 : i32
        %parallel_loop3A_607 = arith.index_cast %parallel_loop3A_606 : i32 to index
        %parallel_loop3A_608 = arith.index_cast %parallel_loop3A_518 : i32 to index
        %parallel_loop3A_609 = arith.constant 64 : index
        %parallel_loop3A_610 = tpu.vector_load %arg9[%parallel_loop3A_607, %parallel_loop3A_608, %parallel_loop3A_609] {strides = array<i32>} : memref<5x80x128xf32, #tpu.memory_space<vmem>>, vector<16xf32>,
        tpu.vector_store %arg9[%parallel_loop3A_607, %parallel_loop3A_608, %parallel_loop3A_609], %parallel_loop3A_605 {strides = array<i32>} : memref<5x80x128xf32, #tpu.memory_space<vmem>>, vector<16xf32>,
        %parallel_loop3A_611 = arith.andi %parallel_loop3A_591, %broadcast_in_dim3A_4 : vector<16xi32>
        %parallel_loop3A_612 = vector.bitcast %parallel_loop3A_611 : vector<16xi32> to vector<16xf32>
        %parallel_loop3A_613 = arith.andi %parallel_loop3A_596, %broadcast_in_dim3A_4 : vector<16xi32>
        %parallel_loop3A_614 = vector.bitcast %parallel_loop3A_613 : vector<16xi32> to vector<16xf32>
        %parallel_loop3A_615 = arith.addf %parallel_loop3A_612, %parallel_loop3A_614 : vector<16xf32>
        %parallel_loop3A_616 = arith.constant 2 : i32
        %parallel_loop3A_617 = arith.index_cast %parallel_loop3A_616 : i32 to index
        %parallel_loop3A_618 = arith.index_cast %parallel_loop3A_518 : i32 to index
        %parallel_loop3A_619 = arith.constant 80 : index
        %parallel_loop3A_620 = tpu.vector_load %arg9[%parallel_loop3A_617, %parallel_loop3A_618, %parallel_loop3A_619] {strides = array<i32>} : memref<5x80x128xf32, #tpu.memory_space<vmem>>, vector<16xf32>,
        tpu.vector_store %arg9[%parallel_loop3A_617, %parallel_loop3A_618, %parallel_loop3A_619], %parallel_loop3A_615 {strides = array<i32>} : memref<5x80x128xf32, #tpu.memory_space<vmem>>, vector<16xf32>,
        %parallel_loop3A_621 = arith.constant 2 : i32
        %parallel_loop3A_622 = arith.index_cast %parallel_loop3A_621 : i32 to index
        %parallel_loop3A_623 = arith.index_cast %parallel_loop3A_518 : i32 to index
        %parallel_loop3A_624 = arith.constant 48 : index
        %parallel_loop3A_625 = tpu.vector_load %arg7[%parallel_loop3A_622, %parallel_loop3A_623, %parallel_loop3A_624] {strides = array<i32>} : memref<5x80x64xi32, #tpu.memory_space<vmem>>, vector<16xi32>,
        %parallel_loop3A_626 = arith.constant 2 : i32
        %parallel_loop3A_627 = arith.index_cast %parallel_loop3A_626 : i32 to index
        %parallel_loop3A_628 = arith.index_cast %parallel_loop3A_518 : i32 to index
        %parallel_loop3A_629 = arith.constant 48 : index
        %parallel_loop3A_630 = tpu.vector_load %arg8[%parallel_loop3A_627, %parallel_loop3A_628, %parallel_loop3A_629] {strides = array<i32>} : memref<5x80x64xi32, #tpu.memory_space<vmem>>, vector<16xi32>,
        %parallel_loop3A_631 = arith.constant 16 : i32
        %parallel_loop3A_632 = vector.broadcast %parallel_loop3A_631 : i32 to vector<16xi32>
        %parallel_loop3A_633 = arith.shli %parallel_loop3A_625, %parallel_loop3A_632 : vector<16xi32>
        %parallel_loop3A_634 = vector.bitcast %parallel_loop3A_633 : vector<16xi32> to vector<16xf32>
        %parallel_loop3A_635 = arith.constant 16 : i32
        %parallel_loop3A_636 = vector.broadcast %parallel_loop3A_635 : i32 to vector<16xi32>
        %parallel_loop3A_637 = arith.shli %parallel_loop3A_630, %parallel_loop3A_636 : vector<16xi32>
        %parallel_loop3A_638 = vector.bitcast %parallel_loop3A_637 : vector<16xi32> to vector<16xf32>
        %parallel_loop3A_639 = arith.addf %parallel_loop3A_634, %parallel_loop3A_638 : vector<16xf32>
        %parallel_loop3A_640 = arith.constant 2 : i32
        %parallel_loop3A_641 = arith.index_cast %parallel_loop3A_640 : i32 to index
        %parallel_loop3A_642 = arith.index_cast %parallel_loop3A_518 : i32 to index
        %parallel_loop3A_643 = arith.constant 96 : index
        %parallel_loop3A_644 = tpu.vector_load %arg9[%parallel_loop3A_641, %parallel_loop3A_642, %parallel_loop3A_643] {strides = array<i32>} : memref<5x80x128xf32, #tpu.memory_space<vmem>>, vector<16xf32>,
        tpu.vector_store %arg9[%parallel_loop3A_641, %parallel_loop3A_642, %parallel_loop3A_643], %parallel_loop3A_639 {strides = array<i32>} : memref<5x80x128xf32, #tpu.memory_space<vmem>>, vector<16xf32>,
        %parallel_loop3A_645 = arith.andi %parallel_loop3A_625, %broadcast_in_dim3A_4 : vector<16xi32>
        %parallel_loop3A_646 = vector.bitcast %parallel_loop3A_645 : vector<16xi32> to vector<16xf32>
        %parallel_loop3A_647 = arith.andi %parallel_loop3A_630, %broadcast_in_dim3A_4 : vector<16xi32>
        %parallel_loop3A_648 = vector.bitcast %parallel_loop3A_647 : vector<16xi32> to vector<16xf32>
        %parallel_loop3A_649 = arith.addf %parallel_loop3A_646, %parallel_loop3A_648 : vector<16xf32>
        %parallel_loop3A_650 = arith.constant 2 : i32
        %parallel_loop3A_651 = arith.index_cast %parallel_loop3A_650 : i32 to index
        %parallel_loop3A_652 = arith.index_cast %parallel_loop3A_518 : i32 to index
        %parallel_loop3A_653 = arith.constant 112 : index
        %parallel_loop3A_654 = tpu.vector_load %arg9[%parallel_loop3A_651, %parallel_loop3A_652, %parallel_loop3A_653] {strides = array<i32>} : memref<5x80x128xf32, #tpu.memory_space<vmem>>, vector<16xf32>,
        tpu.vector_store %arg9[%parallel_loop3A_651, %parallel_loop3A_652, %parallel_loop3A_653], %parallel_loop3A_649 {strides = array<i32>} : memref<5x80x128xf32, #tpu.memory_space<vmem>>, vector<16xf32>,
      } {sc.loop_unroll_factor = 4 : i64, sc.parallel_access}
      %mul3A_344 = arith.constant 80 : i32
      %mul3A_345 = arith.muli %add3A_266, %mul3A_344 : i32
      %add3A_346 = arith.addi %mul3A_2, %mul3A_345 : i32
      %dma_start3A_347 = arith.constant 2 : i32
      %dma_start3A_348 = arith.constant 2 : i32
      %dma_start3A_349 = arith.constant 0 : i32
      %dma_start3A_350 = arith.constant 0 : i32
      %dma_start3A_351 = tpu.memref_slice %arg9[%dma_start3A_347, %dma_start3A_349, %dma_start3A_350] : memref<5x80x128xf32, #tpu.memory_space<vmem>> -> memref<1x80x128xf32, #tpu.memory_space<vmem>>
      %dma_start3A_352 = tpu.memref_squeeze %dma_start3A_351 : memref<1x80x128xf32, #tpu.memory_space<vmem>> -> memref<80x128xf32, #tpu.memory_space<vmem>>
      %dma_start3A_353 = arith.constant 0 : i32
      %dma_start3A_354 = tpu.memref_slice %arg4[%add3A_346, %dma_start3A_353] : memref<320000x128xf32, #tpu.memory_space<hbm>> -> memref<80x128xf32, #tpu.memory_space<hbm>>
      %dma_start3A_355 = tpu.memref_slice %arg11[%dma_start3A_348] : memref<5x!tpu.dma_semaphore, #tpu.memory_space<semaphore_mem>> -> memref<1x!tpu.dma_semaphore, #tpu.memory_space<semaphore_mem>>
      %dma_start3A_356 = tpu.memref_squeeze %dma_start3A_355 : memref<1x!tpu.dma_semaphore, #tpu.memory_space<semaphore_mem>> -> memref<!tpu.dma_semaphore, #tpu.memory_space<semaphore_mem>>
      %dma_start3A_357 = arith.constant 0 : i32
      %dma_start3A_358 = tpu.memref_slice %arg4[%add3A_346, %dma_start3A_357] : memref<320000x128xf32, #tpu.memory_space<hbm>> -> memref<80x128xf32, #tpu.memory_space<hbm>>
      %dma_start3A_359 = arith.constant 0 : i32
      %dma_start3A_360 = arith.constant 0 : i32
      %dma_start3A_361 = tpu.memref_slice %arg9[%dma_start3A_347, %dma_start3A_359, %dma_start3A_360] : memref<5x80x128xf32, #tpu.memory_space<vmem>> -> memref<1x80x128xf32, #tpu.memory_space<vmem>>
      %dma_start3A_362 = tpu.memref_squeeze %dma_start3A_361 : memref<1x80x128xf32, #tpu.memory_space<vmem>> -> memref<80x128xf32, #tpu.memory_space<vmem>>
      tpu.enqueue_dma source(%dma_start3A_362 : memref<80x128xf32, #tpu.memory_space<vmem>>) target(%dma_start3A_358 : memref<80x128xf32, #tpu.memory_space<hbm>>) target_semaphore(%dma_start3A_356 : memref<!tpu.dma_semaphore, #tpu.memory_space<semaphore_mem>>)
      %mul3A_363 = arith.constant 5 : i32
      %mul3A_364 = arith.muli %scan3A_96, %mul3A_363 : i32
      %add3A_365 = arith.constant 3 : i32
      %add3A_366 = arith.addi %mul3A_364, %add3A_365 : i32
      %sub3A_367 = arith.constant 2 : i32
      %sub3A_368 = arith.subi %add3A_366, %sub3A_367 : i32
      %mul3A_369 = arith.constant 80 : i32
      %mul3A_370 = arith.muli %sub3A_368, %mul3A_369 : i32
      %add3A_371 = arith.addi %mul3A_2, %mul3A_370 : i32
      %dma_wait3A_372 = arith.constant 1 : i32
      %dma_wait3A_373 = arith.constant 1 : i32
      %dma_wait3A_374 = arith.constant 0 : i32
      %dma_wait3A_375 = arith.constant 0 : i32
      %dma_wait3A_376 = tpu.memref_slice %arg9[%dma_wait3A_372, %dma_wait3A_374, %dma_wait3A_375] : memref<5x80x128xf32, #tpu.memory_space<vmem>> -> memref<1x80x128xf32, #tpu.memory_space<vmem>>
      %dma_wait3A_377 = tpu.memref_squeeze %dma_wait3A_376 : memref<1x80x128xf32, #tpu.memory_space<vmem>> -> memref<80x128xf32, #tpu.memory_space<vmem>>
      %dma_wait3A_378 = arith.constant 0 : i32
      %dma_wait3A_379 = tpu.memref_slice %arg4[%add3A_371, %dma_wait3A_378] : memref<320000x128xf32, #tpu.memory_space<hbm>> -> memref<80x128xf32, #tpu.memory_space<hbm>>
      %dma_wait3A_380 = tpu.memref_slice %arg11[%dma_wait3A_373] : memref<5x!tpu.dma_semaphore, #tpu.memory_space<semaphore_mem>> -> memref<1x!tpu.dma_semaphore, #tpu.memory_space<semaphore_mem>>
      %dma_wait3A_381 = tpu.memref_squeeze %dma_wait3A_380 : memref<1x!tpu.dma_semaphore, #tpu.memory_space<semaphore_mem>> -> memref<!tpu.dma_semaphore, #tpu.memory_space<semaphore_mem>>
      %dma_wait3A_382 = arith.constant 0 : i32
      %dma_wait3A_383 = tpu.memref_slice %arg4[%add3A_371, %dma_wait3A_382] : memref<320000x128xf32, #tpu.memory_space<hbm>> -> memref<80x128xf32, #tpu.memory_space<hbm>>
      %dma_wait3A_384 = arith.constant 0 : i32
      %dma_wait3A_385 = arith.constant 0 : i32
      %dma_wait3A_386 = tpu.memref_slice %arg9[%dma_wait3A_372, %dma_wait3A_384, %dma_wait3A_385] : memref<5x80x128xf32, #tpu.memory_space<vmem>> -> memref<1x80x128xf32, #tpu.memory_space<vmem>>
      %dma_wait3A_387 = tpu.memref_squeeze %dma_wait3A_386 : memref<1x80x128xf32, #tpu.memory_space<vmem>> -> memref<80x128xf32, #tpu.memory_space<vmem>>
      tpu.wait_dma2 semaphore(%dma_wait3A_381 : memref<!tpu.dma_semaphore, #tpu.memory_space<semaphore_mem>>) src(%dma_wait3A_387 : memref<80x128xf32, #tpu.memory_space<vmem>>) dst(%dma_wait3A_383 : memref<80x128xf32, #tpu.memory_space<hbm>>)
      %lt3A = arith.constant 24 : i32
      %lt3A_388 = arith.cmpi slt, %scan3A_96, %lt3A : i32
      %convert_element_type3A_389 = arith.extui %lt3A_388 : i1 to i32
      %cond3A_390 = arith.constant 0 : i32
      %cond3A_391 = arith.cmpi ne, %convert_element_type3A_389, %cond3A_390 : i32
      scf.if %cond3A_391 {
        %add3A_518 = arith.constant 2 : i32
        %add3A_519 = arith.addi %add3A_366, %add3A_518 : i32
        %mul3A_520 = arith.constant 80 : i32
        %mul3A_521 = arith.muli %add3A_519, %mul3A_520 : i32
        %dma_start3A_522 = arith.constant 0 : i32
        %dma_start3A_523 = arith.constant 0 : i32
        %dma_start3A_524 = arith.constant 0 : i32
        %dma_start3A_525 = arith.constant 0 : i32
        %dma_start3A_526 = tpu.memref_slice %arg7[%dma_start3A_522, %dma_start3A_524, %dma_start3A_525] : memref<5x80x64xi32, #tpu.memory_space<vmem>> -> memref<1x80x64xi32, #tpu.memory_space<vmem>>
        %dma_start3A_527 = tpu.memref_squeeze %dma_start3A_526 : memref<1x80x64xi32, #tpu.memory_space<vmem>> -> memref<80x64xi32, #tpu.memory_space<vmem>>
        %dma_start3A_528 = tpu.memref_slice %arg5[%mul3A_521] : memref<10000xi32, #tpu.memory_space<vmem>> -> memref<80xi32, #tpu.memory_space<vmem>>
        %dma_start3A_529 = arith.constant 0 : i32
        %dma_start3A_530 = arith.constant 0 : i32
        %dma_start3A_531 = tpu.memref_slice %arg2[%dma_start3A_529, %dma_start3A_530] : memref<10000x64xi32, #tpu.memory_space<hbm>> -> memref<10000x64xi32, #tpu.memory_space<hbm>>
        %dma_start3A_532 = tpu.memref_slice %arg10[%dma_start3A_523] : memref<5x!tpu.dma_semaphore, #tpu.memory_space<semaphore_mem>> -> memref<1x!tpu.dma_semaphore, #tpu.memory_space<semaphore_mem>>
        %dma_start3A_533 = tpu.memref_squeeze %dma_start3A_532 : memref<1x!tpu.dma_semaphore, #tpu.memory_space<semaphore_mem>> -> memref<!tpu.dma_semaphore, #tpu.memory_space<semaphore_mem>>
        tpu.enqueue_indirect_dma source(%dma_start3A_531 : memref<10000x64xi32, #tpu.memory_space<hbm>>) target(%dma_start3A_527 : memref<80x64xi32, #tpu.memory_space<vmem>>) offsets(%dma_start3A_528 : memref<80xi32, #tpu.memory_space<vmem>>) semaphore(%dma_start3A_533 : memref<!tpu.dma_semaphore, #tpu.memory_space<semaphore_mem>>)
        %dma_start3A_534 = arith.constant 0 : i32
        %dma_start3A_535 = arith.constant 0 : i32
        %dma_start3A_536 = arith.constant 0 : i32
        %dma_start3A_537 = arith.constant 0 : i32
        %dma_start3A_538 = tpu.memref_slice %arg8[%dma_start3A_534, %dma_start3A_536, %dma_start3A_537] : memref<5x80x64xi32, #tpu.memory_space<vmem>> -> memref<1x80x64xi32, #tpu.memory_space<vmem>>
        %dma_start3A_539 = tpu.memref_squeeze %dma_start3A_538 : memref<1x80x64xi32, #tpu.memory_space<vmem>> -> memref<80x64xi32, #tpu.memory_space<vmem>>
        %dma_start3A_540 = tpu.memref_slice %arg6[%mul3A_521] : memref<10000xi32, #tpu.memory_space<vmem>> -> memref<80xi32, #tpu.memory_space<vmem>>
        %dma_start3A_541 = arith.constant 0 : i32
        %dma_start3A_542 = arith.constant 0 : i32
        %dma_start3A_543 = tpu.memref_slice %arg2[%dma_start3A_541, %dma_start3A_542] : memref<10000x64xi32, #tpu.memory_space<hbm>> -> memref<10000x64xi32, #tpu.memory_space<hbm>>
        %dma_start3A_544 = tpu.memref_slice %arg10[%dma_start3A_535] : memref<5x!tpu.dma_semaphore, #tpu.memory_space<semaphore_mem>> -> memref<1x!tpu.dma_semaphore, #tpu.memory_space<semaphore_mem>>
        %dma_start3A_545 = tpu.memref_squeeze %dma_start3A_544 : memref<1x!tpu.dma_semaphore, #tpu.memory_space<semaphore_mem>> -> memref<!tpu.dma_semaphore, #tpu.memory_space<semaphore_mem>>
        tpu.enqueue_indirect_dma source(%dma_start3A_543 : memref<10000x64xi32, #tpu.memory_space<hbm>>) target(%dma_start3A_539 : memref<80x64xi32, #tpu.memory_space<vmem>>) offsets(%dma_start3A_540 : memref<80xi32, #tpu.memory_space<vmem>>) semaphore(%dma_start3A_545 : memref<!tpu.dma_semaphore, #tpu.memory_space<semaphore_mem>>)
      } else {
      }
      %mul3A_392 = arith.constant 80 : i32
      %mul3A_393 = arith.muli %add3A_366, %mul3A_392 : i32
      %dma_wait3A_394 = arith.constant 3 : i32
      %dma_wait3A_395 = arith.constant 3 : i32
      %dma_wait3A_396 = arith.constant 0 : i32
      %dma_wait3A_397 = arith.constant 0 : i32
      %dma_wait3A_398 = tpu.memref_slice %arg7[%dma_wait3A_394, %dma_wait3A_396, %dma_wait3A_397] : memref<5x80x64xi32, #tpu.memory_space<vmem>> -> memref<1x80x64xi32, #tpu.memory_space<vmem>>
      %dma_wait3A_399 = tpu.memref_squeeze %dma_wait3A_398 : memref<1x80x64xi32, #tpu.memory_space<vmem>> -> memref<80x64xi32, #tpu.memory_space<vmem>>
      %dma_wait3A_400 = tpu.memref_slice %arg5[%mul3A_393] : memref<10000xi32, #tpu.memory_space<vmem>> -> memref<80xi32, #tpu.memory_space<vmem>>
      %dma_wait3A_401 = arith.constant 0 : i32
      %dma_wait3A_402 = arith.constant 0 : i32
      %dma_wait3A_403 = tpu.memref_slice %arg2[%dma_wait3A_401, %dma_wait3A_402] : memref<10000x64xi32, #tpu.memory_space<hbm>> -> memref<10000x64xi32, #tpu.memory_space<hbm>>
      %dma_wait3A_404 = tpu.memref_slice %arg10[%dma_wait3A_395] : memref<5x!tpu.dma_semaphore, #tpu.memory_space<semaphore_mem>> -> memref<1x!tpu.dma_semaphore, #tpu.memory_space<semaphore_mem>>
      %dma_wait3A_405 = tpu.memref_squeeze %dma_wait3A_404 : memref<1x!tpu.dma_semaphore, #tpu.memory_space<semaphore_mem>> -> memref<!tpu.dma_semaphore, #tpu.memory_space<semaphore_mem>>
      tpu.wait_indirect_dma semaphore(%dma_wait3A_405 : memref<!tpu.dma_semaphore, #tpu.memory_space<semaphore_mem>>) src(%dma_wait3A_403 : memref<10000x64xi32, #tpu.memory_space<hbm>>) dst(%dma_wait3A_399 : memref<80x64xi32, #tpu.memory_space<vmem>>)
      %dma_wait3A_406 = arith.constant 3 : i32
      %dma_wait3A_407 = arith.constant 3 : i32
      %dma_wait3A_408 = arith.constant 0 : i32
      %dma_wait3A_409 = arith.constant 0 : i32
      %dma_wait3A_410 = tpu.memref_slice %arg8[%dma_wait3A_406, %dma_wait3A_408, %dma_wait3A_409] : memref<5x80x64xi32, #tpu.memory_space<vmem>> -> memref<1x80x64xi32, #tpu.memory_space<vmem>>
      %dma_wait3A_411 = tpu.memref_squeeze %dma_wait3A_410 : memref<1x80x64xi32, #tpu.memory_space<vmem>> -> memref<80x64xi32, #tpu.memory_space<vmem>>
      %dma_wait3A_412 = tpu.memref_slice %arg6[%mul3A_393] : memref<10000xi32, #tpu.memory_space<vmem>> -> memref<80xi32, #tpu.memory_space<vmem>>
      %dma_wait3A_413 = arith.constant 0 : i32
      %dma_wait3A_414 = arith.constant 0 : i32
      %dma_wait3A_415 = tpu.memref_slice %arg2[%dma_wait3A_413, %dma_wait3A_414] : memref<10000x64xi32, #tpu.memory_space<hbm>> -> memref<10000x64xi32, #tpu.memory_space<hbm>>
      %dma_wait3A_416 = tpu.memref_slice %arg10[%dma_wait3A_407] : memref<5x!tpu.dma_semaphore, #tpu.memory_space<semaphore_mem>> -> memref<1x!tpu.dma_semaphore, #tpu.memory_space<semaphore_mem>>
      %dma_wait3A_417 = tpu.memref_squeeze %dma_wait3A_416 : memref<1x!tpu.dma_semaphore, #tpu.memory_space<semaphore_mem>> -> memref<!tpu.dma_semaphore, #tpu.memory_space<semaphore_mem>>
      tpu.wait_indirect_dma semaphore(%dma_wait3A_417 : memref<!tpu.dma_semaphore, #tpu.memory_space<semaphore_mem>>) src(%dma_wait3A_415 : memref<10000x64xi32, #tpu.memory_space<hbm>>) dst(%dma_wait3A_411 : memref<80x64xi32, #tpu.memory_space<vmem>>)
      %parallel_loop3A_418 = arith.constant 0 : i32
      %parallel_loop3A_419 = arith.constant 80 : i32
      %parallel_loop3A_420 = arith.constant 1 : i32
      scf.for %parallel_loop3A_518 = %parallel_loop3A_418 to %parallel_loop3A_419 step %parallel_loop3A_420  : i32 {
        %parallel_loop3A_519 = arith.constant 3 : i32
        %parallel_loop3A_520 = arith.index_cast %parallel_loop3A_519 : i32 to index
        %parallel_loop3A_521 = arith.index_cast %parallel_loop3A_518 : i32 to index
        %parallel_loop3A_522 = arith.constant 0 : index
        %parallel_loop3A_523 = tpu.vector_load %arg7[%parallel_loop3A_520, %parallel_loop3A_521, %parallel_loop3A_522] {strides = array<i32>} : memref<5x80x64xi32, #tpu.memory_space<vmem>>, vector<16xi32>,
        %parallel_loop3A_524 = arith.constant 3 : i32
        %parallel_loop3A_525 = arith.index_cast %parallel_loop3A_524 : i32 to index
        %parallel_loop3A_526 = arith.index_cast %parallel_loop3A_518 : i32 to index
        %parallel_loop3A_527 = arith.constant 0 : index
        %parallel_loop3A_528 = tpu.vector_load %arg8[%parallel_loop3A_525, %parallel_loop3A_526, %parallel_loop3A_527] {strides = array<i32>} : memref<5x80x64xi32, #tpu.memory_space<vmem>>, vector<16xi32>,
        %parallel_loop3A_529 = arith.constant 16 : i32
        %parallel_loop3A_530 = vector.broadcast %parallel_loop3A_529 : i32 to vector<16xi32>
        %parallel_loop3A_531 = arith.shli %parallel_loop3A_523, %parallel_loop3A_530 : vector<16xi32>
        %parallel_loop3A_532 = vector.bitcast %parallel_loop3A_531 : vector<16xi32> to vector<16xf32>
        %parallel_loop3A_533 = arith.constant 16 : i32
        %parallel_loop3A_534 = vector.broadcast %parallel_loop3A_533 : i32 to vector<16xi32>
        %parallel_loop3A_535 = arith.shli %parallel_loop3A_528, %parallel_loop3A_534 : vector<16xi32>
        %parallel_loop3A_536 = vector.bitcast %parallel_loop3A_535 : vector<16xi32> to vector<16xf32>
        %parallel_loop3A_537 = arith.addf %parallel_loop3A_532, %parallel_loop3A_536 : vector<16xf32>
        %parallel_loop3A_538 = arith.constant 3 : i32
        %parallel_loop3A_539 = arith.index_cast %parallel_loop3A_538 : i32 to index
        %parallel_loop3A_540 = arith.index_cast %parallel_loop3A_518 : i32 to index
        %parallel_loop3A_541 = arith.constant 0 : index
        %parallel_loop3A_542 = tpu.vector_load %arg9[%parallel_loop3A_539, %parallel_loop3A_540, %parallel_loop3A_541] {strides = array<i32>} : memref<5x80x128xf32, #tpu.memory_space<vmem>>, vector<16xf32>,
        tpu.vector_store %arg9[%parallel_loop3A_539, %parallel_loop3A_540, %parallel_loop3A_541], %parallel_loop3A_537 {strides = array<i32>} : memref<5x80x128xf32, #tpu.memory_space<vmem>>, vector<16xf32>,
        %parallel_loop3A_543 = arith.andi %parallel_loop3A_523, %broadcast_in_dim3A_4 : vector<16xi32>
        %parallel_loop3A_544 = vector.bitcast %parallel_loop3A_543 : vector<16xi32> to vector<16xf32>
        %parallel_loop3A_545 = arith.andi %parallel_loop3A_528, %broadcast_in_dim3A_4 : vector<16xi32>
        %parallel_loop3A_546 = vector.bitcast %parallel_loop3A_545 : vector<16xi32> to vector<16xf32>
        %parallel_loop3A_547 = arith.addf %parallel_loop3A_544, %parallel_loop3A_546 : vector<16xf32>
        %parallel_loop3A_548 = arith.constant 3 : i32
        %parallel_loop3A_549 = arith.index_cast %parallel_loop3A_548 : i32 to index
        %parallel_loop3A_550 = arith.index_cast %parallel_loop3A_518 : i32 to index
        %parallel_loop3A_551 = arith.constant 16 : index
        %parallel_loop3A_552 = tpu.vector_load %arg9[%parallel_loop3A_549, %parallel_loop3A_550, %parallel_loop3A_551] {strides = array<i32>} : memref<5x80x128xf32, #tpu.memory_space<vmem>>, vector<16xf32>,
        tpu.vector_store %arg9[%parallel_loop3A_549, %parallel_loop3A_550, %parallel_loop3A_551], %parallel_loop3A_547 {strides = array<i32>} : memref<5x80x128xf32, #tpu.memory_space<vmem>>, vector<16xf32>,
        %parallel_loop3A_553 = arith.constant 3 : i32
        %parallel_loop3A_554 = arith.index_cast %parallel_loop3A_553 : i32 to index
        %parallel_loop3A_555 = arith.index_cast %parallel_loop3A_518 : i32 to index
        %parallel_loop3A_556 = arith.constant 16 : index
        %parallel_loop3A_557 = tpu.vector_load %arg7[%parallel_loop3A_554, %parallel_loop3A_555, %parallel_loop3A_556] {strides = array<i32>} : memref<5x80x64xi32, #tpu.memory_space<vmem>>, vector<16xi32>,
        %parallel_loop3A_558 = arith.constant 3 : i32
        %parallel_loop3A_559 = arith.index_cast %parallel_loop3A_558 : i32 to index
        %parallel_loop3A_560 = arith.index_cast %parallel_loop3A_518 : i32 to index
        %parallel_loop3A_561 = arith.constant 16 : index
        %parallel_loop3A_562 = tpu.vector_load %arg8[%parallel_loop3A_559, %parallel_loop3A_560, %parallel_loop3A_561] {strides = array<i32>} : memref<5x80x64xi32, #tpu.memory_space<vmem>>, vector<16xi32>,
        %parallel_loop3A_563 = arith.constant 16 : i32
        %parallel_loop3A_564 = vector.broadcast %parallel_loop3A_563 : i32 to vector<16xi32>
        %parallel_loop3A_565 = arith.shli %parallel_loop3A_557, %parallel_loop3A_564 : vector<16xi32>
        %parallel_loop3A_566 = vector.bitcast %parallel_loop3A_565 : vector<16xi32> to vector<16xf32>
        %parallel_loop3A_567 = arith.constant 16 : i32
        %parallel_loop3A_568 = vector.broadcast %parallel_loop3A_567 : i32 to vector<16xi32>
        %parallel_loop3A_569 = arith.shli %parallel_loop3A_562, %parallel_loop3A_568 : vector<16xi32>
        %parallel_loop3A_570 = vector.bitcast %parallel_loop3A_569 : vector<16xi32> to vector<16xf32>
        %parallel_loop3A_571 = arith.addf %parallel_loop3A_566, %parallel_loop3A_570 : vector<16xf32>
        %parallel_loop3A_572 = arith.constant 3 : i32
        %parallel_loop3A_573 = arith.index_cast %parallel_loop3A_572 : i32 to index
        %parallel_loop3A_574 = arith.index_cast %parallel_loop3A_518 : i32 to index
        %parallel_loop3A_575 = arith.constant 32 : index
        %parallel_loop3A_576 = tpu.vector_load %arg9[%parallel_loop3A_573, %parallel_loop3A_574, %parallel_loop3A_575] {strides = array<i32>} : memref<5x80x128xf32, #tpu.memory_space<vmem>>, vector<16xf32>,
        tpu.vector_store %arg9[%parallel_loop3A_573, %parallel_loop3A_574, %parallel_loop3A_575], %parallel_loop3A_571 {strides = array<i32>} : memref<5x80x128xf32, #tpu.memory_space<vmem>>, vector<16xf32>,
        %parallel_loop3A_577 = arith.andi %parallel_loop3A_557, %broadcast_in_dim3A_4 : vector<16xi32>
        %parallel_loop3A_578 = vector.bitcast %parallel_loop3A_577 : vector<16xi32> to vector<16xf32>
        %parallel_loop3A_579 = arith.andi %parallel_loop3A_562, %broadcast_in_dim3A_4 : vector<16xi32>
        %parallel_loop3A_580 = vector.bitcast %parallel_loop3A_579 : vector<16xi32> to vector<16xf32>
        %parallel_loop3A_581 = arith.addf %parallel_loop3A_578, %parallel_loop3A_580 : vector<16xf32>
        %parallel_loop3A_582 = arith.constant 3 : i32
        %parallel_loop3A_583 = arith.index_cast %parallel_loop3A_582 : i32 to index
        %parallel_loop3A_584 = arith.index_cast %parallel_loop3A_518 : i32 to index
        %parallel_loop3A_585 = arith.constant 48 : index
        %parallel_loop3A_586 = tpu.vector_load %arg9[%parallel_loop3A_583, %parallel_loop3A_584, %parallel_loop3A_585] {strides = array<i32>} : memref<5x80x128xf32, #tpu.memory_space<vmem>>, vector<16xf32>,
        tpu.vector_store %arg9[%parallel_loop3A_583, %parallel_loop3A_584, %parallel_loop3A_585], %parallel_loop3A_581 {strides = array<i32>} : memref<5x80x128xf32, #tpu.memory_space<vmem>>, vector<16xf32>,
        %parallel_loop3A_587 = arith.constant 3 : i32
        %parallel_loop3A_588 = arith.index_cast %parallel_loop3A_587 : i32 to index
        %parallel_loop3A_589 = arith.index_cast %parallel_loop3A_518 : i32 to index
        %parallel_loop3A_590 = arith.constant 32 : index
        %parallel_loop3A_591 = tpu.vector_load %arg7[%parallel_loop3A_588, %parallel_loop3A_589, %parallel_loop3A_590] {strides = array<i32>} : memref<5x80x64xi32, #tpu.memory_space<vmem>>, vector<16xi32>,
        %parallel_loop3A_592 = arith.constant 3 : i32
        %parallel_loop3A_593 = arith.index_cast %parallel_loop3A_592 : i32 to index
        %parallel_loop3A_594 = arith.index_cast %parallel_loop3A_518 : i32 to index
        %parallel_loop3A_595 = arith.constant 32 : index
        %parallel_loop3A_596 = tpu.vector_load %arg8[%parallel_loop3A_593, %parallel_loop3A_594, %parallel_loop3A_595] {strides = array<i32>} : memref<5x80x64xi32, #tpu.memory_space<vmem>>, vector<16xi32>,
        %parallel_loop3A_597 = arith.constant 16 : i32
        %parallel_loop3A_598 = vector.broadcast %parallel_loop3A_597 : i32 to vector<16xi32>
        %parallel_loop3A_599 = arith.shli %parallel_loop3A_591, %parallel_loop3A_598 : vector<16xi32>
        %parallel_loop3A_600 = vector.bitcast %parallel_loop3A_599 : vector<16xi32> to vector<16xf32>
        %parallel_loop3A_601 = arith.constant 16 : i32
        %parallel_loop3A_602 = vector.broadcast %parallel_loop3A_601 : i32 to vector<16xi32>
        %parallel_loop3A_603 = arith.shli %parallel_loop3A_596, %parallel_loop3A_602 : vector<16xi32>
        %parallel_loop3A_604 = vector.bitcast %parallel_loop3A_603 : vector<16xi32> to vector<16xf32>
        %parallel_loop3A_605 = arith.addf %parallel_loop3A_600, %parallel_loop3A_604 : vector<16xf32>
        %parallel_loop3A_606 = arith.constant 3 : i32
        %parallel_loop3A_607 = arith.index_cast %parallel_loop3A_606 : i32 to index
        %parallel_loop3A_608 = arith.index_cast %parallel_loop3A_518 : i32 to index
        %parallel_loop3A_609 = arith.constant 64 : index
        %parallel_loop3A_610 = tpu.vector_load %arg9[%parallel_loop3A_607, %parallel_loop3A_608, %parallel_loop3A_609] {strides = array<i32>} : memref<5x80x128xf32, #tpu.memory_space<vmem>>, vector<16xf32>,
        tpu.vector_store %arg9[%parallel_loop3A_607, %parallel_loop3A_608, %parallel_loop3A_609], %parallel_loop3A_605 {strides = array<i32>} : memref<5x80x128xf32, #tpu.memory_space<vmem>>, vector<16xf32>,
        %parallel_loop3A_611 = arith.andi %parallel_loop3A_591, %broadcast_in_dim3A_4 : vector<16xi32>
        %parallel_loop3A_612 = vector.bitcast %parallel_loop3A_611 : vector<16xi32> to vector<16xf32>
        %parallel_loop3A_613 = arith.andi %parallel_loop3A_596, %broadcast_in_dim3A_4 : vector<16xi32>
        %parallel_loop3A_614 = vector.bitcast %parallel_loop3A_613 : vector<16xi32> to vector<16xf32>
        %parallel_loop3A_615 = arith.addf %parallel_loop3A_612, %parallel_loop3A_614 : vector<16xf32>
        %parallel_loop3A_616 = arith.constant 3 : i32
        %parallel_loop3A_617 = arith.index_cast %parallel_loop3A_616 : i32 to index
        %parallel_loop3A_618 = arith.index_cast %parallel_loop3A_518 : i32 to index
        %parallel_loop3A_619 = arith.constant 80 : index
        %parallel_loop3A_620 = tpu.vector_load %arg9[%parallel_loop3A_617, %parallel_loop3A_618, %parallel_loop3A_619] {strides = array<i32>} : memref<5x80x128xf32, #tpu.memory_space<vmem>>, vector<16xf32>,
        tpu.vector_store %arg9[%parallel_loop3A_617, %parallel_loop3A_618, %parallel_loop3A_619], %parallel_loop3A_615 {strides = array<i32>} : memref<5x80x128xf32, #tpu.memory_space<vmem>>, vector<16xf32>,
        %parallel_loop3A_621 = arith.constant 3 : i32
        %parallel_loop3A_622 = arith.index_cast %parallel_loop3A_621 : i32 to index
        %parallel_loop3A_623 = arith.index_cast %parallel_loop3A_518 : i32 to index
        %parallel_loop3A_624 = arith.constant 48 : index
        %parallel_loop3A_625 = tpu.vector_load %arg7[%parallel_loop3A_622, %parallel_loop3A_623, %parallel_loop3A_624] {strides = array<i32>} : memref<5x80x64xi32, #tpu.memory_space<vmem>>, vector<16xi32>,
        %parallel_loop3A_626 = arith.constant 3 : i32
        %parallel_loop3A_627 = arith.index_cast %parallel_loop3A_626 : i32 to index
        %parallel_loop3A_628 = arith.index_cast %parallel_loop3A_518 : i32 to index
        %parallel_loop3A_629 = arith.constant 48 : index
        %parallel_loop3A_630 = tpu.vector_load %arg8[%parallel_loop3A_627, %parallel_loop3A_628, %parallel_loop3A_629] {strides = array<i32>} : memref<5x80x64xi32, #tpu.memory_space<vmem>>, vector<16xi32>,
        %parallel_loop3A_631 = arith.constant 16 : i32
        %parallel_loop3A_632 = vector.broadcast %parallel_loop3A_631 : i32 to vector<16xi32>
        %parallel_loop3A_633 = arith.shli %parallel_loop3A_625, %parallel_loop3A_632 : vector<16xi32>
        %parallel_loop3A_634 = vector.bitcast %parallel_loop3A_633 : vector<16xi32> to vector<16xf32>
        %parallel_loop3A_635 = arith.constant 16 : i32
        %parallel_loop3A_636 = vector.broadcast %parallel_loop3A_635 : i32 to vector<16xi32>
        %parallel_loop3A_637 = arith.shli %parallel_loop3A_630, %parallel_loop3A_636 : vector<16xi32>
        %parallel_loop3A_638 = vector.bitcast %parallel_loop3A_637 : vector<16xi32> to vector<16xf32>
        %parallel_loop3A_639 = arith.addf %parallel_loop3A_634, %parallel_loop3A_638 : vector<16xf32>
        %parallel_loop3A_640 = arith.constant 3 : i32
        %parallel_loop3A_641 = arith.index_cast %parallel_loop3A_640 : i32 to index
        %parallel_loop3A_642 = arith.index_cast %parallel_loop3A_518 : i32 to index
        %parallel_loop3A_643 = arith.constant 96 : index
        %parallel_loop3A_644 = tpu.vector_load %arg9[%parallel_loop3A_641, %parallel_loop3A_642, %parallel_loop3A_643] {strides = array<i32>} : memref<5x80x128xf32, #tpu.memory_space<vmem>>, vector<16xf32>,
        tpu.vector_store %arg9[%parallel_loop3A_641, %parallel_loop3A_642, %parallel_loop3A_643], %parallel_loop3A_639 {strides = array<i32>} : memref<5x80x128xf32, #tpu.memory_space<vmem>>, vector<16xf32>,
        %parallel_loop3A_645 = arith.andi %parallel_loop3A_625, %broadcast_in_dim3A_4 : vector<16xi32>
        %parallel_loop3A_646 = vector.bitcast %parallel_loop3A_645 : vector<16xi32> to vector<16xf32>
        %parallel_loop3A_647 = arith.andi %parallel_loop3A_630, %broadcast_in_dim3A_4 : vector<16xi32>
        %parallel_loop3A_648 = vector.bitcast %parallel_loop3A_647 : vector<16xi32> to vector<16xf32>
        %parallel_loop3A_649 = arith.addf %parallel_loop3A_646, %parallel_loop3A_648 : vector<16xf32>
        %parallel_loop3A_650 = arith.constant 3 : i32
        %parallel_loop3A_651 = arith.index_cast %parallel_loop3A_650 : i32 to index
        %parallel_loop3A_652 = arith.index_cast %parallel_loop3A_518 : i32 to index
        %parallel_loop3A_653 = arith.constant 112 : index
        %parallel_loop3A_654 = tpu.vector_load %arg9[%parallel_loop3A_651, %parallel_loop3A_652, %parallel_loop3A_653] {strides = array<i32>} : memref<5x80x128xf32, #tpu.memory_space<vmem>>, vector<16xf32>,
        tpu.vector_store %arg9[%parallel_loop3A_651, %parallel_loop3A_652, %parallel_loop3A_653], %parallel_loop3A_649 {strides = array<i32>} : memref<5x80x128xf32, #tpu.memory_space<vmem>>, vector<16xf32>,
      } {sc.loop_unroll_factor = 4 : i64, sc.parallel_access}
      %mul3A_421 = arith.constant 80 : i32
      %mul3A_422 = arith.muli %add3A_366, %mul3A_421 : i32
      %add3A_423 = arith.addi %mul3A_2, %mul3A_422 : i32
      %dma_start3A_424 = arith.constant 3 : i32
      %dma_start3A_425 = arith.constant 3 : i32
      %dma_start3A_426 = arith.constant 0 : i32
      %dma_start3A_427 = arith.constant 0 : i32
      %dma_start3A_428 = tpu.memref_slice %arg9[%dma_start3A_424, %dma_start3A_426, %dma_start3A_427] : memref<5x80x128xf32, #tpu.memory_space<vmem>> -> memref<1x80x128xf32, #tpu.memory_space<vmem>>
      %dma_start3A_429 = tpu.memref_squeeze %dma_start3A_428 : memref<1x80x128xf32, #tpu.memory_space<vmem>> -> memref<80x128xf32, #tpu.memory_space<vmem>>
      %dma_start3A_430 = arith.constant 0 : i32
      %dma_start3A_431 = tpu.memref_slice %arg4[%add3A_423, %dma_start3A_430] : memref<320000x128xf32, #tpu.memory_space<hbm>> -> memref<80x128xf32, #tpu.memory_space<hbm>>
      %dma_start3A_432 = tpu.memref_slice %arg11[%dma_start3A_425] : memref<5x!tpu.dma_semaphore, #tpu.memory_space<semaphore_mem>> -> memref<1x!tpu.dma_semaphore, #tpu.memory_space<semaphore_mem>>
      %dma_start3A_433 = tpu.memref_squeeze %dma_start3A_432 : memref<1x!tpu.dma_semaphore, #tpu.memory_space<semaphore_mem>> -> memref<!tpu.dma_semaphore, #tpu.memory_space<semaphore_mem>>
      %dma_start3A_434 = arith.constant 0 : i32
      %dma_start3A_435 = tpu.memref_slice %arg4[%add3A_423, %dma_start3A_434] : memref<320000x128xf32, #tpu.memory_space<hbm>> -> memref<80x128xf32, #tpu.memory_space<hbm>>
      %dma_start3A_436 = arith.constant 0 : i32
      %dma_start3A_437 = arith.constant 0 : i32
      %dma_start3A_438 = tpu.memref_slice %arg9[%dma_start3A_424, %dma_start3A_436, %dma_start3A_437] : memref<5x80x128xf32, #tpu.memory_space<vmem>> -> memref<1x80x128xf32, #tpu.memory_space<vmem>>
      %dma_start3A_439 = tpu.memref_squeeze %dma_start3A_438 : memref<1x80x128xf32, #tpu.memory_space<vmem>> -> memref<80x128xf32, #tpu.memory_space<vmem>>
      tpu.enqueue_dma source(%dma_start3A_439 : memref<80x128xf32, #tpu.memory_space<vmem>>) target(%dma_start3A_435 : memref<80x128xf32, #tpu.memory_space<hbm>>) target_semaphore(%dma_start3A_433 : memref<!tpu.dma_semaphore, #tpu.memory_space<semaphore_mem>>)
      %mul3A_440 = arith.constant 5 : i32
      %mul3A_441 = arith.muli %scan3A_96, %mul3A_440 : i32
      %add3A_442 = arith.constant 4 : i32
      %add3A_443 = arith.addi %mul3A_441, %add3A_442 : i32
      %sub3A_444 = arith.constant 2 : i32
      %sub3A_445 = arith.subi %add3A_443, %sub3A_444 : i32
      %mul3A_446 = arith.constant 80 : i32
      %mul3A_447 = arith.muli %sub3A_445, %mul3A_446 : i32
      %add3A_448 = arith.addi %mul3A_2, %mul3A_447 : i32
      %dma_wait3A_449 = arith.constant 2 : i32
      %dma_wait3A_450 = arith.constant 2 : i32
      %dma_wait3A_451 = arith.constant 0 : i32
      %dma_wait3A_452 = arith.constant 0 : i32
      %dma_wait3A_453 = tpu.memref_slice %arg9[%dma_wait3A_449, %dma_wait3A_451, %dma_wait3A_452] : memref<5x80x128xf32, #tpu.memory_space<vmem>> -> memref<1x80x128xf32, #tpu.memory_space<vmem>>
      %dma_wait3A_454 = tpu.memref_squeeze %dma_wait3A_453 : memref<1x80x128xf32, #tpu.memory_space<vmem>> -> memref<80x128xf32, #tpu.memory_space<vmem>>
      %dma_wait3A_455 = arith.constant 0 : i32
      %dma_wait3A_456 = tpu.memref_slice %arg4[%add3A_448, %dma_wait3A_455] : memref<320000x128xf32, #tpu.memory_space<hbm>> -> memref<80x128xf32, #tpu.memory_space<hbm>>
      %dma_wait3A_457 = tpu.memref_slice %arg11[%dma_wait3A_450] : memref<5x!tpu.dma_semaphore, #tpu.memory_space<semaphore_mem>> -> memref<1x!tpu.dma_semaphore, #tpu.memory_space<semaphore_mem>>
      %dma_wait3A_458 = tpu.memref_squeeze %dma_wait3A_457 : memref<1x!tpu.dma_semaphore, #tpu.memory_space<semaphore_mem>> -> memref<!tpu.dma_semaphore, #tpu.memory_space<semaphore_mem>>
      %dma_wait3A_459 = arith.constant 0 : i32
      %dma_wait3A_460 = tpu.memref_slice %arg4[%add3A_448, %dma_wait3A_459] : memref<320000x128xf32, #tpu.memory_space<hbm>> -> memref<80x128xf32, #tpu.memory_space<hbm>>
      %dma_wait3A_461 = arith.constant 0 : i32
      %dma_wait3A_462 = arith.constant 0 : i32
      %dma_wait3A_463 = tpu.memref_slice %arg9[%dma_wait3A_449, %dma_wait3A_461, %dma_wait3A_462] : memref<5x80x128xf32, #tpu.memory_space<vmem>> -> memref<1x80x128xf32, #tpu.memory_space<vmem>>
      %dma_wait3A_464 = tpu.memref_squeeze %dma_wait3A_463 : memref<1x80x128xf32, #tpu.memory_space<vmem>> -> memref<80x128xf32, #tpu.memory_space<vmem>>
      tpu.wait_dma2 semaphore(%dma_wait3A_458 : memref<!tpu.dma_semaphore, #tpu.memory_space<semaphore_mem>>) src(%dma_wait3A_464 : memref<80x128xf32, #tpu.memory_space<vmem>>) dst(%dma_wait3A_460 : memref<80x128xf32, #tpu.memory_space<hbm>>)
      %lt3A_465 = arith.constant 24 : i32
      %lt3A_466 = arith.cmpi slt, %scan3A_96, %lt3A_465 : i32
      %convert_element_type3A_467 = arith.extui %lt3A_466 : i1 to i32
      %cond3A_468 = arith.constant 0 : i32
      %cond3A_469 = arith.cmpi ne, %convert_element_type3A_467, %cond3A_468 : i32
      scf.if %cond3A_469 {
        %add3A_518 = arith.constant 2 : i32
        %add3A_519 = arith.addi %add3A_443, %add3A_518 : i32
        %mul3A_520 = arith.constant 80 : i32
        %mul3A_521 = arith.muli %add3A_519, %mul3A_520 : i32
        %dma_start3A_522 = arith.constant 1 : i32
        %dma_start3A_523 = arith.constant 1 : i32
        %dma_start3A_524 = arith.constant 0 : i32
        %dma_start3A_525 = arith.constant 0 : i32
        %dma_start3A_526 = tpu.memref_slice %arg7[%dma_start3A_522, %dma_start3A_524, %dma_start3A_525] : memref<5x80x64xi32, #tpu.memory_space<vmem>> -> memref<1x80x64xi32, #tpu.memory_space<vmem>>
        %dma_start3A_527 = tpu.memref_squeeze %dma_start3A_526 : memref<1x80x64xi32, #tpu.memory_space<vmem>> -> memref<80x64xi32, #tpu.memory_space<vmem>>
        %dma_start3A_528 = tpu.memref_slice %arg5[%mul3A_521] : memref<10000xi32, #tpu.memory_space<vmem>> -> memref<80xi32, #tpu.memory_space<vmem>>
        %dma_start3A_529 = arith.constant 0 : i32
        %dma_start3A_530 = arith.constant 0 : i32
        %dma_start3A_531 = tpu.memref_slice %arg2[%dma_start3A_529, %dma_start3A_530] : memref<10000x64xi32, #tpu.memory_space<hbm>> -> memref<10000x64xi32, #tpu.memory_space<hbm>>
        %dma_start3A_532 = tpu.memref_slice %arg10[%dma_start3A_523] : memref<5x!tpu.dma_semaphore, #tpu.memory_space<semaphore_mem>> -> memref<1x!tpu.dma_semaphore, #tpu.memory_space<semaphore_mem>>
        %dma_start3A_533 = tpu.memref_squeeze %dma_start3A_532 : memref<1x!tpu.dma_semaphore, #tpu.memory_space<semaphore_mem>> -> memref<!tpu.dma_semaphore, #tpu.memory_space<semaphore_mem>>
        tpu.enqueue_indirect_dma source(%dma_start3A_531 : memref<10000x64xi32, #tpu.memory_space<hbm>>) target(%dma_start3A_527 : memref<80x64xi32, #tpu.memory_space<vmem>>) offsets(%dma_start3A_528 : memref<80xi32, #tpu.memory_space<vmem>>) semaphore(%dma_start3A_533 : memref<!tpu.dma_semaphore, #tpu.memory_space<semaphore_mem>>)
        %dma_start3A_534 = arith.constant 1 : i32
        %dma_start3A_535 = arith.constant 1 : i32
        %dma_start3A_536 = arith.constant 0 : i32
        %dma_start3A_537 = arith.constant 0 : i32
        %dma_start3A_538 = tpu.memref_slice %arg8[%dma_start3A_534, %dma_start3A_536, %dma_start3A_537] : memref<5x80x64xi32, #tpu.memory_space<vmem>> -> memref<1x80x64xi32, #tpu.memory_space<vmem>>
        %dma_start3A_539 = tpu.memref_squeeze %dma_start3A_538 : memref<1x80x64xi32, #tpu.memory_space<vmem>> -> memref<80x64xi32, #tpu.memory_space<vmem>>
        %dma_start3A_540 = tpu.memref_slice %arg6[%mul3A_521] : memref<10000xi32, #tpu.memory_space<vmem>> -> memref<80xi32, #tpu.memory_space<vmem>>
        %dma_start3A_541 = arith.constant 0 : i32
        %dma_start3A_542 = arith.constant 0 : i32
        %dma_start3A_543 = tpu.memref_slice %arg2[%dma_start3A_541, %dma_start3A_542] : memref<10000x64xi32, #tpu.memory_space<hbm>> -> memref<10000x64xi32, #tpu.memory_space<hbm>>
        %dma_start3A_544 = tpu.memref_slice %arg10[%dma_start3A_535] : memref<5x!tpu.dma_semaphore, #tpu.memory_space<semaphore_mem>> -> memref<1x!tpu.dma_semaphore, #tpu.memory_space<semaphore_mem>>
        %dma_start3A_545 = tpu.memref_squeeze %dma_start3A_544 : memref<1x!tpu.dma_semaphore, #tpu.memory_space<semaphore_mem>> -> memref<!tpu.dma_semaphore, #tpu.memory_space<semaphore_mem>>
        tpu.enqueue_indirect_dma source(%dma_start3A_543 : memref<10000x64xi32, #tpu.memory_space<hbm>>) target(%dma_start3A_539 : memref<80x64xi32, #tpu.memory_space<vmem>>) offsets(%dma_start3A_540 : memref<80xi32, #tpu.memory_space<vmem>>) semaphore(%dma_start3A_545 : memref<!tpu.dma_semaphore, #tpu.memory_space<semaphore_mem>>)
      } else {
      }
      %mul3A_470 = arith.constant 80 : i32
      %mul3A_471 = arith.muli %add3A_443, %mul3A_470 : i32
      %dma_wait3A_472 = arith.constant 4 : i32
      %dma_wait3A_473 = arith.constant 4 : i32
      %dma_wait3A_474 = arith.constant 0 : i32
      %dma_wait3A_475 = arith.constant 0 : i32
      %dma_wait3A_476 = tpu.memref_slice %arg7[%dma_wait3A_472, %dma_wait3A_474, %dma_wait3A_475] : memref<5x80x64xi32, #tpu.memory_space<vmem>> -> memref<1x80x64xi32, #tpu.memory_space<vmem>>
      %dma_wait3A_477 = tpu.memref_squeeze %dma_wait3A_476 : memref<1x80x64xi32, #tpu.memory_space<vmem>> -> memref<80x64xi32, #tpu.memory_space<vmem>>
      %dma_wait3A_478 = tpu.memref_slice %arg5[%mul3A_471] : memref<10000xi32, #tpu.memory_space<vmem>> -> memref<80xi32, #tpu.memory_space<vmem>>
      %dma_wait3A_479 = arith.constant 0 : i32
      %dma_wait3A_480 = arith.constant 0 : i32
      %dma_wait3A_481 = tpu.memref_slice %arg2[%dma_wait3A_479, %dma_wait3A_480] : memref<10000x64xi32, #tpu.memory_space<hbm>> -> memref<10000x64xi32, #tpu.memory_space<hbm>>
      %dma_wait3A_482 = tpu.memref_slice %arg10[%dma_wait3A_473] : memref<5x!tpu.dma_semaphore, #tpu.memory_space<semaphore_mem>> -> memref<1x!tpu.dma_semaphore, #tpu.memory_space<semaphore_mem>>
      %dma_wait3A_483 = tpu.memref_squeeze %dma_wait3A_482 : memref<1x!tpu.dma_semaphore, #tpu.memory_space<semaphore_mem>> -> memref<!tpu.dma_semaphore, #tpu.memory_space<semaphore_mem>>
      tpu.wait_indirect_dma semaphore(%dma_wait3A_483 : memref<!tpu.dma_semaphore, #tpu.memory_space<semaphore_mem>>) src(%dma_wait3A_481 : memref<10000x64xi32, #tpu.memory_space<hbm>>) dst(%dma_wait3A_477 : memref<80x64xi32, #tpu.memory_space<vmem>>)
      %dma_wait3A_484 = arith.constant 4 : i32
      %dma_wait3A_485 = arith.constant 4 : i32
      %dma_wait3A_486 = arith.constant 0 : i32
      %dma_wait3A_487 = arith.constant 0 : i32
      %dma_wait3A_488 = tpu.memref_slice %arg8[%dma_wait3A_484, %dma_wait3A_486, %dma_wait3A_487] : memref<5x80x64xi32, #tpu.memory_space<vmem>> -> memref<1x80x64xi32, #tpu.memory_space<vmem>>
      %dma_wait3A_489 = tpu.memref_squeeze %dma_wait3A_488 : memref<1x80x64xi32, #tpu.memory_space<vmem>> -> memref<80x64xi32, #tpu.memory_space<vmem>>
      %dma_wait3A_490 = tpu.memref_slice %arg6[%mul3A_471] : memref<10000xi32, #tpu.memory_space<vmem>> -> memref<80xi32, #tpu.memory_space<vmem>>
      %dma_wait3A_491 = arith.constant 0 : i32
      %dma_wait3A_492 = arith.constant 0 : i32
      %dma_wait3A_493 = tpu.memref_slice %arg2[%dma_wait3A_491, %dma_wait3A_492] : memref<10000x64xi32, #tpu.memory_space<hbm>> -> memref<10000x64xi32, #tpu.memory_space<hbm>>
      %dma_wait3A_494 = tpu.memref_slice %arg10[%dma_wait3A_485] : memref<5x!tpu.dma_semaphore, #tpu.memory_space<semaphore_mem>> -> memref<1x!tpu.dma_semaphore, #tpu.memory_space<semaphore_mem>>
      %dma_wait3A_495 = tpu.memref_squeeze %dma_wait3A_494 : memref<1x!tpu.dma_semaphore, #tpu.memory_space<semaphore_mem>> -> memref<!tpu.dma_semaphore, #tpu.memory_space<semaphore_mem>>
      tpu.wait_indirect_dma semaphore(%dma_wait3A_495 : memref<!tpu.dma_semaphore, #tpu.memory_space<semaphore_mem>>) src(%dma_wait3A_493 : memref<10000x64xi32, #tpu.memory_space<hbm>>) dst(%dma_wait3A_489 : memref<80x64xi32, #tpu.memory_space<vmem>>)
      %parallel_loop3A_496 = arith.constant 0 : i32
      %parallel_loop3A_497 = arith.constant 80 : i32
      %parallel_loop3A_498 = arith.constant 1 : i32
      scf.for %parallel_loop3A_518 = %parallel_loop3A_496 to %parallel_loop3A_497 step %parallel_loop3A_498  : i32 {
        %parallel_loop3A_519 = arith.constant 4 : i32
        %parallel_loop3A_520 = arith.index_cast %parallel_loop3A_519 : i32 to index
        %parallel_loop3A_521 = arith.index_cast %parallel_loop3A_518 : i32 to index
        %parallel_loop3A_522 = arith.constant 0 : index
        %parallel_loop3A_523 = tpu.vector_load %arg7[%parallel_loop3A_520, %parallel_loop3A_521, %parallel_loop3A_522] {strides = array<i32>} : memref<5x80x64xi32, #tpu.memory_space<vmem>>, vector<16xi32>,
        %parallel_loop3A_524 = arith.constant 4 : i32
        %parallel_loop3A_525 = arith.index_cast %parallel_loop3A_524 : i32 to index
        %parallel_loop3A_526 = arith.index_cast %parallel_loop3A_518 : i32 to index
        %parallel_loop3A_527 = arith.constant 0 : index
        %parallel_loop3A_528 = tpu.vector_load %arg8[%parallel_loop3A_525, %parallel_loop3A_526, %parallel_loop3A_527] {strides = array<i32>} : memref<5x80x64xi32, #tpu.memory_space<vmem>>, vector<16xi32>,
        %parallel_loop3A_529 = arith.constant 16 : i32
        %parallel_loop3A_530 = vector.broadcast %parallel_loop3A_529 : i32 to vector<16xi32>
        %parallel_loop3A_531 = arith.shli %parallel_loop3A_523, %parallel_loop3A_530 : vector<16xi32>
        %parallel_loop3A_532 = vector.bitcast %parallel_loop3A_531 : vector<16xi32> to vector<16xf32>
        %parallel_loop3A_533 = arith.constant 16 : i32
        %parallel_loop3A_534 = vector.broadcast %parallel_loop3A_533 : i32 to vector<16xi32>
        %parallel_loop3A_535 = arith.shli %parallel_loop3A_528, %parallel_loop3A_534 : vector<16xi32>
        %parallel_loop3A_536 = vector.bitcast %parallel_loop3A_535 : vector<16xi32> to vector<16xf32>
        %parallel_loop3A_537 = arith.addf %parallel_loop3A_532, %parallel_loop3A_536 : vector<16xf32>
        %parallel_loop3A_538 = arith.constant 4 : i32
        %parallel_loop3A_539 = arith.index_cast %parallel_loop3A_538 : i32 to index
        %parallel_loop3A_540 = arith.index_cast %parallel_loop3A_518 : i32 to index
        %parallel_loop3A_541 = arith.constant 0 : index
        %parallel_loop3A_542 = tpu.vector_load %arg9[%parallel_loop3A_539, %parallel_loop3A_540, %parallel_loop3A_541] {strides = array<i32>} : memref<5x80x128xf32, #tpu.memory_space<vmem>>, vector<16xf32>,
        tpu.vector_store %arg9[%parallel_loop3A_539, %parallel_loop3A_540, %parallel_loop3A_541], %parallel_loop3A_537 {strides = array<i32>} : memref<5x80x128xf32, #tpu.memory_space<vmem>>, vector<16xf32>,
        %parallel_loop3A_543 = arith.andi %parallel_loop3A_523, %broadcast_in_dim3A_4 : vector<16xi32>
        %parallel_loop3A_544 = vector.bitcast %parallel_loop3A_543 : vector<16xi32> to vector<16xf32>
        %parallel_loop3A_545 = arith.andi %parallel_loop3A_528, %broadcast_in_dim3A_4 : vector<16xi32>
        %parallel_loop3A_546 = vector.bitcast %parallel_loop3A_545 : vector<16xi32> to vector<16xf32>
        %parallel_loop3A_547 = arith.addf %parallel_loop3A_544, %parallel_loop3A_546 : vector<16xf32>
        %parallel_loop3A_548 = arith.constant 4 : i32
        %parallel_loop3A_549 = arith.index_cast %parallel_loop3A_548 : i32 to index
        %parallel_loop3A_550 = arith.index_cast %parallel_loop3A_518 : i32 to index
        %parallel_loop3A_551 = arith.constant 16 : index
        %parallel_loop3A_552 = tpu.vector_load %arg9[%parallel_loop3A_549, %parallel_loop3A_550, %parallel_loop3A_551] {strides = array<i32>} : memref<5x80x128xf32, #tpu.memory_space<vmem>>, vector<16xf32>,
        tpu.vector_store %arg9[%parallel_loop3A_549, %parallel_loop3A_550, %parallel_loop3A_551], %parallel_loop3A_547 {strides = array<i32>} : memref<5x80x128xf32, #tpu.memory_space<vmem>>, vector<16xf32>,
        %parallel_loop3A_553 = arith.constant 4 : i32
        %parallel_loop3A_554 = arith.index_cast %parallel_loop3A_553 : i32 to index
        %parallel_loop3A_555 = arith.index_cast %parallel_loop3A_518 : i32 to index
        %parallel_loop3A_556 = arith.constant 16 : index
        %parallel_loop3A_557 = tpu.vector_load %arg7[%parallel_loop3A_554, %parallel_loop3A_555, %parallel_loop3A_556] {strides = array<i32>} : memref<5x80x64xi32, #tpu.memory_space<vmem>>, vector<16xi32>,
        %parallel_loop3A_558 = arith.constant 4 : i32
        %parallel_loop3A_559 = arith.index_cast %parallel_loop3A_558 : i32 to index
        %parallel_loop3A_560 = arith.index_cast %parallel_loop3A_518 : i32 to index
        %parallel_loop3A_561 = arith.constant 16 : index
        %parallel_loop3A_562 = tpu.vector_load %arg8[%parallel_loop3A_559, %parallel_loop3A_560, %parallel_loop3A_561] {strides = array<i32>} : memref<5x80x64xi32, #tpu.memory_space<vmem>>, vector<16xi32>,
        %parallel_loop3A_563 = arith.constant 16 : i32
        %parallel_loop3A_564 = vector.broadcast %parallel_loop3A_563 : i32 to vector<16xi32>
        %parallel_loop3A_565 = arith.shli %parallel_loop3A_557, %parallel_loop3A_564 : vector<16xi32>
        %parallel_loop3A_566 = vector.bitcast %parallel_loop3A_565 : vector<16xi32> to vector<16xf32>
        %parallel_loop3A_567 = arith.constant 16 : i32
        %parallel_loop3A_568 = vector.broadcast %parallel_loop3A_567 : i32 to vector<16xi32>
        %parallel_loop3A_569 = arith.shli %parallel_loop3A_562, %parallel_loop3A_568 : vector<16xi32>
        %parallel_loop3A_570 = vector.bitcast %parallel_loop3A_569 : vector<16xi32> to vector<16xf32>
        %parallel_loop3A_571 = arith.addf %parallel_loop3A_566, %parallel_loop3A_570 : vector<16xf32>
        %parallel_loop3A_572 = arith.constant 4 : i32
        %parallel_loop3A_573 = arith.index_cast %parallel_loop3A_572 : i32 to index
        %parallel_loop3A_574 = arith.index_cast %parallel_loop3A_518 : i32 to index
        %parallel_loop3A_575 = arith.constant 32 : index
        %parallel_loop3A_576 = tpu.vector_load %arg9[%parallel_loop3A_573, %parallel_loop3A_574, %parallel_loop3A_575] {strides = array<i32>} : memref<5x80x128xf32, #tpu.memory_space<vmem>>, vector<16xf32>,
        tpu.vector_store %arg9[%parallel_loop3A_573, %parallel_loop3A_574, %parallel_loop3A_575], %parallel_loop3A_571 {strides = array<i32>} : memref<5x80x128xf32, #tpu.memory_space<vmem>>, vector<16xf32>,
        %parallel_loop3A_577 = arith.andi %parallel_loop3A_557, %broadcast_in_dim3A_4 : vector<16xi32>
        %parallel_loop3A_578 = vector.bitcast %parallel_loop3A_577 : vector<16xi32> to vector<16xf32>
        %parallel_loop3A_579 = arith.andi %parallel_loop3A_562, %broadcast_in_dim3A_4 : vector<16xi32>
        %parallel_loop3A_580 = vector.bitcast %parallel_loop3A_579 : vector<16xi32> to vector<16xf32>
        %parallel_loop3A_581 = arith.addf %parallel_loop3A_578, %parallel_loop3A_580 : vector<16xf32>
        %parallel_loop3A_582 = arith.constant 4 : i32
        %parallel_loop3A_583 = arith.index_cast %parallel_loop3A_582 : i32 to index
        %parallel_loop3A_584 = arith.index_cast %parallel_loop3A_518 : i32 to index
        %parallel_loop3A_585 = arith.constant 48 : index
        %parallel_loop3A_586 = tpu.vector_load %arg9[%parallel_loop3A_583, %parallel_loop3A_584, %parallel_loop3A_585] {strides = array<i32>} : memref<5x80x128xf32, #tpu.memory_space<vmem>>, vector<16xf32>,
        tpu.vector_store %arg9[%parallel_loop3A_583, %parallel_loop3A_584, %parallel_loop3A_585], %parallel_loop3A_581 {strides = array<i32>} : memref<5x80x128xf32, #tpu.memory_space<vmem>>, vector<16xf32>,
        %parallel_loop3A_587 = arith.constant 4 : i32
        %parallel_loop3A_588 = arith.index_cast %parallel_loop3A_587 : i32 to index
        %parallel_loop3A_589 = arith.index_cast %parallel_loop3A_518 : i32 to index
        %parallel_loop3A_590 = arith.constant 32 : index
        %parallel_loop3A_591 = tpu.vector_load %arg7[%parallel_loop3A_588, %parallel_loop3A_589, %parallel_loop3A_590] {strides = array<i32>} : memref<5x80x64xi32, #tpu.memory_space<vmem>>, vector<16xi32>,
        %parallel_loop3A_592 = arith.constant 4 : i32
        %parallel_loop3A_593 = arith.index_cast %parallel_loop3A_592 : i32 to index
        %parallel_loop3A_594 = arith.index_cast %parallel_loop3A_518 : i32 to index
        %parallel_loop3A_595 = arith.constant 32 : index
        %parallel_loop3A_596 = tpu.vector_load %arg8[%parallel_loop3A_593, %parallel_loop3A_594, %parallel_loop3A_595] {strides = array<i32>} : memref<5x80x64xi32, #tpu.memory_space<vmem>>, vector<16xi32>,
        %parallel_loop3A_597 = arith.constant 16 : i32
        %parallel_loop3A_598 = vector.broadcast %parallel_loop3A_597 : i32 to vector<16xi32>
        %parallel_loop3A_599 = arith.shli %parallel_loop3A_591, %parallel_loop3A_598 : vector<16xi32>
        %parallel_loop3A_600 = vector.bitcast %parallel_loop3A_599 : vector<16xi32> to vector<16xf32>
        %parallel_loop3A_601 = arith.constant 16 : i32
        %parallel_loop3A_602 = vector.broadcast %parallel_loop3A_601 : i32 to vector<16xi32>
        %parallel_loop3A_603 = arith.shli %parallel_loop3A_596, %parallel_loop3A_602 : vector<16xi32>
        %parallel_loop3A_604 = vector.bitcast %parallel_loop3A_603 : vector<16xi32> to vector<16xf32>
        %parallel_loop3A_605 = arith.addf %parallel_loop3A_600, %parallel_loop3A_604 : vector<16xf32>
        %parallel_loop3A_606 = arith.constant 4 : i32
        %parallel_loop3A_607 = arith.index_cast %parallel_loop3A_606 : i32 to index
        %parallel_loop3A_608 = arith.index_cast %parallel_loop3A_518 : i32 to index
        %parallel_loop3A_609 = arith.constant 64 : index
        %parallel_loop3A_610 = tpu.vector_load %arg9[%parallel_loop3A_607, %parallel_loop3A_608, %parallel_loop3A_609] {strides = array<i32>} : memref<5x80x128xf32, #tpu.memory_space<vmem>>, vector<16xf32>,
        tpu.vector_store %arg9[%parallel_loop3A_607, %parallel_loop3A_608, %parallel_loop3A_609], %parallel_loop3A_605 {strides = array<i32>} : memref<5x80x128xf32, #tpu.memory_space<vmem>>, vector<16xf32>,
        %parallel_loop3A_611 = arith.andi %parallel_loop3A_591, %broadcast_in_dim3A_4 : vector<16xi32>
        %parallel_loop3A_612 = vector.bitcast %parallel_loop3A_611 : vector<16xi32> to vector<16xf32>
        %parallel_loop3A_613 = arith.andi %parallel_loop3A_596, %broadcast_in_dim3A_4 : vector<16xi32>
        %parallel_loop3A_614 = vector.bitcast %parallel_loop3A_613 : vector<16xi32> to vector<16xf32>
        %parallel_loop3A_615 = arith.addf %parallel_loop3A_612, %parallel_loop3A_614 : vector<16xf32>
        %parallel_loop3A_616 = arith.constant 4 : i32
        %parallel_loop3A_617 = arith.index_cast %parallel_loop3A_616 : i32 to index
        %parallel_loop3A_618 = arith.index_cast %parallel_loop3A_518 : i32 to index
        %parallel_loop3A_619 = arith.constant 80 : index
        %parallel_loop3A_620 = tpu.vector_load %arg9[%parallel_loop3A_617, %parallel_loop3A_618, %parallel_loop3A_619] {strides = array<i32>} : memref<5x80x128xf32, #tpu.memory_space<vmem>>, vector<16xf32>,
        tpu.vector_store %arg9[%parallel_loop3A_617, %parallel_loop3A_618, %parallel_loop3A_619], %parallel_loop3A_615 {strides = array<i32>} : memref<5x80x128xf32, #tpu.memory_space<vmem>>, vector<16xf32>,
        %parallel_loop3A_621 = arith.constant 4 : i32
        %parallel_loop3A_622 = arith.index_cast %parallel_loop3A_621 : i32 to index
        %parallel_loop3A_623 = arith.index_cast %parallel_loop3A_518 : i32 to index
        %parallel_loop3A_624 = arith.constant 48 : index
        %parallel_loop3A_625 = tpu.vector_load %arg7[%parallel_loop3A_622, %parallel_loop3A_623, %parallel_loop3A_624] {strides = array<i32>} : memref<5x80x64xi32, #tpu.memory_space<vmem>>, vector<16xi32>,
        %parallel_loop3A_626 = arith.constant 4 : i32
        %parallel_loop3A_627 = arith.index_cast %parallel_loop3A_626 : i32 to index
        %parallel_loop3A_628 = arith.index_cast %parallel_loop3A_518 : i32 to index
        %parallel_loop3A_629 = arith.constant 48 : index
        %parallel_loop3A_630 = tpu.vector_load %arg8[%parallel_loop3A_627, %parallel_loop3A_628, %parallel_loop3A_629] {strides = array<i32>} : memref<5x80x64xi32, #tpu.memory_space<vmem>>, vector<16xi32>,
        %parallel_loop3A_631 = arith.constant 16 : i32
        %parallel_loop3A_632 = vector.broadcast %parallel_loop3A_631 : i32 to vector<16xi32>
        %parallel_loop3A_633 = arith.shli %parallel_loop3A_625, %parallel_loop3A_632 : vector<16xi32>
        %parallel_loop3A_634 = vector.bitcast %parallel_loop3A_633 : vector<16xi32> to vector<16xf32>
        %parallel_loop3A_635 = arith.constant 16 : i32
        %parallel_loop3A_636 = vector.broadcast %parallel_loop3A_635 : i32 to vector<16xi32>
        %parallel_loop3A_637 = arith.shli %parallel_loop3A_630, %parallel_loop3A_636 : vector<16xi32>
        %parallel_loop3A_638 = vector.bitcast %parallel_loop3A_637 : vector<16xi32> to vector<16xf32>
        %parallel_loop3A_639 = arith.addf %parallel_loop3A_634, %parallel_loop3A_638 : vector<16xf32>
        %parallel_loop3A_640 = arith.constant 4 : i32
        %parallel_loop3A_641 = arith.index_cast %parallel_loop3A_640 : i32 to index
        %parallel_loop3A_642 = arith.index_cast %parallel_loop3A_518 : i32 to index
        %parallel_loop3A_643 = arith.constant 96 : index
        %parallel_loop3A_644 = tpu.vector_load %arg9[%parallel_loop3A_641, %parallel_loop3A_642, %parallel_loop3A_643] {strides = array<i32>} : memref<5x80x128xf32, #tpu.memory_space<vmem>>, vector<16xf32>,
        tpu.vector_store %arg9[%parallel_loop3A_641, %parallel_loop3A_642, %parallel_loop3A_643], %parallel_loop3A_639 {strides = array<i32>} : memref<5x80x128xf32, #tpu.memory_space<vmem>>, vector<16xf32>,
        %parallel_loop3A_645 = arith.andi %parallel_loop3A_625, %broadcast_in_dim3A_4 : vector<16xi32>
        %parallel_loop3A_646 = vector.bitcast %parallel_loop3A_645 : vector<16xi32> to vector<16xf32>
        %parallel_loop3A_647 = arith.andi %parallel_loop3A_630, %broadcast_in_dim3A_4 : vector<16xi32>
        %parallel_loop3A_648 = vector.bitcast %parallel_loop3A_647 : vector<16xi32> to vector<16xf32>
        %parallel_loop3A_649 = arith.addf %parallel_loop3A_646, %parallel_loop3A_648 : vector<16xf32>
        %parallel_loop3A_650 = arith.constant 4 : i32
        %parallel_loop3A_651 = arith.index_cast %parallel_loop3A_650 : i32 to index
        %parallel_loop3A_652 = arith.index_cast %parallel_loop3A_518 : i32 to index
        %parallel_loop3A_653 = arith.constant 112 : index
        %parallel_loop3A_654 = tpu.vector_load %arg9[%parallel_loop3A_651, %parallel_loop3A_652, %parallel_loop3A_653] {strides = array<i32>} : memref<5x80x128xf32, #tpu.memory_space<vmem>>, vector<16xf32>,
        tpu.vector_store %arg9[%parallel_loop3A_651, %parallel_loop3A_652, %parallel_loop3A_653], %parallel_loop3A_649 {strides = array<i32>} : memref<5x80x128xf32, #tpu.memory_space<vmem>>, vector<16xf32>,
      } {sc.loop_unroll_factor = 4 : i64, sc.parallel_access}
      %mul3A_499 = arith.constant 80 : i32
      %mul3A_500 = arith.muli %add3A_443, %mul3A_499 : i32
      %add3A_501 = arith.addi %mul3A_2, %mul3A_500 : i32
      %dma_start3A_502 = arith.constant 4 : i32
      %dma_start3A_503 = arith.constant 4 : i32
      %dma_start3A_504 = arith.constant 0 : i32
      %dma_start3A_505 = arith.constant 0 : i32
      %dma_start3A_506 = tpu.memref_slice %arg9[%dma_start3A_502, %dma_start3A_504, %dma_start3A_505] : memref<5x80x128xf32, #tpu.memory_space<vmem>> -> memref<1x80x128xf32, #tpu.memory_space<vmem>>
      %dma_start3A_507 = tpu.memref_squeeze %dma_start3A_506 : memref<1x80x128xf32, #tpu.memory_space<vmem>> -> memref<80x128xf32, #tpu.memory_space<vmem>>
      %dma_start3A_508 = arith.constant 0 : i32
      %dma_start3A_509 = tpu.memref_slice %arg4[%add3A_501, %dma_start3A_508] : memref<320000x128xf32, #tpu.memory_space<hbm>> -> memref<80x128xf32, #tpu.memory_space<hbm>>
      %dma_start3A_510 = tpu.memref_slice %arg11[%dma_start3A_503] : memref<5x!tpu.dma_semaphore, #tpu.memory_space<semaphore_mem>> -> memref<1x!tpu.dma_semaphore, #tpu.memory_space<semaphore_mem>>
      %dma_start3A_511 = tpu.memref_squeeze %dma_start3A_510 : memref<1x!tpu.dma_semaphore, #tpu.memory_space<semaphore_mem>> -> memref<!tpu.dma_semaphore, #tpu.memory_space<semaphore_mem>>
      %dma_start3A_512 = arith.constant 0 : i32
      %dma_start3A_513 = tpu.memref_slice %arg4[%add3A_501, %dma_start3A_512] : memref<320000x128xf32, #tpu.memory_space<hbm>> -> memref<80x128xf32, #tpu.memory_space<hbm>>
      %dma_start3A_514 = arith.constant 0 : i32
      %dma_start3A_515 = arith.constant 0 : i32
      %dma_start3A_516 = tpu.memref_slice %arg9[%dma_start3A_502, %dma_start3A_514, %dma_start3A_515] : memref<5x80x128xf32, #tpu.memory_space<vmem>> -> memref<1x80x128xf32, #tpu.memory_space<vmem>>
      %dma_start3A_517 = tpu.memref_squeeze %dma_start3A_516 : memref<1x80x128xf32, #tpu.memory_space<vmem>> -> memref<80x128xf32, #tpu.memory_space<vmem>>
      tpu.enqueue_dma source(%dma_start3A_517 : memref<80x128xf32, #tpu.memory_space<vmem>>) target(%dma_start3A_513 : memref<80x128xf32, #tpu.memory_space<hbm>>) target_semaphore(%dma_start3A_511 : memref<!tpu.dma_semaphore, #tpu.memory_space<semaphore_mem>>)
    }
    %scan3A_60 = arith.constant 25 : i32
    %add3A_61 = arith.constant 9840 : i32
    %add3A_62 = arith.addi %mul3A_2, %add3A_61 : i32
    %dma_wait3A = arith.constant 3 : i32
    %dma_wait3A_63 = arith.constant 3 : i32
    %dma_wait3A_64 = arith.constant 0 : i32
    %dma_wait3A_65 = arith.constant 0 : i32
    %dma_wait3A_66 = tpu.memref_slice %arg9[%dma_wait3A, %dma_wait3A_64, %dma_wait3A_65] : memref<5x80x128xf32, #tpu.memory_space<vmem>> -> memref<1x80x128xf32, #tpu.memory_space<vmem>>
    %dma_wait3A_67 = tpu.memref_squeeze %dma_wait3A_66 : memref<1x80x128xf32, #tpu.memory_space<vmem>> -> memref<80x128xf32, #tpu.memory_space<vmem>>
    %dma_wait3A_68 = arith.constant 0 : i32
    %dma_wait3A_69 = tpu.memref_slice %arg4[%add3A_62, %dma_wait3A_68] : memref<320000x128xf32, #tpu.memory_space<hbm>> -> memref<80x128xf32, #tpu.memory_space<hbm>>
    %dma_wait3A_70 = tpu.memref_slice %arg11[%dma_wait3A_63] : memref<5x!tpu.dma_semaphore, #tpu.memory_space<semaphore_mem>> -> memref<1x!tpu.dma_semaphore, #tpu.memory_space<semaphore_mem>>
    %dma_wait3A_71 = tpu.memref_squeeze %dma_wait3A_70 : memref<1x!tpu.dma_semaphore, #tpu.memory_space<semaphore_mem>> -> memref<!tpu.dma_semaphore, #tpu.memory_space<semaphore_mem>>
    %dma_wait3A_72 = arith.constant 0 : i32
    %dma_wait3A_73 = tpu.memref_slice %arg4[%add3A_62, %dma_wait3A_72] : memref<320000x128xf32, #tpu.memory_space<hbm>> -> memref<80x128xf32, #tpu.memory_space<hbm>>
    %dma_wait3A_74 = arith.constant 0 : i32
    %dma_wait3A_75 = arith.constant 0 : i32
    %dma_wait3A_76 = tpu.memref_slice %arg9[%dma_wait3A, %dma_wait3A_74, %dma_wait3A_75] : memref<5x80x128xf32, #tpu.memory_space<vmem>> -> memref<1x80x128xf32, #tpu.memory_space<vmem>>
    %dma_wait3A_77 = tpu.memref_squeeze %dma_wait3A_76 : memref<1x80x128xf32, #tpu.memory_space<vmem>> -> memref<80x128xf32, #tpu.memory_space<vmem>>
    tpu.wait_dma2 semaphore(%dma_wait3A_71 : memref<!tpu.dma_semaphore, #tpu.memory_space<semaphore_mem>>) src(%dma_wait3A_77 : memref<80x128xf32, #tpu.memory_space<vmem>>) dst(%dma_wait3A_73 : memref<80x128xf32, #tpu.memory_space<hbm>>)
    %add3A_78 = arith.constant 9920 : i32
    %add3A_79 = arith.addi %mul3A_2, %add3A_78 : i32
    %dma_wait3A_80 = arith.constant 4 : i32
    %dma_wait3A_81 = arith.constant 4 : i32
    %dma_wait3A_82 = arith.constant 0 : i32
    %dma_wait3A_83 = arith.constant 0 : i32
    %dma_wait3A_84 = tpu.memref_slice %arg9[%dma_wait3A_80, %dma_wait3A_82, %dma_wait3A_83] : memref<5x80x128xf32, #tpu.memory_space<vmem>> -> memref<1x80x128xf32, #tpu.memory_space<vmem>>
    %dma_wait3A_85 = tpu.memref_squeeze %dma_wait3A_84 : memref<1x80x128xf32, #tpu.memory_space<vmem>> -> memref<80x128xf32, #tpu.memory_space<vmem>>
    %dma_wait3A_86 = arith.constant 0 : i32
    %dma_wait3A_87 = tpu.memref_slice %arg4[%add3A_79, %dma_wait3A_86] : memref<320000x128xf32, #tpu.memory_space<hbm>> -> memref<80x128xf32, #tpu.memory_space<hbm>>
    %dma_wait3A_88 = tpu.memref_slice %arg11[%dma_wait3A_81] : memref<5x!tpu.dma_semaphore, #tpu.memory_space<semaphore_mem>> -> memref<1x!tpu.dma_semaphore, #tpu.memory_space<semaphore_mem>>
    %dma_wait3A_89 = tpu.memref_squeeze %dma_wait3A_88 : memref<1x!tpu.dma_semaphore, #tpu.memory_space<semaphore_mem>> -> memref<!tpu.dma_semaphore, #tpu.memory_space<semaphore_mem>>
    %dma_wait3A_90 = arith.constant 0 : i32
    %dma_wait3A_91 = tpu.memref_slice %arg4[%add3A_79, %dma_wait3A_90] : memref<320000x128xf32, #tpu.memory_space<hbm>> -> memref<80x128xf32, #tpu.memory_space<hbm>>
    %dma_wait3A_92 = arith.constant 0 : i32
    %dma_wait3A_93 = arith.constant 0 : i32
    %dma_wait3A_94 = tpu.memref_slice %arg9[%dma_wait3A_80, %dma_wait3A_92, %dma_wait3A_93] : memref<5x80x128xf32, #tpu.memory_space<vmem>> -> memref<1x80x128xf32, #tpu.memory_space<vmem>>
    %dma_wait3A_95 = tpu.memref_squeeze %dma_wait3A_94 : memref<1x80x128xf32, #tpu.memory_space<vmem>> -> memref<80x128xf32, #tpu.memory_space<vmem>>
    tpu.wait_dma2 semaphore(%dma_wait3A_89 : memref<!tpu.dma_semaphore, #tpu.memory_space<semaphore_mem>>) src(%dma_wait3A_95 : memref<80x128xf32, #tpu.memory_space<vmem>>) dst(%dma_wait3A_91 : memref<80x128xf32, #tpu.memory_space<hbm>>)
    return
  }
}

module attributes {stable_mosaic.version = 14 : i64} {
  func.func @body(%arg0: memref<10000x128xf32, #tpu.memory_space<vmem>>, %arg1: memref<128x128xf32, #tpu.memory_space<vmem>>, %arg2: memref<1x128xf32, #tpu.memory_space<vmem>>, %arg3: memref<10000x64xi32, #tpu.memory_space<vmem>>) attributes {dimension_semantics = [], scalar_prefetch = 0 : i64, scratch_operands = 0 : i64, tpu.core_type = #tpu.core_type<tc>} {
    %get3A = arith.constant 0 : index
    %get3A_0 = arith.constant 0 : index
    %get3A_1 = vector.load %arg0[%get3A, %get3A_0] : memref<10000x128xf32, #tpu.memory_space<vmem>>, vector<10000x128xf32>
    %get3A_2 = arith.constant 0 : index
    %get3A_3 = arith.constant 0 : index
    %get3A_4 = vector.load %arg1[%get3A_2, %get3A_3] : memref<128x128xf32, #tpu.memory_space<vmem>>, vector<128x128xf32>
    %dot_general3A = arith.constant dense<0.000000e+00> : vector<10000x128xf32>
    %dot_general3A_5 = tpu.matmul %get3A_1, %get3A_4, %dot_general3A {dimension_numbers = #tpu.dot_dimension_numbers<[1], [0], [0], [1], [0, 0, 1, 1], [], []>, transpose_lhs_hint = false} : vector<10000x128xf32>, vector<128x128xf32>, vector<10000x128xf32> -> vector<10000x128xf32>
    %get3A_6 = arith.constant 0 : index
    %get3A_7 = arith.constant 0 : index
    %get3A_8 = vector.load %arg2[%get3A_6, %get3A_7] : memref<1x128xf32, #tpu.memory_space<vmem>>, vector<1x128xf32>
    %add3A = vector.broadcast %get3A_8 : vector<1x128xf32> to vector<10000x128xf32>
    %add3A_9 = arith.addf %dot_general3A_5, %add3A : vector<10000x128xf32>
    %convert_element_type3A = arith.truncf %add3A_9 : vector<10000x128xf32> to vector<10000x128xbf16>
    %convert_element_type3A_10 = arith.extf %convert_element_type3A : vector<10000x128xbf16> to vector<10000x128xf32>
    %bitcast_convert_type3A = tpu.bitcast %convert_element_type3A_10 : vector<10000x128xf32> -> vector<10000x128xi32>
    %slice3A = vector.extract_strided_slice %bitcast_convert_type3A {offsets = [0, 0], sizes = [10000, 64], strides = [1, 1]} : vector<10000x128xi32> to vector<10000x64xi32>
    %slice3A_11 = vector.extract_strided_slice %bitcast_convert_type3A {offsets = [0, 64], sizes = [10000, 64], strides = [1, 1]} : vector<10000x128xi32> to vector<10000x64xi32>
    %shift_right_logical3A = arith.constant 16 : i32
    %shift_right_logical3A_12 = vector.broadcast %shift_right_logical3A : i32 to vector<10000x64xi32>
    %shift_right_logical3A_13 = arith.shrui %slice3A, %shift_right_logical3A_12 : vector<10000x64xi32>
    %and3A = arith.constant -65536 : i32
    %and3A_14 = vector.broadcast %and3A : i32 to vector<10000x64xi32>
    %and3A_15 = arith.andi %slice3A_11, %and3A_14 : vector<10000x64xi32>
    %or3A = arith.ori %shift_right_logical3A_13, %and3A_15 : vector<10000x64xi32>
    %swap3A = arith.constant 0 : index
    %swap3A_16 = arith.constant 0 : index
    %swap3A_17 = vector.load %arg3[%swap3A, %swap3A_16] : memref<10000x64xi32, #tpu.memory_space<vmem>>, vector<10000x64xi32>
    tpu.vector_store %arg3[%swap3A, %swap3A_16], %or3A {strides = array<i32>} : memref<10000x64xi32, #tpu.memory_space<vmem>>, vector<10000x64xi32>,
    return
  }
}

</mosaic_0001>

<sc_bundles>
// kernel: kernel.4.cloned.1.call-start
scs
__scs_entry_jumppad:
0x0: {  	(pc) =	sbr.rel $0x88, $3  }
0x1: {  	(tag) =	ssettag $0x0;
	lr =	simm.s32 $0x1  }
0x2: {  	[smem:$0x3F9D] =	sst lr;
	_ =	strace $0xD0000000  }
0x3: {  	_ = 	snop  }
0x4: {  	_ = 	snop  }
0x5: {  	_ = 	snop  }
0x6: {  	_ = 	snop  }
0x7: {  	_ = 	snop  }
__scs_overlays_trampoline_lowered:
0x8: {  	[smem:$0x3FAC] =	sst s0  }
0x9: {  	[smem:$0x3FAD] =	sst s1  }
0xa: {  	[smem:$0x3FAE] =	sst s2  }
0xb: {  	[smem:$0x3FAF] =	sst s3  }
0xc: {  	[smem:$0x3FB0] =	sst s4  }
0xd: {  	[smem:$0x3FB1] =	sst s5  }
0xe: {  	[smem:$0x3FB2] =	sst s6  }
0xf: {  	[smem:$0x3FB3] =	sst s7  }
0x10: {  	[smem:$0x3FB4] =	sst s8  }
0x11: {  	[smem:$0x3FB5] =	sst s9;
	s0 =	simm.s32 @!p0 $0x0  }
0x12: {  	s1 =	sld [smem:$0x3F9B];
	s0 =	simm.s32 @p0 $0x1  }
0x13: {  	[smem:$0x3FB6] =	sst s0;
	s0 =	simm.s32 @!p1 $0x0  }
0x14: {  	s2 =	sld [smem:$0x3F9A];
	s0 =	simm.s32 @p1 $0x1  }
0x15: {  	[smem:$0x3FB7] =	sst s0;
	s0 =	simm.s32 @!p2 $0x0  }
0x16: {  	s3 =	sld [smem:$0x3FDB];
	s0 =	simm.s32 @p2 $0x1  }
0x17: {  	s4 =	simm.s32 $0x1BF5;
	[smem:$0x3FB9] =	sst s0  }
0x18: {  	s0 =	sld [smem:$0x3F9C];
	_ =	swait.ge [sflag:s4], $0x0  }
0x19: {  	s7 =	sld [smem:$0x3F9D]  }
0x1a: {  	s8 =	sadd.s32 $0xFFFFE003, lr  }
0x1b: {  	s9 =	sadd.s32 $0xFFFFFEF7, lr;
	s5 =	simm.s32 $0xFFFFFFFF;
	p2 =	slt.u32 s8, $0xFFFFF086  }
0x1c: {  	p1 =	slt.u32 s9, $0xF7A;
	s5 =	simm.s32 @!p2 $0x0  }
0x1d: {  	s5 =	simm.s32 @p1 $0x1;
	p0 =	seq.s32 s7, s2  }
0x1e: {  	s7 =	smul.u32 @!p0 $0xF7A, s2;
	p2 =	seq.s32 @!p0 s5, $0x0  }
0x1f: {  	s9 =	smul.u32 $0xF7A, s1;
	s8 =	simm.s32 @!p0 $0x1BF5;
	p2 =	por !p2, p0  }
0x20: {  	[sflag:s8] =	ssyncset.s32 @!p0 $0xFFFFF086;
	s6 =	sadd.s32 @!p0 s3, s7;
	s7 =	simm.s32 @!p0 $0x108  }
0x21: {  	s3 =	sadd.s32 s3, s9;
	s6 =	sadd.s32 @!p0 $0x88, s6;
	s7 =	simm.s32 @p2 $0x1082  }
0x22: {  	[simem:s7], [sflag:s8] =	dma.local @!p0 [hbm:s6], $0xF7A  }
0x23: {  	s9 =	sor.u32 $0xD0000000, s2;
	s6 =	simm.s32 $0x108;
	_ =	swait.ge @!p0 [sflag:s8], $0x0  }
0x24: {  	s3 =	sadd.s32 $0x88, s3;
	s6 =	simm.s32 @!p1 $0x1082;
	[sflag:s4] =	ssyncset.s32 $0xFFFFF086  }
0x25: {  	[simem:s6], [sflag:s4] =	dma.local [hbm:s3], $0xF7A  }
0x26: {  	[smem:$0x3F9D] =	sst s1;
	(tag) =	ssettag s2;
	_ =	strace s9  }
0x27: {  	s1 =	sld [smem:$0x3FAD]  }
0x28: {  	s2 =	sld [smem:$0x3FAE]  }
0x29: {  	s4 =	sld [smem:$0x3FB0]  }
0x2a: {  	p0 =	seq.s32 s5, $0x0;
	s5 =	sld [smem:$0x3FB1]  }
0x2b: {  	s6 =	sld [smem:$0x3FB2]  }
0x2c: {  	s7 =	sld [smem:$0x3FB3]  }
0x2d: {  	s3 =	simm.s32 $0x108;
	s8 =	sld [smem:$0x3FB4]  }
0x2e: {  	s3 =	simm.s32 @!p0 $0x1082;
	s9 =	sld [smem:$0x3FB5]  }
0x2f: {  	lr =	sadd.s32 s0, s3;
	s0 =	sld [smem:$0x3FAC]  }
0x30: {  	s3 =	sld [smem:$0x3FAF]  }
0x31: {  	[smem:$0x3FB8] =	sst s10  }
0x32: {  	s10 =	sld [smem:$0x3FB6];
	_ =	sdelay $0x3  }
0x33: {  	p0 =	seq.s32 s10, $0x1;
	s10 =	sld [smem:$0x3FB8];
	_ =	sdelay $0x3  }
0x34: {  	[smem:$0x3FB8] =	sst s10  }
0x35: {  	s10 =	sld [smem:$0x3FB7];
	_ =	sdelay $0x3  }
0x36: {  	p1 =	seq.s32 s10, $0x1;
	s10 =	sld [smem:$0x3FB8];
	_ =	sdelay $0x3  }
0x37: {  	[smem:$0x3FB8] =	sst s10  }
0x38: {  	s10 =	sld [smem:$0x3FB9]  }
0x39: {  	_ = 	snop;
	(pc) =	sbr.ind lr, $3  }
0x3a: {  	_ = 	snop  }
0x3b: {  	_ = 	snop  }
0x3c: {  	p2 =	seq.s32 s10, $0x1;
	s10 =	sld [smem:$0x3FB8]  }
0x3d: {  	_ =	shalt  }
0x3e: {  	_ =	shalt  }
0x3f: {  	_ =	shalt  }
0x40: {  	_ =	shalt  }
0x41: {  	_ =	shalt  }
0x42: {  	_ =	shalt  }
0x43: {  	_ =	shalt  }
0x44: {  	_ =	shalt  }
0x45: {  	_ =	shalt  }
0x46: {  	_ =	shalt  }
0x47: {  	_ =	shalt  }
0x48: {  	_ =	shalt  }
0x49: {  	_ =	shalt  }
0x4a: {  	_ =	shalt  }
0x4b: {  	_ =	shalt  }
0x4c: {  	_ =	shalt  }
0x4d: {  	_ =	shalt  }
0x4e: {  	_ =	shalt  }
0x4f: {  	_ =	shalt  }
0x50: {  	_ =	shalt  }
0x51: {  	_ =	shalt  }
0x52: {  	_ =	shalt  }
0x53: {  	_ =	shalt  }
0x54: {  	_ =	shalt  }
0x55: {  	_ =	shalt  }
0x56: {  	_ =	shalt  }
0x57: {  	_ =	shalt  }
0x58: {  	_ =	shalt  }
0x59: {  	_ =	shalt  }
0x5a: {  	_ =	shalt  }
0x5b: {  	_ =	shalt  }
0x5c: {  	_ =	shalt  }
0x5d: {  	_ =	shalt  }
0x5e: {  	_ =	shalt  }
0x5f: {  	_ =	shalt  }
0x60: {  	_ =	shalt  }
0x61: {  	_ =	shalt  }
0x62: {  	_ =	shalt  }
0x63: {  	_ =	shalt  }
0x64: {  	_ =	shalt  }
0x65: {  	_ =	shalt  }
0x66: {  	_ =	shalt  }
0x67: {  	_ =	shalt  }
0x68: {  	_ =	shalt  }
0x69: {  	_ =	shalt  }
0x6a: {  	_ =	shalt  }
0x6b: {  	_ =	shalt  }
0x6c: {  	_ =	shalt  }
0x6d: {  	_ =	shalt  }
0x6e: {  	_ =	shalt  }
0x6f: {  	_ =	shalt  }
0x70: {  	_ =	shalt  }
0x71: {  	_ =	shalt  }
0x72: {  	_ =	shalt  }
0x73: {  	_ =	shalt  }
0x74: {  	_ =	shalt  }
0x75: {  	_ =	shalt  }
0x76: {  	_ =	shalt  }
0x77: {  	_ =	shalt  }
0x78: {  	_ =	shalt  }
0x79: {  	_ =	shalt  }
0x7a: {  	_ =	shalt  }
0x7b: {  	_ =	shalt  }
0x7c: {  	_ =	shalt  }
0x7d: {  	_ =	shalt  }
0x7e: {  	_ =	shalt  }
0x7f: {  	_ =	shalt  }
0x80: {  	_ =	shalt  }
0x81: {  	_ =	shalt  }
0x82: {  	_ =	shalt  }
0x83: {  	_ =	shalt  }
0x84: {  	_ =	shalt  }
0x85: {  	_ =	shalt  }
0x86: {  	_ =	shalt  }
0x87: {  	_ =	shalt  }
.Lfunc_end0:
.L_simem_size_0:
called_computation_lowered:
.L_overlay_start_0:
0x88: {  	s2 =	sld [smem:$0x3FD9]  }
0x89: {  	s3 =	sld [smem:$0x3FFE];
	_ =	sdelay $0x1  }
0x8a: {  	s1 =	srdreg.scid  }
0x8b: {  	s0 =	sand.u32 $0x1, s1  }
0x8c: {  	s17 =	sshll.u32 s0, $0xA;
	s2 =	sadd.s32 s3, s2  }
0x8d: {  	s2 =	sadd.s32 s2, s17  }
0x8e: {  	[smem:$0x3FC4] =	sst s2  }
0x8f: {  	_ = 	snop  }
0x90: {  	s2 =	sld [smem:$0x3FD0];
	(tm) =	ssettm $0x1  }
0x91: {  	s18 =	sld [smem:$0x3FFB];
	_ =	sdelay $0x3  }
0x92: {  	_ =	strace s18  }
0x93: {  	s3 =	sld [smem:$0x3FFC];
	_ =	sdelay $0x3  }
0x94: {  	_ =	strace s3  }
0x95: {  	s3 =	sld [smem:$0x3FFD];
	_ =	sdelay $0x3  }
0x96: {  	_ =	strace s3  }
0x97: {  	_ =	strace $0x8FFFFFFF  }
0x98: {  	s19 =	sld [smem:$0x3FDB];
	_ =	sdelay $0x1  }
0x99: {  	s4 =	simm.s32 $_scs_section_size  }
0x9a: {  	s5 =	simm.s32 $_size__tile_overlayer_lowered;
	s6 =	simm.s32 $_tile_overlayer_lowered  }
0x9b: {  	s22 =	simm.s32 $0x1BFF;
	s21 =	sshll.u32 s6, $0x1;
	s3 =	sadd.s32 s4, s19  }
0x9c: {  	s7 =	simm.s32 $0x0;
	s20 =	sshll.u32 s5, $0x1;
	s5 =	sadd.s32 s21, s3  }
0x9d: {  	[timem:s7], [sflag:s22] =	dma.local [hbm:s5], s20  }
0x9e: {  	_ =	swait.ge [sflag:s22], s20  }
0x9f: {  	s4 =	ssub.s32 $0x0, s20;
	[sflag:s22] =	ssyncset.done $0x0  }
0xa0: {  	[sflag:s22] =	ssyncadd.s32 s4;
	_ =	sdelay $0x1  }
0xa1: {  	s23 =	simm.s32 $0x1B8B  }
0xa2: {  	_ =	swait.ge [sflag:s23], $0x1  }
0xa3: {  	[sflag:s23] =	ssyncset.done $0x0  }
0xa4: {  	s25 =	simm.s32 $0x1B8E;
	s24 =	sld [smem:$0x3FFE];
	[sflag:s23] =	ssyncadd.s32 $0xFFFFFFFF  }
0xa5: {  	s26 =	simm.s32 $execute0_lowered;
	[smem:$0x3FD2] =	sst s25  }
0xa6: {  	s5 =	sshll.u32 s26, $0x1;
	_ =	strace $0x80000046;
	[dreg:$0x1] =	wrdreg $0xFFFFFFFF  }
0xa7: {  	s28 =	simm.s32 $_size_execute0_lowered;
	s3 =	sadd.s32 s3, s5;
	[dreg:$0x0] =	wrdreg $0x0  }
0xa8: {  	s5 =	sshll.u32 s28, $0x1;
	[dreg:$0x2] =	wrdreg s3  }
0xa9: {  	[dreg:$0x3] =	wrdreg s5  }
0xaa: {  	[dreg:$0x4] =	wrdreg $0xC0  }
0xab: {  	_ =	task [dreg:s7], $0x5FFFF  }
0xac: {  	[dreg:$0x1] =	wrdreg $0xFFFFFFFF  }
0xad: {  	[dreg:$0x0] =	wrdreg $0x60  }
0xae: {  	[dreg:$0x2] =	wrdreg s24  }
0xaf: {  	[dreg:$0x3] =	wrdreg s2  }
0xb0: {  	[dreg:$0x4] =	wrdreg $0x9  }
0xb1: {  	_ =	task.clear_ibuf [dreg:s7], $0x5FFFF;
	_ =	strace $0x90000046  }
0xb2: {  	s29 =	simm.s32 $0x9;
	_ =	strace $0x80000048  }
0xb3: {  	_ =	swait.ge [sflag:s29], $0x1  }
0xb4: {  	[sflag:s29] =	ssyncadd.s32 $0xFFFFFFFF  }
0xb5: {  	_ =	strace $0x90000048  }
0xb6: {  	_ =	sfence  }
0xb7: {  	s30 =	sld [smem:$0x0];
	_ =	sdelay $0x2  }
0xb8: {  	s31 =	sshll.u32 s1, $0xD;
	s1 =	sshrl.u32 s1, $0x2  }
0xb9: {  	s3 =	sand.u32 $0x4000, s31;
	s1 =	sadd.s32 s1, s30  }
0xba: {  	s0 =	sor.u32 s3, s0;
	s1 =	sshll.u32 s1, $0x11  }
0xbb: {  	s0 =	sor.u32 s1, s0  }
0xbc: {  	s0 =	sadd.s32 $0x8F2B, s0  }
0xbd: {  	[sflag:s0] =	ssyncadd.remote.s32 $0x1  }
0xbe: {  	_ =	sfence.sel $0xFFFF  }
0xbf: {  	[dreg:$0x0] =	wrdreg $0xFFFFFFFF;
	(pc) =	sbr.abs _section_cstart, $3  }
0xc0: {  	[dreg:$0x1] =	wrdreg $0xFFFFFFFF  }
0xc1: {  	_ =	task.clear_ibuf [dreg:s7], $0x2FFFF;
	_ =	strace $0x9FFFFFFF  }
0xc2: {  	(tm) =	ssettm $0x7FFFFFFF  }
0xc3: {  	_ =	shalt  }
tec
execute0_lowered:
.L_overlay_start_1:
0x0: {  	(tag) =	ssettag $0x1  }
0x1: {  	s0 =	srdreg.scid;
	s5 =	rddreg [dreg:$0x0]  }
0x2: {  	s1 =	stileid.u32;
	s2 =	rddreg [dreg:$0x1];
	s4 =	simm.s32 $0x0  }
0x3: {  	s12 =	simm.s32 $0x50;
	s20 =	simm.s32 $0x1;
	s24 =	simm.s32 $0x2  }
0x4: {  	s26 =	simm.s32 $0x6;
	s0 =	sand.u32 $0x1, s0;
	s1 =	sshll.u32 s1, $0x1  }
0x5: {  	s30 =	simm.s32 $0x3;
	s14 =	simm.s32 $0x8;
	s1 =	sor.u32 s0, s1  }
0x6: {  	[smem:$0x7FF] =	sst s4;
	s0 =	ssub.s32 $0x2, s0;
	s3 =	smul.u32 $0x2710, s1  }
0x7: {  	s15 =	simm.s32 $0x5;
	_ =	strace $0x80000047;
	s6 =	sshrl.u32 s0, $0x1  }
0x8: {  	s0 =	ssub.s32 s0, s6;
	s1 =	sshrl.u32 s3, $0x3;
	s31 =	sadd.s32 $0x50, s3  }
0x9: {  	s0 =	smax.u32 s0, $0x1;
	s1 =	sadd.s32 s1, s5;
	[dreg:$0x5] =	wrdreg s31  }
0xa: {  	s8 =	simm.s32 $0x0;
	[dreg:$0x6] =	wrdreg s0;
	s29 =	sadd.s32 $0x600, s1  }
0xb: {  	s5 =	sadd.s32 $0x14000, s5;
	s1 =	sadd.s32 $0xA240, s1;
	[dreg:$0x3] =	wrdreg s29  }
0xc: {  	s0 =	simm.s32 $0x4;
	[dreg:$0x4] =	wrdreg s1;
	s1 =	simm.s32 $0x7  }
.LBB2_1:
0xd: {  	[dreg:$0x7] =	wrdreg s8  }
0xe: {  	s6 =	rddreg [dreg:$0x3];
	s7 =	simm.s32 $0xB  }
0xf: {  	[tilespmem:s4], [sflag:$0xB] =	stream.linear.gather [hbm4b:s6+s4], $0x2710, $0x38;
	[tilespmem:$0x1DE20] =	vst v63  }
0x10: {  	_ =	swait.ge [sflag:s7], $0x2710  }
0x11: {  	[sflag:s7] =	ssyncset.done $0x0  }
0x12: {  	s22 =	simm.s32 $0x2710;
	s21 =	rddreg [dreg:$0x4];
	[sflag:s7] =	ssyncadd.s32 $0xFFFFD8F0  }
0x13: {  	[tilespmem:s22], [sflag:$0xB] =	stream.linear.gather [hbm4b:s21+s4], $0x2710, $0x38;
	[tilespmem:$0x1DE20] =	vst v63  }
0x14: {  	_ =	swait.ge [sflag:s7], $0x2710  }
0x15: {  	[sflag:s7] =	ssyncset.done $0x0  }
0x16: {  	s23 =	simm.s32 $0x4E20;
	[sflag:s7] =	ssyncadd.s32 $0xFFFFD8F0  }
0x17: {  	[tilespmem:s23], [sflag:$0x1] =	stream.indirect.gather [hbm4b:s5+s12], $0x40, s4, s12, $0xb8;
	[tilespmem:$0x1DE20] =	vst v63  }
0x18: {  	s25 =	simm.s32 $0xB220  }
0x19: {  	[tilespmem:s25], [sflag:$0x1] =	stream.indirect.gather [hbm4b:s5+s12], $0x40, s22, s12, $0xb8;
	[tilespmem:$0x1DE20] =	vst v63  }
0x1a: {  	s28 =	simm.s32 $0x6220  }
0x1b: {  	[tilespmem:s28], [sflag:$0x2] =	stream.indirect.gather [hbm4b:s5+s12], $0x40, s12, s12, $0xb8;
	[tilespmem:$0x1DE20] =	vst v63  }
0x1c: {  	s29 =	simm.s32 $0x2760;
	s31 =	simm.s32 $0xC620;
	s7 =	simm.s32 $0x0  }
0x1d: {  	[tilespmem:s31], [sflag:$0x2] =	stream.indirect.gather [hbm4b:s5+s12], $0x40, s29, s12, $0xb8;
	[tilespmem:$0x1DE20] =	vst v63  }
.LBB2_2:
0x1e: {  	p0 =	seq.s32 s7, $0x0  }
0x1f: {  	s6 =	simm.s32 @!p0 $0x9  }
0x20: {  	s9 =	smul.u32 $0x190, s7;
	_ =	swait.ge @!p0 [sflag:s6], $0x2800  }
0x21: {  	[sflag:s6] =	ssyncset.done @!p0 $0x0  }
0x22: {  	s25 =	simm.s32 $0x7620;
	s11 =	sadd.s32 $0xA0, s9;
	[sflag:s6] =	ssyncadd.s32 @!p0 $0xFFFFD800  }
0x23: {  	[tilespmem:s25], [sflag:$0x3] =	stream.indirect.gather [hbm4b:s5+s12], $0x40, s11, s12, $0xb8;
	[tilespmem:$0x1DE20] =	vst v63  }
0x24: {  	s8 =	simm.s32 $0xDA20;
	s31 =	sadd.s32 $0x27B0, s9  }
0x25: {  	[tilespmem:s8], [sflag:$0x3] =	stream.indirect.gather [hbm4b:s5+s12], $0x40, s31, s12, $0xb8;
	[tilespmem:$0x1DE20] =	vst v63  }
0x26: {  	_ =	swait.ge [sflag:s20], $0x1400  }
0x27: {  	[sflag:s20] =	ssyncset.done $0x0  }
0x28: {  	[sflag:s20] =	ssyncadd.s32 $0xFFFFEC00  }
0x29: {  	_ =	swait.ge [sflag:s20], $0x1400  }
0x2a: {  	[sflag:s20] =	ssyncset.done $0x0  }
0x2b: {  	s19 =	simm.s32 $0xB2A0;
	[sflag:s20] =	ssyncadd.s32 $0xFFFFEC00  }
0x2c: {  	s21 =	simm.s32 $0x4EA0;
	v0 =	vld [tilespmem:s19+$0x40]  }
0x2d: {  	v1 =	vld [tilespmem:s21+$0x40];
	_ =	sdelay $0x4  }
0x2e: {  	v2 =	vand.u32 $0xFFFF0000, v1;
	v3 =	vand.u32 $0xFFFF0000, v0  }
0x2f: {  	v0 =	vshll.u32 v0, $0x10;
	v1 =	vshll.u32 v1, $0x10;
	v2 =	vadd.f32 v3, v2  }
0x30: {  	s18 =	simm.s32 $0x11720;
	v0 =	vadd.f32 v0, v1  }
0x31: {  	v1 =	vld [tilespmem:s21+$0xFFFFFF80];
	[tilespmem:s18+$0x90] =	vst v2  }
0x32: {  	[tilespmem:s18+$0x80] =	vst v0;
	v0 =	vld [tilespmem:s19+$0xFFFFFF80]  }
0x33: {  	v2 =	vld [tilespmem:s19+$0x50]  }
0x34: {  	v3 =	vld [tilespmem:s21+$0x50]  }
0x35: {  	s6 =	simm.s32 $0xB3A0;
	v4 =	vld [tilespmem:s21+$0x0]  }
0x36: {  	s17 =	simm.s32 $0x4FA0;
	v5 =	vld [tilespmem:s6+$0x40]  }
0x37: {  	v8 =	vld [tilespmem:s17+$0x40];
	v6 =	vand.u32 $0xFFFF0000, v1;
	v7 =	vand.u32 $0xFFFF0000, v0  }
0x38: {  	v9 =	vld [tilespmem:s19+$0x0];
	v1 =	vshll.u32 v1, $0x10;
	v0 =	vshll.u32 v0, $0x10;
	v6 =	vadd.f32 v7, v6  }
0x39: {  	v7 =	vld [tilespmem:s19+$0xFFFFFFC0];
	v10 =	vand.u32 $0xFFFF0000, v3;
	v11 =	vand.u32 $0xFFFF0000, v2;
	v0 =	vadd.f32 v0, v1  }
0x3a: {  	v1 =	vld [tilespmem:s21+$0xFFFFFFC0];
	v3 =	vshll.u32 v3, $0x10;
	v2 =	vshll.u32 v2, $0x10;
	[tilespmem:s18+$0xFFFFFF10] =	vst v6;
	v6 =	vadd.f32 v11, v10  }
0x3b: {  	v10 =	vld [tilespmem:s17+$0x0];
	[tilespmem:s18+$0xFFFFFF00] =	vst v0;
	v0 =	vadd.f32 v2, v3  }
0x3c: {  	v3 =	vand.u32 $0xFFFF0000, v8;
	v2 =	vld [tilespmem:s21+$0xFFFFFF90];
	[tilespmem:s18+$0xB0] =	vst v6;
	v6 =	vand.u32 $0xFFFF0000, v5  }
0x3d: {  	v5 =	vshll.u32 v5, $0x10;
	[tilespmem:s18+$0xA0] =	vst v0;
	v0 =	vshll.u32 v8, $0x10;
	v3 =	vadd.f32 v6, v3;
	v6 =	vld [tilespmem:s19+$0xFFFFFF90]  }
0x3e: {  	s10 =	simm.s32 $0x11920;
	v11 =	vld [tilespmem:s17+$0xFFFFFF80];
	v0 =	vadd.f32 v5, v0  }
0x3f: {  	v5 =	vld [tilespmem:s21+$0x60];
	[tilespmem:s10+$0x90] =	vst v3  }
0x40: {  	v8 =	vshll.u32 v9, $0x10;
	v3 =	vld [tilespmem:s19+$0x60];
	[tilespmem:s10+$0x80] =	vst v0  }
0x41: {  	v0 =	vand.u32 $0xFFFF0000, v9;
	v9 =	vshll.u32 v4, $0x10;
	v4 =	vand.u32 $0xFFFF0000, v4;
	v12 =	vld [tilespmem:s6+$0x50]  }
0x42: {  	v0 =	vadd.f32 v0, v4;
	v4 =	vand.u32 $0xFFFF0000, v2;
	v14 =	vld [tilespmem:s17+$0x50];
	v13 =	vand.u32 $0xFFFF0000, v6  }
0x43: {  	v2 =	vshll.u32 v2, $0x10;
	v6 =	vshll.u32 v6, $0x10;
	v4 =	vadd.f32 v13, v4;
	v13 =	vld [tilespmem:s6+$0x0]  }
0x44: {  	v15 =	vshll.u32 v7, $0x10;
	v16 =	vshll.u32 v1, $0x10;
	[tilespmem:s18+$0x10] =	vst v0;
	v0 =	vadd.f32 v6, v2;
	v2 =	vld [tilespmem:s6+$0xFFFFFFC0]  }
0x45: {  	v1 =	vand.u32 $0xFFFF0000, v1;
	v6 =	vand.u32 $0xFFFF0000, v7;
	v7 =	vadd.f32 v8, v9;
	v8 =	vld [tilespmem:s17+$0xFFFFFFC0];
	[tilespmem:s18+$0xFFFFFF30] =	vst v4  }
0x46: {  	v1 =	vadd.f32 v6, v1;
	v6 =	vshll.u32 v3, $0x10;
	v4 =	vshll.u32 v5, $0x10;
	[tilespmem:s18+$0xFFFFFF20] =	vst v0;
	v0 =	vld [tilespmem:s6+$0xFFFFFF80]  }
0x47: {  	v17 =	vand.u32 $0xFFFF0000, v10;
	v3 =	vand.u32 $0xFFFF0000, v3;
	[tilespmem:s18+$0x0] =	vst v7;
	v4 =	vadd.f32 v6, v4;
	v6 =	vld [tilespmem:s21+$0xFFFFFFA0]  }
0x48: {  	v5 =	vand.u32 $0xFFFF0000, v5;
	v7 =	vadd.f32 v15, v16;
	v15 =	vshll.u32 v14, $0x10;
	v9 =	vld [tilespmem:s21+$0x10]  }
0x49: {  	v14 =	vand.u32 $0xFFFF0000, v14;
	v3 =	vadd.f32 v3, v5;
	v5 =	vshll.u32 v11, $0x10;
	[tilespmem:s18+$0xC0] =	vst v4;
	v4 =	vld [tilespmem:s19+$0x10]  }
0x4a: {  	v11 =	vand.u32 $0xFFFF0000, v11;
	[tilespmem:s18+$0xFFFFFF80] =	vst v7;
	v7 =	vld [tilespmem:s19+$0xFFFFFFA0];
	v16 =	vshll.u32 v13, $0x10;
	v13 =	vand.u32 $0xFFFF0000, v13  }
0x4b: {  	v18 =	vshll.u32 v2, $0x10;
	[tilespmem:s18+$0xD0] =	vst v3;
	v3 =	vand.u32 $0xFFFF0000, v12;
	v2 =	vand.u32 $0xFFFF0000, v2  }
0x4c: {  	s29 =	simm.s32 $0xB4A0;
	v13 =	vadd.f32 v13, v17;
	v17 =	vand.u32 $0xFFFF0000, v8;
	v20 =	vand.u32 $0xFFFF0000, v0  }
0x4d: {  	v25 =	vld [tilespmem:s29+$0x0];
	[tilespmem:s18+$0xFFFFFF90] =	vst v1;
	v8 =	vshll.u32 v8, $0x10;
	v0 =	vshll.u32 v0, $0x10;
	v1 =	vadd.f32 v20, v11  }
0x4e: {  	v23 =	vld [tilespmem:s19+$0xFFFFFFD0];
	v0 =	vadd.f32 v0, v5;
	v20 =	vand.u32 $0xFFFF0000, v9;
	v21 =	vand.u32 $0xFFFF0000, v4  }
0x4f: {  	v19 =	vld [tilespmem:s19+$0x70];
	v22 =	vand.u32 $0xFFFF0000, v7;
	[tilespmem:s10+$0xFFFFFF10] =	vst v1;
	v1 =	vand.u32 $0xFFFF0000, v6;
	v20 =	vadd.f32 v21, v20  }
0x50: {  	v11 =	vld [tilespmem:s21+$0xFFFFFFD0];
	v9 =	vshll.u32 v9, $0x10;
	v4 =	vshll.u32 v4, $0x10;
	[tilespmem:s10+$0xFFFFFF00] =	vst v0;
	v22 =	vadd.f32 v22, v1  }
0x51: {  	v5 =	vld [tilespmem:s21+$0x70];
	v7 =	vshll.u32 v7, $0x10;
	v1 =	vadd.f32 v2, v17;
	v4 =	vadd.f32 v4, v9;
	[tilespmem:s18+$0x30] =	vst v20  }
0x52: {  	s13 =	simm.s32 $0x50A0;
	v6 =	vshll.u32 v6, $0x10;
	v21 =	vld [tilespmem:s29+$0x40];
	v2 =	vadd.f32 v18, v8;
	v8 =	vadd.f32 v3, v14;
	[tilespmem:s18+$0xFFFFFF50] =	vst v22  }
0x53: {  	v9 =	vld [tilespmem:s13+$0x40];
	v3 =	vshll.u32 v12, $0x10;
	v7 =	vadd.f32 v7, v6;
	[tilespmem:s18+$0x20] =	vst v4  }
0x54: {  	v12 =	vadd.f32 v3, v15;
	v4 =	vld [tilespmem:s17+$0xFFFFFF90];
	[tilespmem:s10+$0xB0] =	vst v8  }
0x55: {  	v10 =	vshll.u32 v10, $0x10;
	v24 =	vand.u32 $0xFFFF0000, v19;
	[tilespmem:s18+$0xFFFFFF40] =	vst v7;
	v6 =	vld [tilespmem:s21+$0x20]  }
0x56: {  	v3 =	vadd.f32 v16, v10;
	v10 =	vshll.u32 v19, $0x10;
	v8 =	vshll.u32 v5, $0x10;
	[tilespmem:s10+$0xA0] =	vst v12;
	v12 =	vld [tilespmem:s6+$0xFFFFFF90]  }
0x57: {  	v14 =	vand.u32 $0xFFFF0000, v23;
	v8 =	vadd.f32 v10, v8;
	v10 =	vand.u32 $0xFFFF0000, v11;
	v19 =	vld [tilespmem:s19+$0xFFFFFFB0]  }
0x58: {  	v15 =	vld [tilespmem:s17+$0x60];
	v10 =	vadd.f32 v14, v10;
	v16 =	vand.u32 $0xFFFF0000, v9;
	v17 =	vand.u32 $0xFFFF0000, v21  }
0x59: {  	v14 =	vld [tilespmem:s13+$0xFFFFFF80];
	v7 =	vshll.u32 v21, $0x10;
	v9 =	vshll.u32 v9, $0x10;
	v16 =	vadd.f32 v17, v16  }
0x5a: {  	s28 =	simm.s32 $0x11B20;
	[tilespmem:s10+$0x10] =	vst v13;
	v18 =	vshll.u32 v23, $0x10;
	v11 =	vshll.u32 v11, $0x10;
	v17 =	vld [tilespmem:s6+$0x60];
	v7 =	vadd.f32 v7, v9  }
0x5b: {  	v27 =	vand.u32 $0xFFFF0000, v5;
	v11 =	vadd.f32 v18, v11;
	v21 =	vld [tilespmem:s19+$0x20];
	[tilespmem:s28+$0x90] =	vst v16;
	v16 =	vshll.u32 v4, $0x10  }
0x5c: {  	v20 =	vshll.u32 v12, $0x10;
	[tilespmem:s28+$0x80] =	vst v7;
	v4 =	vand.u32 $0xFFFF0000, v4;
	v7 =	vand.u32 $0xFFFF0000, v12;
	v12 =	vld [tilespmem:s21+$0xFFFFFFB0]  }
0x5d: {  	v0 =	vld [tilespmem:s13+$0x0];
	[tilespmem:s18+$0xE0] =	vst v8;
	v9 =	vand.u32 $0xFFFF0000, v6;
	v22 =	vadd.f32 v20, v16;
	v13 =	vadd.f32 v7, v4  }
0x5e: {  	[tilespmem:s18+$0xFFFFFFB0] =	vst v10;
	v16 =	vshll.u32 v15, $0x10;
	v23 =	vld [tilespmem:s13+$0x50];
	v7 =	vand.u32 $0xFFFF0000, v15;
	v15 =	vand.u32 $0xFFFF0000, v19  }
0x5f: {  	[tilespmem:s18+$0xFFFFFFA0] =	vst v11;
	v11 =	vld [tilespmem:s13+$0xFFFFFFC0];
	v20 =	vand.u32 $0xFFFF0000, v14;
	v8 =	vand.u32 $0xFFFF0000, v17;
	v10 =	vshll.u32 v17, $0x10  }
0x60: {  	v4 =	vld [tilespmem:s29+$0x50];
	v17 =	vshll.u32 v21, $0x10;
	[tilespmem:s10+$0xFFFFFF20] =	vst v22;
	v22 =	vand.u32 $0xFFFF0000, v25;
	v18 =	vadd.f32 v8, v7  }
0x61: {  	v8 =	vshll.u32 v19, $0x10;
	v7 =	vld [tilespmem:s29+$0xFFFFFFC0];
	v26 =	vadd.f32 v10, v16;
	v10 =	vshll.u32 v12, $0x10  }
0x62: {  	[tilespmem:s10+$0xFFFFFF30] =	vst v13;
	v16 =	vand.u32 $0xFFFF0000, v21;
	v19 =	vld [tilespmem:s19+$0xFFFFFFE0];
	v13 =	vand.u32 $0xFFFF0000, v12;
	v28 =	vadd.f32 v8, v10  }
0x63: {  	s16 =	simm.s32 $0x8;
	v21 =	vld [tilespmem:s29+$0xFFFFFF80];
	v12 =	vshll.u32 v14, $0x10;
	v10 =	vshll.u32 v23, $0x10;
	v14 =	vand.u32 $0xFFFF0000, v23;
	[tilespmem:s10+$0xC0] =	vst v26  }
0x64: {  	s23 =	simm.s32 $0xB4A0;
	s22 =	simm.s32 $0x11B20;
	s25 =	simm.s32 $0x50A0;
	v8 =	vshll.u32 v25, $0x10;
	v5 =	vadd.f32 v15, v13;
	v15 =	vld [tilespmem:s17+$0xFFFFFFA0];
	v13 =	vadd.f32 v24, v27;
	[tilespmem:s18+$0xFFFFFF60] =	vst v28  }
.LBB2_3:
0x65: {  	s16 =	sadd.s32 $0x4, s16;
	v23 =	vshll.u32 v0, $0x10;
	v0 =	vand.u32 $0xFFFF0000, v0;
	[tilespmem:s10+$0xFFFFFF80] =	vst v2;
	v2 =	vld [tilespmem:s21+$0xFFFFFFE0];
	v6 =	vshll.u32 v6, $0x10  }
0x66: {  	v24 =	vshll.u32 v7, $0x10;
	p1 =	slt.u32 s16, $0x4C;
	v0 =	vadd.f32 v22, v0;
	v22 =	vand.u32 $0xFFFF0000, v4;
	v25 =	vld [tilespmem:s6+$0xFFFFFFA0];
	[tilespmem:s10+$0xD0] =	vst v18  }
0x67: {  	v18 =	vshll.u32 v11, $0x10;
	v11 =	vand.u32 $0xFFFF0000, v11;
	[tilespmem:s10+$0x0] =	vst v3;
	v26 =	vld [tilespmem:s6+$0x70];
	v3 =	vand.u32 $0xFFFF0000, v19  }
0x68: {  	v19 =	vshll.u32 v19, $0x10;
	v27 =	vshll.u32 v21, $0x10;
	v21 =	vand.u32 $0xFFFF0000, v21;
	v28 =	vld [tilespmem:s17+$0x10];
	[tilespmem:s18+$0xF0] =	vst v13  }
0x69: {  	v7 =	vand.u32 $0xFFFF0000, v7;
	v6 =	vadd.f32 v17, v6;
	v13 =	vadd.f32 v21, v20;
	[tilespmem:s10+$0xFFFFFF90] =	vst v1;
	v20 =	vld [tilespmem:s6+$0x10]  }
0x6a: {  	v9 =	vadd.f32 v16, v9;
	v1 =	vadd.f32 v7, v11;
	[tilespmem:s28+$0x10] =	vst v0;
	v7 =	vld [tilespmem:s17+$0xFFFFFFD0];
	v0 =	vshll.u32 v2, $0x10  }
0x6b: {  	v11 =	vadd.f32 v27, v12;
	v12 =	vld [tilespmem:s17+$0x70];
	v16 =	vadd.f32 v19, v0;
	v0 =	vand.u32 $0xFFFF0000, v2  }
0x6c: {  	v2 =	vadd.f32 v24, v18;
	[tilespmem:s28+$0xFFFFFF10] =	vst v13;
	v13 =	vshll.u32 v15, $0x10;
	v0 =	vadd.f32 v3, v0  }
0x6d: {  	s29 =	sadd.s32 $0x100, s29;
	v17 =	vand.u32 $0xFFFF0000, v25;
	v3 =	vshll.u32 v25, $0x10;
	v15 =	vand.u32 $0xFFFF0000, v15;
	v18 =	vld [tilespmem:s6+$0xFFFFFFD0];
	[tilespmem:s18+$0x40] =	vst v6  }
0x6e: {  	v19 =	vadd.f32 v3, v13;
	v3 =	vand.u32 $0xFFFF0000, v28;
	v6 =	vld [tilespmem:s29+$0x40];
	v13 =	vand.u32 $0xFFFF0000, v20;
	[tilespmem:s18+$0x50] =	vst v9  }
0x6f: {  	s13 =	sadd.s32 $0x100, s13;
	v9 =	vadd.f32 v22, v14;
	v14 =	vshll.u32 v20, $0x10;
	v20 =	vadd.f32 v13, v3;
	[tilespmem:s18+$0xFFFFFFD0] =	vst v0;
	v21 =	vld [tilespmem:s19+$0x30]  }
0x70: {  	v3 =	vadd.f32 v8, v23;
	v8 =	vadd.f32 v17, v15;
	v13 =	vand.u32 $0xFFFF0000, v26;
	v0 =	vld [tilespmem:s13+$0x0];
	[tilespmem:s28+$0xFFFFFF00] =	vst v11  }
0x71: {  	v15 =	vshll.u32 v28, $0x10;
	v17 =	vshll.u32 v12, $0x10;
	v11 =	vld [tilespmem:s13+$0x40];
	[tilespmem:s10+$0x30] =	vst v20;
	v20 =	vshll.u32 v26, $0x10  }
0x72: {  	v14 =	vadd.f32 v14, v15;
	v15 =	vadd.f32 v20, v17;
	[tilespmem:s18+$0xFFFFFFC0] =	vst v16;
	v16 =	vld [tilespmem:s21+$0x30]  }
0x73: {  	v4 =	vshll.u32 v4, $0x10;
	[tilespmem:s10+$0xFFFFFF50] =	vst v8;
	v8 =	vld [tilespmem:s21+$0xFFFFFFF0];
	s21 =	smov.u32 s17;
	s17 =	smov.u32 s25;
	s25 =	smov.u32 s13  }
0x74: {  	v4 =	vadd.f32 v4, v10;
	v10 =	vand.u32 $0xFFFF0000, v7;
	v17 =	vand.u32 $0xFFFF0000, v18;
	[tilespmem:s10+$0x20] =	vst v14;
	v14 =	vld [tilespmem:s19+$0xFFFFFFF0];
	s19 =	smov.u32 s6;
	s6 =	smov.u32 s23;
	s23 =	smov.u32 s29  }
0x75: {  	v7 =	vshll.u32 v7, $0x10;
	v20 =	vshll.u32 v6, $0x10;
	v22 =	vld [tilespmem:s17+$0xFFFFFF90];
	[tilespmem:s28+$0xB0] =	vst v9;
	v9 =	vshll.u32 v21, $0x10  }
0x76: {  	v18 =	vshll.u32 v18, $0x10;
	v24 =	vand.u32 $0xFFFF0000, v6;
	v23 =	vand.u32 $0xFFFF0000, v11;
	[tilespmem:s28+$0xA0] =	vst v4;
	v6 =	vld [tilespmem:s21+$0x20]  }
0x77: {  	v4 =	vshll.u32 v11, $0x10;
	v11 =	vadd.f32 v24, v23;
	v23 =	vld [tilespmem:s6+$0xFFFFFF90];
	[tilespmem:s10+$0xE0] =	vst v15;
	v15 =	vshll.u32 v16, $0x10  }
0x78: {  	v21 =	vand.u32 $0xFFFF0000, v21;
	s28 =	sadd.s32 $0x200, s28;
	v4 =	vadd.f32 v20, v4;
	v20 =	vld [tilespmem:s17+$0x60];
	[tilespmem:s10+$0xFFFFFF40] =	vst v19;
	v19 =	vshll.u32 v8, $0x10  }
0x79: {  	v10 =	vadd.f32 v17, v10;
	v24 =	vld [tilespmem:s19+$0xFFFFFFB0];
	[tilespmem:s18+$0xFFFFFF70] =	vst v5;
	v5 =	vadd.f32 v9, v15;
	v9 =	vand.u32 $0xFFFF0000, v16  }
0x7a: {  	v16 =	vand.u32 $0xFFFF0000, v14;
	[tilespmem:s28+$0x90] =	vst v11;
	v11 =	vshll.u32 v22, $0x10;
	v15 =	vld [tilespmem:s6+$0x60];
	v17 =	vadd.f32 v21, v9  }
0x7b: {  	v8 =	vand.u32 $0xFFFF0000, v8;
	v21 =	vld [tilespmem:s13+$0xFFFFFF80];
	[tilespmem:s28+$0x80] =	vst v4;
	v9 =	vand.u32 $0xFFFF0000, v6;
	v4 =	vshll.u32 v14, $0x10  }
0x7c: {  	v22 =	vand.u32 $0xFFFF0000, v22;
	v8 =	vadd.f32 v16, v8;
	v14 =	vshll.u32 v23, $0x10;
	v25 =	vld [tilespmem:s19+$0x20];
	[tilespmem:s18+$0x70] =	vst v17  }
0x7d: {  	v16 =	vadd.f32 v4, v19;
	v14 =	vadd.f32 v14, v11;
	v11 =	vand.u32 $0xFFFF0000, v23;
	v23 =	vld [tilespmem:s21+$0xFFFFFFB0];
	[tilespmem:s18+$0x60] =	vst v5  }
0x7e: {  	v17 =	vadd.f32 v18, v7;
	v4 =	vld [tilespmem:s29+$0x50];
	v5 =	vadd.f32 v11, v22;
	v11 =	vshll.u32 v20, $0x10;
	[tilespmem:s18+$0xFFFFFFF0] =	vst v8  }
0x7f: {  	v7 =	vand.u32 $0xFFFF0000, v20;
	v22 =	vand.u32 $0xFFFF0000, v24;
	v8 =	vld [tilespmem:s13+$0x50];
	v18 =	vand.u32 $0xFFFF0000, v15;
	[tilespmem:s10+$0xFFFFFFB0] =	vst v10  }
0x80: {  	v10 =	vshll.u32 v15, $0x10;
	v15 =	vshll.u32 v24, $0x10;
	v26 =	vld [tilespmem:s29+$0x0];
	v18 =	vadd.f32 v18, v7;
	[tilespmem:s18+$0xFFFFFFE0] =	vst v16;
	s18 =	smov.u32 s10;
	s10 =	smov.u32 s22;
	s22 =	smov.u32 s28  }
.Ltmp0:
0x81: {  	v24 =	vadd.f32 v10, v11;
	v7 =	vld [tilespmem:s29+$0xFFFFFFC0];
	[tilespmem:s18+$0xFFFFFFA0] =	vst v17;
	v17 =	vshll.u32 v25, $0x10;
	v16 =	vand.u32 $0xFFFF0000, v25;
	(pc) =	sbr.rel @p1 .LBB2_3-.Ltmp0, $4  }
0x82: {  	v25 =	vand.u32 $0xFFFF0000, v12;
	v11 =	vld [tilespmem:s13+$0xFFFFFFC0];
	[tilespmem:s10+$0xFFFFFF30] =	vst v5;
	v5 =	vshll.u32 v23, $0x10;
	v23 =	vand.u32 $0xFFFF0000, v23  }
0x83: {  	v20 =	vand.u32 $0xFFFF0000, v21;
	v12 =	vshll.u32 v21, $0x10;
	[tilespmem:s10+$0xFFFFFF20] =	vst v14;
	v27 =	vadd.f32 v15, v5;
	v19 =	vld [tilespmem:s19+$0xFFFFFFE0]  }
0x84: {  	v5 =	vadd.f32 v22, v23;
	v21 =	vld [tilespmem:s29+$0xFFFFFF80];
	v10 =	vshll.u32 v8, $0x10;
	v14 =	vand.u32 $0xFFFF0000, v8;
	[tilespmem:s10+$0xC0] =	vst v24  }
0x85: {  	v13 =	vadd.f32 v13, v25;
	v8 =	vshll.u32 v26, $0x10;
	v22 =	vand.u32 $0xFFFF0000, v26;
	v15 =	vld [tilespmem:s17+$0xFFFFFFA0];
	[tilespmem:s18+$0xFFFFFF60] =	vst v27  }
0x86: {  	[tilespmem:s10+$0xFFFFFF80] =	vst v2  }
0x87: {  	[tilespmem:s10+$0x0] =	vst v3  }
0x88: {  	[tilespmem:s10+$0xD0] =	vst v18  }
0x89: {  	v2 =	vld [tilespmem:s21+$0xFFFFFFE0];
	[tilespmem:s10+$0xFFFFFF90] =	vst v1  }
0x8a: {  	v3 =	vand.u32 $0xFFFF0000, v0;
	v9 =	vadd.f32 v16, v9;
	[tilespmem:s18+$0xFFFFFF70] =	vst v5;
	v18 =	vld [tilespmem:s17+$0x10]  }
0x8b: {  	v6 =	vshll.u32 v6, $0x10;
	v3 =	vadd.f32 v22, v3;
	[tilespmem:s18+$0xF0] =	vst v13;
	v13 =	vld [tilespmem:s6+$0x10]  }
0x8c: {  	v1 =	vld [tilespmem:s6+$0xFFFFFFA0];
	v0 =	vshll.u32 v0, $0x10;
	v6 =	vadd.f32 v17, v6;
	[tilespmem:s18+$0x50] =	vst v9  }
0x8d: {  	v0 =	vadd.f32 v8, v0;
	[tilespmem:s28+$0x10] =	vst v3;
	v17 =	vshll.u32 v21, $0x10  }
0x8e: {  	v3 =	vand.u32 $0xFFFF0000, v19;
	[tilespmem:s18+$0x40] =	vst v6;
	v12 =	vadd.f32 v17, v12;
	v16 =	vand.u32 $0xFFFF0000, v2  }
0x8f: {  	v9 =	vshll.u32 v19, $0x10;
	[tilespmem:s22+$0x0] =	vst v0;
	v2 =	vshll.u32 v2, $0x10;
	v3 =	vadd.f32 v3, v16  }
0x90: {  	v6 =	vld [tilespmem:s6+$0x70];
	v16 =	vand.u32 $0xFFFF0000, v18;
	v17 =	vand.u32 $0xFFFF0000, v13;
	v2 =	vadd.f32 v9, v2;
	[tilespmem:s28+$0xFFFFFF00] =	vst v12  }
0x91: {  	v19 =	vld [tilespmem:s17+$0x70];
	v9 =	vand.u32 $0xFFFF0000, v15;
	v16 =	vadd.f32 v17, v16;
	v17 =	vand.u32 $0xFFFF0000, v1;
	[tilespmem:s18+$0xFFFFFFD0] =	vst v3  }
0x92: {  	v22 =	vand.u32 $0xFFFF0000, v21;
	v12 =	vshll.u32 v13, $0x10;
	v13 =	vld [tilespmem:s19+$0x30];
	v9 =	vadd.f32 v17, v9;
	[tilespmem:s18+$0xFFFFFFC0] =	vst v2  }
0x93: {  	v20 =	vadd.f32 v22, v20;
	v17 =	vshll.u32 v18, $0x10;
	v2 =	vld [tilespmem:s21+$0x30];
	[tilespmem:s10+$0x30] =	vst v16  }
0x94: {  	v16 =	vand.u32 $0xFFFF0000, v4;
	v12 =	vadd.f32 v12, v17;
	v4 =	vshll.u32 v4, $0x10;
	[tilespmem:s10+$0xFFFFFF50] =	vst v9;
	v9 =	vld [tilespmem:s21+$0xFFFFFFF0]  }
0x95: {  	[tilespmem:s28+$0xFFFFFF10] =	vst v20;
	v14 =	vadd.f32 v16, v14;
	v4 =	vadd.f32 v4, v10;
	v10 =	vld [tilespmem:s19+$0xFFFFFFF0]  }
0x96: {  	v1 =	vshll.u32 v1, $0x10;
	v3 =	vld [tilespmem:s17+$0xFFFFFFD0];
	[tilespmem:s10+$0x20] =	vst v12;
	v12 =	vshll.u32 v15, $0x10  }
0x97: {  	v17 =	vshll.u32 v6, $0x10;
	v16 =	vshll.u32 v19, $0x10;
	v15 =	vld [tilespmem:s6+$0xFFFFFFD0];
	[tilespmem:s28+$0xB0] =	vst v14;
	v1 =	vadd.f32 v1, v12  }
0x98: {  	v16 =	vadd.f32 v17, v16;
	[tilespmem:s28+$0xA0] =	vst v4;
	v4 =	vand.u32 $0xFFFF0000, v13;
	v12 =	vand.u32 $0xFFFF0000, v2  }
0x99: {  	v13 =	vshll.u32 v13, $0x10;
	v2 =	vshll.u32 v2, $0x10;
	[tilespmem:s10+$0xFFFFFF40] =	vst v1;
	v1 =	vadd.f32 v4, v12  }
0x9a: {  	[tilespmem:s10+$0xE0] =	vst v16;
	v16 =	vld [tilespmem:s23+$0xFFFFFF90];
	v2 =	vadd.f32 v13, v2;
	v5 =	vand.u32 $0xFFFF0000, v10;
	v12 =	vand.u32 $0xFFFF0000, v9  }
0x9b: {  	v4 =	vld [tilespmem:s25+$0xFFFFFF90];
	v9 =	vshll.u32 v9, $0x10;
	v10 =	vshll.u32 v10, $0x10;
	v5 =	vadd.f32 v5, v12;
	[tilespmem:s18+$0x70] =	vst v1  }
0x9c: {  	v13 =	vand.u32 $0xFFFF0000, v3;
	v8 =	vld [tilespmem:s17+$0xFFFFFFB0];
	v14 =	vand.u32 $0xFFFF0000, v15;
	[tilespmem:s18+$0x60] =	vst v2;
	v9 =	vadd.f32 v10, v9  }
0x9d: {  	v1 =	vld [tilespmem:s25+$0x60];
	v2 =	vshll.u32 v3, $0x10;
	v3 =	vshll.u32 v15, $0x10;
	v12 =	vadd.f32 v14, v13;
	[tilespmem:s18+$0xFFFFFFF0] =	vst v5  }
0x9e: {  	v10 =	vshll.u32 v11, $0x10;
	v13 =	vld [tilespmem:s6+$0xFFFFFFB0];
	v2 =	vadd.f32 v3, v2;
	v3 =	vshll.u32 v7, $0x10;
	[tilespmem:s18+$0xFFFFFFE0] =	vst v9  }
0x9f: {  	v7 =	vand.u32 $0xFFFF0000, v7;
	v5 =	vld [tilespmem:s23+$0x60];
	v9 =	vand.u32 $0xFFFF0000, v11;
	v3 =	vadd.f32 v3, v10;
	[tilespmem:s10+$0xFFFFFFB0] =	vst v12  }
0xa0: {  	v11 =	vand.u32 $0xFFFF0000, v16;
	[tilespmem:s10+$0xFFFFFFA0] =	vst v2;
	v2 =	vadd.f32 v7, v9;
	v7 =	vand.u32 $0xFFFF0000, v4  }
0xa1: {  	v10 =	vld [tilespmem:s17+$0x20];
	v0 =	vshll.u32 v4, $0x10;
	v4 =	vshll.u32 v16, $0x10;
	v7 =	vadd.f32 v11, v7;
	[tilespmem:s22+$0xFFFFFF80] =	vst v3  }
0xa2: {  	v9 =	vld [tilespmem:s6+$0x20];
	v0 =	vadd.f32 v4, v0;
	[tilespmem:s22+$0xFFFFFF90] =	vst v2  }
0xa3: {  	v3 =	vld [tilespmem:s25+$0x10];
	v12 =	vshll.u32 v13, $0x10;
	[tilespmem:s22+$0xFFFFFF30] =	vst v7;
	v7 =	vshll.u32 v8, $0x10  }
0xa4: {  	v4 =	vshll.u32 v1, $0x10;
	v2 =	vld [tilespmem:s23+$0x10];
	[tilespmem:s22+$0xFFFFFF20] =	vst v0;
	v11 =	vshll.u32 v5, $0x10;
	v0 =	vadd.f32 v12, v7  }
0xa5: {  	v1 =	vand.u32 $0xFFFF0000, v1;
	v5 =	vand.u32 $0xFFFF0000, v5;
	v7 =	vld [tilespmem:s23+$0xFFFFFFD0];
	v4 =	vadd.f32 v11, v4  }
0xa6: {  	v6 =	vand.u32 $0xFFFF0000, v6;
	v11 =	vld [tilespmem:s25+$0xFFFFFFD0];
	v1 =	vadd.f32 v5, v1;
	v5 =	vand.u32 $0xFFFF0000, v19;
	[tilespmem:s10+$0xFFFFFF60] =	vst v0  }
0xa7: {  	v12 =	vld [tilespmem:s6+$0xFFFFFFE0];
	v0 =	vadd.f32 v6, v5;
	v5 =	vshll.u32 v10, $0x10;
	[tilespmem:s22+$0xC0] =	vst v4;
	v4 =	vshll.u32 v9, $0x10  }
0xa8: {  	v14 =	vld [tilespmem:s25+$0xFFFFFFA0];
	[tilespmem:s22+$0xD0] =	vst v1;
	v1 =	vadd.f32 v4, v5;
	v4 =	vand.u32 $0xFFFF0000, v3  }
0xa9: {  	v6 =	vld [tilespmem:s17+$0xFFFFFFE0];
	v5 =	vand.u32 $0xFFFF0000, v2;
	[tilespmem:s10+$0xF0] =	vst v0;
	v0 =	vshll.u32 v2, $0x10;
	v3 =	vshll.u32 v3, $0x10  }
0xaa: {  	v15 =	vld [tilespmem:s23+$0xFFFFFFA0];
	v9 =	vand.u32 $0xFFFF0000, v9;
	v2 =	vadd.f32 v5, v4;
	v0 =	vadd.f32 v0, v3  }
0xab: {  	v4 =	vld [tilespmem:s23+$0x70];
	v3 =	vand.u32 $0xFFFF0000, v7;
	v7 =	vshll.u32 v7, $0x10;
	[tilespmem:s10+$0x40] =	vst v1;
	v1 =	vand.u32 $0xFFFF0000, v11  }
0xac: {  	v5 =	vld [tilespmem:s25+$0x70];
	[tilespmem:s22+$0x30] =	vst v2;
	v2 =	vshll.u32 v11, $0x10;
	v1 =	vadd.f32 v3, v1;
	v3 =	vand.u32 $0xFFFF0000, v10  }
0xad: {  	[tilespmem:s22+$0x20] =	vst v0;
	v11 =	vshll.u32 v14, $0x10;
	v0 =	vadd.f32 v7, v2;
	v2 =	vand.u32 $0xFFFF0000, v12  }
0xae: {  	v3 =	vadd.f32 v9, v3;
	v7 =	vand.u32 $0xFFFF0000, v6;
	v9 =	vld [tilespmem:s25+$0x20];
	v6 =	vshll.u32 v6, $0x10;
	[tilespmem:s22+$0xFFFFFFB0] =	vst v1  }
0xaf: {  	v1 =	vshll.u32 v12, $0x10;
	v2 =	vadd.f32 v2, v7;
	v7 =	vld [tilespmem:s23+$0x20];
	v12 =	vshll.u32 v15, $0x10;
	[tilespmem:s22+$0xFFFFFFA0] =	vst v0  }
0xb0: {  	v0 =	vadd.f32 v1, v6;
	v1 =	vand.u32 $0xFFFF0000, v14;
	v6 =	vand.u32 $0xFFFF0000, v15;
	[tilespmem:s10+$0x50] =	vst v3;
	v3 =	vld [tilespmem:s23+$0xFFFFFFE0]  }
0xb1: {  	[tilespmem:s10+$0xFFFFFFD0] =	vst v2;
	v1 =	vadd.f32 v6, v1;
	v2 =	vshll.u32 v5, $0x10;
	v6 =	vshll.u32 v4, $0x10;
	v10 =	vld [tilespmem:s25+$0xFFFFFFE0]  }
0xb2: {  	v14 =	vld [tilespmem:s6+$0x30];
	v4 =	vand.u32 $0xFFFF0000, v4;
	v5 =	vand.u32 $0xFFFF0000, v5;
	v2 =	vadd.f32 v6, v2;
	[tilespmem:s10+$0xFFFFFFC0] =	vst v0  }
0xb3: {  	v0 =	vand.u32 $0xFFFF0000, v13;
	v6 =	vand.u32 $0xFFFF0000, v8;
	v8 =	vadd.f32 v12, v11;
	v11 =	vld [tilespmem:s17+$0x30];
	[tilespmem:s22+$0xFFFFFF50] =	vst v1  }
0xb4: {  	v0 =	vadd.f32 v0, v6;
	v6 =	vshll.u32 v9, $0x10;
	[tilespmem:s22+$0xE0] =	vst v2;
	v2 =	vshll.u32 v7, $0x10  }
0xb5: {  	v1 =	vld [tilespmem:s17+$0xFFFFFFF0];
	[tilespmem:s22+$0xFFFFFF40] =	vst v8;
	v8 =	vand.u32 $0xFFFF0000, v9;
	v7 =	vand.u32 $0xFFFF0000, v7;
	v2 =	vadd.f32 v2, v6  }
0xb6: {  	v12 =	vld [tilespmem:s6+$0xFFFFFFF0];
	[tilespmem:s10+$0xFFFFFF70] =	vst v0;
	v7 =	vadd.f32 v7, v8;
	v0 =	vand.u32 $0xFFFF0000, v3;
	v8 =	vand.u32 $0xFFFF0000, v10  }
0xb7: {  	v6 =	vld [tilespmem:s23+$0xFFFFFFB0];
	v3 =	vshll.u32 v3, $0x10;
	v10 =	vshll.u32 v10, $0x10;
	v0 =	vadd.f32 v0, v8;
	[tilespmem:s22+$0x40] =	vst v2  }
0xb8: {  	v9 =	vld [tilespmem:s25+$0xFFFFFFB0];
	v2 =	vand.u32 $0xFFFF0000, v14;
	v8 =	vand.u32 $0xFFFF0000, v11;
	v3 =	vadd.f32 v3, v10;
	[tilespmem:s22+$0x50] =	vst v7  }
0xb9: {  	v7 =	vshll.u32 v14, $0x10;
	v10 =	vshll.u32 v11, $0x10;
	v2 =	vadd.f32 v2, v8;
	[tilespmem:s22+$0xFFFFFFD0] =	vst v0;
	v0 =	vld [tilespmem:s23+$0x30]  }
0xba: {  	v4 =	vadd.f32 v4, v5;
	v7 =	vadd.f32 v7, v10;
	[tilespmem:s22+$0xFFFFFFC0] =	vst v3;
	v3 =	vld [tilespmem:s25+$0x30]  }
0xbb: {  	v10 =	vand.u32 $0xFFFF0000, v1;
	v1 =	vshll.u32 v1, $0x10;
	v11 =	vshll.u32 v12, $0x10;
	[tilespmem:s10+$0x70] =	vst v2;
	v2 =	vld [tilespmem:s25+$0xFFFFFFF0]  }
0xbc: {  	[tilespmem:s22+$0xF0] =	vst v4;
	v8 =	vand.u32 $0xFFFF0000, v12;
	v1 =	vadd.f32 v11, v1;
	v11 =	vld [tilespmem:s23+$0xFFFFFFF0]  }
0xbd: {  	v8 =	vadd.f32 v8, v10;
	[tilespmem:s10+$0x60] =	vst v7;
	v7 =	vshll.u32 v6, $0x10;
	v10 =	vshll.u32 v9, $0x10  }
0xbe: {  	v6 =	vand.u32 $0xFFFF0000, v6;
	v7 =	vadd.f32 v7, v10;
	[tilespmem:s10+$0xFFFFFFE0] =	vst v1;
	v1 =	vand.u32 $0xFFFF0000, v9  }
0xbf: {  	[tilespmem:s10+$0xFFFFFFF0] =	vst v8;
	v1 =	vadd.f32 v6, v1;
	v5 =	vand.u32 $0xFFFF0000, v0;
	v6 =	vand.u32 $0xFFFF0000, v3  }
0xc0: {  	[tilespmem:s22+$0xFFFFFF60] =	vst v7;
	v0 =	vshll.u32 v0, $0x10;
	v3 =	vshll.u32 v3, $0x10;
	v4 =	vadd.f32 v5, v6  }
0xc1: {  	[tilespmem:s22+$0xFFFFFF70] =	vst v1;
	v0 =	vadd.f32 v0, v3;
	v1 =	vand.u32 $0xFFFF0000, v11;
	v3 =	vand.u32 $0xFFFF0000, v2  }
0xc2: {  	v2 =	vshll.u32 v2, $0x10;
	v5 =	vshll.u32 v11, $0x10;
	v1 =	vadd.f32 v1, v3;
	[tilespmem:s22+$0x70] =	vst v4  }
0xc3: {  	s21 =	sadd.s32 s3, s9;
	v2 =	vadd.f32 v5, v2;
	[tilespmem:s22+$0x60] =	vst v0  }
0xc4: {  	s6 =	sshll.u32 s21, $0x4;
	[tilespmem:s22+$0xFFFFFFF0] =	vst v1  }
0xc5: {  	s8 =	simm.s32 $0x11620;
	s6 =	sadd.s32 s2, s6;
	[tilespmem:s22+$0xFFFFFFE0] =	vst v2  }
0xc6: {  	[hbm4b:s6+s4] =	stream.linear.scatter [tilespmem:s8], [sflag:$0x6], $0x2800, $0x38;
	[tilespmem:$0x1DE20] =	vst v63  }
0xc7: {  	s6 =	simm.s32 @!p0 $0xA  }
0xc8: {  	_ =	swait.ge @!p0 [sflag:s6], $0x2800  }
0xc9: {  	[sflag:s6] =	ssyncset.done @!p0 $0x0  }
0xca: {  	s17 =	sadd.s32 $0xF0, s9;
	s22 =	simm.s32 $0x8A20;
	[sflag:s6] =	ssyncadd.s32 @!p0 $0xFFFFD800  }
0xcb: {  	[tilespmem:s22], [sflag:$0x4] =	stream.indirect.gather [hbm4b:s5+s12], $0x40, s17, s12, $0xb8;
	[tilespmem:$0x1DE20] =	vst v63  }
0xcc: {  	s23 =	sadd.s32 $0x2800, s9;
	s25 =	simm.s32 $0xEE20  }
0xcd: {  	[tilespmem:s25], [sflag:$0x4] =	stream.indirect.gather [hbm4b:s5+s12], $0x40, s23, s12, $0xb8;
	[tilespmem:$0x1DE20] =	vst v63  }
0xce: {  	_ =	swait.ge [sflag:s24], $0x1400  }
0xcf: {  	[sflag:s24] =	ssyncset.done $0x0  }
0xd0: {  	[sflag:s24] =	ssyncadd.s32 $0xFFFFEC00  }
0xd1: {  	_ =	swait.ge [sflag:s24], $0x1400  }
0xd2: {  	[sflag:s24] =	ssyncset.done $0x0  }
0xd3: {  	s21 =	simm.s32 $0xC710;
	[sflag:s24] =	ssyncadd.s32 $0xFFFFEC00  }
0xd4: {  	s22 =	simm.s32 $0x6310;
	v0 =	vld [tilespmem:s21+$0xFFFFFFD0]  }
0xd5: {  	v1 =	vld [tilespmem:s22+$0xFFFFFFD0];
	_ =	sdelay $0x4  }
0xd6: {  	v2 =	vand.u32 $0xFFFF0000, v1;
	v3 =	vand.u32 $0xFFFF0000, v0  }
0xd7: {  	v0 =	vshll.u32 v0, $0x10;
	v1 =	vshll.u32 v1, $0x10;
	v2 =	vadd.f32 v3, v2  }
0xd8: {  	s19 =	simm.s32 $0x14010;
	v0 =	vadd.f32 v0, v1  }
0xd9: {  	v1 =	vld [tilespmem:s22+$0xFFFFFF10];
	[tilespmem:s19+$0xFFFFFFA0] =	vst v2  }
0xda: {  	[tilespmem:s19+$0xFFFFFF90] =	vst v0;
	v0 =	vld [tilespmem:s21+$0xFFFFFF10]  }
0xdb: {  	v2 =	vld [tilespmem:s21+$0xFFFFFFE0]  }
0xdc: {  	v3 =	vld [tilespmem:s22+$0xFFFFFFE0]  }
0xdd: {  	s6 =	simm.s32 $0xC810;
	v4 =	vld [tilespmem:s22+$0xFFFFFF90]  }
0xde: {  	s18 =	simm.s32 $0x6410;
	v5 =	vld [tilespmem:s6+$0xFFFFFFD0]  }
0xdf: {  	v8 =	vld [tilespmem:s18+$0xFFFFFFD0];
	v6 =	vand.u32 $0xFFFF0000, v1;
	v7 =	vand.u32 $0xFFFF0000, v0  }
0xe0: {  	v9 =	vld [tilespmem:s21+$0xFFFFFF90];
	v1 =	vshll.u32 v1, $0x10;
	v0 =	vshll.u32 v0, $0x10;
	v6 =	vadd.f32 v7, v6  }
0xe1: {  	v7 =	vld [tilespmem:s21+$0xFFFFFF50];
	v10 =	vand.u32 $0xFFFF0000, v3;
	v11 =	vand.u32 $0xFFFF0000, v2;
	v0 =	vadd.f32 v0, v1  }
0xe2: {  	v1 =	vld [tilespmem:s22+$0xFFFFFF50];
	v3 =	vshll.u32 v3, $0x10;
	v2 =	vshll.u32 v2, $0x10;
	[tilespmem:s19+$0xFFFFFE20] =	vst v6;
	v6 =	vadd.f32 v11, v10  }
0xe3: {  	v10 =	vld [tilespmem:s18+$0xFFFFFF90];
	[tilespmem:s19+$0xFFFFFE10] =	vst v0;
	v0 =	vadd.f32 v2, v3  }
0xe4: {  	v3 =	vand.u32 $0xFFFF0000, v8;
	v2 =	vld [tilespmem:s22+$0xFFFFFF20];
	[tilespmem:s19+$0xFFFFFFC0] =	vst v6;
	v6 =	vand.u32 $0xFFFF0000, v5  }
0xe5: {  	v5 =	vshll.u32 v5, $0x10;
	[tilespmem:s19+$0xFFFFFFB0] =	vst v0;
	v0 =	vshll.u32 v8, $0x10;
	v3 =	vadd.f32 v6, v3;
	v6 =	vld [tilespmem:s21+$0xFFFFFF20]  }
0xe6: {  	s10 =	simm.s32 $0x14210;
	v11 =	vld [tilespmem:s18+$0xFFFFFF10];
	v0 =	vadd.f32 v5, v0  }
0xe7: {  	v5 =	vld [tilespmem:s22+$0xFFFFFFF0];
	[tilespmem:s10+$0xFFFFFFA0] =	vst v3  }
0xe8: {  	v8 =	vshll.u32 v9, $0x10;
	v3 =	vld [tilespmem:s21+$0xFFFFFFF0];
	[tilespmem:s10+$0xFFFFFF90] =	vst v0  }
0xe9: {  	v0 =	vand.u32 $0xFFFF0000, v9;
	v9 =	vshll.u32 v4, $0x10;
	v4 =	vand.u32 $0xFFFF0000, v4;
	v12 =	vld [tilespmem:s6+$0xFFFFFFE0]  }
0xea: {  	v0 =	vadd.f32 v0, v4;
	v4 =	vand.u32 $0xFFFF0000, v2;
	v14 =	vld [tilespmem:s18+$0xFFFFFFE0];
	v13 =	vand.u32 $0xFFFF0000, v6  }
0xeb: {  	v2 =	vshll.u32 v2, $0x10;
	v6 =	vshll.u32 v6, $0x10;
	v4 =	vadd.f32 v13, v4;
	v13 =	vld [tilespmem:s6+$0xFFFFFF90]  }
0xec: {  	v15 =	vshll.u32 v7, $0x10;
	v16 =	vshll.u32 v1, $0x10;
	[tilespmem:s19+$0xFFFFFF20] =	vst v0;
	v0 =	vadd.f32 v6, v2;
	v2 =	vld [tilespmem:s6+$0xFFFFFF50]  }
0xed: {  	v1 =	vand.u32 $0xFFFF0000, v1;
	v6 =	vand.u32 $0xFFFF0000, v7;
	v7 =	vadd.f32 v8, v9;
	v8 =	vld [tilespmem:s18+$0xFFFFFF50];
	[tilespmem:s19+$0xFFFFFE40] =	vst v4  }
0xee: {  	v1 =	vadd.f32 v6, v1;
	v6 =	vshll.u32 v3, $0x10;
	v4 =	vshll.u32 v5, $0x10;
	[tilespmem:s19+$0xFFFFFE30] =	vst v0;
	v0 =	vld [tilespmem:s6+$0xFFFFFF10]  }
0xef: {  	v17 =	vand.u32 $0xFFFF0000, v10;
	v3 =	vand.u32 $0xFFFF0000, v3;
	[tilespmem:s19+$0xFFFFFF10] =	vst v7;
	v4 =	vadd.f32 v6, v4;
	v6 =	vld [tilespmem:s22+$0xFFFFFF30]  }
0xf0: {  	v5 =	vand.u32 $0xFFFF0000, v5;
	v7 =	vadd.f32 v15, v16;
	v15 =	vshll.u32 v14, $0x10;
	v9 =	vld [tilespmem:s22+$0xFFFFFFA0]  }
0xf1: {  	v14 =	vand.u32 $0xFFFF0000, v14;
	v3 =	vadd.f32 v3, v5;
	v5 =	vshll.u32 v11, $0x10;
	[tilespmem:s19+$0xFFFFFFD0] =	vst v4;
	v4 =	vld [tilespmem:s21+$0xFFFFFFA0]  }
0xf2: {  	v11 =	vand.u32 $0xFFFF0000, v11;
	[tilespmem:s19+$0xFFFFFE90] =	vst v7;
	v7 =	vld [tilespmem:s21+$0xFFFFFF30];
	v16 =	vshll.u32 v13, $0x10;
	v13 =	vand.u32 $0xFFFF0000, v13  }
0xf3: {  	v18 =	vshll.u32 v2, $0x10;
	[tilespmem:s19+$0xFFFFFFE0] =	vst v3;
	v3 =	vand.u32 $0xFFFF0000, v12;
	v2 =	vand.u32 $0xFFFF0000, v2  }
0xf4: {  	s31 =	simm.s32 $0xC910;
	v13 =	vadd.f32 v13, v17;
	v17 =	vand.u32 $0xFFFF0000, v8;
	v20 =	vand.u32 $0xFFFF0000, v0  }
0xf5: {  	v25 =	vld [tilespmem:s31+$0xFFFFFF90];
	[tilespmem:s19+$0xFFFFFEA0] =	vst v1;
	v8 =	vshll.u32 v8, $0x10;
	v0 =	vshll.u32 v0, $0x10;
	v1 =	vadd.f32 v20, v11  }
0xf6: {  	v23 =	vld [tilespmem:s21+$0xFFFFFF60];
	v0 =	vadd.f32 v0, v5;
	v20 =	vand.u32 $0xFFFF0000, v9;
	v21 =	vand.u32 $0xFFFF0000, v4  }
0xf7: {  	v19 =	vld [tilespmem:s21+$0x0];
	v22 =	vand.u32 $0xFFFF0000, v7;
	[tilespmem:s10+$0xFFFFFE20] =	vst v1;
	v1 =	vand.u32 $0xFFFF0000, v6;
	v20 =	vadd.f32 v21, v20  }
0xf8: {  	v11 =	vld [tilespmem:s22+$0xFFFFFF60];
	v9 =	vshll.u32 v9, $0x10;
	v4 =	vshll.u32 v4, $0x10;
	[tilespmem:s10+$0xFFFFFE10] =	vst v0;
	v22 =	vadd.f32 v22, v1  }
0xf9: {  	v5 =	vld [tilespmem:s22+$0x0];
	v7 =	vshll.u32 v7, $0x10;
	v1 =	vadd.f32 v2, v17;
	v4 =	vadd.f32 v4, v9;
	[tilespmem:s19+$0xFFFFFF40] =	vst v20  }
0xfa: {  	s13 =	simm.s32 $0x6510;
	v6 =	vshll.u32 v6, $0x10;
	v21 =	vld [tilespmem:s31+$0xFFFFFFD0];
	v2 =	vadd.f32 v18, v8;
	v8 =	vadd.f32 v3, v14;
	[tilespmem:s19+$0xFFFFFE60] =	vst v22  }
0xfb: {  	v9 =	vld [tilespmem:s13+$0xFFFFFFD0];
	v3 =	vshll.u32 v12, $0x10;
	v7 =	vadd.f32 v7, v6;
	[tilespmem:s19+$0xFFFFFF30] =	vst v4  }
0xfc: {  	v12 =	vadd.f32 v3, v15;
	v4 =	vld [tilespmem:s18+$0xFFFFFF20];
	[tilespmem:s10+$0xFFFFFFC0] =	vst v8  }
0xfd: {  	v10 =	vshll.u32 v10, $0x10;
	v24 =	vand.u32 $0xFFFF0000, v19;
	[tilespmem:s19+$0xFFFFFE50] =	vst v7;
	v6 =	vld [tilespmem:s22+$0xFFFFFFB0]  }
0xfe: {  	v3 =	vadd.f32 v16, v10;
	v10 =	vshll.u32 v19, $0x10;
	v8 =	vshll.u32 v5, $0x10;
	[tilespmem:s10+$0xFFFFFFB0] =	vst v12;
	v12 =	vld [tilespmem:s6+$0xFFFFFF20]  }
0xff: {  	v14 =	vand.u32 $0xFFFF0000, v23;
	v8 =	vadd.f32 v10, v8;
	v10 =	vand.u32 $0xFFFF0000, v11;
	v19 =	vld [tilespmem:s21+$0xFFFFFF40]  }
0x100: {  	v15 =	vld [tilespmem:s18+$0xFFFFFFF0];
	v10 =	vadd.f32 v14, v10;
	v16 =	vand.u32 $0xFFFF0000, v9;
	v17 =	vand.u32 $0xFFFF0000, v21  }
0x101: {  	v14 =	vld [tilespmem:s13+$0xFFFFFF10];
	v7 =	vshll.u32 v21, $0x10;
	v9 =	vshll.u32 v9, $0x10;
	v16 =	vadd.f32 v17, v16  }
0x102: {  	s29 =	simm.s32 $0x14410;
	[tilespmem:s10+$0xFFFFFF20] =	vst v13;
	v18 =	vshll.u32 v23, $0x10;
	v11 =	vshll.u32 v11, $0x10;
	v17 =	vld [tilespmem:s6+$0xFFFFFFF0];
	v7 =	vadd.f32 v7, v9  }
0x103: {  	v27 =	vand.u32 $0xFFFF0000, v5;
	v11 =	vadd.f32 v18, v11;
	v21 =	vld [tilespmem:s21+$0xFFFFFFB0];
	[tilespmem:s29+$0xFFFFFFA0] =	vst v16;
	v16 =	vshll.u32 v4, $0x10  }
0x104: {  	v20 =	vshll.u32 v12, $0x10;
	[tilespmem:s29+$0xFFFFFF90] =	vst v7;
	v4 =	vand.u32 $0xFFFF0000, v4;
	v7 =	vand.u32 $0xFFFF0000, v12;
	v12 =	vld [tilespmem:s22+$0xFFFFFF40]  }
0x105: {  	v0 =	vld [tilespmem:s13+$0xFFFFFF90];
	[tilespmem:s19+$0xFFFFFFF0] =	vst v8;
	v9 =	vand.u32 $0xFFFF0000, v6;
	v22 =	vadd.f32 v20, v16;
	v13 =	vadd.f32 v7, v4  }
0x106: {  	[tilespmem:s19+$0xFFFFFEC0] =	vst v10;
	v16 =	vshll.u32 v15, $0x10;
	v23 =	vld [tilespmem:s13+$0xFFFFFFE0];
	v7 =	vand.u32 $0xFFFF0000, v15;
	v15 =	vand.u32 $0xFFFF0000, v19  }
0x107: {  	[tilespmem:s19+$0xFFFFFEB0] =	vst v11;
	v11 =	vld [tilespmem:s13+$0xFFFFFF50];
	v20 =	vand.u32 $0xFFFF0000, v14;
	v8 =	vand.u32 $0xFFFF0000, v17;
	v10 =	vshll.u32 v17, $0x10  }
0x108: {  	v4 =	vld [tilespmem:s31+$0xFFFFFFE0];
	v17 =	vshll.u32 v21, $0x10;
	[tilespmem:s10+$0xFFFFFE30] =	vst v22;
	v22 =	vand.u32 $0xFFFF0000, v25;
	v18 =	vadd.f32 v8, v7  }
0x109: {  	v8 =	vshll.u32 v19, $0x10;
	v7 =	vld [tilespmem:s31+$0xFFFFFF50];
	v26 =	vadd.f32 v10, v16;
	v10 =	vshll.u32 v12, $0x10  }
0x10a: {  	[tilespmem:s10+$0xFFFFFE40] =	vst v13;
	v16 =	vand.u32 $0xFFFF0000, v21;
	v19 =	vld [tilespmem:s21+$0xFFFFFF70];
	v13 =	vand.u32 $0xFFFF0000, v12;
	v28 =	vadd.f32 v8, v10  }
0x10b: {  	s16 =	simm.s32 $0x8;
	v21 =	vld [tilespmem:s31+$0xFFFFFF10];
	v12 =	vshll.u32 v14, $0x10;
	v10 =	vshll.u32 v23, $0x10;
	v14 =	vand.u32 $0xFFFF0000, v23;
	[tilespmem:s10+$0xFFFFFFD0] =	vst v26  }
0x10c: {  	s28 =	simm.s32 $0x6510;
	s25 =	simm.s32 $0xC910;
	s23 =	simm.s32 $0x14410;
	v8 =	vshll.u32 v25, $0x10;
	v5 =	vadd.f32 v15, v13;
	v15 =	vld [tilespmem:s18+$0xFFFFFF30];
	v13 =	vadd.f32 v24, v27;
	[tilespmem:s19+$0xFFFFFE70] =	vst v28  }
.LBB2_5:
0x10d: {  	s16 =	sadd.s32 $0x4, s16;
	v23 =	vshll.u32 v0, $0x10;
	v0 =	vand.u32 $0xFFFF0000, v0;
	[tilespmem:s10+$0xFFFFFE90] =	vst v2;
	v2 =	vld [tilespmem:s22+$0xFFFFFF70];
	v6 =	vshll.u32 v6, $0x10  }
0x10e: {  	v24 =	vshll.u32 v7, $0x10;
	p0 =	slt.u32 s16, $0x4C;
	v0 =	vadd.f32 v22, v0;
	v22 =	vand.u32 $0xFFFF0000, v4;
	v25 =	vld [tilespmem:s6+$0xFFFFFF30];
	[tilespmem:s10+$0xFFFFFFE0] =	vst v18  }
0x10f: {  	v18 =	vshll.u32 v11, $0x10;
	v11 =	vand.u32 $0xFFFF0000, v11;
	[tilespmem:s10+$0xFFFFFF10] =	vst v3;
	v26 =	vld [tilespmem:s6+$0x0];
	v3 =	vand.u32 $0xFFFF0000, v19  }
0x110: {  	v19 =	vshll.u32 v19, $0x10;
	v27 =	vshll.u32 v21, $0x10;
	v21 =	vand.u32 $0xFFFF0000, v21;
	v28 =	vld [tilespmem:s18+$0xFFFFFFA0];
	[tilespmem:s19+$0x0] =	vst v13  }
0x111: {  	v7 =	vand.u32 $0xFFFF0000, v7;
	v6 =	vadd.f32 v17, v6;
	v13 =	vadd.f32 v21, v20;
	[tilespmem:s10+$0xFFFFFEA0] =	vst v1;
	v20 =	vld [tilespmem:s6+$0xFFFFFFA0]  }
0x112: {  	v9 =	vadd.f32 v16, v9;
	v1 =	vadd.f32 v7, v11;
	[tilespmem:s29+$0xFFFFFF20] =	vst v0;
	v7 =	vld [tilespmem:s18+$0xFFFFFF60];
	v0 =	vshll.u32 v2, $0x10  }
0x113: {  	v11 =	vadd.f32 v27, v12;
	v12 =	vld [tilespmem:s18+$0x0];
	v16 =	vadd.f32 v19, v0;
	v0 =	vand.u32 $0xFFFF0000, v2  }
0x114: {  	v2 =	vadd.f32 v24, v18;
	[tilespmem:s29+$0xFFFFFE20] =	vst v13;
	v13 =	vshll.u32 v15, $0x10;
	v0 =	vadd.f32 v3, v0  }
0x115: {  	s31 =	sadd.s32 $0x100, s31;
	v17 =	vand.u32 $0xFFFF0000, v25;
	v3 =	vshll.u32 v25, $0x10;
	v15 =	vand.u32 $0xFFFF0000, v15;
	v18 =	vld [tilespmem:s6+$0xFFFFFF60];
	[tilespmem:s19+$0xFFFFFF50] =	vst v6  }
0x116: {  	v19 =	vadd.f32 v3, v13;
	v3 =	vand.u32 $0xFFFF0000, v28;
	v6 =	vld [tilespmem:s31+$0xFFFFFFD0];
	v13 =	vand.u32 $0xFFFF0000, v20;
	[tilespmem:s19+$0xFFFFFF60] =	vst v9  }
0x117: {  	s13 =	sadd.s32 $0x100, s13;
	v9 =	vadd.f32 v22, v14;
	v14 =	vshll.u32 v20, $0x10;
	v20 =	vadd.f32 v13, v3;
	[tilespmem:s19+$0xFFFFFEE0] =	vst v0;
	v21 =	vld [tilespmem:s21+$0xFFFFFFC0]  }
0x118: {  	v3 =	vadd.f32 v8, v23;
	v8 =	vadd.f32 v17, v15;
	v13 =	vand.u32 $0xFFFF0000, v26;
	v0 =	vld [tilespmem:s13+$0xFFFFFF90];
	[tilespmem:s29+$0xFFFFFE10] =	vst v11  }
0x119: {  	v15 =	vshll.u32 v28, $0x10;
	v17 =	vshll.u32 v12, $0x10;
	v11 =	vld [tilespmem:s13+$0xFFFFFFD0];
	[tilespmem:s10+$0xFFFFFF40] =	vst v20;
	v20 =	vshll.u32 v26, $0x10  }
0x11a: {  	v14 =	vadd.f32 v14, v15;
	v15 =	vadd.f32 v20, v17;
	[tilespmem:s19+$0xFFFFFED0] =	vst v16;
	v16 =	vld [tilespmem:s22+$0xFFFFFFC0]  }
0x11b: {  	v4 =	vshll.u32 v4, $0x10;
	[tilespmem:s10+$0xFFFFFE60] =	vst v8;
	v8 =	vld [tilespmem:s22+$0xFFFFFF80];
	s22 =	smov.u32 s18;
	s18 =	smov.u32 s28;
	s28 =	smov.u32 s13  }
0x11c: {  	v4 =	vadd.f32 v4, v10;
	v10 =	vand.u32 $0xFFFF0000, v7;
	v17 =	vand.u32 $0xFFFF0000, v18;
	[tilespmem:s10+$0xFFFFFF30] =	vst v14;
	v14 =	vld [tilespmem:s21+$0xFFFFFF80];
	s21 =	smov.u32 s6;
	s6 =	smov.u32 s25;
	s25 =	smov.u32 s31  }
0x11d: {  	v7 =	vshll.u32 v7, $0x10;
	v20 =	vshll.u32 v6, $0x10;
	v22 =	vld [tilespmem:s18+$0xFFFFFF20];
	[tilespmem:s29+$0xFFFFFFC0] =	vst v9;
	v9 =	vshll.u32 v21, $0x10  }
0x11e: {  	v18 =	vshll.u32 v18, $0x10;
	v24 =	vand.u32 $0xFFFF0000, v6;
	v23 =	vand.u32 $0xFFFF0000, v11;
	[tilespmem:s29+$0xFFFFFFB0] =	vst v4;
	v6 =	vld [tilespmem:s22+$0xFFFFFFB0]  }
0x11f: {  	v4 =	vshll.u32 v11, $0x10;
	v11 =	vadd.f32 v24, v23;
	v23 =	vld [tilespmem:s6+$0xFFFFFF20];
	[tilespmem:s10+$0xFFFFFFF0] =	vst v15;
	v15 =	vshll.u32 v16, $0x10  }
0x120: {  	v21 =	vand.u32 $0xFFFF0000, v21;
	s29 =	sadd.s32 $0x200, s29;
	v4 =	vadd.f32 v20, v4;
	v20 =	vld [tilespmem:s18+$0xFFFFFFF0];
	[tilespmem:s10+$0xFFFFFE50] =	vst v19;
	v19 =	vshll.u32 v8, $0x10  }
0x121: {  	v10 =	vadd.f32 v17, v10;
	v24 =	vld [tilespmem:s21+$0xFFFFFF40];
	[tilespmem:s19+$0xFFFFFE80] =	vst v5;
	v5 =	vadd.f32 v9, v15;
	v9 =	vand.u32 $0xFFFF0000, v16  }
0x122: {  	v16 =	vand.u32 $0xFFFF0000, v14;
	[tilespmem:s29+$0xFFFFFFA0] =	vst v11;
	v11 =	vshll.u32 v22, $0x10;
	v15 =	vld [tilespmem:s6+$0xFFFFFFF0];
	v17 =	vadd.f32 v21, v9  }
0x123: {  	v8 =	vand.u32 $0xFFFF0000, v8;
	v21 =	vld [tilespmem:s13+$0xFFFFFF10];
	[tilespmem:s29+$0xFFFFFF90] =	vst v4;
	v9 =	vand.u32 $0xFFFF0000, v6;
	v4 =	vshll.u32 v14, $0x10  }
0x124: {  	v22 =	vand.u32 $0xFFFF0000, v22;
	v8 =	vadd.f32 v16, v8;
	v14 =	vshll.u32 v23, $0x10;
	v25 =	vld [tilespmem:s21+$0xFFFFFFB0];
	[tilespmem:s19+$0xFFFFFF80] =	vst v17  }
0x125: {  	v16 =	vadd.f32 v4, v19;
	v14 =	vadd.f32 v14, v11;
	v11 =	vand.u32 $0xFFFF0000, v23;
	v23 =	vld [tilespmem:s22+$0xFFFFFF40];
	[tilespmem:s19+$0xFFFFFF70] =	vst v5  }
0x126: {  	v17 =	vadd.f32 v18, v7;
	v4 =	vld [tilespmem:s31+$0xFFFFFFE0];
	v5 =	vadd.f32 v11, v22;
	v11 =	vshll.u32 v20, $0x10;
	[tilespmem:s19+$0xFFFFFF00] =	vst v8  }
0x127: {  	v7 =	vand.u32 $0xFFFF0000, v20;
	v22 =	vand.u32 $0xFFFF0000, v24;
	v8 =	vld [tilespmem:s13+$0xFFFFFFE0];
	v18 =	vand.u32 $0xFFFF0000, v15;
	[tilespmem:s10+$0xFFFFFEC0] =	vst v10  }
0x128: {  	v10 =	vshll.u32 v15, $0x10;
	v15 =	vshll.u32 v24, $0x10;
	v26 =	vld [tilespmem:s31+$0xFFFFFF90];
	v18 =	vadd.f32 v18, v7;
	[tilespmem:s19+$0xFFFFFEF0] =	vst v16;
	s19 =	smov.u32 s10;
	s10 =	smov.u32 s23;
	s23 =	smov.u32 s29  }
.Ltmp1:
0x129: {  	v24 =	vadd.f32 v10, v11;
	v7 =	vld [tilespmem:s31+$0xFFFFFF50];
	[tilespmem:s19+$0xFFFFFEB0] =	vst v17;
	v17 =	vshll.u32 v25, $0x10;
	v16 =	vand.u32 $0xFFFF0000, v25;
	(pc) =	sbr.rel @p0 .LBB2_5-.Ltmp1, $4  }
0x12a: {  	v25 =	vand.u32 $0xFFFF0000, v12;
	v11 =	vld [tilespmem:s13+$0xFFFFFF50];
	[tilespmem:s10+$0xFFFFFE40] =	vst v5;
	v5 =	vshll.u32 v23, $0x10;
	v23 =	vand.u32 $0xFFFF0000, v23  }
0x12b: {  	v20 =	vand.u32 $0xFFFF0000, v21;
	v12 =	vshll.u32 v21, $0x10;
	[tilespmem:s10+$0xFFFFFE30] =	vst v14;
	v27 =	vadd.f32 v15, v5;
	v19 =	vld [tilespmem:s21+$0xFFFFFF70]  }
0x12c: {  	v5 =	vadd.f32 v22, v23;
	v21 =	vld [tilespmem:s31+$0xFFFFFF10];
	v10 =	vshll.u32 v8, $0x10;
	v14 =	vand.u32 $0xFFFF0000, v8;
	[tilespmem:s10+$0xFFFFFFD0] =	vst v24  }
0x12d: {  	v13 =	vadd.f32 v13, v25;
	v8 =	vshll.u32 v26, $0x10;
	v22 =	vand.u32 $0xFFFF0000, v26;
	v15 =	vld [tilespmem:s18+$0xFFFFFF30];
	[tilespmem:s19+$0xFFFFFE70] =	vst v27  }
0x12e: {  	[tilespmem:s10+$0xFFFFFE90] =	vst v2  }
0x12f: {  	[tilespmem:s10+$0xFFFFFF10] =	vst v3  }
0x130: {  	[tilespmem:s10+$0xFFFFFFE0] =	vst v18  }
0x131: {  	v2 =	vld [tilespmem:s22+$0xFFFFFF70];
	[tilespmem:s10+$0xFFFFFEA0] =	vst v1  }
0x132: {  	v3 =	vand.u32 $0xFFFF0000, v0;
	v9 =	vadd.f32 v16, v9;
	[tilespmem:s19+$0xFFFFFE80] =	vst v5;
	v18 =	vld [tilespmem:s18+$0xFFFFFFA0]  }
0x133: {  	v6 =	vshll.u32 v6, $0x10;
	v3 =	vadd.f32 v22, v3;
	[tilespmem:s19+$0x0] =	vst v13;
	v13 =	vld [tilespmem:s6+$0xFFFFFFA0]  }
0x134: {  	v1 =	vld [tilespmem:s6+$0xFFFFFF30];
	v0 =	vshll.u32 v0, $0x10;
	v6 =	vadd.f32 v17, v6;
	[tilespmem:s19+$0xFFFFFF60] =	vst v9  }
0x135: {  	v0 =	vadd.f32 v8, v0;
	[tilespmem:s29+$0xFFFFFF20] =	vst v3;
	v17 =	vshll.u32 v21, $0x10  }
0x136: {  	v3 =	vand.u32 $0xFFFF0000, v19;
	[tilespmem:s19+$0xFFFFFF50] =	vst v6;
	v12 =	vadd.f32 v17, v12;
	v16 =	vand.u32 $0xFFFF0000, v2  }
0x137: {  	v9 =	vshll.u32 v19, $0x10;
	[tilespmem:s23+$0xFFFFFF10] =	vst v0;
	v2 =	vshll.u32 v2, $0x10;
	v3 =	vadd.f32 v3, v16  }
0x138: {  	v6 =	vld [tilespmem:s6+$0x0];
	v16 =	vand.u32 $0xFFFF0000, v18;
	v17 =	vand.u32 $0xFFFF0000, v13;
	v2 =	vadd.f32 v9, v2;
	[tilespmem:s29+$0xFFFFFE10] =	vst v12  }
0x139: {  	v19 =	vld [tilespmem:s18+$0x0];
	v9 =	vand.u32 $0xFFFF0000, v15;
	v16 =	vadd.f32 v17, v16;
	v17 =	vand.u32 $0xFFFF0000, v1;
	[tilespmem:s19+$0xFFFFFEE0] =	vst v3  }
0x13a: {  	v22 =	vand.u32 $0xFFFF0000, v21;
	v12 =	vshll.u32 v13, $0x10;
	v13 =	vld [tilespmem:s21+$0xFFFFFFC0];
	v9 =	vadd.f32 v17, v9;
	[tilespmem:s19+$0xFFFFFED0] =	vst v2  }
0x13b: {  	v20 =	vadd.f32 v22, v20;
	v17 =	vshll.u32 v18, $0x10;
	v2 =	vld [tilespmem:s22+$0xFFFFFFC0];
	[tilespmem:s10+$0xFFFFFF40] =	vst v16  }
0x13c: {  	v16 =	vand.u32 $0xFFFF0000, v4;
	v12 =	vadd.f32 v12, v17;
	v4 =	vshll.u32 v4, $0x10;
	[tilespmem:s10+$0xFFFFFE60] =	vst v9;
	v9 =	vld [tilespmem:s22+$0xFFFFFF80]  }
0x13d: {  	[tilespmem:s29+$0xFFFFFE20] =	vst v20;
	v14 =	vadd.f32 v16, v14;
	v4 =	vadd.f32 v4, v10;
	v10 =	vld [tilespmem:s21+$0xFFFFFF80]  }
0x13e: {  	v1 =	vshll.u32 v1, $0x10;
	v3 =	vld [tilespmem:s18+$0xFFFFFF60];
	[tilespmem:s10+$0xFFFFFF30] =	vst v12;
	v12 =	vshll.u32 v15, $0x10  }
0x13f: {  	v17 =	vshll.u32 v6, $0x10;
	v16 =	vshll.u32 v19, $0x10;
	v15 =	vld [tilespmem:s6+$0xFFFFFF60];
	[tilespmem:s29+$0xFFFFFFC0] =	vst v14;
	v1 =	vadd.f32 v1, v12  }
0x140: {  	v16 =	vadd.f32 v17, v16;
	[tilespmem:s29+$0xFFFFFFB0] =	vst v4;
	v4 =	vand.u32 $0xFFFF0000, v13;
	v12 =	vand.u32 $0xFFFF0000, v2  }
0x141: {  	v13 =	vshll.u32 v13, $0x10;
	v2 =	vshll.u32 v2, $0x10;
	[tilespmem:s10+$0xFFFFFE50] =	vst v1;
	v1 =	vadd.f32 v4, v12  }
0x142: {  	[tilespmem:s10+$0xFFFFFFF0] =	vst v16;
	v16 =	vld [tilespmem:s25+$0xFFFFFF20];
	v2 =	vadd.f32 v13, v2;
	v5 =	vand.u32 $0xFFFF0000, v10;
	v12 =	vand.u32 $0xFFFF0000, v9  }
0x143: {  	v4 =	vld [tilespmem:s28+$0xFFFFFF20];
	v9 =	vshll.u32 v9, $0x10;
	v10 =	vshll.u32 v10, $0x10;
	v5 =	vadd.f32 v5, v12;
	[tilespmem:s19+$0xFFFFFF80] =	vst v1  }
0x144: {  	v13 =	vand.u32 $0xFFFF0000, v3;
	v8 =	vld [tilespmem:s18+$0xFFFFFF40];
	v14 =	vand.u32 $0xFFFF0000, v15;
	[tilespmem:s19+$0xFFFFFF70] =	vst v2;
	v9 =	vadd.f32 v10, v9  }
0x145: {  	v1 =	vld [tilespmem:s28+$0xFFFFFFF0];
	v2 =	vshll.u32 v3, $0x10;
	v3 =	vshll.u32 v15, $0x10;
	v12 =	vadd.f32 v14, v13;
	[tilespmem:s19+$0xFFFFFF00] =	vst v5  }
0x146: {  	v10 =	vshll.u32 v11, $0x10;
	v13 =	vld [tilespmem:s6+$0xFFFFFF40];
	v2 =	vadd.f32 v3, v2;
	v3 =	vshll.u32 v7, $0x10;
	[tilespmem:s19+$0xFFFFFEF0] =	vst v9  }
0x147: {  	v7 =	vand.u32 $0xFFFF0000, v7;
	v5 =	vld [tilespmem:s25+$0xFFFFFFF0];
	v9 =	vand.u32 $0xFFFF0000, v11;
	v3 =	vadd.f32 v3, v10;
	[tilespmem:s10+$0xFFFFFEC0] =	vst v12  }
0x148: {  	v11 =	vand.u32 $0xFFFF0000, v16;
	[tilespmem:s10+$0xFFFFFEB0] =	vst v2;
	v2 =	vadd.f32 v7, v9;
	v7 =	vand.u32 $0xFFFF0000, v4  }
0x149: {  	v10 =	vld [tilespmem:s18+$0xFFFFFFB0];
	v0 =	vshll.u32 v4, $0x10;
	v4 =	vshll.u32 v16, $0x10;
	v7 =	vadd.f32 v11, v7;
	[tilespmem:s23+$0xFFFFFE90] =	vst v3  }
0x14a: {  	v9 =	vld [tilespmem:s6+$0xFFFFFFB0];
	v0 =	vadd.f32 v4, v0;
	[tilespmem:s23+$0xFFFFFEA0] =	vst v2  }
0x14b: {  	v3 =	vld [tilespmem:s28+$0xFFFFFFA0];
	v12 =	vshll.u32 v13, $0x10;
	[tilespmem:s23+$0xFFFFFE40] =	vst v7;
	v7 =	vshll.u32 v8, $0x10  }
0x14c: {  	v4 =	vshll.u32 v1, $0x10;
	v2 =	vld [tilespmem:s25+$0xFFFFFFA0];
	[tilespmem:s23+$0xFFFFFE30] =	vst v0;
	v11 =	vshll.u32 v5, $0x10;
	v0 =	vadd.f32 v12, v7  }
0x14d: {  	v1 =	vand.u32 $0xFFFF0000, v1;
	v5 =	vand.u32 $0xFFFF0000, v5;
	v7 =	vld [tilespmem:s25+$0xFFFFFF60];
	v4 =	vadd.f32 v11, v4  }
0x14e: {  	v6 =	vand.u32 $0xFFFF0000, v6;
	v11 =	vld [tilespmem:s28+$0xFFFFFF60];
	v1 =	vadd.f32 v5, v1;
	v5 =	vand.u32 $0xFFFF0000, v19;
	[tilespmem:s10+$0xFFFFFE70] =	vst v0  }
0x14f: {  	v12 =	vld [tilespmem:s6+$0xFFFFFF70];
	v0 =	vadd.f32 v6, v5;
	v5 =	vshll.u32 v10, $0x10;
	[tilespmem:s23+$0xFFFFFFD0] =	vst v4;
	v4 =	vshll.u32 v9, $0x10  }
0x150: {  	v14 =	vld [tilespmem:s28+$0xFFFFFF30];
	[tilespmem:s23+$0xFFFFFFE0] =	vst v1;
	v1 =	vadd.f32 v4, v5;
	v4 =	vand.u32 $0xFFFF0000, v3  }
0x151: {  	v6 =	vld [tilespmem:s18+$0xFFFFFF70];
	v5 =	vand.u32 $0xFFFF0000, v2;
	[tilespmem:s10+$0x0] =	vst v0;
	v0 =	vshll.u32 v2, $0x10;
	v3 =	vshll.u32 v3, $0x10  }
0x152: {  	v15 =	vld [tilespmem:s25+$0xFFFFFF30];
	v9 =	vand.u32 $0xFFFF0000, v9;
	v2 =	vadd.f32 v5, v4;
	v0 =	vadd.f32 v0, v3  }
0x153: {  	v4 =	vld [tilespmem:s25+$0x0];
	v3 =	vand.u32 $0xFFFF0000, v7;
	v7 =	vshll.u32 v7, $0x10;
	[tilespmem:s10+$0xFFFFFF50] =	vst v1;
	v1 =	vand.u32 $0xFFFF0000, v11  }
0x154: {  	v5 =	vld [tilespmem:s28+$0x0];
	[tilespmem:s23+$0xFFFFFF40] =	vst v2;
	v2 =	vshll.u32 v11, $0x10;
	v1 =	vadd.f32 v3, v1;
	v3 =	vand.u32 $0xFFFF0000, v10  }
0x155: {  	[tilespmem:s23+$0xFFFFFF30] =	vst v0;
	v11 =	vshll.u32 v14, $0x10;
	v0 =	vadd.f32 v7, v2;
	v2 =	vand.u32 $0xFFFF0000, v12  }
0x156: {  	v3 =	vadd.f32 v9, v3;
	v7 =	vand.u32 $0xFFFF0000, v6;
	v9 =	vld [tilespmem:s28+$0xFFFFFFB0];
	v6 =	vshll.u32 v6, $0x10;
	[tilespmem:s23+$0xFFFFFEC0] =	vst v1  }
0x157: {  	v1 =	vshll.u32 v12, $0x10;
	v2 =	vadd.f32 v2, v7;
	v7 =	vld [tilespmem:s25+$0xFFFFFFB0];
	v12 =	vshll.u32 v15, $0x10;
	[tilespmem:s23+$0xFFFFFEB0] =	vst v0  }
0x158: {  	v0 =	vadd.f32 v1, v6;
	v1 =	vand.u32 $0xFFFF0000, v14;
	v6 =	vand.u32 $0xFFFF0000, v15;
	[tilespmem:s10+$0xFFFFFF60] =	vst v3;
	v3 =	vld [tilespmem:s25+$0xFFFFFF70]  }
0x159: {  	[tilespmem:s10+$0xFFFFFEE0] =	vst v2;
	v1 =	vadd.f32 v6, v1;
	v2 =	vshll.u32 v5, $0x10;
	v6 =	vshll.u32 v4, $0x10;
	v10 =	vld [tilespmem:s28+$0xFFFFFF70]  }
0x15a: {  	v4 =	vand.u32 $0xFFFF0000, v4;
	v5 =	vand.u32 $0xFFFF0000, v5;
	v2 =	vadd.f32 v6, v2;
	[tilespmem:s10+$0xFFFFFED0] =	vst v0  }
0x15b: {  	v14 =	vld [tilespmem:s6+$0xFFFFFFC0];
	v0 =	vand.u32 $0xFFFF0000, v13;
	v6 =	vand.u32 $0xFFFF0000, v8;
	v8 =	vadd.f32 v12, v11;
	[tilespmem:s23+$0xFFFFFE60] =	vst v1  }
0x15c: {  	v11 =	vld [tilespmem:s18+$0xFFFFFFC0];
	v0 =	vadd.f32 v0, v6;
	v6 =	vshll.u32 v9, $0x10;
	[tilespmem:s23+$0xFFFFFFF0] =	vst v2;
	v2 =	vshll.u32 v7, $0x10  }
0x15d: {  	v1 =	vld [tilespmem:s18+$0xFFFFFF80];
	[tilespmem:s23+$0xFFFFFE50] =	vst v8;
	v8 =	vand.u32 $0xFFFF0000, v9;
	v7 =	vand.u32 $0xFFFF0000, v7;
	v2 =	vadd.f32 v2, v6  }
0x15e: {  	v12 =	vld [tilespmem:s6+$0xFFFFFF80];
	[tilespmem:s10+$0xFFFFFE80] =	vst v0;
	v7 =	vadd.f32 v7, v8;
	v0 =	vand.u32 $0xFFFF0000, v3;
	v8 =	vand.u32 $0xFFFF0000, v10  }
0x15f: {  	v6 =	vld [tilespmem:s25+$0xFFFFFF40];
	v3 =	vshll.u32 v3, $0x10;
	v10 =	vshll.u32 v10, $0x10;
	v0 =	vadd.f32 v0, v8;
	[tilespmem:s23+$0xFFFFFF50] =	vst v2  }
0x160: {  	v4 =	vadd.f32 v4, v5;
	v9 =	vld [tilespmem:s28+$0xFFFFFF40];
	v2 =	vand.u32 $0xFFFF0000, v14;
	v3 =	vadd.f32 v3, v10;
	[tilespmem:s23+$0xFFFFFF60] =	vst v7  }
0x161: {  	v8 =	vand.u32 $0xFFFF0000, v11;
	v7 =	vshll.u32 v14, $0x10;
	v10 =	vshll.u32 v11, $0x10;
	[tilespmem:s23+$0xFFFFFEE0] =	vst v0;
	v0 =	vld [tilespmem:s25+$0xFFFFFFC0]  }
0x162: {  	v2 =	vadd.f32 v2, v8;
	v7 =	vadd.f32 v7, v10;
	[tilespmem:s23+$0xFFFFFED0] =	vst v3;
	v3 =	vld [tilespmem:s28+$0xFFFFFFC0]  }
0x163: {  	[tilespmem:s23+$0x0] =	vst v4;
	v10 =	vand.u32 $0xFFFF0000, v1;
	v1 =	vshll.u32 v1, $0x10;
	v11 =	vshll.u32 v12, $0x10  }
0x164: {  	v8 =	vand.u32 $0xFFFF0000, v12;
	v1 =	vadd.f32 v11, v1;
	[tilespmem:s10+$0xFFFFFF80] =	vst v2  }
0x165: {  	v8 =	vadd.f32 v8, v10;
	v2 =	vld [tilespmem:s28+$0xFFFFFF80];
	[tilespmem:s10+$0xFFFFFF70] =	vst v7;
	v7 =	vshll.u32 v6, $0x10;
	v10 =	vshll.u32 v9, $0x10  }
0x166: {  	v11 =	vld [tilespmem:s25+$0xFFFFFF80];
	v6 =	vand.u32 $0xFFFF0000, v6;
	v7 =	vadd.f32 v7, v10;
	[tilespmem:s10+$0xFFFFFEF0] =	vst v1;
	v1 =	vand.u32 $0xFFFF0000, v9  }
0x167: {  	[tilespmem:s10+$0xFFFFFF00] =	vst v8;
	v1 =	vadd.f32 v6, v1;
	v5 =	vand.u32 $0xFFFF0000, v0;
	v6 =	vand.u32 $0xFFFF0000, v3  }
0x168: {  	[tilespmem:s23+$0xFFFFFE70] =	vst v7;
	v4 =	vadd.f32 v5, v6  }
0x169: {  	[tilespmem:s23+$0xFFFFFE80] =	vst v1  }
0x16a: {  	v0 =	vshll.u32 v0, $0x10;
	v3 =	vshll.u32 v3, $0x10;
	[tilespmem:s23+$0xFFFFFF80] =	vst v4  }
0x16b: {  	v0 =	vadd.f32 v0, v3;
	v1 =	vand.u32 $0xFFFF0000, v11;
	v3 =	vand.u32 $0xFFFF0000, v2;
	s21 =	rddreg [dreg:$0x5]  }
0x16c: {  	v2 =	vshll.u32 v2, $0x10;
	v5 =	vshll.u32 v11, $0x10;
	v1 =	vadd.f32 v1, v3;
	s6 =	sadd.s32 s9, s21  }
0x16d: {  	v2 =	vadd.f32 v5, v2;
	[tilespmem:s23+$0xFFFFFF70] =	vst v0;
	s6 =	sshll.u32 s6, $0x4  }
0x16e: {  	[tilespmem:s23+$0xFFFFFF00] =	vst v1;
	s6 =	sand.u32 $0x1FFFFF00, s6  }
0x16f: {  	s8 =	simm.s32 $0x13E20;
	[tilespmem:s23+$0xFFFFFEF0] =	vst v2;
	s6 =	sadd.s32 s2, s6  }
0x170: {  	[hbm4b:s6+s4] =	stream.linear.scatter [tilespmem:s8], [sflag:$0x7], $0x2800, $0x38;
	[tilespmem:$0x1DE20] =	vst v63  }
0x171: {  	_ =	swait.ge [sflag:s26], $0x2800  }
0x172: {  	[sflag:s26] =	ssyncset.done $0x0  }
0x173: {  	s22 =	simm.s32 $0x9E20;
	s10 =	sadd.s32 $0x140, s9;
	[sflag:s26] =	ssyncadd.s32 $0xFFFFD800  }
0x174: {  	[tilespmem:s22], [sflag:$0x5] =	stream.indirect.gather [hbm4b:s5+s12], $0x40, s10, s12, $0xb8;
	[tilespmem:$0x1DE20] =	vst v63  }
0x175: {  	s25 =	simm.s32 $0x10220;
	s23 =	sadd.s32 $0x2850, s9  }
0x176: {  	[tilespmem:s25], [sflag:$0x5] =	stream.indirect.gather [hbm4b:s5+s12], $0x40, s23, s12, $0xb8;
	[tilespmem:$0x1DE20] =	vst v63  }
0x177: {  	_ =	swait.ge [sflag:s30], $0x1400  }
0x178: {  	[sflag:s30] =	ssyncset.done $0x0  }
0x179: {  	[sflag:s30] =	ssyncadd.s32 $0xFFFFEC00  }
0x17a: {  	_ =	swait.ge [sflag:s30], $0x1400  }
0x17b: {  	[sflag:s30] =	ssyncset.done $0x0  }
0x17c: {  	s22 =	simm.s32 $0xDB10;
	[sflag:s30] =	ssyncadd.s32 $0xFFFFEC00  }
0x17d: {  	s23 =	simm.s32 $0x7710;
	v0 =	vld [tilespmem:s22+$0xFFFFFFD0]  }
0x17e: {  	v1 =	vld [tilespmem:s23+$0xFFFFFFD0];
	_ =	sdelay $0x4  }
0x17f: {  	v2 =	vand.u32 $0xFFFF0000, v1;
	v3 =	vand.u32 $0xFFFF0000, v0  }
0x180: {  	v0 =	vshll.u32 v0, $0x10;
	v1 =	vshll.u32 v1, $0x10;
	v2 =	vadd.f32 v3, v2  }
0x181: {  	s21 =	simm.s32 $0x16810;
	v0 =	vadd.f32 v0, v1  }
0x182: {  	v1 =	vld [tilespmem:s23+$0xFFFFFF10];
	[tilespmem:s21+$0xFFFFFFA0] =	vst v2  }
0x183: {  	[tilespmem:s21+$0xFFFFFF90] =	vst v0;
	v0 =	vld [tilespmem:s22+$0xFFFFFF10]  }
0x184: {  	v2 =	vld [tilespmem:s22+$0xFFFFFFE0]  }
0x185: {  	v3 =	vld [tilespmem:s23+$0xFFFFFFE0]  }
0x186: {  	s18 =	simm.s32 $0xDC10;
	v4 =	vld [tilespmem:s23+$0xFFFFFF90]  }
0x187: {  	s19 =	simm.s32 $0x7810;
	v5 =	vld [tilespmem:s18+$0xFFFFFFD0]  }
0x188: {  	v8 =	vld [tilespmem:s19+$0xFFFFFFD0];
	v6 =	vand.u32 $0xFFFF0000, v1;
	v7 =	vand.u32 $0xFFFF0000, v0  }
0x189: {  	v9 =	vld [tilespmem:s22+$0xFFFFFF90];
	v1 =	vshll.u32 v1, $0x10;
	v0 =	vshll.u32 v0, $0x10;
	v6 =	vadd.f32 v7, v6  }
0x18a: {  	v7 =	vld [tilespmem:s22+$0xFFFFFF50];
	v10 =	vand.u32 $0xFFFF0000, v3;
	v11 =	vand.u32 $0xFFFF0000, v2;
	v0 =	vadd.f32 v0, v1  }
0x18b: {  	v1 =	vld [tilespmem:s23+$0xFFFFFF50];
	v3 =	vshll.u32 v3, $0x10;
	v2 =	vshll.u32 v2, $0x10;
	[tilespmem:s21+$0xFFFFFE20] =	vst v6;
	v6 =	vadd.f32 v11, v10  }
0x18c: {  	v10 =	vld [tilespmem:s19+$0xFFFFFF90];
	[tilespmem:s21+$0xFFFFFE10] =	vst v0;
	v0 =	vadd.f32 v2, v3  }
0x18d: {  	v3 =	vand.u32 $0xFFFF0000, v8;
	v2 =	vld [tilespmem:s23+$0xFFFFFF20];
	[tilespmem:s21+$0xFFFFFFC0] =	vst v6;
	v6 =	vand.u32 $0xFFFF0000, v5  }
0x18e: {  	v5 =	vshll.u32 v5, $0x10;
	[tilespmem:s21+$0xFFFFFFB0] =	vst v0;
	v0 =	vshll.u32 v8, $0x10;
	v3 =	vadd.f32 v6, v3;
	v6 =	vld [tilespmem:s22+$0xFFFFFF20]  }
0x18f: {  	s6 =	simm.s32 $0x16A10;
	v11 =	vld [tilespmem:s19+$0xFFFFFF10];
	v0 =	vadd.f32 v5, v0  }
0x190: {  	v5 =	vld [tilespmem:s23+$0xFFFFFFF0];
	[tilespmem:s6+$0xFFFFFFA0] =	vst v3  }
0x191: {  	v8 =	vshll.u32 v9, $0x10;
	v3 =	vld [tilespmem:s22+$0xFFFFFFF0];
	[tilespmem:s6+$0xFFFFFF90] =	vst v0  }
0x192: {  	v0 =	vand.u32 $0xFFFF0000, v9;
	v9 =	vshll.u32 v4, $0x10;
	v4 =	vand.u32 $0xFFFF0000, v4;
	v12 =	vld [tilespmem:s18+$0xFFFFFFE0]  }
0x193: {  	v0 =	vadd.f32 v0, v4;
	v4 =	vand.u32 $0xFFFF0000, v2;
	v14 =	vld [tilespmem:s19+$0xFFFFFFE0];
	v13 =	vand.u32 $0xFFFF0000, v6  }
0x194: {  	v2 =	vshll.u32 v2, $0x10;
	v6 =	vshll.u32 v6, $0x10;
	v4 =	vadd.f32 v13, v4;
	v13 =	vld [tilespmem:s18+$0xFFFFFF90]  }
0x195: {  	v15 =	vshll.u32 v7, $0x10;
	v16 =	vshll.u32 v1, $0x10;
	[tilespmem:s21+$0xFFFFFF20] =	vst v0;
	v0 =	vadd.f32 v6, v2;
	v2 =	vld [tilespmem:s18+$0xFFFFFF50]  }
0x196: {  	v1 =	vand.u32 $0xFFFF0000, v1;
	v6 =	vand.u32 $0xFFFF0000, v7;
	v7 =	vadd.f32 v8, v9;
	v8 =	vld [tilespmem:s19+$0xFFFFFF50];
	[tilespmem:s21+$0xFFFFFE40] =	vst v4  }
0x197: {  	v1 =	vadd.f32 v6, v1;
	v6 =	vshll.u32 v3, $0x10;
	v4 =	vshll.u32 v5, $0x10;
	[tilespmem:s21+$0xFFFFFE30] =	vst v0;
	v0 =	vld [tilespmem:s18+$0xFFFFFF10]  }
0x198: {  	v17 =	vand.u32 $0xFFFF0000, v10;
	v3 =	vand.u32 $0xFFFF0000, v3;
	[tilespmem:s21+$0xFFFFFF10] =	vst v7;
	v4 =	vadd.f32 v6, v4;
	v6 =	vld [tilespmem:s23+$0xFFFFFF30]  }
0x199: {  	v5 =	vand.u32 $0xFFFF0000, v5;
	v7 =	vadd.f32 v15, v16;
	v15 =	vshll.u32 v14, $0x10;
	v9 =	vld [tilespmem:s23+$0xFFFFFFA0]  }
0x19a: {  	v14 =	vand.u32 $0xFFFF0000, v14;
	v3 =	vadd.f32 v3, v5;
	v5 =	vshll.u32 v11, $0x10;
	[tilespmem:s21+$0xFFFFFFD0] =	vst v4;
	v4 =	vld [tilespmem:s22+$0xFFFFFFA0]  }
0x19b: {  	v11 =	vand.u32 $0xFFFF0000, v11;
	[tilespmem:s21+$0xFFFFFE90] =	vst v7;
	v7 =	vld [tilespmem:s22+$0xFFFFFF30];
	v16 =	vshll.u32 v13, $0x10;
	v13 =	vand.u32 $0xFFFF0000, v13  }
0x19c: {  	v18 =	vshll.u32 v2, $0x10;
	[tilespmem:s21+$0xFFFFFFE0] =	vst v3;
	v3 =	vand.u32 $0xFFFF0000, v12;
	v2 =	vand.u32 $0xFFFF0000, v2  }
0x19d: {  	s13 =	simm.s32 $0xDD10;
	v13 =	vadd.f32 v13, v17;
	v17 =	vand.u32 $0xFFFF0000, v8;
	v20 =	vand.u32 $0xFFFF0000, v0  }
0x19e: {  	v25 =	vld [tilespmem:s13+$0xFFFFFF90];
	[tilespmem:s21+$0xFFFFFEA0] =	vst v1;
	v8 =	vshll.u32 v8, $0x10;
	v0 =	vshll.u32 v0, $0x10;
	v1 =	vadd.f32 v20, v11  }
0x19f: {  	v23 =	vld [tilespmem:s22+$0xFFFFFF60];
	v0 =	vadd.f32 v0, v5;
	v20 =	vand.u32 $0xFFFF0000, v9;
	v21 =	vand.u32 $0xFFFF0000, v4  }
0x1a0: {  	v19 =	vld [tilespmem:s22+$0x0];
	v22 =	vand.u32 $0xFFFF0000, v7;
	[tilespmem:s6+$0xFFFFFE20] =	vst v1;
	v1 =	vand.u32 $0xFFFF0000, v6;
	v20 =	vadd.f32 v21, v20  }
0x1a1: {  	v11 =	vld [tilespmem:s23+$0xFFFFFF60];
	v9 =	vshll.u32 v9, $0x10;
	v4 =	vshll.u32 v4, $0x10;
	[tilespmem:s6+$0xFFFFFE10] =	vst v0;
	v22 =	vadd.f32 v22, v1  }
0x1a2: {  	v5 =	vld [tilespmem:s23+$0x0];
	v7 =	vshll.u32 v7, $0x10;
	v1 =	vadd.f32 v2, v17;
	v4 =	vadd.f32 v4, v9;
	[tilespmem:s21+$0xFFFFFF40] =	vst v20  }
0x1a3: {  	s16 =	simm.s32 $0x7910;
	v6 =	vshll.u32 v6, $0x10;
	v21 =	vld [tilespmem:s13+$0xFFFFFFD0];
	v2 =	vadd.f32 v18, v8;
	v8 =	vadd.f32 v3, v14;
	[tilespmem:s21+$0xFFFFFE60] =	vst v22  }
0x1a4: {  	v9 =	vld [tilespmem:s16+$0xFFFFFFD0];
	v3 =	vshll.u32 v12, $0x10;
	v7 =	vadd.f32 v7, v6;
	[tilespmem:s21+$0xFFFFFF30] =	vst v4  }
0x1a5: {  	v12 =	vadd.f32 v3, v15;
	v4 =	vld [tilespmem:s19+$0xFFFFFF20];
	[tilespmem:s6+$0xFFFFFFC0] =	vst v8  }
0x1a6: {  	v10 =	vshll.u32 v10, $0x10;
	v24 =	vand.u32 $0xFFFF0000, v19;
	[tilespmem:s21+$0xFFFFFE50] =	vst v7;
	v6 =	vld [tilespmem:s23+$0xFFFFFFB0]  }
0x1a7: {  	v3 =	vadd.f32 v16, v10;
	v10 =	vshll.u32 v19, $0x10;
	v8 =	vshll.u32 v5, $0x10;
	[tilespmem:s6+$0xFFFFFFB0] =	vst v12;
	v12 =	vld [tilespmem:s18+$0xFFFFFF20]  }
0x1a8: {  	v14 =	vand.u32 $0xFFFF0000, v23;
	v8 =	vadd.f32 v10, v8;
	v10 =	vand.u32 $0xFFFF0000, v11;
	v19 =	vld [tilespmem:s22+$0xFFFFFF40]  }
0x1a9: {  	v15 =	vld [tilespmem:s19+$0xFFFFFFF0];
	v10 =	vadd.f32 v14, v10;
	v16 =	vand.u32 $0xFFFF0000, v9;
	v17 =	vand.u32 $0xFFFF0000, v21  }
0x1aa: {  	v14 =	vld [tilespmem:s16+$0xFFFFFF10];
	v7 =	vshll.u32 v21, $0x10;
	v9 =	vshll.u32 v9, $0x10;
	v16 =	vadd.f32 v17, v16  }
0x1ab: {  	s31 =	simm.s32 $0x16C10;
	[tilespmem:s6+$0xFFFFFF20] =	vst v13;
	v18 =	vshll.u32 v23, $0x10;
	v11 =	vshll.u32 v11, $0x10;
	v17 =	vld [tilespmem:s18+$0xFFFFFFF0];
	v7 =	vadd.f32 v7, v9  }
0x1ac: {  	v27 =	vand.u32 $0xFFFF0000, v5;
	v11 =	vadd.f32 v18, v11;
	v21 =	vld [tilespmem:s22+$0xFFFFFFB0];
	[tilespmem:s31+$0xFFFFFFA0] =	vst v16;
	v16 =	vshll.u32 v4, $0x10  }
0x1ad: {  	v20 =	vshll.u32 v12, $0x10;
	[tilespmem:s31+$0xFFFFFF90] =	vst v7;
	v4 =	vand.u32 $0xFFFF0000, v4;
	v7 =	vand.u32 $0xFFFF0000, v12;
	v12 =	vld [tilespmem:s23+$0xFFFFFF40]  }
0x1ae: {  	v0 =	vld [tilespmem:s16+$0xFFFFFF90];
	[tilespmem:s21+$0xFFFFFFF0] =	vst v8;
	v9 =	vand.u32 $0xFFFF0000, v6;
	v22 =	vadd.f32 v20, v16;
	v13 =	vadd.f32 v7, v4  }
0x1af: {  	[tilespmem:s21+$0xFFFFFEC0] =	vst v10;
	v16 =	vshll.u32 v15, $0x10;
	v23 =	vld [tilespmem:s16+$0xFFFFFFE0];
	v7 =	vand.u32 $0xFFFF0000, v15;
	v15 =	vand.u32 $0xFFFF0000, v19  }
0x1b0: {  	[tilespmem:s21+$0xFFFFFEB0] =	vst v11;
	v11 =	vld [tilespmem:s16+$0xFFFFFF50];
	v20 =	vand.u32 $0xFFFF0000, v14;
	v8 =	vand.u32 $0xFFFF0000, v17;
	v10 =	vshll.u32 v17, $0x10  }
0x1b1: {  	v4 =	vld [tilespmem:s13+$0xFFFFFFE0];
	v17 =	vshll.u32 v21, $0x10;
	[tilespmem:s6+$0xFFFFFE30] =	vst v22;
	v22 =	vand.u32 $0xFFFF0000, v25;
	v18 =	vadd.f32 v8, v7  }
0x1b2: {  	v8 =	vshll.u32 v19, $0x10;
	v7 =	vld [tilespmem:s13+$0xFFFFFF50];
	v26 =	vadd.f32 v10, v16;
	v10 =	vshll.u32 v12, $0x10  }
0x1b3: {  	[tilespmem:s6+$0xFFFFFE40] =	vst v13;
	v16 =	vand.u32 $0xFFFF0000, v21;
	v19 =	vld [tilespmem:s22+$0xFFFFFF70];
	v13 =	vand.u32 $0xFFFF0000, v12;
	v28 =	vadd.f32 v8, v10  }
0x1b4: {  	s29 =	simm.s32 $0x7910;
	v21 =	vld [tilespmem:s13+$0xFFFFFF10];
	v12 =	vshll.u32 v14, $0x10;
	v10 =	vshll.u32 v23, $0x10;
	v14 =	vand.u32 $0xFFFF0000, v23;
	[tilespmem:s6+$0xFFFFFFD0] =	vst v26  }
0x1b5: {  	s28 =	simm.s32 $0xDD10;
	s8 =	simm.s32 $0x8;
	s25 =	simm.s32 $0x16C10;
	v8 =	vshll.u32 v25, $0x10;
	v5 =	vadd.f32 v15, v13;
	v15 =	vld [tilespmem:s19+$0xFFFFFF30];
	v13 =	vadd.f32 v24, v27;
	[tilespmem:s21+$0xFFFFFE70] =	vst v28  }
.LBB2_7:
0x1b6: {  	s8 =	sadd.s32 $0x4, s8;
	v23 =	vshll.u32 v0, $0x10;
	v0 =	vand.u32 $0xFFFF0000, v0;
	[tilespmem:s6+$0xFFFFFE90] =	vst v2;
	v2 =	vld [tilespmem:s23+$0xFFFFFF70];
	v6 =	vshll.u32 v6, $0x10  }
0x1b7: {  	v24 =	vshll.u32 v7, $0x10;
	p0 =	slt.u32 s8, $0x4C;
	v0 =	vadd.f32 v22, v0;
	v22 =	vand.u32 $0xFFFF0000, v4;
	v25 =	vld [tilespmem:s18+$0xFFFFFF30];
	[tilespmem:s6+$0xFFFFFFE0] =	vst v18  }
0x1b8: {  	v18 =	vshll.u32 v11, $0x10;
	v11 =	vand.u32 $0xFFFF0000, v11;
	[tilespmem:s6+$0xFFFFFF10] =	vst v3;
	v26 =	vld [tilespmem:s18+$0x0];
	v3 =	vand.u32 $0xFFFF0000, v19  }
0x1b9: {  	v19 =	vshll.u32 v19, $0x10;
	v27 =	vshll.u32 v21, $0x10;
	v21 =	vand.u32 $0xFFFF0000, v21;
	v28 =	vld [tilespmem:s19+$0xFFFFFFA0];
	[tilespmem:s21+$0x0] =	vst v13  }
0x1ba: {  	v7 =	vand.u32 $0xFFFF0000, v7;
	v6 =	vadd.f32 v17, v6;
	v13 =	vadd.f32 v21, v20;
	[tilespmem:s6+$0xFFFFFEA0] =	vst v1;
	v20 =	vld [tilespmem:s18+$0xFFFFFFA0]  }
0x1bb: {  	v9 =	vadd.f32 v16, v9;
	v1 =	vadd.f32 v7, v11;
	[tilespmem:s31+$0xFFFFFF20] =	vst v0;
	v7 =	vld [tilespmem:s19+$0xFFFFFF60];
	v0 =	vshll.u32 v2, $0x10  }
0x1bc: {  	v11 =	vadd.f32 v27, v12;
	v12 =	vld [tilespmem:s19+$0x0];
	v16 =	vadd.f32 v19, v0;
	v0 =	vand.u32 $0xFFFF0000, v2  }
0x1bd: {  	v2 =	vadd.f32 v24, v18;
	[tilespmem:s31+$0xFFFFFE20] =	vst v13;
	v13 =	vshll.u32 v15, $0x10;
	v0 =	vadd.f32 v3, v0  }
0x1be: {  	s13 =	sadd.s32 $0x100, s13;
	v17 =	vand.u32 $0xFFFF0000, v25;
	v3 =	vshll.u32 v25, $0x10;
	v15 =	vand.u32 $0xFFFF0000, v15;
	v18 =	vld [tilespmem:s18+$0xFFFFFF60];
	[tilespmem:s21+$0xFFFFFF50] =	vst v6  }
0x1bf: {  	v19 =	vadd.f32 v3, v13;
	v3 =	vand.u32 $0xFFFF0000, v28;
	v6 =	vld [tilespmem:s13+$0xFFFFFFD0];
	v13 =	vand.u32 $0xFFFF0000, v20;
	[tilespmem:s21+$0xFFFFFF60] =	vst v9  }
0x1c0: {  	s16 =	sadd.s32 $0x100, s16;
	v9 =	vadd.f32 v22, v14;
	v14 =	vshll.u32 v20, $0x10;
	v20 =	vadd.f32 v13, v3;
	[tilespmem:s21+$0xFFFFFEE0] =	vst v0;
	v21 =	vld [tilespmem:s22+$0xFFFFFFC0]  }
0x1c1: {  	v3 =	vadd.f32 v8, v23;
	v8 =	vadd.f32 v17, v15;
	v13 =	vand.u32 $0xFFFF0000, v26;
	v0 =	vld [tilespmem:s16+$0xFFFFFF90];
	[tilespmem:s31+$0xFFFFFE10] =	vst v11  }
0x1c2: {  	v15 =	vshll.u32 v28, $0x10;
	v17 =	vshll.u32 v12, $0x10;
	v11 =	vld [tilespmem:s16+$0xFFFFFFD0];
	[tilespmem:s6+$0xFFFFFF40] =	vst v20;
	v20 =	vshll.u32 v26, $0x10  }
0x1c3: {  	v14 =	vadd.f32 v14, v15;
	v15 =	vadd.f32 v20, v17;
	[tilespmem:s21+$0xFFFFFED0] =	vst v16;
	v16 =	vld [tilespmem:s23+$0xFFFFFFC0]  }
0x1c4: {  	v4 =	vshll.u32 v4, $0x10;
	[tilespmem:s6+$0xFFFFFE60] =	vst v8;
	v8 =	vld [tilespmem:s23+$0xFFFFFF80];
	s23 =	smov.u32 s19;
	s19 =	smov.u32 s29;
	s29 =	smov.u32 s16  }
0x1c5: {  	v4 =	vadd.f32 v4, v10;
	v10 =	vand.u32 $0xFFFF0000, v7;
	v17 =	vand.u32 $0xFFFF0000, v18;
	[tilespmem:s6+$0xFFFFFF30] =	vst v14;
	v14 =	vld [tilespmem:s22+$0xFFFFFF80];
	s22 =	smov.u32 s18;
	s18 =	smov.u32 s28;
	s28 =	smov.u32 s13  }
0x1c6: {  	v7 =	vshll.u32 v7, $0x10;
	v20 =	vshll.u32 v6, $0x10;
	v22 =	vld [tilespmem:s19+$0xFFFFFF20];
	[tilespmem:s31+$0xFFFFFFC0] =	vst v9;
	v9 =	vshll.u32 v21, $0x10  }
0x1c7: {  	v18 =	vshll.u32 v18, $0x10;
	v24 =	vand.u32 $0xFFFF0000, v6;
	v23 =	vand.u32 $0xFFFF0000, v11;
	[tilespmem:s31+$0xFFFFFFB0] =	vst v4;
	v6 =	vld [tilespmem:s23+$0xFFFFFFB0]  }
0x1c8: {  	v4 =	vshll.u32 v11, $0x10;
	v11 =	vadd.f32 v24, v23;
	v23 =	vld [tilespmem:s18+$0xFFFFFF20];
	[tilespmem:s6+$0xFFFFFFF0] =	vst v15;
	v15 =	vshll.u32 v16, $0x10  }
0x1c9: {  	v21 =	vand.u32 $0xFFFF0000, v21;
	s31 =	sadd.s32 $0x200, s31;
	v4 =	vadd.f32 v20, v4;
	v20 =	vld [tilespmem:s19+$0xFFFFFFF0];
	[tilespmem:s6+$0xFFFFFE50] =	vst v19;
	v19 =	vshll.u32 v8, $0x10  }
0x1ca: {  	v10 =	vadd.f32 v17, v10;
	v24 =	vld [tilespmem:s22+$0xFFFFFF40];
	[tilespmem:s21+$0xFFFFFE80] =	vst v5;
	v5 =	vadd.f32 v9, v15;
	v9 =	vand.u32 $0xFFFF0000, v16  }
0x1cb: {  	v16 =	vand.u32 $0xFFFF0000, v14;
	[tilespmem:s31+$0xFFFFFFA0] =	vst v11;
	v11 =	vshll.u32 v22, $0x10;
	v15 =	vld [tilespmem:s18+$0xFFFFFFF0];
	v17 =	vadd.f32 v21, v9  }
0x1cc: {  	v8 =	vand.u32 $0xFFFF0000, v8;
	v21 =	vld [tilespmem:s16+$0xFFFFFF10];
	[tilespmem:s31+$0xFFFFFF90] =	vst v4;
	v9 =	vand.u32 $0xFFFF0000, v6;
	v4 =	vshll.u32 v14, $0x10  }
0x1cd: {  	v22 =	vand.u32 $0xFFFF0000, v22;
	v8 =	vadd.f32 v16, v8;
	v14 =	vshll.u32 v23, $0x10;
	v25 =	vld [tilespmem:s22+$0xFFFFFFB0];
	[tilespmem:s21+$0xFFFFFF80] =	vst v17  }
0x1ce: {  	v16 =	vadd.f32 v4, v19;
	v14 =	vadd.f32 v14, v11;
	v11 =	vand.u32 $0xFFFF0000, v23;
	v23 =	vld [tilespmem:s23+$0xFFFFFF40];
	[tilespmem:s21+$0xFFFFFF70] =	vst v5  }
0x1cf: {  	v17 =	vadd.f32 v18, v7;
	v4 =	vld [tilespmem:s13+$0xFFFFFFE0];
	v5 =	vadd.f32 v11, v22;
	v11 =	vshll.u32 v20, $0x10;
	[tilespmem:s21+$0xFFFFFF00] =	vst v8  }
0x1d0: {  	v7 =	vand.u32 $0xFFFF0000, v20;
	v22 =	vand.u32 $0xFFFF0000, v24;
	v8 =	vld [tilespmem:s16+$0xFFFFFFE0];
	v18 =	vand.u32 $0xFFFF0000, v15;
	[tilespmem:s6+$0xFFFFFEC0] =	vst v10  }
0x1d1: {  	v10 =	vshll.u32 v15, $0x10;
	v15 =	vshll.u32 v24, $0x10;
	v26 =	vld [tilespmem:s13+$0xFFFFFF90];
	v18 =	vadd.f32 v18, v7;
	[tilespmem:s21+$0xFFFFFEF0] =	vst v16;
	s21 =	smov.u32 s6;
	s6 =	smov.u32 s25;
	s25 =	smov.u32 s31  }
.Ltmp2:
0x1d2: {  	v24 =	vadd.f32 v10, v11;
	v7 =	vld [tilespmem:s13+$0xFFFFFF50];
	[tilespmem:s21+$0xFFFFFEB0] =	vst v17;
	v17 =	vshll.u32 v25, $0x10;
	v16 =	vand.u32 $0xFFFF0000, v25;
	(pc) =	sbr.rel @p0 .LBB2_7-.Ltmp2, $4  }
0x1d3: {  	v25 =	vand.u32 $0xFFFF0000, v12;
	v11 =	vld [tilespmem:s16+$0xFFFFFF50];
	[tilespmem:s6+$0xFFFFFE40] =	vst v5;
	v5 =	vshll.u32 v23, $0x10;
	v23 =	vand.u32 $0xFFFF0000, v23  }
0x1d4: {  	v20 =	vand.u32 $0xFFFF0000, v21;
	v12 =	vshll.u32 v21, $0x10;
	[tilespmem:s6+$0xFFFFFE30] =	vst v14;
	v27 =	vadd.f32 v15, v5;
	v19 =	vld [tilespmem:s22+$0xFFFFFF70]  }
0x1d5: {  	v5 =	vadd.f32 v22, v23;
	v21 =	vld [tilespmem:s13+$0xFFFFFF10];
	v10 =	vshll.u32 v8, $0x10;
	v14 =	vand.u32 $0xFFFF0000, v8;
	[tilespmem:s6+$0xFFFFFFD0] =	vst v24  }
0x1d6: {  	v13 =	vadd.f32 v13, v25;
	v8 =	vshll.u32 v26, $0x10;
	v22 =	vand.u32 $0xFFFF0000, v26;
	v15 =	vld [tilespmem:s19+$0xFFFFFF30];
	[tilespmem:s21+$0xFFFFFE70] =	vst v27  }
0x1d7: {  	[tilespmem:s6+$0xFFFFFE90] =	vst v2  }
0x1d8: {  	[tilespmem:s6+$0xFFFFFF10] =	vst v3  }
0x1d9: {  	[tilespmem:s6+$0xFFFFFFE0] =	vst v18  }
0x1da: {  	v2 =	vld [tilespmem:s23+$0xFFFFFF70];
	[tilespmem:s6+$0xFFFFFEA0] =	vst v1  }
0x1db: {  	v3 =	vand.u32 $0xFFFF0000, v0;
	v9 =	vadd.f32 v16, v9;
	[tilespmem:s21+$0xFFFFFE80] =	vst v5;
	v18 =	vld [tilespmem:s19+$0xFFFFFFA0]  }
0x1dc: {  	v6 =	vshll.u32 v6, $0x10;
	v3 =	vadd.f32 v22, v3;
	[tilespmem:s21+$0x0] =	vst v13;
	v13 =	vld [tilespmem:s18+$0xFFFFFFA0]  }
0x1dd: {  	v1 =	vld [tilespmem:s18+$0xFFFFFF30];
	v0 =	vshll.u32 v0, $0x10;
	v6 =	vadd.f32 v17, v6;
	[tilespmem:s21+$0xFFFFFF60] =	vst v9  }
0x1de: {  	v0 =	vadd.f32 v8, v0;
	[tilespmem:s31+$0xFFFFFF20] =	vst v3;
	v17 =	vshll.u32 v21, $0x10  }
0x1df: {  	v3 =	vand.u32 $0xFFFF0000, v19;
	[tilespmem:s21+$0xFFFFFF50] =	vst v6;
	v12 =	vadd.f32 v17, v12;
	v16 =	vand.u32 $0xFFFF0000, v2  }
0x1e0: {  	v9 =	vshll.u32 v19, $0x10;
	[tilespmem:s25+$0xFFFFFF10] =	vst v0;
	v2 =	vshll.u32 v2, $0x10;
	v3 =	vadd.f32 v3, v16  }
0x1e1: {  	v6 =	vld [tilespmem:s18+$0x0];
	v16 =	vand.u32 $0xFFFF0000, v18;
	v17 =	vand.u32 $0xFFFF0000, v13;
	v2 =	vadd.f32 v9, v2;
	[tilespmem:s31+$0xFFFFFE10] =	vst v12  }
0x1e2: {  	v19 =	vld [tilespmem:s19+$0x0];
	v9 =	vand.u32 $0xFFFF0000, v15;
	v16 =	vadd.f32 v17, v16;
	v17 =	vand.u32 $0xFFFF0000, v1;
	[tilespmem:s21+$0xFFFFFEE0] =	vst v3  }
0x1e3: {  	v22 =	vand.u32 $0xFFFF0000, v21;
	v12 =	vshll.u32 v13, $0x10;
	v13 =	vld [tilespmem:s22+$0xFFFFFFC0];
	v9 =	vadd.f32 v17, v9;
	[tilespmem:s21+$0xFFFFFED0] =	vst v2  }
0x1e4: {  	v20 =	vadd.f32 v22, v20;
	v17 =	vshll.u32 v18, $0x10;
	v2 =	vld [tilespmem:s23+$0xFFFFFFC0];
	[tilespmem:s6+$0xFFFFFF40] =	vst v16  }
0x1e5: {  	v16 =	vand.u32 $0xFFFF0000, v4;
	v12 =	vadd.f32 v12, v17;
	v4 =	vshll.u32 v4, $0x10;
	[tilespmem:s6+$0xFFFFFE60] =	vst v9;
	v9 =	vld [tilespmem:s23+$0xFFFFFF80]  }
0x1e6: {  	[tilespmem:s31+$0xFFFFFE20] =	vst v20;
	v14 =	vadd.f32 v16, v14;
	v4 =	vadd.f32 v4, v10;
	v10 =	vld [tilespmem:s22+$0xFFFFFF80]  }
0x1e7: {  	v1 =	vshll.u32 v1, $0x10;
	v3 =	vld [tilespmem:s19+$0xFFFFFF60];
	[tilespmem:s6+$0xFFFFFF30] =	vst v12;
	v12 =	vshll.u32 v15, $0x10  }
0x1e8: {  	v17 =	vshll.u32 v6, $0x10;
	v16 =	vshll.u32 v19, $0x10;
	v15 =	vld [tilespmem:s18+$0xFFFFFF60];
	[tilespmem:s31+$0xFFFFFFC0] =	vst v14;
	v1 =	vadd.f32 v1, v12  }
0x1e9: {  	v16 =	vadd.f32 v17, v16;
	[tilespmem:s31+$0xFFFFFFB0] =	vst v4;
	v4 =	vand.u32 $0xFFFF0000, v13;
	v12 =	vand.u32 $0xFFFF0000, v2  }
0x1ea: {  	v13 =	vshll.u32 v13, $0x10;
	v2 =	vshll.u32 v2, $0x10;
	[tilespmem:s6+$0xFFFFFE50] =	vst v1;
	v1 =	vadd.f32 v4, v12  }
0x1eb: {  	[tilespmem:s6+$0xFFFFFFF0] =	vst v16;
	v16 =	vld [tilespmem:s28+$0xFFFFFF20];
	v2 =	vadd.f32 v13, v2;
	v5 =	vand.u32 $0xFFFF0000, v10;
	v12 =	vand.u32 $0xFFFF0000, v9  }
0x1ec: {  	v4 =	vld [tilespmem:s29+$0xFFFFFF20];
	v9 =	vshll.u32 v9, $0x10;
	v10 =	vshll.u32 v10, $0x10;
	v5 =	vadd.f32 v5, v12;
	[tilespmem:s21+$0xFFFFFF80] =	vst v1  }
0x1ed: {  	v13 =	vand.u32 $0xFFFF0000, v3;
	v8 =	vld [tilespmem:s19+$0xFFFFFF40];
	v14 =	vand.u32 $0xFFFF0000, v15;
	[tilespmem:s21+$0xFFFFFF70] =	vst v2;
	v9 =	vadd.f32 v10, v9  }
0x1ee: {  	v1 =	vld [tilespmem:s29+$0xFFFFFFF0];
	v2 =	vshll.u32 v3, $0x10;
	v3 =	vshll.u32 v15, $0x10;
	v12 =	vadd.f32 v14, v13;
	[tilespmem:s21+$0xFFFFFF00] =	vst v5  }
0x1ef: {  	v10 =	vshll.u32 v11, $0x10;
	v13 =	vld [tilespmem:s18+$0xFFFFFF40];
	v2 =	vadd.f32 v3, v2;
	v3 =	vshll.u32 v7, $0x10;
	[tilespmem:s21+$0xFFFFFEF0] =	vst v9  }
0x1f0: {  	v7 =	vand.u32 $0xFFFF0000, v7;
	v5 =	vld [tilespmem:s28+$0xFFFFFFF0];
	v9 =	vand.u32 $0xFFFF0000, v11;
	v3 =	vadd.f32 v3, v10;
	[tilespmem:s6+$0xFFFFFEC0] =	vst v12  }
0x1f1: {  	v11 =	vand.u32 $0xFFFF0000, v16;
	[tilespmem:s6+$0xFFFFFEB0] =	vst v2;
	v2 =	vadd.f32 v7, v9;
	v7 =	vand.u32 $0xFFFF0000, v4  }
0x1f2: {  	v10 =	vld [tilespmem:s19+$0xFFFFFFB0];
	v0 =	vshll.u32 v4, $0x10;
	v4 =	vshll.u32 v16, $0x10;
	v7 =	vadd.f32 v11, v7;
	[tilespmem:s25+$0xFFFFFE90] =	vst v3  }
0x1f3: {  	v9 =	vld [tilespmem:s18+$0xFFFFFFB0];
	v0 =	vadd.f32 v4, v0;
	[tilespmem:s25+$0xFFFFFEA0] =	vst v2  }
0x1f4: {  	v3 =	vld [tilespmem:s29+$0xFFFFFFA0];
	v12 =	vshll.u32 v13, $0x10;
	[tilespmem:s25+$0xFFFFFE40] =	vst v7;
	v7 =	vshll.u32 v8, $0x10  }
0x1f5: {  	v4 =	vshll.u32 v1, $0x10;
	v2 =	vld [tilespmem:s28+$0xFFFFFFA0];
	[tilespmem:s25+$0xFFFFFE30] =	vst v0;
	v11 =	vshll.u32 v5, $0x10;
	v0 =	vadd.f32 v12, v7  }
0x1f6: {  	v1 =	vand.u32 $0xFFFF0000, v1;
	v5 =	vand.u32 $0xFFFF0000, v5;
	v7 =	vld [tilespmem:s28+$0xFFFFFF60];
	v4 =	vadd.f32 v11, v4  }
0x1f7: {  	v6 =	vand.u32 $0xFFFF0000, v6;
	v11 =	vld [tilespmem:s29+$0xFFFFFF60];
	v1 =	vadd.f32 v5, v1;
	v5 =	vand.u32 $0xFFFF0000, v19;
	[tilespmem:s6+$0xFFFFFE70] =	vst v0  }
0x1f8: {  	v12 =	vld [tilespmem:s18+$0xFFFFFF70];
	v0 =	vadd.f32 v6, v5;
	v5 =	vshll.u32 v10, $0x10;
	[tilespmem:s25+$0xFFFFFFD0] =	vst v4;
	v4 =	vshll.u32 v9, $0x10  }
0x1f9: {  	v14 =	vld [tilespmem:s29+$0xFFFFFF30];
	[tilespmem:s25+$0xFFFFFFE0] =	vst v1;
	v1 =	vadd.f32 v4, v5;
	v4 =	vand.u32 $0xFFFF0000, v3  }
0x1fa: {  	v6 =	vld [tilespmem:s19+$0xFFFFFF70];
	v5 =	vand.u32 $0xFFFF0000, v2;
	[tilespmem:s6+$0x0] =	vst v0;
	v0 =	vshll.u32 v2, $0x10;
	v3 =	vshll.u32 v3, $0x10  }
0x1fb: {  	v15 =	vld [tilespmem:s28+$0xFFFFFF30];
	v9 =	vand.u32 $0xFFFF0000, v9;
	v2 =	vadd.f32 v5, v4;
	v0 =	vadd.f32 v0, v3  }
0x1fc: {  	v4 =	vld [tilespmem:s28+$0x0];
	v3 =	vand.u32 $0xFFFF0000, v7;
	v7 =	vshll.u32 v7, $0x10;
	[tilespmem:s6+$0xFFFFFF50] =	vst v1;
	v1 =	vand.u32 $0xFFFF0000, v11  }
0x1fd: {  	v5 =	vld [tilespmem:s29+$0x0];
	[tilespmem:s25+$0xFFFFFF40] =	vst v2;
	v2 =	vshll.u32 v11, $0x10;
	v1 =	vadd.f32 v3, v1;
	v3 =	vand.u32 $0xFFFF0000, v10  }
0x1fe: {  	[tilespmem:s25+$0xFFFFFF30] =	vst v0;
	v11 =	vshll.u32 v14, $0x10;
	v0 =	vadd.f32 v7, v2;
	v2 =	vand.u32 $0xFFFF0000, v12  }
0x1ff: {  	v3 =	vadd.f32 v9, v3;
	v7 =	vand.u32 $0xFFFF0000, v6;
	v9 =	vld [tilespmem:s29+$0xFFFFFFB0];
	v6 =	vshll.u32 v6, $0x10;
	[tilespmem:s25+$0xFFFFFEC0] =	vst v1  }
0x200: {  	v1 =	vshll.u32 v12, $0x10;
	v2 =	vadd.f32 v2, v7;
	v7 =	vld [tilespmem:s28+$0xFFFFFFB0];
	v12 =	vshll.u32 v15, $0x10;
	[tilespmem:s25+$0xFFFFFEB0] =	vst v0  }
0x201: {  	v0 =	vadd.f32 v1, v6;
	v1 =	vand.u32 $0xFFFF0000, v14;
	v6 =	vand.u32 $0xFFFF0000, v15;
	[tilespmem:s6+$0xFFFFFF60] =	vst v3;
	v3 =	vld [tilespmem:s28+$0xFFFFFF70]  }
0x202: {  	[tilespmem:s6+$0xFFFFFEE0] =	vst v2;
	v1 =	vadd.f32 v6, v1;
	v2 =	vshll.u32 v5, $0x10;
	v6 =	vshll.u32 v4, $0x10;
	v10 =	vld [tilespmem:s29+$0xFFFFFF70]  }
0x203: {  	v14 =	vld [tilespmem:s18+$0xFFFFFFC0];
	v4 =	vand.u32 $0xFFFF0000, v4;
	v5 =	vand.u32 $0xFFFF0000, v5;
	v2 =	vadd.f32 v6, v2;
	[tilespmem:s6+$0xFFFFFED0] =	vst v0  }
0x204: {  	v0 =	vand.u32 $0xFFFF0000, v13;
	v6 =	vand.u32 $0xFFFF0000, v8;
	v8 =	vadd.f32 v12, v11;
	v11 =	vld [tilespmem:s19+$0xFFFFFFC0];
	[tilespmem:s25+$0xFFFFFE60] =	vst v1  }
0x205: {  	v0 =	vadd.f32 v0, v6;
	v6 =	vshll.u32 v9, $0x10;
	[tilespmem:s25+$0xFFFFFFF0] =	vst v2;
	v2 =	vshll.u32 v7, $0x10  }
0x206: {  	v1 =	vld [tilespmem:s19+$0xFFFFFF80];
	[tilespmem:s25+$0xFFFFFE50] =	vst v8;
	v8 =	vand.u32 $0xFFFF0000, v9;
	v7 =	vand.u32 $0xFFFF0000, v7;
	v2 =	vadd.f32 v2, v6  }
0x207: {  	v12 =	vld [tilespmem:s18+$0xFFFFFF80];
	[tilespmem:s6+$0xFFFFFE80] =	vst v0;
	v7 =	vadd.f32 v7, v8;
	v0 =	vand.u32 $0xFFFF0000, v3;
	v8 =	vand.u32 $0xFFFF0000, v10  }
0x208: {  	v6 =	vld [tilespmem:s28+$0xFFFFFF40];
	v3 =	vshll.u32 v3, $0x10;
	v10 =	vshll.u32 v10, $0x10;
	v0 =	vadd.f32 v0, v8;
	[tilespmem:s25+$0xFFFFFF50] =	vst v2  }
0x209: {  	v9 =	vld [tilespmem:s29+$0xFFFFFF40];
	v2 =	vand.u32 $0xFFFF0000, v14;
	v8 =	vand.u32 $0xFFFF0000, v11;
	v3 =	vadd.f32 v3, v10;
	[tilespmem:s25+$0xFFFFFF60] =	vst v7  }
0x20a: {  	v7 =	vshll.u32 v14, $0x10;
	v10 =	vshll.u32 v11, $0x10;
	v2 =	vadd.f32 v2, v8;
	[tilespmem:s25+$0xFFFFFEE0] =	vst v0;
	v0 =	vld [tilespmem:s28+$0xFFFFFFC0]  }
0x20b: {  	v4 =	vadd.f32 v4, v5;
	v7 =	vadd.f32 v7, v10;
	[tilespmem:s25+$0xFFFFFED0] =	vst v3;
	v3 =	vld [tilespmem:s29+$0xFFFFFFC0]  }
0x20c: {  	v10 =	vand.u32 $0xFFFF0000, v1;
	v1 =	vshll.u32 v1, $0x10;
	v11 =	vshll.u32 v12, $0x10;
	[tilespmem:s6+$0xFFFFFF80] =	vst v2;
	v2 =	vld [tilespmem:s29+$0xFFFFFF80]  }
0x20d: {  	[tilespmem:s25+$0x0] =	vst v4;
	v8 =	vand.u32 $0xFFFF0000, v12;
	v1 =	vadd.f32 v11, v1;
	v11 =	vld [tilespmem:s28+$0xFFFFFF80]  }
0x20e: {  	v8 =	vadd.f32 v8, v10;
	[tilespmem:s6+$0xFFFFFF70] =	vst v7;
	v7 =	vshll.u32 v6, $0x10;
	v10 =	vshll.u32 v9, $0x10  }
0x20f: {  	v6 =	vand.u32 $0xFFFF0000, v6;
	v7 =	vadd.f32 v7, v10;
	[tilespmem:s6+$0xFFFFFEF0] =	vst v1;
	v1 =	vand.u32 $0xFFFF0000, v9  }
0x210: {  	[tilespmem:s6+$0xFFFFFF00] =	vst v8;
	v1 =	vadd.f32 v6, v1;
	v5 =	vand.u32 $0xFFFF0000, v0;
	v6 =	vand.u32 $0xFFFF0000, v3  }
0x211: {  	[tilespmem:s25+$0xFFFFFE70] =	vst v7;
	v0 =	vshll.u32 v0, $0x10;
	v3 =	vshll.u32 v3, $0x10;
	v4 =	vadd.f32 v5, v6  }
0x212: {  	[tilespmem:s25+$0xFFFFFE80] =	vst v1;
	v0 =	vadd.f32 v0, v3;
	v1 =	vand.u32 $0xFFFF0000, v11;
	v3 =	vand.u32 $0xFFFF0000, v2  }
0x213: {  	s31 =	sadd.s32 s3, s11;
	v2 =	vshll.u32 v2, $0x10;
	v5 =	vshll.u32 v11, $0x10;
	v1 =	vadd.f32 v1, v3;
	[tilespmem:s25+$0xFFFFFF80] =	vst v4  }
0x214: {  	s6 =	sshll.u32 s31, $0x4;
	v2 =	vadd.f32 v5, v2;
	[tilespmem:s25+$0xFFFFFF70] =	vst v0  }
0x215: {  	s6 =	sand.u32 $0x1FFFFF00, s6;
	[tilespmem:s25+$0xFFFFFF00] =	vst v1  }
0x216: {  	s8 =	simm.s32 $0x16620;
	s6 =	sadd.s32 s2, s6;
	[tilespmem:s25+$0xFFFFFEF0] =	vst v2  }
0x217: {  	[hbm4b:s6+s4] =	stream.linear.scatter [tilespmem:s8], [sflag:$0x8], $0x2800, $0x38;
	[tilespmem:$0x1DE20] =	vst v63  }
0x218: {  	p0 =	seq.s32 s7, $0x18;
	_ =	swait.ge [sflag:s1], $0x2800  }
0x219: {  	s11 =	simm.s32 @!p0 $0x4E20;
	[sflag:s1] =	ssyncset.done $0x0  }
0x21a: {  	s6 =	sadd.s32 @!p0 $0x190, s9;
	s8 =	simm.s32 @!p0 $0x50;
	[sflag:s1] =	ssyncadd.s32 $0xFFFFD800  }
0x21b: {  	[tilespmem:s11], [sflag:$0x1] =	stream.indirect.gather @!p0 [hbm4b:s5+s8], $0x40, s6, s8, $0xb8;
	[tilespmem:$0x1DE20] =	vst v63  }
0x21c: {  	s6 =	sadd.s32 @!p0 $0x28A0, s9;
	s11 =	simm.s32 @!p0 $0xB220  }
0x21d: {  	[tilespmem:s11], [sflag:$0x1] =	stream.indirect.gather @!p0 [hbm4b:s5+s8], $0x40, s6, s8, $0xb8;
	[tilespmem:$0x1DE20] =	vst v63  }
0x21e: {  	_ =	swait.ge [sflag:s0], $0x1400  }
0x21f: {  	[sflag:s0] =	ssyncset.done $0x0  }
0x220: {  	[sflag:s0] =	ssyncadd.s32 $0xFFFFEC00  }
0x221: {  	_ =	swait.ge [sflag:s0], $0x1400  }
0x222: {  	[sflag:s0] =	ssyncset.done $0x0  }
0x223: {  	s21 =	simm.s32 $0xEF10;
	[sflag:s0] =	ssyncadd.s32 $0xFFFFEC00  }
0x224: {  	s22 =	simm.s32 $0x8B10;
	v0 =	vld [tilespmem:s21+$0xFFFFFFD0]  }
0x225: {  	v1 =	vld [tilespmem:s22+$0xFFFFFFD0];
	_ =	sdelay $0x4  }
0x226: {  	v2 =	vand.u32 $0xFFFF0000, v1;
	v3 =	vand.u32 $0xFFFF0000, v0  }
0x227: {  	v0 =	vshll.u32 v0, $0x10;
	v1 =	vshll.u32 v1, $0x10;
	v2 =	vadd.f32 v3, v2  }
0x228: {  	s19 =	simm.s32 $0x19010;
	v0 =	vadd.f32 v0, v1  }
0x229: {  	v1 =	vld [tilespmem:s22+$0xFFFFFF10];
	[tilespmem:s19+$0xFFFFFFA0] =	vst v2  }
0x22a: {  	[tilespmem:s19+$0xFFFFFF90] =	vst v0;
	v0 =	vld [tilespmem:s21+$0xFFFFFF10]  }
0x22b: {  	v2 =	vld [tilespmem:s21+$0xFFFFFFE0]  }
0x22c: {  	v3 =	vld [tilespmem:s22+$0xFFFFFFE0]  }
0x22d: {  	s11 =	simm.s32 $0xF010;
	v4 =	vld [tilespmem:s22+$0xFFFFFF90]  }
0x22e: {  	s18 =	simm.s32 $0x8C10;
	v5 =	vld [tilespmem:s11+$0xFFFFFFD0]  }
0x22f: {  	v8 =	vld [tilespmem:s18+$0xFFFFFFD0];
	v6 =	vand.u32 $0xFFFF0000, v1;
	v7 =	vand.u32 $0xFFFF0000, v0  }
0x230: {  	v9 =	vld [tilespmem:s21+$0xFFFFFF90];
	v1 =	vshll.u32 v1, $0x10;
	v0 =	vshll.u32 v0, $0x10;
	v6 =	vadd.f32 v7, v6  }
0x231: {  	v7 =	vld [tilespmem:s21+$0xFFFFFF50];
	v10 =	vand.u32 $0xFFFF0000, v3;
	v11 =	vand.u32 $0xFFFF0000, v2;
	v0 =	vadd.f32 v0, v1  }
0x232: {  	v1 =	vld [tilespmem:s22+$0xFFFFFF50];
	v3 =	vshll.u32 v3, $0x10;
	v2 =	vshll.u32 v2, $0x10;
	[tilespmem:s19+$0xFFFFFE20] =	vst v6;
	v6 =	vadd.f32 v11, v10  }
0x233: {  	v10 =	vld [tilespmem:s18+$0xFFFFFF90];
	[tilespmem:s19+$0xFFFFFE10] =	vst v0;
	v0 =	vadd.f32 v2, v3  }
0x234: {  	v3 =	vand.u32 $0xFFFF0000, v8;
	v2 =	vld [tilespmem:s22+$0xFFFFFF20];
	[tilespmem:s19+$0xFFFFFFC0] =	vst v6;
	v6 =	vand.u32 $0xFFFF0000, v5  }
0x235: {  	v5 =	vshll.u32 v5, $0x10;
	[tilespmem:s19+$0xFFFFFFB0] =	vst v0;
	v0 =	vshll.u32 v8, $0x10;
	v3 =	vadd.f32 v6, v3;
	v6 =	vld [tilespmem:s21+$0xFFFFFF20]  }
0x236: {  	s6 =	simm.s32 $0x19210;
	v11 =	vld [tilespmem:s18+$0xFFFFFF10];
	v0 =	vadd.f32 v5, v0  }
0x237: {  	v5 =	vld [tilespmem:s22+$0xFFFFFFF0];
	[tilespmem:s6+$0xFFFFFFA0] =	vst v3  }
0x238: {  	v8 =	vshll.u32 v9, $0x10;
	v3 =	vld [tilespmem:s21+$0xFFFFFFF0];
	[tilespmem:s6+$0xFFFFFF90] =	vst v0  }
0x239: {  	v0 =	vand.u32 $0xFFFF0000, v9;
	v9 =	vshll.u32 v4, $0x10;
	v4 =	vand.u32 $0xFFFF0000, v4;
	v12 =	vld [tilespmem:s11+$0xFFFFFFE0]  }
0x23a: {  	v0 =	vadd.f32 v0, v4;
	v4 =	vand.u32 $0xFFFF0000, v2;
	v14 =	vld [tilespmem:s18+$0xFFFFFFE0];
	v13 =	vand.u32 $0xFFFF0000, v6  }
0x23b: {  	v2 =	vshll.u32 v2, $0x10;
	v6 =	vshll.u32 v6, $0x10;
	v4 =	vadd.f32 v13, v4;
	v13 =	vld [tilespmem:s11+$0xFFFFFF90]  }
0x23c: {  	v15 =	vshll.u32 v7, $0x10;
	v16 =	vshll.u32 v1, $0x10;
	[tilespmem:s19+$0xFFFFFF20] =	vst v0;
	v0 =	vadd.f32 v6, v2;
	v2 =	vld [tilespmem:s11+$0xFFFFFF50]  }
0x23d: {  	v1 =	vand.u32 $0xFFFF0000, v1;
	v6 =	vand.u32 $0xFFFF0000, v7;
	v7 =	vadd.f32 v8, v9;
	v8 =	vld [tilespmem:s18+$0xFFFFFF50];
	[tilespmem:s19+$0xFFFFFE40] =	vst v4  }
0x23e: {  	v1 =	vadd.f32 v6, v1;
	v6 =	vshll.u32 v3, $0x10;
	v4 =	vshll.u32 v5, $0x10;
	[tilespmem:s19+$0xFFFFFE30] =	vst v0;
	v0 =	vld [tilespmem:s11+$0xFFFFFF10]  }
0x23f: {  	v17 =	vand.u32 $0xFFFF0000, v10;
	v3 =	vand.u32 $0xFFFF0000, v3;
	[tilespmem:s19+$0xFFFFFF10] =	vst v7;
	v4 =	vadd.f32 v6, v4;
	v6 =	vld [tilespmem:s22+$0xFFFFFF30]  }
0x240: {  	v5 =	vand.u32 $0xFFFF0000, v5;
	v7 =	vadd.f32 v15, v16;
	v15 =	vshll.u32 v14, $0x10;
	v9 =	vld [tilespmem:s22+$0xFFFFFFA0]  }
0x241: {  	v14 =	vand.u32 $0xFFFF0000, v14;
	v3 =	vadd.f32 v3, v5;
	v5 =	vshll.u32 v11, $0x10;
	[tilespmem:s19+$0xFFFFFFD0] =	vst v4;
	v4 =	vld [tilespmem:s21+$0xFFFFFFA0]  }
0x242: {  	v11 =	vand.u32 $0xFFFF0000, v11;
	[tilespmem:s19+$0xFFFFFE90] =	vst v7;
	v7 =	vld [tilespmem:s21+$0xFFFFFF30];
	v16 =	vshll.u32 v13, $0x10;
	v13 =	vand.u32 $0xFFFF0000, v13  }
0x243: {  	v18 =	vshll.u32 v2, $0x10;
	[tilespmem:s19+$0xFFFFFFE0] =	vst v3;
	v3 =	vand.u32 $0xFFFF0000, v12;
	v2 =	vand.u32 $0xFFFF0000, v2  }
0x244: {  	s13 =	simm.s32 $0xF110;
	v13 =	vadd.f32 v13, v17;
	v17 =	vand.u32 $0xFFFF0000, v8;
	v20 =	vand.u32 $0xFFFF0000, v0  }
0x245: {  	v25 =	vld [tilespmem:s13+$0xFFFFFF90];
	[tilespmem:s19+$0xFFFFFEA0] =	vst v1;
	v8 =	vshll.u32 v8, $0x10;
	v0 =	vshll.u32 v0, $0x10;
	v1 =	vadd.f32 v20, v11  }
0x246: {  	v23 =	vld [tilespmem:s21+$0xFFFFFF60];
	v0 =	vadd.f32 v0, v5;
	v20 =	vand.u32 $0xFFFF0000, v9;
	v21 =	vand.u32 $0xFFFF0000, v4  }
0x247: {  	v19 =	vld [tilespmem:s21+$0x0];
	v22 =	vand.u32 $0xFFFF0000, v7;
	[tilespmem:s6+$0xFFFFFE20] =	vst v1;
	v1 =	vand.u32 $0xFFFF0000, v6;
	v20 =	vadd.f32 v21, v20  }
0x248: {  	v11 =	vld [tilespmem:s22+$0xFFFFFF60];
	v9 =	vshll.u32 v9, $0x10;
	v4 =	vshll.u32 v4, $0x10;
	[tilespmem:s6+$0xFFFFFE10] =	vst v0;
	v22 =	vadd.f32 v22, v1  }
0x249: {  	v5 =	vld [tilespmem:s22+$0x0];
	v7 =	vshll.u32 v7, $0x10;
	v1 =	vadd.f32 v2, v17;
	v4 =	vadd.f32 v4, v9;
	[tilespmem:s19+$0xFFFFFF40] =	vst v20  }
0x24a: {  	s16 =	simm.s32 $0x8D10;
	v6 =	vshll.u32 v6, $0x10;
	v21 =	vld [tilespmem:s13+$0xFFFFFFD0];
	v2 =	vadd.f32 v18, v8;
	v8 =	vadd.f32 v3, v14;
	[tilespmem:s19+$0xFFFFFE60] =	vst v22  }
0x24b: {  	v9 =	vld [tilespmem:s16+$0xFFFFFFD0];
	v3 =	vshll.u32 v12, $0x10;
	v7 =	vadd.f32 v7, v6;
	[tilespmem:s19+$0xFFFFFF30] =	vst v4  }
0x24c: {  	v12 =	vadd.f32 v3, v15;
	v4 =	vld [tilespmem:s18+$0xFFFFFF20];
	[tilespmem:s6+$0xFFFFFFC0] =	vst v8  }
0x24d: {  	v10 =	vshll.u32 v10, $0x10;
	v24 =	vand.u32 $0xFFFF0000, v19;
	[tilespmem:s19+$0xFFFFFE50] =	vst v7;
	v6 =	vld [tilespmem:s22+$0xFFFFFFB0]  }
0x24e: {  	v3 =	vadd.f32 v16, v10;
	v10 =	vshll.u32 v19, $0x10;
	v8 =	vshll.u32 v5, $0x10;
	[tilespmem:s6+$0xFFFFFFB0] =	vst v12;
	v12 =	vld [tilespmem:s11+$0xFFFFFF20]  }
0x24f: {  	v14 =	vand.u32 $0xFFFF0000, v23;
	v8 =	vadd.f32 v10, v8;
	v10 =	vand.u32 $0xFFFF0000, v11;
	v19 =	vld [tilespmem:s21+$0xFFFFFF40]  }
0x250: {  	v15 =	vld [tilespmem:s18+$0xFFFFFFF0];
	v10 =	vadd.f32 v14, v10;
	v16 =	vand.u32 $0xFFFF0000, v9;
	v17 =	vand.u32 $0xFFFF0000, v21  }
0x251: {  	v14 =	vld [tilespmem:s16+$0xFFFFFF10];
	v7 =	vshll.u32 v21, $0x10;
	v9 =	vshll.u32 v9, $0x10;
	v16 =	vadd.f32 v17, v16  }
0x252: {  	s29 =	simm.s32 $0x19410;
	[tilespmem:s6+$0xFFFFFF20] =	vst v13;
	v18 =	vshll.u32 v23, $0x10;
	v11 =	vshll.u32 v11, $0x10;
	v17 =	vld [tilespmem:s11+$0xFFFFFFF0];
	v7 =	vadd.f32 v7, v9  }
0x253: {  	v27 =	vand.u32 $0xFFFF0000, v5;
	v11 =	vadd.f32 v18, v11;
	v21 =	vld [tilespmem:s21+$0xFFFFFFB0];
	[tilespmem:s29+$0xFFFFFFA0] =	vst v16;
	v16 =	vshll.u32 v4, $0x10  }
0x254: {  	v20 =	vshll.u32 v12, $0x10;
	[tilespmem:s29+$0xFFFFFF90] =	vst v7;
	v4 =	vand.u32 $0xFFFF0000, v4;
	v7 =	vand.u32 $0xFFFF0000, v12;
	v12 =	vld [tilespmem:s22+$0xFFFFFF40]  }
0x255: {  	v0 =	vld [tilespmem:s16+$0xFFFFFF90];
	[tilespmem:s19+$0xFFFFFFF0] =	vst v8;
	v9 =	vand.u32 $0xFFFF0000, v6;
	v22 =	vadd.f32 v20, v16;
	v13 =	vadd.f32 v7, v4  }
0x256: {  	[tilespmem:s19+$0xFFFFFEC0] =	vst v10;
	v16 =	vshll.u32 v15, $0x10;
	v23 =	vld [tilespmem:s16+$0xFFFFFFE0];
	v7 =	vand.u32 $0xFFFF0000, v15;
	v15 =	vand.u32 $0xFFFF0000, v19  }
0x257: {  	[tilespmem:s19+$0xFFFFFEB0] =	vst v11;
	v11 =	vld [tilespmem:s16+$0xFFFFFF50];
	v20 =	vand.u32 $0xFFFF0000, v14;
	v8 =	vand.u32 $0xFFFF0000, v17;
	v10 =	vshll.u32 v17, $0x10  }
0x258: {  	v4 =	vld [tilespmem:s13+$0xFFFFFFE0];
	v17 =	vshll.u32 v21, $0x10;
	[tilespmem:s6+$0xFFFFFE30] =	vst v22;
	v22 =	vand.u32 $0xFFFF0000, v25;
	v18 =	vadd.f32 v8, v7  }
0x259: {  	v8 =	vshll.u32 v19, $0x10;
	v7 =	vld [tilespmem:s13+$0xFFFFFF50];
	v26 =	vadd.f32 v10, v16;
	v10 =	vshll.u32 v12, $0x10  }
0x25a: {  	[tilespmem:s6+$0xFFFFFE40] =	vst v13;
	v16 =	vand.u32 $0xFFFF0000, v21;
	v19 =	vld [tilespmem:s21+$0xFFFFFF70];
	v13 =	vand.u32 $0xFFFF0000, v12;
	v28 =	vadd.f32 v8, v10  }
0x25b: {  	s23 =	simm.s32 $0x19410;
	v21 =	vld [tilespmem:s13+$0xFFFFFF10];
	v12 =	vshll.u32 v14, $0x10;
	v10 =	vshll.u32 v23, $0x10;
	v14 =	vand.u32 $0xFFFF0000, v23;
	[tilespmem:s6+$0xFFFFFFD0] =	vst v26  }
0x25c: {  	s28 =	simm.s32 $0x8D10;
	s25 =	simm.s32 $0xF110;
	s8 =	simm.s32 $0x8;
	v8 =	vshll.u32 v25, $0x10;
	v5 =	vadd.f32 v15, v13;
	v15 =	vld [tilespmem:s18+$0xFFFFFF30];
	v13 =	vadd.f32 v24, v27;
	[tilespmem:s19+$0xFFFFFE70] =	vst v28  }
.LBB2_9:
0x25d: {  	s8 =	sadd.s32 $0x4, s8;
	v23 =	vshll.u32 v0, $0x10;
	v0 =	vand.u32 $0xFFFF0000, v0;
	[tilespmem:s6+$0xFFFFFE90] =	vst v2;
	v2 =	vld [tilespmem:s22+$0xFFFFFF70];
	v6 =	vshll.u32 v6, $0x10  }
0x25e: {  	v24 =	vshll.u32 v7, $0x10;
	p1 =	slt.u32 s8, $0x4C;
	v0 =	vadd.f32 v22, v0;
	v22 =	vand.u32 $0xFFFF0000, v4;
	v25 =	vld [tilespmem:s11+$0xFFFFFF30];
	[tilespmem:s6+$0xFFFFFFE0] =	vst v18  }
0x25f: {  	v18 =	vshll.u32 v11, $0x10;
	v11 =	vand.u32 $0xFFFF0000, v11;
	[tilespmem:s6+$0xFFFFFF10] =	vst v3;
	v26 =	vld [tilespmem:s11+$0x0];
	v3 =	vand.u32 $0xFFFF0000, v19  }
0x260: {  	v19 =	vshll.u32 v19, $0x10;
	v27 =	vshll.u32 v21, $0x10;
	v21 =	vand.u32 $0xFFFF0000, v21;
	v28 =	vld [tilespmem:s18+$0xFFFFFFA0];
	[tilespmem:s19+$0x0] =	vst v13  }
0x261: {  	v7 =	vand.u32 $0xFFFF0000, v7;
	v6 =	vadd.f32 v17, v6;
	v13 =	vadd.f32 v21, v20;
	[tilespmem:s6+$0xFFFFFEA0] =	vst v1;
	v20 =	vld [tilespmem:s11+$0xFFFFFFA0]  }
0x262: {  	v9 =	vadd.f32 v16, v9;
	v1 =	vadd.f32 v7, v11;
	[tilespmem:s29+$0xFFFFFF20] =	vst v0;
	v7 =	vld [tilespmem:s18+$0xFFFFFF60];
	v0 =	vshll.u32 v2, $0x10  }
0x263: {  	v11 =	vadd.f32 v27, v12;
	v12 =	vld [tilespmem:s18+$0x0];
	v16 =	vadd.f32 v19, v0;
	v0 =	vand.u32 $0xFFFF0000, v2  }
0x264: {  	v2 =	vadd.f32 v24, v18;
	[tilespmem:s29+$0xFFFFFE20] =	vst v13;
	v13 =	vshll.u32 v15, $0x10;
	v0 =	vadd.f32 v3, v0  }
0x265: {  	s13 =	sadd.s32 $0x100, s13;
	v17 =	vand.u32 $0xFFFF0000, v25;
	v3 =	vshll.u32 v25, $0x10;
	v15 =	vand.u32 $0xFFFF0000, v15;
	v18 =	vld [tilespmem:s11+$0xFFFFFF60];
	[tilespmem:s19+$0xFFFFFF50] =	vst v6  }
0x266: {  	v19 =	vadd.f32 v3, v13;
	v3 =	vand.u32 $0xFFFF0000, v28;
	v6 =	vld [tilespmem:s13+$0xFFFFFFD0];
	v13 =	vand.u32 $0xFFFF0000, v20;
	[tilespmem:s19+$0xFFFFFF60] =	vst v9  }
0x267: {  	s16 =	sadd.s32 $0x100, s16;
	v9 =	vadd.f32 v22, v14;
	v14 =	vshll.u32 v20, $0x10;
	v20 =	vadd.f32 v13, v3;
	[tilespmem:s19+$0xFFFFFEE0] =	vst v0;
	v21 =	vld [tilespmem:s21+$0xFFFFFFC0]  }
0x268: {  	v3 =	vadd.f32 v8, v23;
	v8 =	vadd.f32 v17, v15;
	v13 =	vand.u32 $0xFFFF0000, v26;
	v0 =	vld [tilespmem:s16+$0xFFFFFF90];
	[tilespmem:s29+$0xFFFFFE10] =	vst v11  }
0x269: {  	v15 =	vshll.u32 v28, $0x10;
	v17 =	vshll.u32 v12, $0x10;
	v11 =	vld [tilespmem:s16+$0xFFFFFFD0];
	[tilespmem:s6+$0xFFFFFF40] =	vst v20;
	v20 =	vshll.u32 v26, $0x10  }
0x26a: {  	v14 =	vadd.f32 v14, v15;
	v15 =	vadd.f32 v20, v17;
	[tilespmem:s19+$0xFFFFFED0] =	vst v16;
	v16 =	vld [tilespmem:s22+$0xFFFFFFC0]  }
0x26b: {  	v4 =	vshll.u32 v4, $0x10;
	[tilespmem:s6+$0xFFFFFE60] =	vst v8;
	v8 =	vld [tilespmem:s22+$0xFFFFFF80];
	s22 =	smov.u32 s18;
	s18 =	smov.u32 s28;
	s28 =	smov.u32 s16  }
0x26c: {  	v4 =	vadd.f32 v4, v10;
	v10 =	vand.u32 $0xFFFF0000, v7;
	v17 =	vand.u32 $0xFFFF0000, v18;
	[tilespmem:s6+$0xFFFFFF30] =	vst v14;
	v14 =	vld [tilespmem:s21+$0xFFFFFF80];
	s21 =	smov.u32 s11;
	s11 =	smov.u32 s25;
	s25 =	smov.u32 s13  }
0x26d: {  	v7 =	vshll.u32 v7, $0x10;
	v20 =	vshll.u32 v6, $0x10;
	v22 =	vld [tilespmem:s18+$0xFFFFFF20];
	[tilespmem:s29+$0xFFFFFFC0] =	vst v9;
	v9 =	vshll.u32 v21, $0x10  }
0x26e: {  	v18 =	vshll.u32 v18, $0x10;
	v24 =	vand.u32 $0xFFFF0000, v6;
	v23 =	vand.u32 $0xFFFF0000, v11;
	[tilespmem:s29+$0xFFFFFFB0] =	vst v4;
	v6 =	vld [tilespmem:s22+$0xFFFFFFB0]  }
0x26f: {  	v4 =	vshll.u32 v11, $0x10;
	v11 =	vadd.f32 v24, v23;
	v23 =	vld [tilespmem:s11+$0xFFFFFF20];
	[tilespmem:s6+$0xFFFFFFF0] =	vst v15;
	v15 =	vshll.u32 v16, $0x10  }
0x270: {  	v21 =	vand.u32 $0xFFFF0000, v21;
	s29 =	sadd.s32 $0x200, s29;
	v4 =	vadd.f32 v20, v4;
	v20 =	vld [tilespmem:s18+$0xFFFFFFF0];
	[tilespmem:s6+$0xFFFFFE50] =	vst v19;
	v19 =	vshll.u32 v8, $0x10  }
0x271: {  	v10 =	vadd.f32 v17, v10;
	v24 =	vld [tilespmem:s21+$0xFFFFFF40];
	[tilespmem:s19+$0xFFFFFE80] =	vst v5;
	v5 =	vadd.f32 v9, v15;
	v9 =	vand.u32 $0xFFFF0000, v16  }
0x272: {  	v16 =	vand.u32 $0xFFFF0000, v14;
	[tilespmem:s29+$0xFFFFFFA0] =	vst v11;
	v11 =	vshll.u32 v22, $0x10;
	v15 =	vld [tilespmem:s11+$0xFFFFFFF0];
	v17 =	vadd.f32 v21, v9  }
0x273: {  	v8 =	vand.u32 $0xFFFF0000, v8;
	v21 =	vld [tilespmem:s16+$0xFFFFFF10];
	[tilespmem:s29+$0xFFFFFF90] =	vst v4;
	v9 =	vand.u32 $0xFFFF0000, v6;
	v4 =	vshll.u32 v14, $0x10  }
0x274: {  	v22 =	vand.u32 $0xFFFF0000, v22;
	v8 =	vadd.f32 v16, v8;
	v14 =	vshll.u32 v23, $0x10;
	v25 =	vld [tilespmem:s21+$0xFFFFFFB0];
	[tilespmem:s19+$0xFFFFFF80] =	vst v17  }
0x275: {  	v16 =	vadd.f32 v4, v19;
	v14 =	vadd.f32 v14, v11;
	v11 =	vand.u32 $0xFFFF0000, v23;
	v23 =	vld [tilespmem:s22+$0xFFFFFF40];
	[tilespmem:s19+$0xFFFFFF70] =	vst v5  }
0x276: {  	v17 =	vadd.f32 v18, v7;
	v4 =	vld [tilespmem:s13+$0xFFFFFFE0];
	v5 =	vadd.f32 v11, v22;
	v11 =	vshll.u32 v20, $0x10;
	[tilespmem:s19+$0xFFFFFF00] =	vst v8  }
0x277: {  	v7 =	vand.u32 $0xFFFF0000, v20;
	v22 =	vand.u32 $0xFFFF0000, v24;
	v8 =	vld [tilespmem:s16+$0xFFFFFFE0];
	v18 =	vand.u32 $0xFFFF0000, v15;
	[tilespmem:s6+$0xFFFFFEC0] =	vst v10  }
0x278: {  	v10 =	vshll.u32 v15, $0x10;
	v15 =	vshll.u32 v24, $0x10;
	v26 =	vld [tilespmem:s13+$0xFFFFFF90];
	v18 =	vadd.f32 v18, v7;
	[tilespmem:s19+$0xFFFFFEF0] =	vst v16;
	s19 =	smov.u32 s6;
	s6 =	smov.u32 s23;
	s23 =	smov.u32 s29  }
.Ltmp3:
0x279: {  	v24 =	vadd.f32 v10, v11;
	v7 =	vld [tilespmem:s13+$0xFFFFFF50];
	[tilespmem:s19+$0xFFFFFEB0] =	vst v17;
	v17 =	vshll.u32 v25, $0x10;
	v16 =	vand.u32 $0xFFFF0000, v25;
	(pc) =	sbr.rel @p1 .LBB2_9-.Ltmp3, $4  }
0x27a: {  	v25 =	vand.u32 $0xFFFF0000, v12;
	v11 =	vld [tilespmem:s16+$0xFFFFFF50];
	[tilespmem:s6+$0xFFFFFE40] =	vst v5;
	v5 =	vshll.u32 v23, $0x10;
	v23 =	vand.u32 $0xFFFF0000, v23  }
0x27b: {  	v20 =	vand.u32 $0xFFFF0000, v21;
	v12 =	vshll.u32 v21, $0x10;
	[tilespmem:s6+$0xFFFFFE30] =	vst v14;
	v27 =	vadd.f32 v15, v5;
	v19 =	vld [tilespmem:s21+$0xFFFFFF70]  }
0x27c: {  	v5 =	vadd.f32 v22, v23;
	v21 =	vld [tilespmem:s13+$0xFFFFFF10];
	v10 =	vshll.u32 v8, $0x10;
	v14 =	vand.u32 $0xFFFF0000, v8;
	[tilespmem:s6+$0xFFFFFFD0] =	vst v24  }
0x27d: {  	v13 =	vadd.f32 v13, v25;
	v8 =	vshll.u32 v26, $0x10;
	v22 =	vand.u32 $0xFFFF0000, v26;
	v15 =	vld [tilespmem:s18+$0xFFFFFF30];
	[tilespmem:s19+$0xFFFFFE70] =	vst v27  }
0x27e: {  	[tilespmem:s6+$0xFFFFFE90] =	vst v2  }
0x27f: {  	[tilespmem:s6+$0xFFFFFF10] =	vst v3  }
0x280: {  	v2 =	vld [tilespmem:s22+$0xFFFFFF70];
	[tilespmem:s6+$0xFFFFFFE0] =	vst v18  }
0x281: {  	[tilespmem:s6+$0xFFFFFEA0] =	vst v1;
	v1 =	vld [tilespmem:s11+$0xFFFFFF30]  }
0x282: {  	v3 =	vand.u32 $0xFFFF0000, v0;
	v9 =	vadd.f32 v16, v9;
	[tilespmem:s19+$0x0] =	vst v13;
	v13 =	vld [tilespmem:s11+$0xFFFFFFA0]  }
0x283: {  	v6 =	vshll.u32 v6, $0x10;
	v58 =	vand.u32 $0xFFFF0000, v4;
	[tilespmem:s19+$0xFFFFFE80] =	vst v5;
	v3 =	vadd.f32 v22, v3  }
0x284: {  	v6 =	vadd.f32 v17, v6;
	v14 =	vadd.f32 v58, v14;
	[tilespmem:s19+$0xFFFFFF60] =	vst v9  }
0x285: {  	v49 =	vld [tilespmem:s18+$0xFFFFFFA0];
	v9 =	vshll.u32 v19, $0x10;
	[tilespmem:s29+$0xFFFFFF20] =	vst v3;
	v3 =	vand.u32 $0xFFFF0000, v19;
	v52 =	vshll.u32 v21, $0x10  }
0x286: {  	v55 =	vld [tilespmem:s18+$0x0];
	[tilespmem:s19+$0xFFFFFF50] =	vst v6;
	v12 =	vadd.f32 v52, v12;
	v51 =	vand.u32 $0xFFFF0000, v2;
	v2 =	vshll.u32 v2, $0x10  }
0x287: {  	v6 =	vld [tilespmem:s11+$0x0];
	[tilespmem:s29+$0xFFFFFFC0] =	vst v14;
	v56 =	vand.u32 $0xFFFF0000, v1;
	v3 =	vadd.f32 v3, v51;
	v54 =	vand.u32 $0xFFFF0000, v13  }
0x288: {  	v2 =	vadd.f32 v9, v2;
	v9 =	vand.u32 $0xFFFF0000, v15;
	[tilespmem:s29+$0xFFFFFE10] =	vst v12;
	v12 =	vshll.u32 v13, $0x10;
	v13 =	vld [tilespmem:s21+$0xFFFFFFC0]  }
0x289: {  	v4 =	vshll.u32 v4, $0x10;
	v9 =	vadd.f32 v56, v9;
	[tilespmem:s19+$0xFFFFFEE0] =	vst v3;
	v3 =	vld [tilespmem:s18+$0xFFFFFF60]  }
0x28a: {  	v4 =	vadd.f32 v4, v10;
	v57 =	vshll.u32 v49, $0x10;
	[tilespmem:s19+$0xFFFFFED0] =	vst v2;
	v2 =	vld [tilespmem:s22+$0xFFFFFFC0]  }
0x28b: {  	v0 =	vshll.u32 v0, $0x10;
	v50 =	vand.u32 $0xFFFF0000, v21;
	v12 =	vadd.f32 v12, v57;
	[tilespmem:s6+$0xFFFFFE60] =	vst v9;
	v9 =	vld [tilespmem:s22+$0xFFFFFF80]  }
0x28c: {  	v0 =	vadd.f32 v8, v0;
	[tilespmem:s29+$0xFFFFFFB0] =	vst v4;
	v20 =	vadd.f32 v50, v20;
	v10 =	vld [tilespmem:s21+$0xFFFFFF80]  }
0x28d: {  	v1 =	vshll.u32 v1, $0x10;
	v53 =	vand.u32 $0xFFFF0000, v49;
	[tilespmem:s6+$0xFFFFFF30] =	vst v12;
	v12 =	vshll.u32 v15, $0x10;
	v15 =	vld [tilespmem:s11+$0xFFFFFF60]  }
0x28e: {  	[tilespmem:s23+$0xFFFFFF10] =	vst v0;
	v59 =	vshll.u32 v55, $0x10;
	v16 =	vadd.f32 v54, v53;
	v1 =	vadd.f32 v1, v12  }
0x28f: {  	[tilespmem:s29+$0xFFFFFE20] =	vst v20;
	v60 =	vshll.u32 v6, $0x10;
	v4 =	vand.u32 $0xFFFF0000, v13;
	v12 =	vand.u32 $0xFFFF0000, v2  }
0x290: {  	v61 =	vld [tilespmem:s25+$0xFFFFFF20];
	v13 =	vshll.u32 v13, $0x10;
	[tilespmem:s6+$0xFFFFFE50] =	vst v1;
	v2 =	vshll.u32 v2, $0x10;
	v1 =	vadd.f32 v4, v12  }
0x291: {  	[tilespmem:s6+$0xFFFFFF40] =	vst v16;
	v8 =	vld [tilespmem:s18+$0xFFFFFF40];
	v2 =	vadd.f32 v13, v2;
	v5 =	vand.u32 $0xFFFF0000, v10;
	v12 =	vand.u32 $0xFFFF0000, v9  }
0x292: {  	v4 =	vld [tilespmem:s28+$0xFFFFFF20];
	v13 =	vand.u32 $0xFFFF0000, v3;
	v14 =	vand.u32 $0xFFFF0000, v15;
	v5 =	vadd.f32 v5, v12;
	[tilespmem:s19+$0xFFFFFF80] =	vst v1  }
0x293: {  	v9 =	vshll.u32 v9, $0x10;
	v10 =	vshll.u32 v10, $0x10;
	v12 =	vadd.f32 v14, v13;
	v1 =	vld [tilespmem:s28+$0xFFFFFFF0];
	[tilespmem:s19+$0xFFFFFF70] =	vst v2  }
0x294: {  	v9 =	vadd.f32 v10, v9;
	v2 =	vshll.u32 v3, $0x10;
	v3 =	vshll.u32 v15, $0x10;
	[tilespmem:s19+$0xFFFFFF00] =	vst v5;
	v5 =	vld [tilespmem:s25+$0xFFFFFFF0]  }
0x295: {  	v13 =	vld [tilespmem:s11+$0xFFFFFF40];
	v10 =	vshll.u32 v11, $0x10;
	v2 =	vadd.f32 v3, v2;
	[tilespmem:s6+$0xFFFFFEC0] =	vst v12;
	v3 =	vshll.u32 v7, $0x10  }
0x296: {  	[tilespmem:s19+$0xFFFFFEF0] =	vst v9;
	v9 =	vand.u32 $0xFFFF0000, v11;
	v7 =	vand.u32 $0xFFFF0000, v7;
	v3 =	vadd.f32 v3, v10  }
0x297: {  	v11 =	vand.u32 $0xFFFF0000, v61;
	v10 =	vld [tilespmem:s18+$0xFFFFFFB0];
	[tilespmem:s6+$0xFFFFFEB0] =	vst v2;
	v2 =	vadd.f32 v7, v9;
	v7 =	vand.u32 $0xFFFF0000, v4  }
0x298: {  	v9 =	vld [tilespmem:s11+$0xFFFFFFB0];
	v0 =	vshll.u32 v4, $0x10;
	v4 =	vshll.u32 v61, $0x10;
	v7 =	vadd.f32 v11, v7;
	[tilespmem:s23+$0xFFFFFE90] =	vst v3  }
0x299: {  	v3 =	vld [tilespmem:s28+$0xFFFFFFA0];
	v0 =	vadd.f32 v4, v0;
	v4 =	vshll.u32 v1, $0x10;
	[tilespmem:s23+$0xFFFFFEA0] =	vst v2;
	v11 =	vshll.u32 v5, $0x10  }
0x29a: {  	v12 =	vshll.u32 v13, $0x10;
	v2 =	vld [tilespmem:s25+$0xFFFFFFA0];
	[tilespmem:s23+$0xFFFFFE40] =	vst v7;
	v7 =	vshll.u32 v8, $0x10;
	v4 =	vadd.f32 v11, v4  }
0x29b: {  	v1 =	vand.u32 $0xFFFF0000, v1;
	v5 =	vand.u32 $0xFFFF0000, v5;
	[tilespmem:s23+$0xFFFFFE30] =	vst v0;
	v11 =	vld [tilespmem:s28+$0xFFFFFF60];
	v0 =	vadd.f32 v12, v7  }
0x29c: {  	v6 =	vand.u32 $0xFFFF0000, v6;
	v7 =	vld [tilespmem:s25+$0xFFFFFF60];
	v1 =	vadd.f32 v5, v1;
	v5 =	vand.u32 $0xFFFF0000, v55;
	[tilespmem:s23+$0xFFFFFFD0] =	vst v4  }
0x29d: {  	v12 =	vld [tilespmem:s11+$0xFFFFFF70];
	v4 =	vshll.u32 v9, $0x10;
	[tilespmem:s6+$0xFFFFFE70] =	vst v0;
	v0 =	vadd.f32 v6, v5;
	v5 =	vshll.u32 v10, $0x10  }
0x29e: {  	v16 =	vadd.f32 v60, v59;
	v14 =	vld [tilespmem:s28+$0xFFFFFF30];
	[tilespmem:s23+$0xFFFFFFE0] =	vst v1;
	v1 =	vadd.f32 v4, v5;
	v4 =	vand.u32 $0xFFFF0000, v3  }
0x29f: {  	v6 =	vld [tilespmem:s18+$0xFFFFFF70];
	v5 =	vand.u32 $0xFFFF0000, v2;
	v3 =	vshll.u32 v3, $0x10;
	[tilespmem:s6+$0x0] =	vst v0;
	v0 =	vshll.u32 v2, $0x10  }
0x2a0: {  	[tilespmem:s6+$0xFFFFFFF0] =	vst v16;
	v15 =	vld [tilespmem:s25+$0xFFFFFF30];
	v9 =	vand.u32 $0xFFFF0000, v9;
	v2 =	vadd.f32 v5, v4;
	v0 =	vadd.f32 v0, v3  }
0x2a1: {  	v4 =	vld [tilespmem:s25+$0x0];
	[tilespmem:s6+$0xFFFFFF50] =	vst v1;
	v1 =	vand.u32 $0xFFFF0000, v11;
	v3 =	vand.u32 $0xFFFF0000, v7;
	v7 =	vshll.u32 v7, $0x10  }
0x2a2: {  	v5 =	vld [tilespmem:s28+$0x0];
	[tilespmem:s23+$0xFFFFFF40] =	vst v2;
	v2 =	vshll.u32 v11, $0x10;
	v1 =	vadd.f32 v3, v1;
	v3 =	vand.u32 $0xFFFF0000, v10  }
0x2a3: {  	v11 =	vshll.u32 v14, $0x10;
	[tilespmem:s23+$0xFFFFFF30] =	vst v0;
	v0 =	vadd.f32 v7, v2;
	v2 =	vand.u32 $0xFFFF0000, v12  }
0x2a4: {  	v3 =	vadd.f32 v9, v3;
	v7 =	vand.u32 $0xFFFF0000, v6;
	v6 =	vshll.u32 v6, $0x10;
	v9 =	vld [tilespmem:s28+$0xFFFFFFB0];
	[tilespmem:s23+$0xFFFFFEC0] =	vst v1  }
0x2a5: {  	v1 =	vshll.u32 v12, $0x10;
	v2 =	vadd.f32 v2, v7;
	v7 =	vld [tilespmem:s25+$0xFFFFFFB0];
	v12 =	vshll.u32 v15, $0x10;
	[tilespmem:s23+$0xFFFFFEB0] =	vst v0  }
0x2a6: {  	v0 =	vadd.f32 v1, v6;
	v1 =	vand.u32 $0xFFFF0000, v14;
	v6 =	vand.u32 $0xFFFF0000, v15;
	[tilespmem:s6+$0xFFFFFF60] =	vst v3;
	v3 =	vld [tilespmem:s25+$0xFFFFFF70]  }
0x2a7: {  	[tilespmem:s6+$0xFFFFFEE0] =	vst v2;
	v1 =	vadd.f32 v6, v1;
	v2 =	vshll.u32 v5, $0x10;
	v6 =	vshll.u32 v4, $0x10;
	v10 =	vld [tilespmem:s28+$0xFFFFFF70]  }
0x2a8: {  	v14 =	vld [tilespmem:s11+$0xFFFFFFC0];
	v4 =	vand.u32 $0xFFFF0000, v4;
	v5 =	vand.u32 $0xFFFF0000, v5;
	v2 =	vadd.f32 v6, v2;
	[tilespmem:s6+$0xFFFFFED0] =	vst v0  }
0x2a9: {  	v0 =	vand.u32 $0xFFFF0000, v13;
	v6 =	vand.u32 $0xFFFF0000, v8;
	v8 =	vadd.f32 v12, v11;
	v11 =	vld [tilespmem:s18+$0xFFFFFFC0];
	[tilespmem:s23+$0xFFFFFE60] =	vst v1  }
0x2aa: {  	v0 =	vadd.f32 v0, v6;
	[tilespmem:s23+$0xFFFFFFF0] =	vst v2;
	v2 =	vshll.u32 v7, $0x10;
	v6 =	vshll.u32 v9, $0x10  }
0x2ab: {  	v1 =	vld [tilespmem:s18+$0xFFFFFF80];
	[tilespmem:s23+$0xFFFFFE50] =	vst v8;
	v8 =	vand.u32 $0xFFFF0000, v9;
	v7 =	vand.u32 $0xFFFF0000, v7;
	v2 =	vadd.f32 v2, v6  }
0x2ac: {  	v12 =	vld [tilespmem:s11+$0xFFFFFF80];
	[tilespmem:s6+$0xFFFFFE80] =	vst v0;
	v7 =	vadd.f32 v7, v8;
	v0 =	vand.u32 $0xFFFF0000, v3;
	v8 =	vand.u32 $0xFFFF0000, v10  }
0x2ad: {  	v6 =	vld [tilespmem:s25+$0xFFFFFF40];
	v3 =	vshll.u32 v3, $0x10;
	v10 =	vshll.u32 v10, $0x10;
	v0 =	vadd.f32 v0, v8;
	[tilespmem:s23+$0xFFFFFF50] =	vst v2  }
0x2ae: {  	v9 =	vld [tilespmem:s28+$0xFFFFFF40];
	v2 =	vand.u32 $0xFFFF0000, v14;
	v8 =	vand.u32 $0xFFFF0000, v11;
	v3 =	vadd.f32 v3, v10;
	[tilespmem:s23+$0xFFFFFF60] =	vst v7  }
0x2af: {  	v7 =	vshll.u32 v14, $0x10;
	v10 =	vshll.u32 v11, $0x10;
	v2 =	vadd.f32 v2, v8;
	[tilespmem:s23+$0xFFFFFEE0] =	vst v0;
	v0 =	vld [tilespmem:s25+$0xFFFFFFC0]  }
0x2b0: {  	v4 =	vadd.f32 v4, v5;
	v7 =	vadd.f32 v7, v10;
	[tilespmem:s23+$0xFFFFFED0] =	vst v3;
	v3 =	vld [tilespmem:s28+$0xFFFFFFC0]  }
0x2b1: {  	v10 =	vand.u32 $0xFFFF0000, v1;
	v1 =	vshll.u32 v1, $0x10;
	v11 =	vshll.u32 v12, $0x10;
	[tilespmem:s6+$0xFFFFFF80] =	vst v2;
	v2 =	vld [tilespmem:s28+$0xFFFFFF80]  }
0x2b2: {  	[tilespmem:s23+$0x0] =	vst v4;
	v8 =	vand.u32 $0xFFFF0000, v12;
	v1 =	vadd.f32 v11, v1;
	v11 =	vld [tilespmem:s25+$0xFFFFFF80]  }
0x2b3: {  	v8 =	vadd.f32 v8, v10;
	[tilespmem:s6+$0xFFFFFF70] =	vst v7;
	v7 =	vshll.u32 v6, $0x10;
	v10 =	vshll.u32 v9, $0x10  }
0x2b4: {  	v6 =	vand.u32 $0xFFFF0000, v6;
	v7 =	vadd.f32 v7, v10;
	[tilespmem:s6+$0xFFFFFEF0] =	vst v1;
	v1 =	vand.u32 $0xFFFF0000, v9  }
0x2b5: {  	[tilespmem:s6+$0xFFFFFF00] =	vst v8;
	v1 =	vadd.f32 v6, v1;
	v5 =	vand.u32 $0xFFFF0000, v0;
	v6 =	vand.u32 $0xFFFF0000, v3  }
0x2b6: {  	[tilespmem:s23+$0xFFFFFE70] =	vst v7;
	v0 =	vshll.u32 v0, $0x10;
	v3 =	vshll.u32 v3, $0x10;
	v4 =	vadd.f32 v5, v6  }
0x2b7: {  	[tilespmem:s23+$0xFFFFFE80] =	vst v1;
	v0 =	vadd.f32 v0, v3;
	v1 =	vand.u32 $0xFFFF0000, v11;
	v3 =	vand.u32 $0xFFFF0000, v2  }
0x2b8: {  	s29 =	sadd.s32 s3, s17;
	v2 =	vshll.u32 v2, $0x10;
	v5 =	vshll.u32 v11, $0x10;
	v1 =	vadd.f32 v1, v3;
	[tilespmem:s23+$0xFFFFFF80] =	vst v4  }
0x2b9: {  	s6 =	sshll.u32 s29, $0x4;
	v2 =	vadd.f32 v5, v2;
	[tilespmem:s23+$0xFFFFFF70] =	vst v0  }
0x2ba: {  	s6 =	sand.u32 $0x1FFFFF00, s6;
	[tilespmem:s23+$0xFFFFFF00] =	vst v1  }
0x2bb: {  	s8 =	simm.s32 $0x18E20;
	s6 =	sadd.s32 s2, s6;
	[tilespmem:s23+$0xFFFFFEF0] =	vst v2  }
0x2bc: {  	[hbm4b:s6+s4] =	stream.linear.scatter [tilespmem:s8], [sflag:$0x9], $0x2800, $0x38;
	[tilespmem:$0x1DE20] =	vst v63  }
0x2bd: {  	_ =	swait.ge [sflag:s14], $0x2800  }
0x2be: {  	s11 =	simm.s32 @!p0 $0x6220;
	[sflag:s14] =	ssyncset.done $0x0  }
0x2bf: {  	s6 =	sadd.s32 @!p0 $0x1E0, s9;
	s8 =	simm.s32 @!p0 $0x50;
	[sflag:s14] =	ssyncadd.s32 $0xFFFFD800  }
0x2c0: {  	[tilespmem:s11], [sflag:$0x2] =	stream.indirect.gather @!p0 [hbm4b:s5+s8], $0x40, s6, s8, $0xb8;
	[tilespmem:$0x1DE20] =	vst v63  }
0x2c1: {  	s6 =	sadd.s32 @!p0 $0x28F0, s9;
	s9 =	simm.s32 @!p0 $0xC620  }
0x2c2: {  	[tilespmem:s9], [sflag:$0x2] =	stream.indirect.gather @!p0 [hbm4b:s5+s8], $0x40, s6, s8, $0xb8;
	[tilespmem:$0x1DE20] =	vst v63  }
0x2c3: {  	_ =	swait.ge [sflag:s15], $0x1400  }
0x2c4: {  	[sflag:s15] =	ssyncset.done $0x0  }
0x2c5: {  	[sflag:s15] =	ssyncadd.s32 $0xFFFFEC00  }
0x2c6: {  	_ =	swait.ge [sflag:s15], $0x1400  }
0x2c7: {  	[sflag:s15] =	ssyncset.done $0x0  }
0x2c8: {  	s31 =	simm.s32 $0x0;
	[sflag:s15] =	ssyncadd.s32 $0xFFFFEC00  }
0x2c9: {  	v0 =	vld [tilespmem:s31+$0x9EE0]  }
0x2ca: {  	v1 =	vld [tilespmem:s31+$0x102E0];
	_ =	sdelay $0x1  }
0x2cb: {  	v2 =	vld [tilespmem:s31+$0x9E20]  }
0x2cc: {  	v3 =	vld [tilespmem:s31+$0x10220];
	_ =	sdelay $0x1  }
0x2cd: {  	v4 =	vld [tilespmem:s31+$0x9E60];
	v5 =	vshll.u32 v0, $0x10;
	v6 =	vshll.u32 v1, $0x10  }
0x2ce: {  	v7 =	vld [tilespmem:s31+$0x10260];
	v0 =	vand.u32 $0xFFFF0000, v0;
	v1 =	vand.u32 $0xFFFF0000, v1;
	v5 =	vadd.f32 v6, v5  }
0x2cf: {  	s6 =	simm.s32 $0x1B810;
	v6 =	vld [tilespmem:s31+$0x9EA0];
	v0 =	vadd.f32 v1, v0  }
0x2d0: {  	v8 =	vshll.u32 v2, $0x10;
	v1 =	vld [tilespmem:s31+$0x102A0];
	[tilespmem:s6+$0xFFFFFF90] =	vst v5;
	v5 =	vshll.u32 v3, $0x10  }
0x2d1: {  	v2 =	vand.u32 $0xFFFF0000, v2;
	v3 =	vand.u32 $0xFFFF0000, v3;
	[tilespmem:s6+$0xFFFFFFA0] =	vst v0;
	v0 =	vadd.f32 v5, v8  }
0x2d2: {  	v5 =	vshll.u32 v4, $0x10;
	v2 =	vadd.f32 v3, v2  }
0x2d3: {  	v3 =	vshll.u32 v7, $0x10;
	v8 =	vld [tilespmem:s31+$0x9EF0];
	v4 =	vand.u32 $0xFFFF0000, v4;
	v7 =	vand.u32 $0xFFFF0000, v7;
	[tilespmem:s6+$0xFFFFFE10] =	vst v0  }
0x2d4: {  	v0 =	vadd.f32 v3, v5;
	v3 =	vld [tilespmem:s31+$0x102F0];
	v5 =	vshll.u32 v6, $0x10;
	[tilespmem:s6+$0xFFFFFE20] =	vst v2;
	v2 =	vadd.f32 v7, v4  }
0x2d5: {  	v4 =	vshll.u32 v1, $0x10;
	v6 =	vand.u32 $0xFFFF0000, v6;
	v1 =	vand.u32 $0xFFFF0000, v1  }
0x2d6: {  	v7 =	vld [tilespmem:s31+$0x9E30];
	v1 =	vadd.f32 v1, v6;
	[tilespmem:s6+$0xFFFFFE90] =	vst v0  }
0x2d7: {  	v0 =	vadd.f32 v4, v5;
	v4 =	vld [tilespmem:s31+$0x10230];
	[tilespmem:s6+$0xFFFFFEA0] =	vst v2  }
0x2d8: {  	v2 =	vld [tilespmem:s31+$0x9E70];
	[tilespmem:s6+$0xFFFFFF20] =	vst v1  }
0x2d9: {  	v1 =	vshll.u32 v8, $0x10;
	[tilespmem:s6+$0xFFFFFF10] =	vst v0;
	v0 =	vld [tilespmem:s31+$0x10270];
	v5 =	vshll.u32 v3, $0x10  }
0x2da: {  	v6 =	vld [tilespmem:s31+$0x9EB0];
	v3 =	vand.u32 $0xFFFF0000, v3;
	v1 =	vadd.f32 v5, v1;
	v5 =	vand.u32 $0xFFFF0000, v8  }
0x2db: {  	v8 =	vld [tilespmem:s31+$0x102B0];
	v3 =	vadd.f32 v3, v5  }
0x2dc: {  	v5 =	vshll.u32 v7, $0x10;
	v9 =	vshll.u32 v4, $0x10;
	[tilespmem:s6+$0xFFFFFFB0] =	vst v1  }
0x2dd: {  	v4 =	vand.u32 $0xFFFF0000, v4;
	v1 =	vand.u32 $0xFFFF0000, v7;
	v5 =	vadd.f32 v9, v5;
	[tilespmem:s6+$0xFFFFFFC0] =	vst v3  }
0x2de: {  	v3 =	vshll.u32 v2, $0x10;
	v1 =	vadd.f32 v4, v1;
	v4 =	vshll.u32 v0, $0x10;
	v7 =	vld [tilespmem:s31+$0x9F00]  }
0x2df: {  	s9 =	simm.s32 $0x100;
	v2 =	vand.u32 $0xFFFF0000, v2;
	v0 =	vand.u32 $0xFFFF0000, v0;
	[tilespmem:s6+$0xFFFFFE30] =	vst v5;
	v3 =	vadd.f32 v4, v3;
	v4 =	vld [tilespmem:s31+$0x10300]  }
0x2e0: {  	v10 =	vld [tilespmem:s9+$0x102E0];
	v5 =	vshll.u32 v6, $0x10;
	v0 =	vadd.f32 v0, v2;
	[tilespmem:s6+$0xFFFFFE40] =	vst v1;
	v1 =	vshll.u32 v8, $0x10  }
0x2e1: {  	v2 =	vand.u32 $0xFFFF0000, v6;
	v6 =	vand.u32 $0xFFFF0000, v8;
	v8 =	vld [tilespmem:s31+$0x9E40];
	[tilespmem:s6+$0xFFFFFEB0] =	vst v3;
	v1 =	vadd.f32 v1, v5  }
0x2e2: {  	v2 =	vadd.f32 v6, v2;
	v3 =	vld [tilespmem:s31+$0x10240];
	[tilespmem:s6+$0xFFFFFEC0] =	vst v0  }
0x2e3: {  	v0 =	vld [tilespmem:s31+$0x9E80];
	[tilespmem:s6+$0xFFFFFF30] =	vst v1  }
0x2e4: {  	v1 =	vld [tilespmem:s31+$0x10280];
	[tilespmem:s6+$0xFFFFFF40] =	vst v2;
	v2 =	vshll.u32 v7, $0x10;
	v5 =	vshll.u32 v4, $0x10  }
0x2e5: {  	v6 =	vld [tilespmem:s31+$0x9EC0];
	v4 =	vand.u32 $0xFFFF0000, v4;
	v2 =	vadd.f32 v5, v2;
	v5 =	vand.u32 $0xFFFF0000, v7  }
0x2e6: {  	v7 =	vld [tilespmem:s31+$0x102C0];
	v4 =	vadd.f32 v4, v5;
	v5 =	vshll.u32 v8, $0x10  }
0x2e7: {  	v9 =	vld [tilespmem:s9+$0x9EE0];
	[tilespmem:s6+$0xFFFFFFD0] =	vst v2;
	v2 =	vand.u32 $0xFFFF0000, v8;
	v8 =	vshll.u32 v3, $0x10;
	v3 =	vand.u32 $0xFFFF0000, v3  }
0x2e8: {  	v12 =	vld [tilespmem:s9+$0x9E20];
	[tilespmem:s6+$0xFFFFFFE0] =	vst v4;
	v4 =	vadd.f32 v8, v5;
	v5 =	vshll.u32 v0, $0x10;
	v0 =	vand.u32 $0xFFFF0000, v0  }
0x2e9: {  	v2 =	vadd.f32 v3, v2;
	v3 =	vshll.u32 v1, $0x10;
	v1 =	vand.u32 $0xFFFF0000, v1;
	v8 =	vld [tilespmem:s31+$0x9F10]  }
0x2ea: {  	v11 =	vld [tilespmem:s31+$0x10310];
	v3 =	vadd.f32 v3, v5;
	v5 =	vshll.u32 v6, $0x10;
	v6 =	vand.u32 $0xFFFF0000, v6  }
0x2eb: {  	v0 =	vadd.f32 v1, v0;
	[tilespmem:s6+$0xFFFFFE50] =	vst v4;
	v1 =	vshll.u32 v7, $0x10;
	v4 =	vand.u32 $0xFFFF0000, v7;
	v7 =	vld [tilespmem:s9+$0x10220]  }
0x2ec: {  	[tilespmem:s6+$0xFFFFFE60] =	vst v2;
	v1 =	vadd.f32 v1, v5;
	v2 =	vadd.f32 v4, v6;
	v4 =	vld [tilespmem:s9+$0x9E60];
	v5 =	vshll.u32 v9, $0x10  }
0x2ed: {  	[tilespmem:s6+$0xFFFFFED0] =	vst v3;
	v3 =	vshll.u32 v10, $0x10;
	v6 =	vld [tilespmem:s9+$0x10260];
	v9 =	vand.u32 $0xFFFF0000, v9;
	v10 =	vand.u32 $0xFFFF0000, v10  }
0x2ee: {  	[tilespmem:s6+$0xFFFFFEE0] =	vst v0;
	v0 =	vadd.f32 v3, v5;
	v3 =	vld [tilespmem:s9+$0x9EA0];
	v5 =	vadd.f32 v10, v9;
	v10 =	vshll.u32 v12, $0x10  }
0x2ef: {  	s11 =	simm.s32 $0x1BA10;
	v13 =	vld [tilespmem:s9+$0x102A0];
	v12 =	vand.u32 $0xFFFF0000, v12;
	[tilespmem:s6+$0xFFFFFF50] =	vst v1;
	v9 =	vand.u32 $0xFFFF0000, v8;
	v1 =	vand.u32 $0xFFFF0000, v11  }
0x2f0: {  	[tilespmem:s11+$0xFFFFFF90] =	vst v0;
	v0 =	vadd.f32 v1, v9;
	v1 =	vshll.u32 v7, $0x10;
	v7 =	vand.u32 $0xFFFF0000, v7;
	v9 =	vld [tilespmem:s31+$0x9E50]  }
0x2f1: {  	[tilespmem:s11+$0xFFFFFFA0] =	vst v5;
	v1 =	vadd.f32 v1, v10;
	v5 =	vshll.u32 v4, $0x10;
	v4 =	vand.u32 $0xFFFF0000, v4;
	v10 =	vld [tilespmem:s31+$0x10250]  }
0x2f2: {  	[tilespmem:s6+$0xFFFFFF60] =	vst v2;
	v2 =	vadd.f32 v7, v12;
	v7 =	vshll.u32 v6, $0x10;
	v6 =	vand.u32 $0xFFFF0000, v6;
	v12 =	vld [tilespmem:s9+$0x9EF0]  }
0x2f3: {  	[tilespmem:s11+$0xFFFFFE10] =	vst v1;
	v1 =	vadd.f32 v7, v5;
	v5 =	vshll.u32 v3, $0x10;
	v3 =	vand.u32 $0xFFFF0000, v3;
	v7 =	vld [tilespmem:s9+$0x102F0]  }
0x2f4: {  	[tilespmem:s11+$0xFFFFFE20] =	vst v2;
	v2 =	vadd.f32 v6, v4;
	v4 =	vshll.u32 v13, $0x10;
	v6 =	vand.u32 $0xFFFF0000, v13;
	v13 =	vld [tilespmem:s31+$0x9E90]  }
0x2f5: {  	v11 =	vshll.u32 v11, $0x10;
	v14 =	vld [tilespmem:s9+$0x9E30];
	v3 =	vadd.f32 v6, v3;
	[tilespmem:s11+$0xFFFFFE90] =	vst v1;
	v1 =	vadd.f32 v4, v5  }
0x2f6: {  	v4 =	vshll.u32 v9, $0x10;
	v5 =	vld [tilespmem:s9+$0x10230];
	[tilespmem:s11+$0xFFFFFEA0] =	vst v2;
	v6 =	vand.u32 $0xFFFF0000, v9;
	v2 =	vshll.u32 v10, $0x10  }
0x2f7: {  	v9 =	vand.u32 $0xFFFF0000, v10;
	v10 =	vshll.u32 v8, $0x10;
	v8 =	vld [tilespmem:s9+$0x9E70];
	[tilespmem:s11+$0xFFFFFF20] =	vst v3;
	v3 =	vshll.u32 v12, $0x10  }
0x2f8: {  	[tilespmem:s11+$0xFFFFFF10] =	vst v1;
	v1 =	vadd.f32 v2, v4;
	v2 =	vadd.f32 v9, v6;
	v4 =	vld [tilespmem:s9+$0x10270];
	v6 =	vshll.u32 v7, $0x10  }
0x2f9: {  	[tilespmem:s6+$0x0] =	vst v0;
	v0 =	vld [tilespmem:s9+$0x9EB0];
	v7 =	vand.u32 $0xFFFF0000, v7;
	v3 =	vadd.f32 v6, v3;
	v6 =	vand.u32 $0xFFFF0000, v12  }
0x2fa: {  	[tilespmem:s6+$0xFFFFFE70] =	vst v1;
	v1 =	vshll.u32 v14, $0x10;
	v9 =	vand.u32 $0xFFFF0000, v14;
	v12 =	vld [tilespmem:s9+$0x102B0];
	v6 =	vadd.f32 v7, v6  }
0x2fb: {  	v15 =	vld [tilespmem:s31+$0x9ED0];
	v14 =	vshll.u32 v13, $0x10;
	v7 =	vshll.u32 v5, $0x10;
	v5 =	vand.u32 $0xFFFF0000, v5;
	[tilespmem:s11+$0xFFFFFFB0] =	vst v3  }
0x2fc: {  	v3 =	vld [tilespmem:s31+$0x10290];
	v1 =	vadd.f32 v7, v1;
	v7 =	vshll.u32 v8, $0x10;
	v8 =	vand.u32 $0xFFFF0000, v8;
	[tilespmem:s11+$0xFFFFFFC0] =	vst v6  }
0x2fd: {  	[tilespmem:s6+$0xFFFFFE80] =	vst v2;
	v2 =	vadd.f32 v5, v9;
	v5 =	vshll.u32 v4, $0x10;
	v4 =	vand.u32 $0xFFFF0000, v4;
	v62 =	vld [tilespmem:s9+$0x9F00]  }
0x2fe: {  	[tilespmem:s11+$0xFFFFFE30] =	vst v1;
	v5 =	vadd.f32 v5, v7;
	v6 =	vshll.u32 v0, $0x10;
	v0 =	vand.u32 $0xFFFF0000, v0;
	v63 =	vld [tilespmem:s9+$0x10300]  }
0x2ff: {  	[tilespmem:s11+$0xFFFFFE40] =	vst v2;
	v2 =	vadd.f32 v4, v8;
	v1 =	vld [tilespmem:s31+$0x102D0];
	v4 =	vshll.u32 v12, $0x10;
	v8 =	vand.u32 $0xFFFF0000, v12  }
0x300: {  	v7 =	vld [tilespmem:s9+$0x9E40];
	[tilespmem:s11+$0xFFFFFEB0] =	vst v5;
	v5 =	vadd.f32 v4, v6;
	v12 =	vadd.f32 v8, v0;
	v6 =	vand.u32 $0xFFFF0000, v13  }
0x301: {  	v8 =	vld [tilespmem:s9+$0x10240];
	[tilespmem:s11+$0xFFFFFEC0] =	vst v2;
	v2 =	vshll.u32 v15, $0x10;
	v0 =	vshll.u32 v3, $0x10;
	v3 =	vand.u32 $0xFFFF0000, v3  }
0x302: {  	v4 =	vld [tilespmem:s9+$0x9E80];
	[tilespmem:s11+$0xFFFFFF30] =	vst v5;
	v13 =	vadd.f32 v0, v14;
	v6 =	vadd.f32 v3, v6;
	v0 =	vand.u32 $0xFFFF0000, v15  }
0x303: {  	v9 =	vld [tilespmem:s9+$0x10280];
	[tilespmem:s11+$0xFFFFFF40] =	vst v12;
	v3 =	vadd.f32 v11, v10;
	v12 =	vshll.u32 v62, $0x10;
	v14 =	vshll.u32 v63, $0x10  }
0x304: {  	s16 =	simm.s32 $0x800;
	s13 =	simm.s32 $0x1BA10;
	s8 =	simm.s32 $0x4;
	v5 =	vld [tilespmem:s9+$0x9EC0];
	v11 =	vand.u32 $0xFFFF0000, v62;
	v10 =	vadd.f32 v14, v12;
	v12 =	vand.u32 $0xFFFF0000, v63;
	[tilespmem:s6+$0xFFFFFEF0] =	vst v13  }
.LBB2_11:
0x305: {  	s17 =	sshra.s32 s16, $0x2;
	v13 =	vshll.u32 v7, $0x10;
	v7 =	vand.u32 $0xFFFF0000, v7;
	v14 =	vld [tilespmem:s9+$0x102C0];
	v11 =	vadd.f32 v12, v11;
	[tilespmem:s6+$0xFFFFFF00] =	vst v6  }
0x306: {  	v6 =	vld [tilespmem:s17+$0x9EE0];
	v12 =	vshll.u32 v8, $0x10;
	v8 =	vand.u32 $0xFFFF0000, v8;
	[tilespmem:s11+$0xFFFFFFD0] =	vst v10;
	v10 =	vshll.u32 v1, $0x10  }
0x307: {  	v15 =	vld [tilespmem:s17+$0x102E0];
	v12 =	vadd.f32 v12, v13;
	v13 =	vshll.u32 v4, $0x10;
	v4 =	vand.u32 $0xFFFF0000, v4;
	[tilespmem:s11+$0xFFFFFFE0] =	vst v11  }
0x308: {  	v7 =	vadd.f32 v8, v7;
	v8 =	vshll.u32 v9, $0x10;
	v9 =	vand.u32 $0xFFFF0000, v9;
	v11 =	vld [tilespmem:s9+$0x9F10];
	[tilespmem:s6+$0xFFFFFFF0] =	vst v3  }
0x309: {  	[tilespmem:s11+$0xFFFFFE50] =	vst v12;
	v3 =	vadd.f32 v8, v13;
	v8 =	vshll.u32 v5, $0x10;
	v5 =	vand.u32 $0xFFFF0000, v5;
	v12 =	vld [tilespmem:s9+$0x10310]  }
0x30a: {  	v4 =	vadd.f32 v9, v4;
	v13 =	vld [tilespmem:s17+$0x9E20];
	[tilespmem:s11+$0xFFFFFE60] =	vst v7;
	v7 =	vshll.u32 v14, $0x10;
	v9 =	vand.u32 $0xFFFF0000, v14  }
0x30b: {  	v1 =	vand.u32 $0xFFFF0000, v1;
	v14 =	vld [tilespmem:s17+$0x10220];
	[tilespmem:s11+$0xFFFFFED0] =	vst v3;
	v3 =	vadd.f32 v7, v8;
	v5 =	vadd.f32 v9, v5  }
0x30c: {  	v2 =	vadd.f32 v10, v2;
	v8 =	vshll.u32 v6, $0x10;
	v7 =	vld [tilespmem:s17+$0x9E60];
	v9 =	vshll.u32 v15, $0x10;
	[tilespmem:s11+$0xFFFFFEE0] =	vst v4  }
0x30d: {  	s8 =	sadd.s32 $0x4, s8;
	v6 =	vand.u32 $0xFFFF0000, v6;
	v4 =	vld [tilespmem:s17+$0x10260];
	v8 =	vadd.f32 v9, v8;
	v9 =	vand.u32 $0xFFFF0000, v15;
	[tilespmem:s11+$0xFFFFFF50] =	vst v3  }
0x30e: {  	p0 =	slt.u32 s8, $0x4C;
	s11 =	sadd.s32 $0x200, s11;
	v3 =	vld [tilespmem:s17+$0x9EA0];
	v6 =	vadd.f32 v9, v6;
	[tilespmem:s13+$0xFFFFFF60] =	vst v5;
	v5 =	vand.u32 $0xFFFF0000, v11;
	v9 =	vand.u32 $0xFFFF0000, v12  }
0x30f: {  	v10 =	vshll.u32 v13, $0x10;
	v13 =	vand.u32 $0xFFFF0000, v13;
	v15 =	vld [tilespmem:s17+$0x102A0];
	[tilespmem:s11+$0xFFFFFF90] =	vst v8;
	v5 =	vadd.f32 v9, v5  }
0x310: {  	v11 =	vshll.u32 v11, $0x10;
	v8 =	vshll.u32 v14, $0x10;
	v9 =	vand.u32 $0xFFFF0000, v14;
	[tilespmem:s11+$0xFFFFFFA0] =	vst v6;
	v6 =	vld [tilespmem:s9+$0x9E50]  }
0x311: {  	v8 =	vadd.f32 v8, v10;
	v10 =	vshll.u32 v7, $0x10;
	v7 =	vand.u32 $0xFFFF0000, v7;
	v14 =	vld [tilespmem:s9+$0x10250];
	[tilespmem:s13+$0x0] =	vst v5  }
0x312: {  	v5 =	vadd.f32 v9, v13;
	v9 =	vshll.u32 v4, $0x10;
	v4 =	vand.u32 $0xFFFF0000, v4;
	v13 =	vld [tilespmem:s17+$0x9EF0];
	[tilespmem:s6+$0xFFFFFF70] =	vst v2  }
0x313: {  	[tilespmem:s11+$0xFFFFFE10] =	vst v8;
	v2 =	vadd.f32 v9, v10;
	v8 =	vshll.u32 v3, $0x10;
	v3 =	vand.u32 $0xFFFF0000, v3;
	v9 =	vld [tilespmem:s17+$0x102F0]  }
0x314: {  	v4 =	vadd.f32 v4, v7;
	[tilespmem:s11+$0xFFFFFE20] =	vst v5;
	v5 =	vshll.u32 v15, $0x10;
	v7 =	vand.u32 $0xFFFF0000, v15;
	v10 =	vld [tilespmem:s9+$0x9E90]  }
0x315: {  	v15 =	vld [tilespmem:s17+$0x9E30];
	[tilespmem:s11+$0xFFFFFE90] =	vst v2;
	v2 =	vadd.f32 v5, v8;
	v3 =	vadd.f32 v7, v3;
	v5 =	vshll.u32 v6, $0x10  }
0x316: {  	v6 =	vand.u32 $0xFFFF0000, v6;
	v7 =	vld [tilespmem:s17+$0x10230];
	[tilespmem:s11+$0xFFFFFEA0] =	vst v4;
	v4 =	vshll.u32 v14, $0x10;
	v8 =	vand.u32 $0xFFFF0000, v14  }
0x317: {  	v14 =	vld [tilespmem:s17+$0x9E70];
	[tilespmem:s11+$0xFFFFFF10] =	vst v2;
	v2 =	vadd.f32 v4, v5;
	v4 =	vadd.f32 v8, v6;
	v5 =	vshll.u32 v12, $0x10  }
0x318: {  	v0 =	vadd.f32 v1, v0;
	v6 =	vld [tilespmem:s17+$0x10270];
	[tilespmem:s11+$0xFFFFFF20] =	vst v3;
	v3 =	vshll.u32 v13, $0x10;
	v8 =	vshll.u32 v9, $0x10  }
0x319: {  	v9 =	vand.u32 $0xFFFF0000, v9;
	v1 =	vld [tilespmem:s17+$0x9EB0];
	v3 =	vadd.f32 v8, v3;
	v8 =	vand.u32 $0xFFFF0000, v13;
	[tilespmem:s13+$0xFFFFFE70] =	vst v2  }
0x31a: {  	v2 =	vshll.u32 v15, $0x10;
	v12 =	vand.u32 $0xFFFF0000, v15;
	v13 =	vld [tilespmem:s17+$0x102B0];
	v8 =	vadd.f32 v9, v8;
	[tilespmem:s13+$0xFFFFFE80] =	vst v4  }
0x31b: {  	v9 =	vshll.u32 v10, $0x10;
	v4 =	vshll.u32 v7, $0x10;
	v7 =	vand.u32 $0xFFFF0000, v7;
	[tilespmem:s11+$0xFFFFFFB0] =	vst v3;
	v3 =	vld [tilespmem:s9+$0x10290]  }
0x31c: {  	v2 =	vadd.f32 v4, v2;
	v4 =	vshll.u32 v14, $0x10;
	v14 =	vand.u32 $0xFFFF0000, v14;
	[tilespmem:s11+$0xFFFFFFC0] =	vst v8;
	v15 =	vld [tilespmem:s9+$0x9ED0]  }
0x31d: {  	v7 =	vadd.f32 v7, v12;
	v8 =	vshll.u32 v6, $0x10;
	v6 =	vand.u32 $0xFFFF0000, v6;
	v12 =	vld [tilespmem:s17+$0x9F00];
	[tilespmem:s6+$0xFFFFFF80] =	vst v0;
	s6 =	smov.u32 s13;
	s13 =	smov.u32 s11  }
0x31e: {  	[tilespmem:s11+$0xFFFFFE30] =	vst v2;
	v0 =	vadd.f32 v8, v4;
	v2 =	vshll.u32 v1, $0x10;
	v4 =	vand.u32 $0xFFFF0000, v1;
	v16 =	vld [tilespmem:s17+$0x10300]  }
0x31f: {  	v6 =	vadd.f32 v6, v14;
	[tilespmem:s11+$0xFFFFFE40] =	vst v7;
	v8 =	vshll.u32 v13, $0x10;
	v13 =	vand.u32 $0xFFFF0000, v13;
	v1 =	vld [tilespmem:s9+$0x102D0];
	s9 =	smov.u32 s17  }
.Ltmp4:
0x320: {  	v7 =	vld [tilespmem:s9+$0x9E40];
	[tilespmem:s11+$0xFFFFFEB0] =	vst v0;
	v0 =	vadd.f32 v8, v2;
	v13 =	vadd.f32 v13, v4;
	v14 =	vshll.u32 v3, $0x10;
	(pc) =	sbr.rel @p0 .LBB2_11-.Ltmp4, $4  }
0x321: {  	v3 =	vand.u32 $0xFFFF0000, v3;
	v8 =	vld [tilespmem:s9+$0x10240];
	[tilespmem:s11+$0xFFFFFEC0] =	vst v6;
	v6 =	vand.u32 $0xFFFF0000, v10;
	v2 =	vshll.u32 v15, $0x10  }
0x322: {  	v14 =	vadd.f32 v14, v9;
	v4 =	vld [tilespmem:s9+$0x9E80];
	[tilespmem:s11+$0xFFFFFF30] =	vst v0;
	v6 =	vadd.f32 v3, v6;
	v0 =	vand.u32 $0xFFFF0000, v15  }
0x323: {  	v10 =	vshll.u32 v12, $0x10;
	v3 =	vadd.f32 v5, v11;
	v9 =	vld [tilespmem:s9+$0x10280];
	[tilespmem:s11+$0xFFFFFF40] =	vst v13;
	v13 =	vshll.u32 v16, $0x10  }
0x324: {  	s16 =	sadd.s32 $0x400, s16;
	v11 =	vand.u32 $0xFFFF0000, v12;
	v12 =	vand.u32 $0xFFFF0000, v16;
	v5 =	vld [tilespmem:s9+$0x9EC0];
	v10 =	vadd.f32 v13, v10;
	[tilespmem:s6+$0xFFFFFEF0] =	vst v14  }
0x325: {  	_ = 	snop  }
0x326: {  	v13 =	vshll.u32 v7, $0x10;
	v11 =	vadd.f32 v12, v11;
	v14 =	vld [tilespmem:s9+$0x102C0];
	v23 =	vshll.u32 v8, $0x10  }
0x327: {  	v24 =	vand.u32 $0xFFFF0000, v7;
	v25 =	vand.u32 $0xFFFF0000, v8;
	[tilespmem:s11+$0xFFFFFFD0] =	vst v10;
	v26 =	vadd.f32 v23, v13  }
0x328: {  	[tilespmem:s11+$0xFFFFFFE0] =	vst v11;
	v7 =	vadd.f32 v25, v24;
	v27 =	vshll.u32 v4, $0x10;
	v28 =	vshll.u32 v9, $0x10  }
0x329: {  	v30 =	vand.u32 $0xFFFF0000, v4;
	v29 =	vld [tilespmem:s9+$0x9F10];
	v31 =	vand.u32 $0xFFFF0000, v9;
	[tilespmem:s11+$0xFFFFFE50] =	vst v26;
	v8 =	vadd.f32 v28, v27  }
0x32a: {  	v32 =	vld [tilespmem:s9+$0x10310];
	[tilespmem:s11+$0xFFFFFE60] =	vst v7;
	v4 =	vadd.f32 v31, v30  }
0x32b: {  	v33 =	vshll.u32 v5, $0x10;
	v7 =	vld [tilespmem:s9+$0x9E50];
	v34 =	vshll.u32 v14, $0x10;
	[tilespmem:s11+$0xFFFFFED0] =	vst v8  }
0x32c: {  	v36 =	vand.u32 $0xFFFF0000, v5;
	v35 =	vld [tilespmem:s9+$0x10250];
	v37 =	vand.u32 $0xFFFF0000, v14;
	v9 =	vadd.f32 v34, v33;
	[tilespmem:s11+$0xFFFFFEE0] =	vst v4  }
0x32d: {  	[tilespmem:s6+$0xFFFFFF00] =	vst v6;
	v38 =	vadd.f32 v37, v36;
	v39 =	vld [tilespmem:s9+$0x9E90]  }
0x32e: {  	v43 =	vshll.u32 v1, $0x10;
	v42 =	vld [tilespmem:s9+$0x10290];
	[tilespmem:s11+$0xFFFFFF50] =	vst v9  }
0x32f: {  	v51 =	vand.u32 $0xFFFF0000, v1;
	v2 =	vadd.f32 v43, v2;
	[tilespmem:s13+$0xFFFFFF60] =	vst v38  }
0x330: {  	[tilespmem:s6+$0xFFFFFFF0] =	vst v3;
	v0 =	vadd.f32 v51, v0;
	v40 =	vand.u32 $0xFFFF0000, v29;
	v41 =	vand.u32 $0xFFFF0000, v32;
	v47 =	vld [tilespmem:s9+$0x9ED0]  }
0x331: {  	[tilespmem:s6+$0xFFFFFF70] =	vst v2;
	v44 =	vadd.f32 v41, v40;
	v45 =	vshll.u32 v7, $0x10;
	v46 =	vshll.u32 v35, $0x10;
	v50 =	vld [tilespmem:s9+$0x102D0]  }
0x332: {  	[tilespmem:s6+$0xFFFFFF80] =	vst v0;
	v48 =	vand.u32 $0xFFFF0000, v7;
	v49 =	vand.u32 $0xFFFF0000, v35;
	v3 =	vadd.f32 v46, v45  }
0x333: {  	[tilespmem:s13+$0x0] =	vst v44;
	v52 =	vadd.f32 v49, v48;
	v53 =	vshll.u32 v39, $0x10;
	v54 =	vshll.u32 v42, $0x10  }
0x334: {  	v55 =	vand.u32 $0xFFFF0000, v39;
	v56 =	vand.u32 $0xFFFF0000, v42;
	[tilespmem:s13+$0xFFFFFE70] =	vst v3;
	v1 =	vadd.f32 v54, v53  }
0x335: {  	s7 =	sadd.s32 $0x1, s7;
	v57 =	vshll.u32 v29, $0x10;
	v58 =	vshll.u32 v32, $0x10;
	[tilespmem:s13+$0xFFFFFE80] =	vst v52;
	v59 =	vadd.f32 v56, v55  }
0x336: {  	p0 =	sne.s32 s7, $0x19;
	v3 =	vadd.f32 v58, v57;
	v60 =	vshll.u32 v47, $0x10;
	[tilespmem:s13+$0xFFFFFEF0] =	vst v1;
	v61 =	vshll.u32 v50, $0x10  }
.Ltmp5:
0x337: {  	s31 =	sadd.s32 s3, s10;
	v62 =	vand.u32 $0xFFFF0000, v47;
	[tilespmem:s13+$0xFFFFFF00] =	vst v59;
	v63 =	vand.u32 $0xFFFF0000, v50;
	v1 =	vadd.f32 v61, v60;
	(pc) =	sbr.rel @p0 .LBB2_2-.Ltmp5, $4  }
0x338: {  	s6 =	sshll.u32 s31, $0x4;
	[tilespmem:s13+$0xFFFFFFF0] =	vst v3;
	v0 =	vadd.f32 v63, v62  }
0x339: {  	s6 =	sand.u32 $0x1FFFFF00, s6;
	[tilespmem:s13+$0xFFFFFF70] =	vst v1  }
0x33a: {  	s8 =	simm.s32 $0x1B620;
	s6 =	sadd.s32 s2, s6;
	[tilespmem:s13+$0xFFFFFF80] =	vst v0  }
0x33b: {  	[hbm4b:s6+s4] =	stream.linear.scatter [tilespmem:s8], [sflag:$0xA], $0x2800, $0x38;
	[tilespmem:$0x1DE20] =	vst v63  }
0x33c: {  	s6 =	simm.s32 $0x9  }
0x33d: {  	_ =	swait.ge [sflag:s6], $0x2800  }
0x33e: {  	[sflag:s6] =	ssyncset.done $0x0  }
0x33f: {  	s7 =	simm.s32 $0xA;
	[sflag:s6] =	ssyncadd.s32 $0xFFFFD800  }
0x340: {  	_ =	swait.ge [sflag:s7], $0x2800  }
0x341: {  	s8 =	rddreg [dreg:$0x7]  }
0x342: {  	s31 =	rddreg [dreg:$0x6];
	s8 =	sadd.s32 $0x1, s8  }
0x343: {  	p0 =	sne.s32 s8, s31  }
.Ltmp6:
0x344: {  	_ = 	snop;
	(pc) =	sbr.rel @p0 .LBB2_1-.Ltmp6, $3  }
0x345: {  	_ =	sdelay $0x1  }
0x346: {  	[sflag:s7] =	ssyncset.done $0x0  }
0x347: {  	[sflag:s7] =	ssyncadd.s32 $0xFFFFD800  }
0x348: {  	_ =	sfence.sel $0x180000  }
0x349: {  	[bflag:$0x0] =	sbarrier.arrive $0xFFFF  }
0x34a: {  	_ =	strace $0x90000047  }
0x34b: {  	s0 =	stileid.u32;
	[bflag:$0x2] =	sbarrier.arrive $0xFFFF  }
0x34c: {  	p0 =	sne.s32 s0, $0x0;
	s0 =	rddreg [dreg:$0x2]  }
0x34d: {  	s0 =	sadd.s32 @!p0 $0x100000, s0  }
0x34e: {  	[sflag:s0] =	ssyncadd.tile.s32 @!p0 $0x1;
	_ =	shalt  }
.Lfunc_end2:
_tile_overlayer_lowered:
.L_overlay_start_2:
0x34f: {  	(tag) =	ssettag $0x2  }
0x350: {  	s0 =	rddreg [dreg:$0x0];
	s2 =	stileid.u32  }
0x351: {  	s1 =	rddreg [dreg:$0x1];
	p0 =	sne.s32 s2, $0x0  }
0x352: {  	s3 =	rddreg [dreg:$0x2];
	[bflag:$0x3] =	sbarrier.arrive $0xFFFF;
	s2 =	simm.s32 @!p0 $0x1C0B  }
0x353: {  	[timem:s3], [sflag:s2] =	dma.local @!p0 [hbm:s0], s1  }
0x354: {  	s0 =	simm.s32 @!p0 $0xB  }
0x355: {  	_ =	swait.ge @!p0 [sflag:s0], s1  }
0x356: {  	s1 =	ssub.s32 @!p0 $0x0, s1;
	[sflag:s0] =	ssyncset.done @!p0 $0x0  }
0x357: {  	[sflag:s0] =	ssyncadd.s32 @!p0 s1  }
0x358: {  	[bflag:$0x3] =	sbarrier.arrive $0xFFFF  }
0x359: {  	_ =	shalt  }

</sc_bundles>
